<compile_context>
chip_gen: v7x
topology: tpu7x:2x2x1
jax: 0.10.2.dev20260603
libtpu: 0.0.44.dev20260713+nightly
codegen_flags: <defaults>
</compile_context>

<pallas_src>
import functools

import jax
import jax.numpy as jnp
from jax import lax
from jax.experimental import pallas as pl
from jax.experimental.pallas import tpu as pltpu
from jax.experimental.pallas import tpu_sc as plsc

S = 16384
H = 1024
HQ = H // 4
OUT_W = H + 2 * HQ

NC = 2
NS = 16
NW = NC * NS
RPW = S // NW
CH = 32
NCHUNK = RPW // CH

_mesh = plsc.VectorSubcoreMesh(core_axis_name="c", subcore_axis_name="s")


@functools.partial(
    pl.kernel,
    mesh=_mesh,
    out_type=jax.ShapeDtypeStruct((S, OUT_W), jnp.float32),
    scratch_types=[
        pltpu.VMEM((NCHUNK, CH), jnp.int32),
        pltpu.VMEM((NCHUNK, CH), jnp.int32),
        pltpu.VMEM((NCHUNK, CH), jnp.int32),
        pltpu.VMEM((2, CH, H), jnp.float32),
        pltpu.VMEM((2, CH, HQ), jnp.float32),
        pltpu.VMEM((2, CH, HQ), jnp.float32),
        pltpu.SemaphoreType.DMA,
        pltpu.SemaphoreType.DMA,
        pltpu.SemaphoreType.DMA,
        pltpu.SemaphoreType.DMA,
    ],
)
def _sc_embed(label_hbm, row_hbm, col_hbm, lab_w_hbm, row_w_hbm, col_w_hbm,
              out_hbm, lab_idx, row_idx, col_idx, a_v, b_v, c_v,
              gsem0, gsem1, wsem0, wsem1):
    wid = lax.axis_index("s") * NC + lax.axis_index("c")
    base = wid * RPW
    gsem = (gsem0, gsem1)
    wsem = (wsem0, wsem1)

    pltpu.sync_copy(label_hbm.at[wid], lab_idx)
    pltpu.sync_copy(row_hbm.at[wid], row_idx)
    pltpu.sync_copy(col_hbm.at[wid], col_idx)

    def start_gather(g, buf):
        return (
            pltpu.async_copy(lab_w_hbm.at[lab_idx.at[g]], a_v.at[buf], gsem[buf]),
            pltpu.async_copy(row_w_hbm.at[row_idx.at[g]], b_v.at[buf], gsem[buf]),
            pltpu.async_copy(col_w_hbm.at[col_idx.at[g]], c_v.at[buf], gsem[buf]),
        )

    def start_write(g, buf):
        r0 = base + g * CH
        return (
            pltpu.async_copy(a_v.at[buf], out_hbm.at[pl.ds(r0, CH), pl.ds(0, H)], wsem[buf]),
            pltpu.async_copy(b_v.at[buf], out_hbm.at[pl.ds(r0, CH), pl.ds(H, HQ)], wsem[buf]),
            pltpu.async_copy(c_v.at[buf], out_hbm.at[pl.ds(r0, CH), pl.ds(H + HQ, HQ)], wsem[buf]),
        )

    gathers = [None, None]
    writes = [None, None]
    gathers[0] = start_gather(0, 0)
    for g in range(NCHUNK):
        cur = g & 1
        nxt = 1 - cur
        if g + 1 < NCHUNK:
            if writes[nxt] is not None:
                for c in writes[nxt]:
                    c.wait()
            gathers[nxt] = start_gather(g + 1, nxt)
        for c in gathers[cur]:
            c.wait()
        writes[cur] = start_write(g, cur)
    for ws in writes:
        if ws is not None:
            for c in ws:
                c.wait()


def kernel(label, label_logits, row_id, column_id, epoch,
           label_emb_w, row_emb_w, col_emb_w):
    del label_logits, epoch
    lab = label.astype(jnp.int32).reshape(NW, NCHUNK, CH)
    row = row_id.astype(jnp.int32).reshape(NW, NCHUNK, CH)
    col = column_id.astype(jnp.int32).reshape(NW, NCHUNK, CH)
    return _sc_embed(lab, row, col, label_emb_w, row_emb_w, col_emb_w)

# --- scband reference (transcript-rebuilt; emitter-appended) ---
"""Pipeline reference for scband-reembeddings-12008728559657 (READ-ONLY COPY).

The authoritative reference and input builder live on the scoring server;
editing this copy changes nothing except your own understanding.
"""

import jax, jax.numpy as jnp
import numpy as np

S = 16384
H = 1024

def setup_inputs(seed: int = 0) -> dict:
    key = jax.random.key(seed)
    ks = jax.random.split(key, 7)
    label = jax.random.randint(ks[0], (S,), 0, 5)
    label_logits = jax.random.normal(ks[1], (S, 5), dtype=jnp.float32)
    row_id = jax.random.randint(ks[2], (S,), 0, 50)
    column_id = jax.random.randint(ks[3], (S,), 0, 50)
    epoch = 10  # < begin_epoch (150) -> hard-embedding branch, matching eval/early-training behavior
    label_emb_w = jax.random.normal(ks[4], (5, H), dtype=jnp.float32) * 0.02
    row_emb_w = jax.random.normal(ks[5], (50, H // 4), dtype=jnp.float32) * 0.02
    col_emb_w = jax.random.normal(ks[6], (50, H // 4), dtype=jnp.float32) * 0.02
    return {
        "label": label,
        "label_logits": label_logits,
        "row_id": row_id,
        "column_id": column_id,
        "epoch": epoch,
        "label_emb_w": label_emb_w,
        "row_emb_w": row_emb_w,
        "col_emb_w": col_emb_w,
    }

def reference(label, label_logits, row_id, column_id, epoch, label_emb_w, row_emb_w, col_emb_w):
    begin_epoch = 150
    # epoch (10) < begin_epoch, so the soft/hard mixing branch is NOT taken
    # (identical to torch forward in eval mode or early epochs):
    label_embedding = jnp.take(label_emb_w, label, axis=0)
    # use_special=True path: gather row/column embeddings and concat
    row_embedding = jnp.take(row_emb_w, row_id, axis=0)
    column_embedding = jnp.take(col_emb_w, column_id, axis=0)
    final_embeddings = jnp.concatenate([label_embedding, row_embedding, column_embedding], axis=-1)
    return final_embeddings

if __name__ == "__main__":
    import jax
    _d = setup_inputs()
    print(jax.jit(kernel)(*tuple(_d.values())))

</pallas_src>

<mosaic_0001>
#map = affine_map<(d0, d1) -> (0, 0, 0)>
#map1 = affine_map<(d0, d1) -> (0, 0)>
module attributes {stable_mosaic.version = 14 : i64} {
  func.func @_sc_embed(%arg0: i32, %arg1: i32, %arg2: memref<32x16x32xi32, #tpu.memory_space<hbm>>, %arg3: memref<32x16x32xi32, #tpu.memory_space<hbm>>, %arg4: memref<32x16x32xi32, #tpu.memory_space<hbm>>, %arg5: memref<5x1024xf32, #tpu.memory_space<hbm>>, %arg6: memref<50x256xf32, #tpu.memory_space<hbm>>, %arg7: memref<50x256xf32, #tpu.memory_space<hbm>>, %arg8: memref<16384x1536xf32, #tpu.memory_space<hbm>>, %arg9: memref<16x32xi32, #tpu.memory_space<vmem>>, %arg10: memref<16x32xi32, #tpu.memory_space<vmem>>, %arg11: memref<16x32xi32, #tpu.memory_space<vmem>>, %arg12: memref<2x32x1024xf32, #tpu.memory_space<vmem>>, %arg13: memref<2x32x256xf32, #tpu.memory_space<vmem>>, %arg14: memref<2x32x256xf32, #tpu.memory_space<vmem>>, %arg15: memref<!tpu.dma_semaphore, #tpu.memory_space<semaphore_mem>>, %arg16: memref<!tpu.dma_semaphore, #tpu.memory_space<semaphore_mem>>, %arg17: memref<!tpu.dma_semaphore, #tpu.memory_space<semaphore_mem>>, %arg18: memref<!tpu.dma_semaphore, #tpu.memory_space<semaphore_mem>>) attributes {dimension_semantics = [#tpu.dimension_semantics<core_parallel>, #tpu.dimension_semantics<subcore_parallel>], iteration_bounds = array<i64: 2, 16>, scalar_prefetch = 0 : i64, scratch_operands = 10 : i64, tpu.core_type = #tpu.core_type<sc_vector_subcore>, window_params = [{transform_indices = #map}, {transform_indices = #map}, {transform_indices = #map}, {transform_indices = #map1}, {transform_indices = #map1}, {transform_indices = #map1}, {transform_indices = #map1}]} {
    %mul3A = arith.constant 2 : i32
    %mul3A_0 = arith.muli %arg1, %mul3A : i32
    %add3A = arith.addi %mul3A_0, %arg0 : i32
    %mul3A_1 = arith.constant 512 : i32
    %mul3A_2 = arith.muli %add3A, %mul3A_1 : i32
    "tpu.region"() ({
      %run_scoped3A = tpu.sem_alloc : memref<!tpu.dma_semaphore, #tpu.memory_space<semaphore_mem>>
      %dma_start3A_2433 = arith.constant 0 : i32
      %dma_start3A_2434 = arith.constant 0 : i32
      %dma_start3A_2435 = tpu.memref_slice %arg2[%add3A, %dma_start3A_2433, %dma_start3A_2434] : memref<32x16x32xi32, #tpu.memory_space<hbm>> -> memref<1x16x32xi32, #tpu.memory_space<hbm>>
      %dma_start3A_2436 = tpu.memref_squeeze %dma_start3A_2435 : memref<1x16x32xi32, #tpu.memory_space<hbm>> -> memref<16x32xi32, #tpu.memory_space<hbm>>
      %dma_start3A_2437 = arith.constant 0 : i32
      %dma_start3A_2438 = arith.constant 0 : i32
      %dma_start3A_2439 = tpu.memref_slice %arg2[%add3A, %dma_start3A_2437, %dma_start3A_2438] : memref<32x16x32xi32, #tpu.memory_space<hbm>> -> memref<1x16x32xi32, #tpu.memory_space<hbm>>
      %dma_start3A_2440 = tpu.memref_squeeze %dma_start3A_2439 : memref<1x16x32xi32, #tpu.memory_space<hbm>> -> memref<16x32xi32, #tpu.memory_space<hbm>>
      tpu.enqueue_dma source(%dma_start3A_2440 : memref<16x32xi32, #tpu.memory_space<hbm>>) target(%arg9 : memref<16x32xi32, #tpu.memory_space<vmem>>) target_semaphore(%run_scoped3A : memref<!tpu.dma_semaphore, #tpu.memory_space<semaphore_mem>>)
      %dma_wait3A_2441 = arith.constant 0 : i32
      %dma_wait3A_2442 = arith.constant 0 : i32
      %dma_wait3A_2443 = tpu.memref_slice %arg2[%add3A, %dma_wait3A_2441, %dma_wait3A_2442] : memref<32x16x32xi32, #tpu.memory_space<hbm>> -> memref<1x16x32xi32, #tpu.memory_space<hbm>>
      %dma_wait3A_2444 = tpu.memref_squeeze %dma_wait3A_2443 : memref<1x16x32xi32, #tpu.memory_space<hbm>> -> memref<16x32xi32, #tpu.memory_space<hbm>>
      %dma_wait3A_2445 = arith.constant 0 : i32
      %dma_wait3A_2446 = arith.constant 0 : i32
      %dma_wait3A_2447 = tpu.memref_slice %arg2[%add3A, %dma_wait3A_2445, %dma_wait3A_2446] : memref<32x16x32xi32, #tpu.memory_space<hbm>> -> memref<1x16x32xi32, #tpu.memory_space<hbm>>
      %dma_wait3A_2448 = tpu.memref_squeeze %dma_wait3A_2447 : memref<1x16x32xi32, #tpu.memory_space<hbm>> -> memref<16x32xi32, #tpu.memory_space<hbm>>
      tpu.wait_dma2 semaphore(%run_scoped3A : memref<!tpu.dma_semaphore, #tpu.memory_space<semaphore_mem>>) src(%dma_wait3A_2448 : memref<16x32xi32, #tpu.memory_space<hbm>>) dst(%arg9 : memref<16x32xi32, #tpu.memory_space<vmem>>)
      tpu.yield
    }) : () -> ()
    "tpu.region"() ({
      %run_scoped3A = tpu.sem_alloc : memref<!tpu.dma_semaphore, #tpu.memory_space<semaphore_mem>>
      %dma_start3A_2433 = arith.constant 0 : i32
      %dma_start3A_2434 = arith.constant 0 : i32
      %dma_start3A_2435 = tpu.memref_slice %arg3[%add3A, %dma_start3A_2433, %dma_start3A_2434] : memref<32x16x32xi32, #tpu.memory_space<hbm>> -> memref<1x16x32xi32, #tpu.memory_space<hbm>>
      %dma_start3A_2436 = tpu.memref_squeeze %dma_start3A_2435 : memref<1x16x32xi32, #tpu.memory_space<hbm>> -> memref<16x32xi32, #tpu.memory_space<hbm>>
      %dma_start3A_2437 = arith.constant 0 : i32
      %dma_start3A_2438 = arith.constant 0 : i32
      %dma_start3A_2439 = tpu.memref_slice %arg3[%add3A, %dma_start3A_2437, %dma_start3A_2438] : memref<32x16x32xi32, #tpu.memory_space<hbm>> -> memref<1x16x32xi32, #tpu.memory_space<hbm>>
      %dma_start3A_2440 = tpu.memref_squeeze %dma_start3A_2439 : memref<1x16x32xi32, #tpu.memory_space<hbm>> -> memref<16x32xi32, #tpu.memory_space<hbm>>
      tpu.enqueue_dma source(%dma_start3A_2440 : memref<16x32xi32, #tpu.memory_space<hbm>>) target(%arg10 : memref<16x32xi32, #tpu.memory_space<vmem>>) target_semaphore(%run_scoped3A : memref<!tpu.dma_semaphore, #tpu.memory_space<semaphore_mem>>)
      %dma_wait3A_2441 = arith.constant 0 : i32
      %dma_wait3A_2442 = arith.constant 0 : i32
      %dma_wait3A_2443 = tpu.memref_slice %arg3[%add3A, %dma_wait3A_2441, %dma_wait3A_2442] : memref<32x16x32xi32, #tpu.memory_space<hbm>> -> memref<1x16x32xi32, #tpu.memory_space<hbm>>
      %dma_wait3A_2444 = tpu.memref_squeeze %dma_wait3A_2443 : memref<1x16x32xi32, #tpu.memory_space<hbm>> -> memref<16x32xi32, #tpu.memory_space<hbm>>
      %dma_wait3A_2445 = arith.constant 0 : i32
      %dma_wait3A_2446 = arith.constant 0 : i32
      %dma_wait3A_2447 = tpu.memref_slice %arg3[%add3A, %dma_wait3A_2445, %dma_wait3A_2446] : memref<32x16x32xi32, #tpu.memory_space<hbm>> -> memref<1x16x32xi32, #tpu.memory_space<hbm>>
      %dma_wait3A_2448 = tpu.memref_squeeze %dma_wait3A_2447 : memref<1x16x32xi32, #tpu.memory_space<hbm>> -> memref<16x32xi32, #tpu.memory_space<hbm>>
      tpu.wait_dma2 semaphore(%run_scoped3A : memref<!tpu.dma_semaphore, #tpu.memory_space<semaphore_mem>>) src(%dma_wait3A_2448 : memref<16x32xi32, #tpu.memory_space<hbm>>) dst(%arg10 : memref<16x32xi32, #tpu.memory_space<vmem>>)
      tpu.yield
    }) : () -> ()
    "tpu.region"() ({
      %run_scoped3A = tpu.sem_alloc : memref<!tpu.dma_semaphore, #tpu.memory_space<semaphore_mem>>
      %dma_start3A_2433 = arith.constant 0 : i32
      %dma_start3A_2434 = arith.constant 0 : i32
      %dma_start3A_2435 = tpu.memref_slice %arg4[%add3A, %dma_start3A_2433, %dma_start3A_2434] : memref<32x16x32xi32, #tpu.memory_space<hbm>> -> memref<1x16x32xi32, #tpu.memory_space<hbm>>
      %dma_start3A_2436 = tpu.memref_squeeze %dma_start3A_2435 : memref<1x16x32xi32, #tpu.memory_space<hbm>> -> memref<16x32xi32, #tpu.memory_space<hbm>>
      %dma_start3A_2437 = arith.constant 0 : i32
      %dma_start3A_2438 = arith.constant 0 : i32
      %dma_start3A_2439 = tpu.memref_slice %arg4[%add3A, %dma_start3A_2437, %dma_start3A_2438] : memref<32x16x32xi32, #tpu.memory_space<hbm>> -> memref<1x16x32xi32, #tpu.memory_space<hbm>>
      %dma_start3A_2440 = tpu.memref_squeeze %dma_start3A_2439 : memref<1x16x32xi32, #tpu.memory_space<hbm>> -> memref<16x32xi32, #tpu.memory_space<hbm>>
      tpu.enqueue_dma source(%dma_start3A_2440 : memref<16x32xi32, #tpu.memory_space<hbm>>) target(%arg11 : memref<16x32xi32, #tpu.memory_space<vmem>>) target_semaphore(%run_scoped3A : memref<!tpu.dma_semaphore, #tpu.memory_space<semaphore_mem>>)
      %dma_wait3A_2441 = arith.constant 0 : i32
      %dma_wait3A_2442 = arith.constant 0 : i32
      %dma_wait3A_2443 = tpu.memref_slice %arg4[%add3A, %dma_wait3A_2441, %dma_wait3A_2442] : memref<32x16x32xi32, #tpu.memory_space<hbm>> -> memref<1x16x32xi32, #tpu.memory_space<hbm>>
      %dma_wait3A_2444 = tpu.memref_squeeze %dma_wait3A_2443 : memref<1x16x32xi32, #tpu.memory_space<hbm>> -> memref<16x32xi32, #tpu.memory_space<hbm>>
      %dma_wait3A_2445 = arith.constant 0 : i32
      %dma_wait3A_2446 = arith.constant 0 : i32
      %dma_wait3A_2447 = tpu.memref_slice %arg4[%add3A, %dma_wait3A_2445, %dma_wait3A_2446] : memref<32x16x32xi32, #tpu.memory_space<hbm>> -> memref<1x16x32xi32, #tpu.memory_space<hbm>>
      %dma_wait3A_2448 = tpu.memref_squeeze %dma_wait3A_2447 : memref<1x16x32xi32, #tpu.memory_space<hbm>> -> memref<16x32xi32, #tpu.memory_space<hbm>>
      tpu.wait_dma2 semaphore(%run_scoped3A : memref<!tpu.dma_semaphore, #tpu.memory_space<semaphore_mem>>) src(%dma_wait3A_2448 : memref<16x32xi32, #tpu.memory_space<hbm>>) dst(%arg11 : memref<16x32xi32, #tpu.memory_space<vmem>>)
      tpu.yield
    }) : () -> ()
    %dma_start3A = arith.constant 0 : i32
    %dma_start3A_3 = arith.constant 0 : i32
    %dma_start3A_4 = arith.constant 0 : i32
    %dma_start3A_5 = arith.constant 0 : i32
    %dma_start3A_6 = tpu.memref_slice %arg12[%dma_start3A_3, %dma_start3A_4, %dma_start3A_5] : memref<2x32x1024xf32, #tpu.memory_space<vmem>> -> memref<1x32x1024xf32, #tpu.memory_space<vmem>>
    %dma_start3A_7 = tpu.memref_squeeze %dma_start3A_6 : memref<1x32x1024xf32, #tpu.memory_space<vmem>> -> memref<32x1024xf32, #tpu.memory_space<vmem>>
    %dma_start3A_8 = arith.constant 0 : i32
    %dma_start3A_9 = tpu.memref_slice %arg9[%dma_start3A, %dma_start3A_8] : memref<16x32xi32, #tpu.memory_space<vmem>> -> memref<1x32xi32, #tpu.memory_space<vmem>>
    %dma_start3A_10 = tpu.memref_squeeze %dma_start3A_9 : memref<1x32xi32, #tpu.memory_space<vmem>> -> memref<32xi32, #tpu.memory_space<vmem>>
    %dma_start3A_11 = arith.constant 0 : i32
    %dma_start3A_12 = arith.constant 0 : i32
    %dma_start3A_13 = tpu.memref_slice %arg5[%dma_start3A_11, %dma_start3A_12] : memref<5x1024xf32, #tpu.memory_space<hbm>> -> memref<5x1024xf32, #tpu.memory_space<hbm>>
    tpu.enqueue_indirect_dma source(%dma_start3A_13 : memref<5x1024xf32, #tpu.memory_space<hbm>>) target(%dma_start3A_7 : memref<32x1024xf32, #tpu.memory_space<vmem>>) offsets(%dma_start3A_10 : memref<32xi32, #tpu.memory_space<vmem>>) semaphore(%arg15 : memref<!tpu.dma_semaphore, #tpu.memory_space<semaphore_mem>>)
    %dma_start3A_14 = arith.constant 0 : i32
    %dma_start3A_15 = arith.constant 0 : i32
    %dma_start3A_16 = arith.constant 0 : i32
    %dma_start3A_17 = arith.constant 0 : i32
    %dma_start3A_18 = tpu.memref_slice %arg13[%dma_start3A_15, %dma_start3A_16, %dma_start3A_17] : memref<2x32x256xf32, #tpu.memory_space<vmem>> -> memref<1x32x256xf32, #tpu.memory_space<vmem>>
    %dma_start3A_19 = tpu.memref_squeeze %dma_start3A_18 : memref<1x32x256xf32, #tpu.memory_space<vmem>> -> memref<32x256xf32, #tpu.memory_space<vmem>>
    %dma_start3A_20 = arith.constant 0 : i32
    %dma_start3A_21 = tpu.memref_slice %arg10[%dma_start3A_14, %dma_start3A_20] : memref<16x32xi32, #tpu.memory_space<vmem>> -> memref<1x32xi32, #tpu.memory_space<vmem>>
    %dma_start3A_22 = tpu.memref_squeeze %dma_start3A_21 : memref<1x32xi32, #tpu.memory_space<vmem>> -> memref<32xi32, #tpu.memory_space<vmem>>
    %dma_start3A_23 = arith.constant 0 : i32
    %dma_start3A_24 = arith.constant 0 : i32
    %dma_start3A_25 = tpu.memref_slice %arg6[%dma_start3A_23, %dma_start3A_24] : memref<50x256xf32, #tpu.memory_space<hbm>> -> memref<50x256xf32, #tpu.memory_space<hbm>>
    tpu.enqueue_indirect_dma source(%dma_start3A_25 : memref<50x256xf32, #tpu.memory_space<hbm>>) target(%dma_start3A_19 : memref<32x256xf32, #tpu.memory_space<vmem>>) offsets(%dma_start3A_22 : memref<32xi32, #tpu.memory_space<vmem>>) semaphore(%arg15 : memref<!tpu.dma_semaphore, #tpu.memory_space<semaphore_mem>>)
    %dma_start3A_26 = arith.constant 0 : i32
    %dma_start3A_27 = arith.constant 0 : i32
    %dma_start3A_28 = arith.constant 0 : i32
    %dma_start3A_29 = arith.constant 0 : i32
    %dma_start3A_30 = tpu.memref_slice %arg14[%dma_start3A_27, %dma_start3A_28, %dma_start3A_29] : memref<2x32x256xf32, #tpu.memory_space<vmem>> -> memref<1x32x256xf32, #tpu.memory_space<vmem>>
    %dma_start3A_31 = tpu.memref_squeeze %dma_start3A_30 : memref<1x32x256xf32, #tpu.memory_space<vmem>> -> memref<32x256xf32, #tpu.memory_space<vmem>>
    %dma_start3A_32 = arith.constant 0 : i32
    %dma_start3A_33 = tpu.memref_slice %arg11[%dma_start3A_26, %dma_start3A_32] : memref<16x32xi32, #tpu.memory_space<vmem>> -> memref<1x32xi32, #tpu.memory_space<vmem>>
    %dma_start3A_34 = tpu.memref_squeeze %dma_start3A_33 : memref<1x32xi32, #tpu.memory_space<vmem>> -> memref<32xi32, #tpu.memory_space<vmem>>
    %dma_start3A_35 = arith.constant 0 : i32
    %dma_start3A_36 = arith.constant 0 : i32
    %dma_start3A_37 = tpu.memref_slice %arg7[%dma_start3A_35, %dma_start3A_36] : memref<50x256xf32, #tpu.memory_space<hbm>> -> memref<50x256xf32, #tpu.memory_space<hbm>>
    tpu.enqueue_indirect_dma source(%dma_start3A_37 : memref<50x256xf32, #tpu.memory_space<hbm>>) target(%dma_start3A_31 : memref<32x256xf32, #tpu.memory_space<vmem>>) offsets(%dma_start3A_34 : memref<32xi32, #tpu.memory_space<vmem>>) semaphore(%arg15 : memref<!tpu.dma_semaphore, #tpu.memory_space<semaphore_mem>>)
    %dma_start3A_38 = arith.constant 1 : i32
    %dma_start3A_39 = arith.constant 1 : i32
    %dma_start3A_40 = arith.constant 0 : i32
    %dma_start3A_41 = arith.constant 0 : i32
    %dma_start3A_42 = tpu.memref_slice %arg12[%dma_start3A_39, %dma_start3A_40, %dma_start3A_41] : memref<2x32x1024xf32, #tpu.memory_space<vmem>> -> memref<1x32x1024xf32, #tpu.memory_space<vmem>>
    %dma_start3A_43 = tpu.memref_squeeze %dma_start3A_42 : memref<1x32x1024xf32, #tpu.memory_space<vmem>> -> memref<32x1024xf32, #tpu.memory_space<vmem>>
    %dma_start3A_44 = arith.constant 0 : i32
    %dma_start3A_45 = tpu.memref_slice %arg9[%dma_start3A_38, %dma_start3A_44] : memref<16x32xi32, #tpu.memory_space<vmem>> -> memref<1x32xi32, #tpu.memory_space<vmem>>
    %dma_start3A_46 = tpu.memref_squeeze %dma_start3A_45 : memref<1x32xi32, #tpu.memory_space<vmem>> -> memref<32xi32, #tpu.memory_space<vmem>>
    %dma_start3A_47 = arith.constant 0 : i32
    %dma_start3A_48 = arith.constant 0 : i32
    %dma_start3A_49 = tpu.memref_slice %arg5[%dma_start3A_47, %dma_start3A_48] : memref<5x1024xf32, #tpu.memory_space<hbm>> -> memref<5x1024xf32, #tpu.memory_space<hbm>>
    tpu.enqueue_indirect_dma source(%dma_start3A_49 : memref<5x1024xf32, #tpu.memory_space<hbm>>) target(%dma_start3A_43 : memref<32x1024xf32, #tpu.memory_space<vmem>>) offsets(%dma_start3A_46 : memref<32xi32, #tpu.memory_space<vmem>>) semaphore(%arg16 : memref<!tpu.dma_semaphore, #tpu.memory_space<semaphore_mem>>)
    %dma_start3A_50 = arith.constant 1 : i32
    %dma_start3A_51 = arith.constant 1 : i32
    %dma_start3A_52 = arith.constant 0 : i32
    %dma_start3A_53 = arith.constant 0 : i32
    %dma_start3A_54 = tpu.memref_slice %arg13[%dma_start3A_51, %dma_start3A_52, %dma_start3A_53] : memref<2x32x256xf32, #tpu.memory_space<vmem>> -> memref<1x32x256xf32, #tpu.memory_space<vmem>>
    %dma_start3A_55 = tpu.memref_squeeze %dma_start3A_54 : memref<1x32x256xf32, #tpu.memory_space<vmem>> -> memref<32x256xf32, #tpu.memory_space<vmem>>
    %dma_start3A_56 = arith.constant 0 : i32
    %dma_start3A_57 = tpu.memref_slice %arg10[%dma_start3A_50, %dma_start3A_56] : memref<16x32xi32, #tpu.memory_space<vmem>> -> memref<1x32xi32, #tpu.memory_space<vmem>>
    %dma_start3A_58 = tpu.memref_squeeze %dma_start3A_57 : memref<1x32xi32, #tpu.memory_space<vmem>> -> memref<32xi32, #tpu.memory_space<vmem>>
    %dma_start3A_59 = arith.constant 0 : i32
    %dma_start3A_60 = arith.constant 0 : i32
    %dma_start3A_61 = tpu.memref_slice %arg6[%dma_start3A_59, %dma_start3A_60] : memref<50x256xf32, #tpu.memory_space<hbm>> -> memref<50x256xf32, #tpu.memory_space<hbm>>
    tpu.enqueue_indirect_dma source(%dma_start3A_61 : memref<50x256xf32, #tpu.memory_space<hbm>>) target(%dma_start3A_55 : memref<32x256xf32, #tpu.memory_space<vmem>>) offsets(%dma_start3A_58 : memref<32xi32, #tpu.memory_space<vmem>>) semaphore(%arg16 : memref<!tpu.dma_semaphore, #tpu.memory_space<semaphore_mem>>)
    %dma_start3A_62 = arith.constant 1 : i32
    %dma_start3A_63 = arith.constant 1 : i32
    %dma_start3A_64 = arith.constant 0 : i32
    %dma_start3A_65 = arith.constant 0 : i32
    %dma_start3A_66 = tpu.memref_slice %arg14[%dma_start3A_63, %dma_start3A_64, %dma_start3A_65] : memref<2x32x256xf32, #tpu.memory_space<vmem>> -> memref<1x32x256xf32, #tpu.memory_space<vmem>>
    %dma_start3A_67 = tpu.memref_squeeze %dma_start3A_66 : memref<1x32x256xf32, #tpu.memory_space<vmem>> -> memref<32x256xf32, #tpu.memory_space<vmem>>
    %dma_start3A_68 = arith.constant 0 : i32
    %dma_start3A_69 = tpu.memref_slice %arg11[%dma_start3A_62, %dma_start3A_68] : memref<16x32xi32, #tpu.memory_space<vmem>> -> memref<1x32xi32, #tpu.memory_space<vmem>>
    %dma_start3A_70 = tpu.memref_squeeze %dma_start3A_69 : memref<1x32xi32, #tpu.memory_space<vmem>> -> memref<32xi32, #tpu.memory_space<vmem>>
    %dma_start3A_71 = arith.constant 0 : i32
    %dma_start3A_72 = arith.constant 0 : i32
    %dma_start3A_73 = tpu.memref_slice %arg7[%dma_start3A_71, %dma_start3A_72] : memref<50x256xf32, #tpu.memory_space<hbm>> -> memref<50x256xf32, #tpu.memory_space<hbm>>
    tpu.enqueue_indirect_dma source(%dma_start3A_73 : memref<50x256xf32, #tpu.memory_space<hbm>>) target(%dma_start3A_67 : memref<32x256xf32, #tpu.memory_space<vmem>>) offsets(%dma_start3A_70 : memref<32xi32, #tpu.memory_space<vmem>>) semaphore(%arg16 : memref<!tpu.dma_semaphore, #tpu.memory_space<semaphore_mem>>)
    %dma_wait3A = arith.constant 0 : i32
    %dma_wait3A_74 = arith.constant 0 : i32
    %dma_wait3A_75 = arith.constant 0 : i32
    %dma_wait3A_76 = arith.constant 0 : i32
    %dma_wait3A_77 = tpu.memref_slice %arg12[%dma_wait3A_74, %dma_wait3A_75, %dma_wait3A_76] : memref<2x32x1024xf32, #tpu.memory_space<vmem>> -> memref<1x32x1024xf32, #tpu.memory_space<vmem>>
    %dma_wait3A_78 = tpu.memref_squeeze %dma_wait3A_77 : memref<1x32x1024xf32, #tpu.memory_space<vmem>> -> memref<32x1024xf32, #tpu.memory_space<vmem>>
    %dma_wait3A_79 = arith.constant 0 : i32
    %dma_wait3A_80 = tpu.memref_slice %arg9[%dma_wait3A, %dma_wait3A_79] : memref<16x32xi32, #tpu.memory_space<vmem>> -> memref<1x32xi32, #tpu.memory_space<vmem>>
    %dma_wait3A_81 = tpu.memref_squeeze %dma_wait3A_80 : memref<1x32xi32, #tpu.memory_space<vmem>> -> memref<32xi32, #tpu.memory_space<vmem>>
    %dma_wait3A_82 = arith.constant 0 : i32
    %dma_wait3A_83 = arith.constant 0 : i32
    %dma_wait3A_84 = tpu.memref_slice %arg5[%dma_wait3A_82, %dma_wait3A_83] : memref<5x1024xf32, #tpu.memory_space<hbm>> -> memref<5x1024xf32, #tpu.memory_space<hbm>>
    tpu.wait_indirect_dma semaphore(%arg15 : memref<!tpu.dma_semaphore, #tpu.memory_space<semaphore_mem>>) src(%dma_wait3A_84 : memref<5x1024xf32, #tpu.memory_space<hbm>>) dst(%dma_wait3A_78 : memref<32x1024xf32, #tpu.memory_space<vmem>>)
    %dma_wait3A_85 = arith.constant 0 : i32
    %dma_wait3A_86 = arith.constant 0 : i32
    %dma_wait3A_87 = arith.constant 0 : i32
    %dma_wait3A_88 = arith.constant 0 : i32
    %dma_wait3A_89 = tpu.memref_slice %arg13[%dma_wait3A_86, %dma_wait3A_87, %dma_wait3A_88] : memref<2x32x256xf32, #tpu.memory_space<vmem>> -> memref<1x32x256xf32, #tpu.memory_space<vmem>>
    %dma_wait3A_90 = tpu.memref_squeeze %dma_wait3A_89 : memref<1x32x256xf32, #tpu.memory_space<vmem>> -> memref<32x256xf32, #tpu.memory_space<vmem>>
    %dma_wait3A_91 = arith.constant 0 : i32
    %dma_wait3A_92 = tpu.memref_slice %arg10[%dma_wait3A_85, %dma_wait3A_91] : memref<16x32xi32, #tpu.memory_space<vmem>> -> memref<1x32xi32, #tpu.memory_space<vmem>>
    %dma_wait3A_93 = tpu.memref_squeeze %dma_wait3A_92 : memref<1x32xi32, #tpu.memory_space<vmem>> -> memref<32xi32, #tpu.memory_space<vmem>>
    %dma_wait3A_94 = arith.constant 0 : i32
    %dma_wait3A_95 = arith.constant 0 : i32
    %dma_wait3A_96 = tpu.memref_slice %arg6[%dma_wait3A_94, %dma_wait3A_95] : memref<50x256xf32, #tpu.memory_space<hbm>> -> memref<50x256xf32, #tpu.memory_space<hbm>>
    tpu.wait_indirect_dma semaphore(%arg15 : memref<!tpu.dma_semaphore, #tpu.memory_space<semaphore_mem>>) src(%dma_wait3A_96 : memref<50x256xf32, #tpu.memory_space<hbm>>) dst(%dma_wait3A_90 : memref<32x256xf32, #tpu.memory_space<vmem>>)
    %dma_wait3A_97 = arith.constant 0 : i32
    %dma_wait3A_98 = arith.constant 0 : i32
    %dma_wait3A_99 = arith.constant 0 : i32
    %dma_wait3A_100 = arith.constant 0 : i32
    %dma_wait3A_101 = tpu.memref_slice %arg14[%dma_wait3A_98, %dma_wait3A_99, %dma_wait3A_100] : memref<2x32x256xf32, #tpu.memory_space<vmem>> -> memref<1x32x256xf32, #tpu.memory_space<vmem>>
    %dma_wait3A_102 = tpu.memref_squeeze %dma_wait3A_101 : memref<1x32x256xf32, #tpu.memory_space<vmem>> -> memref<32x256xf32, #tpu.memory_space<vmem>>
    %dma_wait3A_103 = arith.constant 0 : i32
    %dma_wait3A_104 = tpu.memref_slice %arg11[%dma_wait3A_97, %dma_wait3A_103] : memref<16x32xi32, #tpu.memory_space<vmem>> -> memref<1x32xi32, #tpu.memory_space<vmem>>
    %dma_wait3A_105 = tpu.memref_squeeze %dma_wait3A_104 : memref<1x32xi32, #tpu.memory_space<vmem>> -> memref<32xi32, #tpu.memory_space<vmem>>
    %dma_wait3A_106 = arith.constant 0 : i32
    %dma_wait3A_107 = arith.constant 0 : i32
    %dma_wait3A_108 = tpu.memref_slice %arg7[%dma_wait3A_106, %dma_wait3A_107] : memref<50x256xf32, #tpu.memory_space<hbm>> -> memref<50x256xf32, #tpu.memory_space<hbm>>
    tpu.wait_indirect_dma semaphore(%arg15 : memref<!tpu.dma_semaphore, #tpu.memory_space<semaphore_mem>>) src(%dma_wait3A_108 : memref<50x256xf32, #tpu.memory_space<hbm>>) dst(%dma_wait3A_102 : memref<32x256xf32, #tpu.memory_space<vmem>>)
    %add3A_109 = arith.constant 0 : i32
    %add3A_110 = arith.addi %mul3A_2, %add3A_109 : i32
    %dma_start3A_111 = arith.constant 0 : i32
    %dma_start3A_112 = arith.constant 0 : i32
    %dma_start3A_113 = arith.constant 0 : i32
    %dma_start3A_114 = tpu.memref_slice %arg12[%dma_start3A_111, %dma_start3A_112, %dma_start3A_113] : memref<2x32x1024xf32, #tpu.memory_space<vmem>> -> memref<1x32x1024xf32, #tpu.memory_space<vmem>>
    %dma_start3A_115 = tpu.memref_squeeze %dma_start3A_114 : memref<1x32x1024xf32, #tpu.memory_space<vmem>> -> memref<32x1024xf32, #tpu.memory_space<vmem>>
    %dma_start3A_116 = arith.constant 0 : i32
    %dma_start3A_117 = tpu.memref_slice %arg8[%add3A_110, %dma_start3A_116] : memref<16384x1536xf32, #tpu.memory_space<hbm>> -> memref<32x1024xf32, #tpu.memory_space<hbm>>
    %dma_start3A_118 = arith.constant 0 : i32
    %dma_start3A_119 = tpu.memref_slice %arg8[%add3A_110, %dma_start3A_118] : memref<16384x1536xf32, #tpu.memory_space<hbm>> -> memref<32x1024xf32, #tpu.memory_space<hbm>>
    %dma_start3A_120 = arith.constant 0 : i32
    %dma_start3A_121 = arith.constant 0 : i32
    %dma_start3A_122 = tpu.memref_slice %arg12[%dma_start3A_111, %dma_start3A_120, %dma_start3A_121] : memref<2x32x1024xf32, #tpu.memory_space<vmem>> -> memref<1x32x1024xf32, #tpu.memory_space<vmem>>
    %dma_start3A_123 = tpu.memref_squeeze %dma_start3A_122 : memref<1x32x1024xf32, #tpu.memory_space<vmem>> -> memref<32x1024xf32, #tpu.memory_space<vmem>>
    tpu.enqueue_dma source(%dma_start3A_123 : memref<32x1024xf32, #tpu.memory_space<vmem>>) target(%dma_start3A_119 : memref<32x1024xf32, #tpu.memory_space<hbm>>) target_semaphore(%arg17 : memref<!tpu.dma_semaphore, #tpu.memory_space<semaphore_mem>>)
    %dma_start3A_124 = arith.constant 0 : i32
    %dma_start3A_125 = arith.constant 0 : i32
    %dma_start3A_126 = arith.constant 0 : i32
    %dma_start3A_127 = tpu.memref_slice %arg13[%dma_start3A_124, %dma_start3A_125, %dma_start3A_126] : memref<2x32x256xf32, #tpu.memory_space<vmem>> -> memref<1x32x256xf32, #tpu.memory_space<vmem>>
    %dma_start3A_128 = tpu.memref_squeeze %dma_start3A_127 : memref<1x32x256xf32, #tpu.memory_space<vmem>> -> memref<32x256xf32, #tpu.memory_space<vmem>>
    %dma_start3A_129 = arith.constant 1024 : i32
    %dma_start3A_130 = tpu.memref_slice %arg8[%add3A_110, %dma_start3A_129] : memref<16384x1536xf32, #tpu.memory_space<hbm>> -> memref<32x256xf32, #tpu.memory_space<hbm>>
    %dma_start3A_131 = arith.constant 1024 : i32
    %dma_start3A_132 = tpu.memref_slice %arg8[%add3A_110, %dma_start3A_131] : memref<16384x1536xf32, #tpu.memory_space<hbm>> -> memref<32x256xf32, #tpu.memory_space<hbm>>
    %dma_start3A_133 = arith.constant 0 : i32
    %dma_start3A_134 = arith.constant 0 : i32
    %dma_start3A_135 = tpu.memref_slice %arg13[%dma_start3A_124, %dma_start3A_133, %dma_start3A_134] : memref<2x32x256xf32, #tpu.memory_space<vmem>> -> memref<1x32x256xf32, #tpu.memory_space<vmem>>
    %dma_start3A_136 = tpu.memref_squeeze %dma_start3A_135 : memref<1x32x256xf32, #tpu.memory_space<vmem>> -> memref<32x256xf32, #tpu.memory_space<vmem>>
    tpu.enqueue_dma source(%dma_start3A_136 : memref<32x256xf32, #tpu.memory_space<vmem>>) target(%dma_start3A_132 : memref<32x256xf32, #tpu.memory_space<hbm>>) target_semaphore(%arg17 : memref<!tpu.dma_semaphore, #tpu.memory_space<semaphore_mem>>)
    %dma_start3A_137 = arith.constant 0 : i32
    %dma_start3A_138 = arith.constant 0 : i32
    %dma_start3A_139 = arith.constant 0 : i32
    %dma_start3A_140 = tpu.memref_slice %arg14[%dma_start3A_137, %dma_start3A_138, %dma_start3A_139] : memref<2x32x256xf32, #tpu.memory_space<vmem>> -> memref<1x32x256xf32, #tpu.memory_space<vmem>>
    %dma_start3A_141 = tpu.memref_squeeze %dma_start3A_140 : memref<1x32x256xf32, #tpu.memory_space<vmem>> -> memref<32x256xf32, #tpu.memory_space<vmem>>
    %dma_start3A_142 = arith.constant 1280 : i32
    %dma_start3A_143 = tpu.memref_slice %arg8[%add3A_110, %dma_start3A_142] : memref<16384x1536xf32, #tpu.memory_space<hbm>> -> memref<32x256xf32, #tpu.memory_space<hbm>>
    %dma_start3A_144 = arith.constant 1280 : i32
    %dma_start3A_145 = tpu.memref_slice %arg8[%add3A_110, %dma_start3A_144] : memref<16384x1536xf32, #tpu.memory_space<hbm>> -> memref<32x256xf32, #tpu.memory_space<hbm>>
    %dma_start3A_146 = arith.constant 0 : i32
    %dma_start3A_147 = arith.constant 0 : i32
    %dma_start3A_148 = tpu.memref_slice %arg14[%dma_start3A_137, %dma_start3A_146, %dma_start3A_147] : memref<2x32x256xf32, #tpu.memory_space<vmem>> -> memref<1x32x256xf32, #tpu.memory_space<vmem>>
    %dma_start3A_149 = tpu.memref_squeeze %dma_start3A_148 : memref<1x32x256xf32, #tpu.memory_space<vmem>> -> memref<32x256xf32, #tpu.memory_space<vmem>>
    tpu.enqueue_dma source(%dma_start3A_149 : memref<32x256xf32, #tpu.memory_space<vmem>>) target(%dma_start3A_145 : memref<32x256xf32, #tpu.memory_space<hbm>>) target_semaphore(%arg17 : memref<!tpu.dma_semaphore, #tpu.memory_space<semaphore_mem>>)
    %dma_wait3A_150 = arith.constant 0 : i32
    %dma_wait3A_151 = arith.constant 0 : i32
    %dma_wait3A_152 = arith.constant 0 : i32
    %dma_wait3A_153 = tpu.memref_slice %arg12[%dma_wait3A_150, %dma_wait3A_151, %dma_wait3A_152] : memref<2x32x1024xf32, #tpu.memory_space<vmem>> -> memref<1x32x1024xf32, #tpu.memory_space<vmem>>
    %dma_wait3A_154 = tpu.memref_squeeze %dma_wait3A_153 : memref<1x32x1024xf32, #tpu.memory_space<vmem>> -> memref<32x1024xf32, #tpu.memory_space<vmem>>
    %dma_wait3A_155 = arith.constant 0 : i32
    %dma_wait3A_156 = tpu.memref_slice %arg8[%add3A_110, %dma_wait3A_155] : memref<16384x1536xf32, #tpu.memory_space<hbm>> -> memref<32x1024xf32, #tpu.memory_space<hbm>>
    %dma_wait3A_157 = arith.constant 0 : i32
    %dma_wait3A_158 = tpu.memref_slice %arg8[%add3A_110, %dma_wait3A_157] : memref<16384x1536xf32, #tpu.memory_space<hbm>> -> memref<32x1024xf32, #tpu.memory_space<hbm>>
    %dma_wait3A_159 = arith.constant 0 : i32
    %dma_wait3A_160 = arith.constant 0 : i32
    %dma_wait3A_161 = tpu.memref_slice %arg12[%dma_wait3A_150, %dma_wait3A_159, %dma_wait3A_160] : memref<2x32x1024xf32, #tpu.memory_space<vmem>> -> memref<1x32x1024xf32, #tpu.memory_space<vmem>>
    %dma_wait3A_162 = tpu.memref_squeeze %dma_wait3A_161 : memref<1x32x1024xf32, #tpu.memory_space<vmem>> -> memref<32x1024xf32, #tpu.memory_space<vmem>>
    tpu.wait_dma2 semaphore(%arg17 : memref<!tpu.dma_semaphore, #tpu.memory_space<semaphore_mem>>) src(%dma_wait3A_162 : memref<32x1024xf32, #tpu.memory_space<vmem>>) dst(%dma_wait3A_158 : memref<32x1024xf32, #tpu.memory_space<hbm>>)
    %dma_wait3A_163 = arith.constant 0 : i32
    %dma_wait3A_164 = arith.constant 0 : i32
    %dma_wait3A_165 = arith.constant 0 : i32
    %dma_wait3A_166 = tpu.memref_slice %arg13[%dma_wait3A_163, %dma_wait3A_164, %dma_wait3A_165] : memref<2x32x256xf32, #tpu.memory_space<vmem>> -> memref<1x32x256xf32, #tpu.memory_space<vmem>>
    %dma_wait3A_167 = tpu.memref_squeeze %dma_wait3A_166 : memref<1x32x256xf32, #tpu.memory_space<vmem>> -> memref<32x256xf32, #tpu.memory_space<vmem>>
    %dma_wait3A_168 = arith.constant 1024 : i32
    %dma_wait3A_169 = tpu.memref_slice %arg8[%add3A_110, %dma_wait3A_168] : memref<16384x1536xf32, #tpu.memory_space<hbm>> -> memref<32x256xf32, #tpu.memory_space<hbm>>
    %dma_wait3A_170 = arith.constant 1024 : i32
    %dma_wait3A_171 = tpu.memref_slice %arg8[%add3A_110, %dma_wait3A_170] : memref<16384x1536xf32, #tpu.memory_space<hbm>> -> memref<32x256xf32, #tpu.memory_space<hbm>>
    %dma_wait3A_172 = arith.constant 0 : i32
    %dma_wait3A_173 = arith.constant 0 : i32
    %dma_wait3A_174 = tpu.memref_slice %arg13[%dma_wait3A_163, %dma_wait3A_172, %dma_wait3A_173] : memref<2x32x256xf32, #tpu.memory_space<vmem>> -> memref<1x32x256xf32, #tpu.memory_space<vmem>>
    %dma_wait3A_175 = tpu.memref_squeeze %dma_wait3A_174 : memref<1x32x256xf32, #tpu.memory_space<vmem>> -> memref<32x256xf32, #tpu.memory_space<vmem>>
    tpu.wait_dma2 semaphore(%arg17 : memref<!tpu.dma_semaphore, #tpu.memory_space<semaphore_mem>>) src(%dma_wait3A_175 : memref<32x256xf32, #tpu.memory_space<vmem>>) dst(%dma_wait3A_171 : memref<32x256xf32, #tpu.memory_space<hbm>>)
    %dma_wait3A_176 = arith.constant 0 : i32
    %dma_wait3A_177 = arith.constant 0 : i32
    %dma_wait3A_178 = arith.constant 0 : i32
    %dma_wait3A_179 = tpu.memref_slice %arg14[%dma_wait3A_176, %dma_wait3A_177, %dma_wait3A_178] : memref<2x32x256xf32, #tpu.memory_space<vmem>> -> memref<1x32x256xf32, #tpu.memory_space<vmem>>
    %dma_wait3A_180 = tpu.memref_squeeze %dma_wait3A_179 : memref<1x32x256xf32, #tpu.memory_space<vmem>> -> memref<32x256xf32, #tpu.memory_space<vmem>>
    %dma_wait3A_181 = arith.constant 1280 : i32
    %dma_wait3A_182 = tpu.memref_slice %arg8[%add3A_110, %dma_wait3A_181] : memref<16384x1536xf32, #tpu.memory_space<hbm>> -> memref<32x256xf32, #tpu.memory_space<hbm>>
    %dma_wait3A_183 = arith.constant 1280 : i32
    %dma_wait3A_184 = tpu.memref_slice %arg8[%add3A_110, %dma_wait3A_183] : memref<16384x1536xf32, #tpu.memory_space<hbm>> -> memref<32x256xf32, #tpu.memory_space<hbm>>
    %dma_wait3A_185 = arith.constant 0 : i32
    %dma_wait3A_186 = arith.constant 0 : i32
    %dma_wait3A_187 = tpu.memref_slice %arg14[%dma_wait3A_176, %dma_wait3A_185, %dma_wait3A_186] : memref<2x32x256xf32, #tpu.memory_space<vmem>> -> memref<1x32x256xf32, #tpu.memory_space<vmem>>
    %dma_wait3A_188 = tpu.memref_squeeze %dma_wait3A_187 : memref<1x32x256xf32, #tpu.memory_space<vmem>> -> memref<32x256xf32, #tpu.memory_space<vmem>>
    tpu.wait_dma2 semaphore(%arg17 : memref<!tpu.dma_semaphore, #tpu.memory_space<semaphore_mem>>) src(%dma_wait3A_188 : memref<32x256xf32, #tpu.memory_space<vmem>>) dst(%dma_wait3A_184 : memref<32x256xf32, #tpu.memory_space<hbm>>)
    %dma_start3A_189 = arith.constant 2 : i32
    %dma_start3A_190 = arith.constant 0 : i32
    %dma_start3A_191 = arith.constant 0 : i32
    %dma_start3A_192 = arith.constant 0 : i32
    %dma_start3A_193 = tpu.memref_slice %arg12[%dma_start3A_190, %dma_start3A_191, %dma_start3A_192] : memref<2x32x1024xf32, #tpu.memory_space<vmem>> -> memref<1x32x1024xf32, #tpu.memory_space<vmem>>
    %dma_start3A_194 = tpu.memref_squeeze %dma_start3A_193 : memref<1x32x1024xf32, #tpu.memory_space<vmem>> -> memref<32x1024xf32, #tpu.memory_space<vmem>>
    %dma_start3A_195 = arith.constant 0 : i32
    %dma_start3A_196 = tpu.memref_slice %arg9[%dma_start3A_189, %dma_start3A_195] : memref<16x32xi32, #tpu.memory_space<vmem>> -> memref<1x32xi32, #tpu.memory_space<vmem>>
    %dma_start3A_197 = tpu.memref_squeeze %dma_start3A_196 : memref<1x32xi32, #tpu.memory_space<vmem>> -> memref<32xi32, #tpu.memory_space<vmem>>
    %dma_start3A_198 = arith.constant 0 : i32
    %dma_start3A_199 = arith.constant 0 : i32
    %dma_start3A_200 = tpu.memref_slice %arg5[%dma_start3A_198, %dma_start3A_199] : memref<5x1024xf32, #tpu.memory_space<hbm>> -> memref<5x1024xf32, #tpu.memory_space<hbm>>
    tpu.enqueue_indirect_dma source(%dma_start3A_200 : memref<5x1024xf32, #tpu.memory_space<hbm>>) target(%dma_start3A_194 : memref<32x1024xf32, #tpu.memory_space<vmem>>) offsets(%dma_start3A_197 : memref<32xi32, #tpu.memory_space<vmem>>) semaphore(%arg15 : memref<!tpu.dma_semaphore, #tpu.memory_space<semaphore_mem>>)
    %dma_start3A_201 = arith.constant 2 : i32
    %dma_start3A_202 = arith.constant 0 : i32
    %dma_start3A_203 = arith.constant 0 : i32
    %dma_start3A_204 = arith.constant 0 : i32
    %dma_start3A_205 = tpu.memref_slice %arg13[%dma_start3A_202, %dma_start3A_203, %dma_start3A_204] : memref<2x32x256xf32, #tpu.memory_space<vmem>> -> memref<1x32x256xf32, #tpu.memory_space<vmem>>
    %dma_start3A_206 = tpu.memref_squeeze %dma_start3A_205 : memref<1x32x256xf32, #tpu.memory_space<vmem>> -> memref<32x256xf32, #tpu.memory_space<vmem>>
    %dma_start3A_207 = arith.constant 0 : i32
    %dma_start3A_208 = tpu.memref_slice %arg10[%dma_start3A_201, %dma_start3A_207] : memref<16x32xi32, #tpu.memory_space<vmem>> -> memref<1x32xi32, #tpu.memory_space<vmem>>
    %dma_start3A_209 = tpu.memref_squeeze %dma_start3A_208 : memref<1x32xi32, #tpu.memory_space<vmem>> -> memref<32xi32, #tpu.memory_space<vmem>>
    %dma_start3A_210 = arith.constant 0 : i32
    %dma_start3A_211 = arith.constant 0 : i32
    %dma_start3A_212 = tpu.memref_slice %arg6[%dma_start3A_210, %dma_start3A_211] : memref<50x256xf32, #tpu.memory_space<hbm>> -> memref<50x256xf32, #tpu.memory_space<hbm>>
    tpu.enqueue_indirect_dma source(%dma_start3A_212 : memref<50x256xf32, #tpu.memory_space<hbm>>) target(%dma_start3A_206 : memref<32x256xf32, #tpu.memory_space<vmem>>) offsets(%dma_start3A_209 : memref<32xi32, #tpu.memory_space<vmem>>) semaphore(%arg15 : memref<!tpu.dma_semaphore, #tpu.memory_space<semaphore_mem>>)
    %dma_start3A_213 = arith.constant 2 : i32
    %dma_start3A_214 = arith.constant 0 : i32
    %dma_start3A_215 = arith.constant 0 : i32
    %dma_start3A_216 = arith.constant 0 : i32
    %dma_start3A_217 = tpu.memref_slice %arg14[%dma_start3A_214, %dma_start3A_215, %dma_start3A_216] : memref<2x32x256xf32, #tpu.memory_space<vmem>> -> memref<1x32x256xf32, #tpu.memory_space<vmem>>
    %dma_start3A_218 = tpu.memref_squeeze %dma_start3A_217 : memref<1x32x256xf32, #tpu.memory_space<vmem>> -> memref<32x256xf32, #tpu.memory_space<vmem>>
    %dma_start3A_219 = arith.constant 0 : i32
    %dma_start3A_220 = tpu.memref_slice %arg11[%dma_start3A_213, %dma_start3A_219] : memref<16x32xi32, #tpu.memory_space<vmem>> -> memref<1x32xi32, #tpu.memory_space<vmem>>
    %dma_start3A_221 = tpu.memref_squeeze %dma_start3A_220 : memref<1x32xi32, #tpu.memory_space<vmem>> -> memref<32xi32, #tpu.memory_space<vmem>>
    %dma_start3A_222 = arith.constant 0 : i32
    %dma_start3A_223 = arith.constant 0 : i32
    %dma_start3A_224 = tpu.memref_slice %arg7[%dma_start3A_222, %dma_start3A_223] : memref<50x256xf32, #tpu.memory_space<hbm>> -> memref<50x256xf32, #tpu.memory_space<hbm>>
    tpu.enqueue_indirect_dma source(%dma_start3A_224 : memref<50x256xf32, #tpu.memory_space<hbm>>) target(%dma_start3A_218 : memref<32x256xf32, #tpu.memory_space<vmem>>) offsets(%dma_start3A_221 : memref<32xi32, #tpu.memory_space<vmem>>) semaphore(%arg15 : memref<!tpu.dma_semaphore, #tpu.memory_space<semaphore_mem>>)
    %dma_wait3A_225 = arith.constant 1 : i32
    %dma_wait3A_226 = arith.constant 1 : i32
    %dma_wait3A_227 = arith.constant 0 : i32
    %dma_wait3A_228 = arith.constant 0 : i32
    %dma_wait3A_229 = tpu.memref_slice %arg12[%dma_wait3A_226, %dma_wait3A_227, %dma_wait3A_228] : memref<2x32x1024xf32, #tpu.memory_space<vmem>> -> memref<1x32x1024xf32, #tpu.memory_space<vmem>>
    %dma_wait3A_230 = tpu.memref_squeeze %dma_wait3A_229 : memref<1x32x1024xf32, #tpu.memory_space<vmem>> -> memref<32x1024xf32, #tpu.memory_space<vmem>>
    %dma_wait3A_231 = arith.constant 0 : i32
    %dma_wait3A_232 = tpu.memref_slice %arg9[%dma_wait3A_225, %dma_wait3A_231] : memref<16x32xi32, #tpu.memory_space<vmem>> -> memref<1x32xi32, #tpu.memory_space<vmem>>
    %dma_wait3A_233 = tpu.memref_squeeze %dma_wait3A_232 : memref<1x32xi32, #tpu.memory_space<vmem>> -> memref<32xi32, #tpu.memory_space<vmem>>
    %dma_wait3A_234 = arith.constant 0 : i32
    %dma_wait3A_235 = arith.constant 0 : i32
    %dma_wait3A_236 = tpu.memref_slice %arg5[%dma_wait3A_234, %dma_wait3A_235] : memref<5x1024xf32, #tpu.memory_space<hbm>> -> memref<5x1024xf32, #tpu.memory_space<hbm>>
    tpu.wait_indirect_dma semaphore(%arg16 : memref<!tpu.dma_semaphore, #tpu.memory_space<semaphore_mem>>) src(%dma_wait3A_236 : memref<5x1024xf32, #tpu.memory_space<hbm>>) dst(%dma_wait3A_230 : memref<32x1024xf32, #tpu.memory_space<vmem>>)
    %dma_wait3A_237 = arith.constant 1 : i32
    %dma_wait3A_238 = arith.constant 1 : i32
    %dma_wait3A_239 = arith.constant 0 : i32
    %dma_wait3A_240 = arith.constant 0 : i32
    %dma_wait3A_241 = tpu.memref_slice %arg13[%dma_wait3A_238, %dma_wait3A_239, %dma_wait3A_240] : memref<2x32x256xf32, #tpu.memory_space<vmem>> -> memref<1x32x256xf32, #tpu.memory_space<vmem>>
    %dma_wait3A_242 = tpu.memref_squeeze %dma_wait3A_241 : memref<1x32x256xf32, #tpu.memory_space<vmem>> -> memref<32x256xf32, #tpu.memory_space<vmem>>
    %dma_wait3A_243 = arith.constant 0 : i32
    %dma_wait3A_244 = tpu.memref_slice %arg10[%dma_wait3A_237, %dma_wait3A_243] : memref<16x32xi32, #tpu.memory_space<vmem>> -> memref<1x32xi32, #tpu.memory_space<vmem>>
    %dma_wait3A_245 = tpu.memref_squeeze %dma_wait3A_244 : memref<1x32xi32, #tpu.memory_space<vmem>> -> memref<32xi32, #tpu.memory_space<vmem>>
    %dma_wait3A_246 = arith.constant 0 : i32
    %dma_wait3A_247 = arith.constant 0 : i32
    %dma_wait3A_248 = tpu.memref_slice %arg6[%dma_wait3A_246, %dma_wait3A_247] : memref<50x256xf32, #tpu.memory_space<hbm>> -> memref<50x256xf32, #tpu.memory_space<hbm>>
    tpu.wait_indirect_dma semaphore(%arg16 : memref<!tpu.dma_semaphore, #tpu.memory_space<semaphore_mem>>) src(%dma_wait3A_248 : memref<50x256xf32, #tpu.memory_space<hbm>>) dst(%dma_wait3A_242 : memref<32x256xf32, #tpu.memory_space<vmem>>)
    %dma_wait3A_249 = arith.constant 1 : i32
    %dma_wait3A_250 = arith.constant 1 : i32
    %dma_wait3A_251 = arith.constant 0 : i32
    %dma_wait3A_252 = arith.constant 0 : i32
    %dma_wait3A_253 = tpu.memref_slice %arg14[%dma_wait3A_250, %dma_wait3A_251, %dma_wait3A_252] : memref<2x32x256xf32, #tpu.memory_space<vmem>> -> memref<1x32x256xf32, #tpu.memory_space<vmem>>
    %dma_wait3A_254 = tpu.memref_squeeze %dma_wait3A_253 : memref<1x32x256xf32, #tpu.memory_space<vmem>> -> memref<32x256xf32, #tpu.memory_space<vmem>>
    %dma_wait3A_255 = arith.constant 0 : i32
    %dma_wait3A_256 = tpu.memref_slice %arg11[%dma_wait3A_249, %dma_wait3A_255] : memref<16x32xi32, #tpu.memory_space<vmem>> -> memref<1x32xi32, #tpu.memory_space<vmem>>
    %dma_wait3A_257 = tpu.memref_squeeze %dma_wait3A_256 : memref<1x32xi32, #tpu.memory_space<vmem>> -> memref<32xi32, #tpu.memory_space<vmem>>
    %dma_wait3A_258 = arith.constant 0 : i32
    %dma_wait3A_259 = arith.constant 0 : i32
    %dma_wait3A_260 = tpu.memref_slice %arg7[%dma_wait3A_258, %dma_wait3A_259] : memref<50x256xf32, #tpu.memory_space<hbm>> -> memref<50x256xf32, #tpu.memory_space<hbm>>
    tpu.wait_indirect_dma semaphore(%arg16 : memref<!tpu.dma_semaphore, #tpu.memory_space<semaphore_mem>>) src(%dma_wait3A_260 : memref<50x256xf32, #tpu.memory_space<hbm>>) dst(%dma_wait3A_254 : memref<32x256xf32, #tpu.memory_space<vmem>>)
    %add3A_261 = arith.constant 32 : i32
    %add3A_262 = arith.addi %mul3A_2, %add3A_261 : i32
    %dma_start3A_263 = arith.constant 1 : i32
    %dma_start3A_264 = arith.constant 0 : i32
    %dma_start3A_265 = arith.constant 0 : i32
    %dma_start3A_266 = tpu.memref_slice %arg12[%dma_start3A_263, %dma_start3A_264, %dma_start3A_265] : memref<2x32x1024xf32, #tpu.memory_space<vmem>> -> memref<1x32x1024xf32, #tpu.memory_space<vmem>>
    %dma_start3A_267 = tpu.memref_squeeze %dma_start3A_266 : memref<1x32x1024xf32, #tpu.memory_space<vmem>> -> memref<32x1024xf32, #tpu.memory_space<vmem>>
    %dma_start3A_268 = arith.constant 0 : i32
    %dma_start3A_269 = tpu.memref_slice %arg8[%add3A_262, %dma_start3A_268] : memref<16384x1536xf32, #tpu.memory_space<hbm>> -> memref<32x1024xf32, #tpu.memory_space<hbm>>
    %dma_start3A_270 = arith.constant 0 : i32
    %dma_start3A_271 = tpu.memref_slice %arg8[%add3A_262, %dma_start3A_270] : memref<16384x1536xf32, #tpu.memory_space<hbm>> -> memref<32x1024xf32, #tpu.memory_space<hbm>>
    %dma_start3A_272 = arith.constant 0 : i32
    %dma_start3A_273 = arith.constant 0 : i32
    %dma_start3A_274 = tpu.memref_slice %arg12[%dma_start3A_263, %dma_start3A_272, %dma_start3A_273] : memref<2x32x1024xf32, #tpu.memory_space<vmem>> -> memref<1x32x1024xf32, #tpu.memory_space<vmem>>
    %dma_start3A_275 = tpu.memref_squeeze %dma_start3A_274 : memref<1x32x1024xf32, #tpu.memory_space<vmem>> -> memref<32x1024xf32, #tpu.memory_space<vmem>>
    tpu.enqueue_dma source(%dma_start3A_275 : memref<32x1024xf32, #tpu.memory_space<vmem>>) target(%dma_start3A_271 : memref<32x1024xf32, #tpu.memory_space<hbm>>) target_semaphore(%arg18 : memref<!tpu.dma_semaphore, #tpu.memory_space<semaphore_mem>>)
    %dma_start3A_276 = arith.constant 1 : i32
    %dma_start3A_277 = arith.constant 0 : i32
    %dma_start3A_278 = arith.constant 0 : i32
    %dma_start3A_279 = tpu.memref_slice %arg13[%dma_start3A_276, %dma_start3A_277, %dma_start3A_278] : memref<2x32x256xf32, #tpu.memory_space<vmem>> -> memref<1x32x256xf32, #tpu.memory_space<vmem>>
    %dma_start3A_280 = tpu.memref_squeeze %dma_start3A_279 : memref<1x32x256xf32, #tpu.memory_space<vmem>> -> memref<32x256xf32, #tpu.memory_space<vmem>>
    %dma_start3A_281 = arith.constant 1024 : i32
    %dma_start3A_282 = tpu.memref_slice %arg8[%add3A_262, %dma_start3A_281] : memref<16384x1536xf32, #tpu.memory_space<hbm>> -> memref<32x256xf32, #tpu.memory_space<hbm>>
    %dma_start3A_283 = arith.constant 1024 : i32
    %dma_start3A_284 = tpu.memref_slice %arg8[%add3A_262, %dma_start3A_283] : memref<16384x1536xf32, #tpu.memory_space<hbm>> -> memref<32x256xf32, #tpu.memory_space<hbm>>
    %dma_start3A_285 = arith.constant 0 : i32
    %dma_start3A_286 = arith.constant 0 : i32
    %dma_start3A_287 = tpu.memref_slice %arg13[%dma_start3A_276, %dma_start3A_285, %dma_start3A_286] : memref<2x32x256xf32, #tpu.memory_space<vmem>> -> memref<1x32x256xf32, #tpu.memory_space<vmem>>
    %dma_start3A_288 = tpu.memref_squeeze %dma_start3A_287 : memref<1x32x256xf32, #tpu.memory_space<vmem>> -> memref<32x256xf32, #tpu.memory_space<vmem>>
    tpu.enqueue_dma source(%dma_start3A_288 : memref<32x256xf32, #tpu.memory_space<vmem>>) target(%dma_start3A_284 : memref<32x256xf32, #tpu.memory_space<hbm>>) target_semaphore(%arg18 : memref<!tpu.dma_semaphore, #tpu.memory_space<semaphore_mem>>)
    %dma_start3A_289 = arith.constant 1 : i32
    %dma_start3A_290 = arith.constant 0 : i32
    %dma_start3A_291 = arith.constant 0 : i32
    %dma_start3A_292 = tpu.memref_slice %arg14[%dma_start3A_289, %dma_start3A_290, %dma_start3A_291] : memref<2x32x256xf32, #tpu.memory_space<vmem>> -> memref<1x32x256xf32, #tpu.memory_space<vmem>>
    %dma_start3A_293 = tpu.memref_squeeze %dma_start3A_292 : memref<1x32x256xf32, #tpu.memory_space<vmem>> -> memref<32x256xf32, #tpu.memory_space<vmem>>
    %dma_start3A_294 = arith.constant 1280 : i32
    %dma_start3A_295 = tpu.memref_slice %arg8[%add3A_262, %dma_start3A_294] : memref<16384x1536xf32, #tpu.memory_space<hbm>> -> memref<32x256xf32, #tpu.memory_space<hbm>>
    %dma_start3A_296 = arith.constant 1280 : i32
    %dma_start3A_297 = tpu.memref_slice %arg8[%add3A_262, %dma_start3A_296] : memref<16384x1536xf32, #tpu.memory_space<hbm>> -> memref<32x256xf32, #tpu.memory_space<hbm>>
    %dma_start3A_298 = arith.constant 0 : i32
    %dma_start3A_299 = arith.constant 0 : i32
    %dma_start3A_300 = tpu.memref_slice %arg14[%dma_start3A_289, %dma_start3A_298, %dma_start3A_299] : memref<2x32x256xf32, #tpu.memory_space<vmem>> -> memref<1x32x256xf32, #tpu.memory_space<vmem>>
    %dma_start3A_301 = tpu.memref_squeeze %dma_start3A_300 : memref<1x32x256xf32, #tpu.memory_space<vmem>> -> memref<32x256xf32, #tpu.memory_space<vmem>>
    tpu.enqueue_dma source(%dma_start3A_301 : memref<32x256xf32, #tpu.memory_space<vmem>>) target(%dma_start3A_297 : memref<32x256xf32, #tpu.memory_space<hbm>>) target_semaphore(%arg18 : memref<!tpu.dma_semaphore, #tpu.memory_space<semaphore_mem>>)
    %dma_wait3A_302 = arith.constant 1 : i32
    %dma_wait3A_303 = arith.constant 0 : i32
    %dma_wait3A_304 = arith.constant 0 : i32
    %dma_wait3A_305 = tpu.memref_slice %arg12[%dma_wait3A_302, %dma_wait3A_303, %dma_wait3A_304] : memref<2x32x1024xf32, #tpu.memory_space<vmem>> -> memref<1x32x1024xf32, #tpu.memory_space<vmem>>
    %dma_wait3A_306 = tpu.memref_squeeze %dma_wait3A_305 : memref<1x32x1024xf32, #tpu.memory_space<vmem>> -> memref<32x1024xf32, #tpu.memory_space<vmem>>
    %dma_wait3A_307 = arith.constant 0 : i32
    %dma_wait3A_308 = tpu.memref_slice %arg8[%add3A_262, %dma_wait3A_307] : memref<16384x1536xf32, #tpu.memory_space<hbm>> -> memref<32x1024xf32, #tpu.memory_space<hbm>>
    %dma_wait3A_309 = arith.constant 0 : i32
    %dma_wait3A_310 = tpu.memref_slice %arg8[%add3A_262, %dma_wait3A_309] : memref<16384x1536xf32, #tpu.memory_space<hbm>> -> memref<32x1024xf32, #tpu.memory_space<hbm>>
    %dma_wait3A_311 = arith.constant 0 : i32
    %dma_wait3A_312 = arith.constant 0 : i32
    %dma_wait3A_313 = tpu.memref_slice %arg12[%dma_wait3A_302, %dma_wait3A_311, %dma_wait3A_312] : memref<2x32x1024xf32, #tpu.memory_space<vmem>> -> memref<1x32x1024xf32, #tpu.memory_space<vmem>>
    %dma_wait3A_314 = tpu.memref_squeeze %dma_wait3A_313 : memref<1x32x1024xf32, #tpu.memory_space<vmem>> -> memref<32x1024xf32, #tpu.memory_space<vmem>>
    tpu.wait_dma2 semaphore(%arg18 : memref<!tpu.dma_semaphore, #tpu.memory_space<semaphore_mem>>) src(%dma_wait3A_314 : memref<32x1024xf32, #tpu.memory_space<vmem>>) dst(%dma_wait3A_310 : memref<32x1024xf32, #tpu.memory_space<hbm>>)
    %dma_wait3A_315 = arith.constant 1 : i32
    %dma_wait3A_316 = arith.constant 0 : i32
    %dma_wait3A_317 = arith.constant 0 : i32
    %dma_wait3A_318 = tpu.memref_slice %arg13[%dma_wait3A_315, %dma_wait3A_316, %dma_wait3A_317] : memref<2x32x256xf32, #tpu.memory_space<vmem>> -> memref<1x32x256xf32, #tpu.memory_space<vmem>>
    %dma_wait3A_319 = tpu.memref_squeeze %dma_wait3A_318 : memref<1x32x256xf32, #tpu.memory_space<vmem>> -> memref<32x256xf32, #tpu.memory_space<vmem>>
    %dma_wait3A_320 = arith.constant 1024 : i32
    %dma_wait3A_321 = tpu.memref_slice %arg8[%add3A_262, %dma_wait3A_320] : memref<16384x1536xf32, #tpu.memory_space<hbm>> -> memref<32x256xf32, #tpu.memory_space<hbm>>
    %dma_wait3A_322 = arith.constant 1024 : i32
    %dma_wait3A_323 = tpu.memref_slice %arg8[%add3A_262, %dma_wait3A_322] : memref<16384x1536xf32, #tpu.memory_space<hbm>> -> memref<32x256xf32, #tpu.memory_space<hbm>>
    %dma_wait3A_324 = arith.constant 0 : i32
    %dma_wait3A_325 = arith.constant 0 : i32
    %dma_wait3A_326 = tpu.memref_slice %arg13[%dma_wait3A_315, %dma_wait3A_324, %dma_wait3A_325] : memref<2x32x256xf32, #tpu.memory_space<vmem>> -> memref<1x32x256xf32, #tpu.memory_space<vmem>>
    %dma_wait3A_327 = tpu.memref_squeeze %dma_wait3A_326 : memref<1x32x256xf32, #tpu.memory_space<vmem>> -> memref<32x256xf32, #tpu.memory_space<vmem>>
    tpu.wait_dma2 semaphore(%arg18 : memref<!tpu.dma_semaphore, #tpu.memory_space<semaphore_mem>>) src(%dma_wait3A_327 : memref<32x256xf32, #tpu.memory_space<vmem>>) dst(%dma_wait3A_323 : memref<32x256xf32, #tpu.memory_space<hbm>>)
    %dma_wait3A_328 = arith.constant 1 : i32
    %dma_wait3A_329 = arith.constant 0 : i32
    %dma_wait3A_330 = arith.constant 0 : i32
    %dma_wait3A_331 = tpu.memref_slice %arg14[%dma_wait3A_328, %dma_wait3A_329, %dma_wait3A_330] : memref<2x32x256xf32, #tpu.memory_space<vmem>> -> memref<1x32x256xf32, #tpu.memory_space<vmem>>
    %dma_wait3A_332 = tpu.memref_squeeze %dma_wait3A_331 : memref<1x32x256xf32, #tpu.memory_space<vmem>> -> memref<32x256xf32, #tpu.memory_space<vmem>>
    %dma_wait3A_333 = arith.constant 1280 : i32
    %dma_wait3A_334 = tpu.memref_slice %arg8[%add3A_262, %dma_wait3A_333] : memref<16384x1536xf32, #tpu.memory_space<hbm>> -> memref<32x256xf32, #tpu.memory_space<hbm>>
    %dma_wait3A_335 = arith.constant 1280 : i32
    %dma_wait3A_336 = tpu.memref_slice %arg8[%add3A_262, %dma_wait3A_335] : memref<16384x1536xf32, #tpu.memory_space<hbm>> -> memref<32x256xf32, #tpu.memory_space<hbm>>
    %dma_wait3A_337 = arith.constant 0 : i32
    %dma_wait3A_338 = arith.constant 0 : i32
    %dma_wait3A_339 = tpu.memref_slice %arg14[%dma_wait3A_328, %dma_wait3A_337, %dma_wait3A_338] : memref<2x32x256xf32, #tpu.memory_space<vmem>> -> memref<1x32x256xf32, #tpu.memory_space<vmem>>
    %dma_wait3A_340 = tpu.memref_squeeze %dma_wait3A_339 : memref<1x32x256xf32, #tpu.memory_space<vmem>> -> memref<32x256xf32, #tpu.memory_space<vmem>>
    tpu.wait_dma2 semaphore(%arg18 : memref<!tpu.dma_semaphore, #tpu.memory_space<semaphore_mem>>) src(%dma_wait3A_340 : memref<32x256xf32, #tpu.memory_space<vmem>>) dst(%dma_wait3A_336 : memref<32x256xf32, #tpu.memory_space<hbm>>)
    %dma_start3A_341 = arith.constant 3 : i32
    %dma_start3A_342 = arith.constant 1 : i32
    %dma_start3A_343 = arith.constant 0 : i32
    %dma_start3A_344 = arith.constant 0 : i32
    %dma_start3A_345 = tpu.memref_slice %arg12[%dma_start3A_342, %dma_start3A_343, %dma_start3A_344] : memref<2x32x1024xf32, #tpu.memory_space<vmem>> -> memref<1x32x1024xf32, #tpu.memory_space<vmem>>
    %dma_start3A_346 = tpu.memref_squeeze %dma_start3A_345 : memref<1x32x1024xf32, #tpu.memory_space<vmem>> -> memref<32x1024xf32, #tpu.memory_space<vmem>>
    %dma_start3A_347 = arith.constant 0 : i32
    %dma_start3A_348 = tpu.memref_slice %arg9[%dma_start3A_341, %dma_start3A_347] : memref<16x32xi32, #tpu.memory_space<vmem>> -> memref<1x32xi32, #tpu.memory_space<vmem>>
    %dma_start3A_349 = tpu.memref_squeeze %dma_start3A_348 : memref<1x32xi32, #tpu.memory_space<vmem>> -> memref<32xi32, #tpu.memory_space<vmem>>
    %dma_start3A_350 = arith.constant 0 : i32
    %dma_start3A_351 = arith.constant 0 : i32
    %dma_start3A_352 = tpu.memref_slice %arg5[%dma_start3A_350, %dma_start3A_351] : memref<5x1024xf32, #tpu.memory_space<hbm>> -> memref<5x1024xf32, #tpu.memory_space<hbm>>
    tpu.enqueue_indirect_dma source(%dma_start3A_352 : memref<5x1024xf32, #tpu.memory_space<hbm>>) target(%dma_start3A_346 : memref<32x1024xf32, #tpu.memory_space<vmem>>) offsets(%dma_start3A_349 : memref<32xi32, #tpu.memory_space<vmem>>) semaphore(%arg16 : memref<!tpu.dma_semaphore, #tpu.memory_space<semaphore_mem>>)
    %dma_start3A_353 = arith.constant 3 : i32
    %dma_start3A_354 = arith.constant 1 : i32
    %dma_start3A_355 = arith.constant 0 : i32
    %dma_start3A_356 = arith.constant 0 : i32
    %dma_start3A_357 = tpu.memref_slice %arg13[%dma_start3A_354, %dma_start3A_355, %dma_start3A_356] : memref<2x32x256xf32, #tpu.memory_space<vmem>> -> memref<1x32x256xf32, #tpu.memory_space<vmem>>
    %dma_start3A_358 = tpu.memref_squeeze %dma_start3A_357 : memref<1x32x256xf32, #tpu.memory_space<vmem>> -> memref<32x256xf32, #tpu.memory_space<vmem>>
    %dma_start3A_359 = arith.constant 0 : i32
    %dma_start3A_360 = tpu.memref_slice %arg10[%dma_start3A_353, %dma_start3A_359] : memref<16x32xi32, #tpu.memory_space<vmem>> -> memref<1x32xi32, #tpu.memory_space<vmem>>
    %dma_start3A_361 = tpu.memref_squeeze %dma_start3A_360 : memref<1x32xi32, #tpu.memory_space<vmem>> -> memref<32xi32, #tpu.memory_space<vmem>>
    %dma_start3A_362 = arith.constant 0 : i32
    %dma_start3A_363 = arith.constant 0 : i32
    %dma_start3A_364 = tpu.memref_slice %arg6[%dma_start3A_362, %dma_start3A_363] : memref<50x256xf32, #tpu.memory_space<hbm>> -> memref<50x256xf32, #tpu.memory_space<hbm>>
    tpu.enqueue_indirect_dma source(%dma_start3A_364 : memref<50x256xf32, #tpu.memory_space<hbm>>) target(%dma_start3A_358 : memref<32x256xf32, #tpu.memory_space<vmem>>) offsets(%dma_start3A_361 : memref<32xi32, #tpu.memory_space<vmem>>) semaphore(%arg16 : memref<!tpu.dma_semaphore, #tpu.memory_space<semaphore_mem>>)
    %dma_start3A_365 = arith.constant 3 : i32
    %dma_start3A_366 = arith.constant 1 : i32
    %dma_start3A_367 = arith.constant 0 : i32
    %dma_start3A_368 = arith.constant 0 : i32
    %dma_start3A_369 = tpu.memref_slice %arg14[%dma_start3A_366, %dma_start3A_367, %dma_start3A_368] : memref<2x32x256xf32, #tpu.memory_space<vmem>> -> memref<1x32x256xf32, #tpu.memory_space<vmem>>
    %dma_start3A_370 = tpu.memref_squeeze %dma_start3A_369 : memref<1x32x256xf32, #tpu.memory_space<vmem>> -> memref<32x256xf32, #tpu.memory_space<vmem>>
    %dma_start3A_371 = arith.constant 0 : i32
    %dma_start3A_372 = tpu.memref_slice %arg11[%dma_start3A_365, %dma_start3A_371] : memref<16x32xi32, #tpu.memory_space<vmem>> -> memref<1x32xi32, #tpu.memory_space<vmem>>
    %dma_start3A_373 = tpu.memref_squeeze %dma_start3A_372 : memref<1x32xi32, #tpu.memory_space<vmem>> -> memref<32xi32, #tpu.memory_space<vmem>>
    %dma_start3A_374 = arith.constant 0 : i32
    %dma_start3A_375 = arith.constant 0 : i32
    %dma_start3A_376 = tpu.memref_slice %arg7[%dma_start3A_374, %dma_start3A_375] : memref<50x256xf32, #tpu.memory_space<hbm>> -> memref<50x256xf32, #tpu.memory_space<hbm>>
    tpu.enqueue_indirect_dma source(%dma_start3A_376 : memref<50x256xf32, #tpu.memory_space<hbm>>) target(%dma_start3A_370 : memref<32x256xf32, #tpu.memory_space<vmem>>) offsets(%dma_start3A_373 : memref<32xi32, #tpu.memory_space<vmem>>) semaphore(%arg16 : memref<!tpu.dma_semaphore, #tpu.memory_space<semaphore_mem>>)
    %dma_wait3A_377 = arith.constant 2 : i32
    %dma_wait3A_378 = arith.constant 0 : i32
    %dma_wait3A_379 = arith.constant 0 : i32
    %dma_wait3A_380 = arith.constant 0 : i32
    %dma_wait3A_381 = tpu.memref_slice %arg12[%dma_wait3A_378, %dma_wait3A_379, %dma_wait3A_380] : memref<2x32x1024xf32, #tpu.memory_space<vmem>> -> memref<1x32x1024xf32, #tpu.memory_space<vmem>>
    %dma_wait3A_382 = tpu.memref_squeeze %dma_wait3A_381 : memref<1x32x1024xf32, #tpu.memory_space<vmem>> -> memref<32x1024xf32, #tpu.memory_space<vmem>>
    %dma_wait3A_383 = arith.constant 0 : i32
    %dma_wait3A_384 = tpu.memref_slice %arg9[%dma_wait3A_377, %dma_wait3A_383] : memref<16x32xi32, #tpu.memory_space<vmem>> -> memref<1x32xi32, #tpu.memory_space<vmem>>
    %dma_wait3A_385 = tpu.memref_squeeze %dma_wait3A_384 : memref<1x32xi32, #tpu.memory_space<vmem>> -> memref<32xi32, #tpu.memory_space<vmem>>
    %dma_wait3A_386 = arith.constant 0 : i32
    %dma_wait3A_387 = arith.constant 0 : i32
    %dma_wait3A_388 = tpu.memref_slice %arg5[%dma_wait3A_386, %dma_wait3A_387] : memref<5x1024xf32, #tpu.memory_space<hbm>> -> memref<5x1024xf32, #tpu.memory_space<hbm>>
    tpu.wait_indirect_dma semaphore(%arg15 : memref<!tpu.dma_semaphore, #tpu.memory_space<semaphore_mem>>) src(%dma_wait3A_388 : memref<5x1024xf32, #tpu.memory_space<hbm>>) dst(%dma_wait3A_382 : memref<32x1024xf32, #tpu.memory_space<vmem>>)
    %dma_wait3A_389 = arith.constant 2 : i32
    %dma_wait3A_390 = arith.constant 0 : i32
    %dma_wait3A_391 = arith.constant 0 : i32
    %dma_wait3A_392 = arith.constant 0 : i32
    %dma_wait3A_393 = tpu.memref_slice %arg13[%dma_wait3A_390, %dma_wait3A_391, %dma_wait3A_392] : memref<2x32x256xf32, #tpu.memory_space<vmem>> -> memref<1x32x256xf32, #tpu.memory_space<vmem>>
    %dma_wait3A_394 = tpu.memref_squeeze %dma_wait3A_393 : memref<1x32x256xf32, #tpu.memory_space<vmem>> -> memref<32x256xf32, #tpu.memory_space<vmem>>
    %dma_wait3A_395 = arith.constant 0 : i32
    %dma_wait3A_396 = tpu.memref_slice %arg10[%dma_wait3A_389, %dma_wait3A_395] : memref<16x32xi32, #tpu.memory_space<vmem>> -> memref<1x32xi32, #tpu.memory_space<vmem>>
    %dma_wait3A_397 = tpu.memref_squeeze %dma_wait3A_396 : memref<1x32xi32, #tpu.memory_space<vmem>> -> memref<32xi32, #tpu.memory_space<vmem>>
    %dma_wait3A_398 = arith.constant 0 : i32
    %dma_wait3A_399 = arith.constant 0 : i32
    %dma_wait3A_400 = tpu.memref_slice %arg6[%dma_wait3A_398, %dma_wait3A_399] : memref<50x256xf32, #tpu.memory_space<hbm>> -> memref<50x256xf32, #tpu.memory_space<hbm>>
    tpu.wait_indirect_dma semaphore(%arg15 : memref<!tpu.dma_semaphore, #tpu.memory_space<semaphore_mem>>) src(%dma_wait3A_400 : memref<50x256xf32, #tpu.memory_space<hbm>>) dst(%dma_wait3A_394 : memref<32x256xf32, #tpu.memory_space<vmem>>)
    %dma_wait3A_401 = arith.constant 2 : i32
    %dma_wait3A_402 = arith.constant 0 : i32
    %dma_wait3A_403 = arith.constant 0 : i32
    %dma_wait3A_404 = arith.constant 0 : i32
    %dma_wait3A_405 = tpu.memref_slice %arg14[%dma_wait3A_402, %dma_wait3A_403, %dma_wait3A_404] : memref<2x32x256xf32, #tpu.memory_space<vmem>> -> memref<1x32x256xf32, #tpu.memory_space<vmem>>
    %dma_wait3A_406 = tpu.memref_squeeze %dma_wait3A_405 : memref<1x32x256xf32, #tpu.memory_space<vmem>> -> memref<32x256xf32, #tpu.memory_space<vmem>>
    %dma_wait3A_407 = arith.constant 0 : i32
    %dma_wait3A_408 = tpu.memref_slice %arg11[%dma_wait3A_401, %dma_wait3A_407] : memref<16x32xi32, #tpu.memory_space<vmem>> -> memref<1x32xi32, #tpu.memory_space<vmem>>
    %dma_wait3A_409 = tpu.memref_squeeze %dma_wait3A_408 : memref<1x32xi32, #tpu.memory_space<vmem>> -> memref<32xi32, #tpu.memory_space<vmem>>
    %dma_wait3A_410 = arith.constant 0 : i32
    %dma_wait3A_411 = arith.constant 0 : i32
    %dma_wait3A_412 = tpu.memref_slice %arg7[%dma_wait3A_410, %dma_wait3A_411] : memref<50x256xf32, #tpu.memory_space<hbm>> -> memref<50x256xf32, #tpu.memory_space<hbm>>
    tpu.wait_indirect_dma semaphore(%arg15 : memref<!tpu.dma_semaphore, #tpu.memory_space<semaphore_mem>>) src(%dma_wait3A_412 : memref<50x256xf32, #tpu.memory_space<hbm>>) dst(%dma_wait3A_406 : memref<32x256xf32, #tpu.memory_space<vmem>>)
    %add3A_413 = arith.constant 64 : i32
    %add3A_414 = arith.addi %mul3A_2, %add3A_413 : i32
    %dma_start3A_415 = arith.constant 0 : i32
    %dma_start3A_416 = arith.constant 0 : i32
    %dma_start3A_417 = arith.constant 0 : i32
    %dma_start3A_418 = tpu.memref_slice %arg12[%dma_start3A_415, %dma_start3A_416, %dma_start3A_417] : memref<2x32x1024xf32, #tpu.memory_space<vmem>> -> memref<1x32x1024xf32, #tpu.memory_space<vmem>>
    %dma_start3A_419 = tpu.memref_squeeze %dma_start3A_418 : memref<1x32x1024xf32, #tpu.memory_space<vmem>> -> memref<32x1024xf32, #tpu.memory_space<vmem>>
    %dma_start3A_420 = arith.constant 0 : i32
    %dma_start3A_421 = tpu.memref_slice %arg8[%add3A_414, %dma_start3A_420] : memref<16384x1536xf32, #tpu.memory_space<hbm>> -> memref<32x1024xf32, #tpu.memory_space<hbm>>
    %dma_start3A_422 = arith.constant 0 : i32
    %dma_start3A_423 = tpu.memref_slice %arg8[%add3A_414, %dma_start3A_422] : memref<16384x1536xf32, #tpu.memory_space<hbm>> -> memref<32x1024xf32, #tpu.memory_space<hbm>>
    %dma_start3A_424 = arith.constant 0 : i32
    %dma_start3A_425 = arith.constant 0 : i32
    %dma_start3A_426 = tpu.memref_slice %arg12[%dma_start3A_415, %dma_start3A_424, %dma_start3A_425] : memref<2x32x1024xf32, #tpu.memory_space<vmem>> -> memref<1x32x1024xf32, #tpu.memory_space<vmem>>
    %dma_start3A_427 = tpu.memref_squeeze %dma_start3A_426 : memref<1x32x1024xf32, #tpu.memory_space<vmem>> -> memref<32x1024xf32, #tpu.memory_space<vmem>>
    tpu.enqueue_dma source(%dma_start3A_427 : memref<32x1024xf32, #tpu.memory_space<vmem>>) target(%dma_start3A_423 : memref<32x1024xf32, #tpu.memory_space<hbm>>) target_semaphore(%arg17 : memref<!tpu.dma_semaphore, #tpu.memory_space<semaphore_mem>>)
    %dma_start3A_428 = arith.constant 0 : i32
    %dma_start3A_429 = arith.constant 0 : i32
    %dma_start3A_430 = arith.constant 0 : i32
    %dma_start3A_431 = tpu.memref_slice %arg13[%dma_start3A_428, %dma_start3A_429, %dma_start3A_430] : memref<2x32x256xf32, #tpu.memory_space<vmem>> -> memref<1x32x256xf32, #tpu.memory_space<vmem>>
    %dma_start3A_432 = tpu.memref_squeeze %dma_start3A_431 : memref<1x32x256xf32, #tpu.memory_space<vmem>> -> memref<32x256xf32, #tpu.memory_space<vmem>>
    %dma_start3A_433 = arith.constant 1024 : i32
    %dma_start3A_434 = tpu.memref_slice %arg8[%add3A_414, %dma_start3A_433] : memref<16384x1536xf32, #tpu.memory_space<hbm>> -> memref<32x256xf32, #tpu.memory_space<hbm>>
    %dma_start3A_435 = arith.constant 1024 : i32
    %dma_start3A_436 = tpu.memref_slice %arg8[%add3A_414, %dma_start3A_435] : memref<16384x1536xf32, #tpu.memory_space<hbm>> -> memref<32x256xf32, #tpu.memory_space<hbm>>
    %dma_start3A_437 = arith.constant 0 : i32
    %dma_start3A_438 = arith.constant 0 : i32
    %dma_start3A_439 = tpu.memref_slice %arg13[%dma_start3A_428, %dma_start3A_437, %dma_start3A_438] : memref<2x32x256xf32, #tpu.memory_space<vmem>> -> memref<1x32x256xf32, #tpu.memory_space<vmem>>
    %dma_start3A_440 = tpu.memref_squeeze %dma_start3A_439 : memref<1x32x256xf32, #tpu.memory_space<vmem>> -> memref<32x256xf32, #tpu.memory_space<vmem>>
    tpu.enqueue_dma source(%dma_start3A_440 : memref<32x256xf32, #tpu.memory_space<vmem>>) target(%dma_start3A_436 : memref<32x256xf32, #tpu.memory_space<hbm>>) target_semaphore(%arg17 : memref<!tpu.dma_semaphore, #tpu.memory_space<semaphore_mem>>)
    %dma_start3A_441 = arith.constant 0 : i32
    %dma_start3A_442 = arith.constant 0 : i32
    %dma_start3A_443 = arith.constant 0 : i32
    %dma_start3A_444 = tpu.memref_slice %arg14[%dma_start3A_441, %dma_start3A_442, %dma_start3A_443] : memref<2x32x256xf32, #tpu.memory_space<vmem>> -> memref<1x32x256xf32, #tpu.memory_space<vmem>>
    %dma_start3A_445 = tpu.memref_squeeze %dma_start3A_444 : memref<1x32x256xf32, #tpu.memory_space<vmem>> -> memref<32x256xf32, #tpu.memory_space<vmem>>
    %dma_start3A_446 = arith.constant 1280 : i32
    %dma_start3A_447 = tpu.memref_slice %arg8[%add3A_414, %dma_start3A_446] : memref<16384x1536xf32, #tpu.memory_space<hbm>> -> memref<32x256xf32, #tpu.memory_space<hbm>>
    %dma_start3A_448 = arith.constant 1280 : i32
    %dma_start3A_449 = tpu.memref_slice %arg8[%add3A_414, %dma_start3A_448] : memref<16384x1536xf32, #tpu.memory_space<hbm>> -> memref<32x256xf32, #tpu.memory_space<hbm>>
    %dma_start3A_450 = arith.constant 0 : i32
    %dma_start3A_451 = arith.constant 0 : i32
    %dma_start3A_452 = tpu.memref_slice %arg14[%dma_start3A_441, %dma_start3A_450, %dma_start3A_451] : memref<2x32x256xf32, #tpu.memory_space<vmem>> -> memref<1x32x256xf32, #tpu.memory_space<vmem>>
    %dma_start3A_453 = tpu.memref_squeeze %dma_start3A_452 : memref<1x32x256xf32, #tpu.memory_space<vmem>> -> memref<32x256xf32, #tpu.memory_space<vmem>>
    tpu.enqueue_dma source(%dma_start3A_453 : memref<32x256xf32, #tpu.memory_space<vmem>>) target(%dma_start3A_449 : memref<32x256xf32, #tpu.memory_space<hbm>>) target_semaphore(%arg17 : memref<!tpu.dma_semaphore, #tpu.memory_space<semaphore_mem>>)
    %dma_wait3A_454 = arith.constant 0 : i32
    %dma_wait3A_455 = arith.constant 0 : i32
    %dma_wait3A_456 = arith.constant 0 : i32
    %dma_wait3A_457 = tpu.memref_slice %arg12[%dma_wait3A_454, %dma_wait3A_455, %dma_wait3A_456] : memref<2x32x1024xf32, #tpu.memory_space<vmem>> -> memref<1x32x1024xf32, #tpu.memory_space<vmem>>
    %dma_wait3A_458 = tpu.memref_squeeze %dma_wait3A_457 : memref<1x32x1024xf32, #tpu.memory_space<vmem>> -> memref<32x1024xf32, #tpu.memory_space<vmem>>
    %dma_wait3A_459 = arith.constant 0 : i32
    %dma_wait3A_460 = tpu.memref_slice %arg8[%add3A_414, %dma_wait3A_459] : memref<16384x1536xf32, #tpu.memory_space<hbm>> -> memref<32x1024xf32, #tpu.memory_space<hbm>>
    %dma_wait3A_461 = arith.constant 0 : i32
    %dma_wait3A_462 = tpu.memref_slice %arg8[%add3A_414, %dma_wait3A_461] : memref<16384x1536xf32, #tpu.memory_space<hbm>> -> memref<32x1024xf32, #tpu.memory_space<hbm>>
    %dma_wait3A_463 = arith.constant 0 : i32
    %dma_wait3A_464 = arith.constant 0 : i32
    %dma_wait3A_465 = tpu.memref_slice %arg12[%dma_wait3A_454, %dma_wait3A_463, %dma_wait3A_464] : memref<2x32x1024xf32, #tpu.memory_space<vmem>> -> memref<1x32x1024xf32, #tpu.memory_space<vmem>>
    %dma_wait3A_466 = tpu.memref_squeeze %dma_wait3A_465 : memref<1x32x1024xf32, #tpu.memory_space<vmem>> -> memref<32x1024xf32, #tpu.memory_space<vmem>>
    tpu.wait_dma2 semaphore(%arg17 : memref<!tpu.dma_semaphore, #tpu.memory_space<semaphore_mem>>) src(%dma_wait3A_466 : memref<32x1024xf32, #tpu.memory_space<vmem>>) dst(%dma_wait3A_462 : memref<32x1024xf32, #tpu.memory_space<hbm>>)
    %dma_wait3A_467 = arith.constant 0 : i32
    %dma_wait3A_468 = arith.constant 0 : i32
    %dma_wait3A_469 = arith.constant 0 : i32
    %dma_wait3A_470 = tpu.memref_slice %arg13[%dma_wait3A_467, %dma_wait3A_468, %dma_wait3A_469] : memref<2x32x256xf32, #tpu.memory_space<vmem>> -> memref<1x32x256xf32, #tpu.memory_space<vmem>>
    %dma_wait3A_471 = tpu.memref_squeeze %dma_wait3A_470 : memref<1x32x256xf32, #tpu.memory_space<vmem>> -> memref<32x256xf32, #tpu.memory_space<vmem>>
    %dma_wait3A_472 = arith.constant 1024 : i32
    %dma_wait3A_473 = tpu.memref_slice %arg8[%add3A_414, %dma_wait3A_472] : memref<16384x1536xf32, #tpu.memory_space<hbm>> -> memref<32x256xf32, #tpu.memory_space<hbm>>
    %dma_wait3A_474 = arith.constant 1024 : i32
    %dma_wait3A_475 = tpu.memref_slice %arg8[%add3A_414, %dma_wait3A_474] : memref<16384x1536xf32, #tpu.memory_space<hbm>> -> memref<32x256xf32, #tpu.memory_space<hbm>>
    %dma_wait3A_476 = arith.constant 0 : i32
    %dma_wait3A_477 = arith.constant 0 : i32
    %dma_wait3A_478 = tpu.memref_slice %arg13[%dma_wait3A_467, %dma_wait3A_476, %dma_wait3A_477] : memref<2x32x256xf32, #tpu.memory_space<vmem>> -> memref<1x32x256xf32, #tpu.memory_space<vmem>>
    %dma_wait3A_479 = tpu.memref_squeeze %dma_wait3A_478 : memref<1x32x256xf32, #tpu.memory_space<vmem>> -> memref<32x256xf32, #tpu.memory_space<vmem>>
    tpu.wait_dma2 semaphore(%arg17 : memref<!tpu.dma_semaphore, #tpu.memory_space<semaphore_mem>>) src(%dma_wait3A_479 : memref<32x256xf32, #tpu.memory_space<vmem>>) dst(%dma_wait3A_475 : memref<32x256xf32, #tpu.memory_space<hbm>>)
    %dma_wait3A_480 = arith.constant 0 : i32
    %dma_wait3A_481 = arith.constant 0 : i32
    %dma_wait3A_482 = arith.constant 0 : i32
    %dma_wait3A_483 = tpu.memref_slice %arg14[%dma_wait3A_480, %dma_wait3A_481, %dma_wait3A_482] : memref<2x32x256xf32, #tpu.memory_space<vmem>> -> memref<1x32x256xf32, #tpu.memory_space<vmem>>
    %dma_wait3A_484 = tpu.memref_squeeze %dma_wait3A_483 : memref<1x32x256xf32, #tpu.memory_space<vmem>> -> memref<32x256xf32, #tpu.memory_space<vmem>>
    %dma_wait3A_485 = arith.constant 1280 : i32
    %dma_wait3A_486 = tpu.memref_slice %arg8[%add3A_414, %dma_wait3A_485] : memref<16384x1536xf32, #tpu.memory_space<hbm>> -> memref<32x256xf32, #tpu.memory_space<hbm>>
    %dma_wait3A_487 = arith.constant 1280 : i32
    %dma_wait3A_488 = tpu.memref_slice %arg8[%add3A_414, %dma_wait3A_487] : memref<16384x1536xf32, #tpu.memory_space<hbm>> -> memref<32x256xf32, #tpu.memory_space<hbm>>
    %dma_wait3A_489 = arith.constant 0 : i32
    %dma_wait3A_490 = arith.constant 0 : i32
    %dma_wait3A_491 = tpu.memref_slice %arg14[%dma_wait3A_480, %dma_wait3A_489, %dma_wait3A_490] : memref<2x32x256xf32, #tpu.memory_space<vmem>> -> memref<1x32x256xf32, #tpu.memory_space<vmem>>
    %dma_wait3A_492 = tpu.memref_squeeze %dma_wait3A_491 : memref<1x32x256xf32, #tpu.memory_space<vmem>> -> memref<32x256xf32, #tpu.memory_space<vmem>>
    tpu.wait_dma2 semaphore(%arg17 : memref<!tpu.dma_semaphore, #tpu.memory_space<semaphore_mem>>) src(%dma_wait3A_492 : memref<32x256xf32, #tpu.memory_space<vmem>>) dst(%dma_wait3A_488 : memref<32x256xf32, #tpu.memory_space<hbm>>)
    %dma_start3A_493 = arith.constant 4 : i32
    %dma_start3A_494 = arith.constant 0 : i32
    %dma_start3A_495 = arith.constant 0 : i32
    %dma_start3A_496 = arith.constant 0 : i32
    %dma_start3A_497 = tpu.memref_slice %arg12[%dma_start3A_494, %dma_start3A_495, %dma_start3A_496] : memref<2x32x1024xf32, #tpu.memory_space<vmem>> -> memref<1x32x1024xf32, #tpu.memory_space<vmem>>
    %dma_start3A_498 = tpu.memref_squeeze %dma_start3A_497 : memref<1x32x1024xf32, #tpu.memory_space<vmem>> -> memref<32x1024xf32, #tpu.memory_space<vmem>>
    %dma_start3A_499 = arith.constant 0 : i32
    %dma_start3A_500 = tpu.memref_slice %arg9[%dma_start3A_493, %dma_start3A_499] : memref<16x32xi32, #tpu.memory_space<vmem>> -> memref<1x32xi32, #tpu.memory_space<vmem>>
    %dma_start3A_501 = tpu.memref_squeeze %dma_start3A_500 : memref<1x32xi32, #tpu.memory_space<vmem>> -> memref<32xi32, #tpu.memory_space<vmem>>
    %dma_start3A_502 = arith.constant 0 : i32
    %dma_start3A_503 = arith.constant 0 : i32
    %dma_start3A_504 = tpu.memref_slice %arg5[%dma_start3A_502, %dma_start3A_503] : memref<5x1024xf32, #tpu.memory_space<hbm>> -> memref<5x1024xf32, #tpu.memory_space<hbm>>
    tpu.enqueue_indirect_dma source(%dma_start3A_504 : memref<5x1024xf32, #tpu.memory_space<hbm>>) target(%dma_start3A_498 : memref<32x1024xf32, #tpu.memory_space<vmem>>) offsets(%dma_start3A_501 : memref<32xi32, #tpu.memory_space<vmem>>) semaphore(%arg15 : memref<!tpu.dma_semaphore, #tpu.memory_space<semaphore_mem>>)
    %dma_start3A_505 = arith.constant 4 : i32
    %dma_start3A_506 = arith.constant 0 : i32
    %dma_start3A_507 = arith.constant 0 : i32
    %dma_start3A_508 = arith.constant 0 : i32
    %dma_start3A_509 = tpu.memref_slice %arg13[%dma_start3A_506, %dma_start3A_507, %dma_start3A_508] : memref<2x32x256xf32, #tpu.memory_space<vmem>> -> memref<1x32x256xf32, #tpu.memory_space<vmem>>
    %dma_start3A_510 = tpu.memref_squeeze %dma_start3A_509 : memref<1x32x256xf32, #tpu.memory_space<vmem>> -> memref<32x256xf32, #tpu.memory_space<vmem>>
    %dma_start3A_511 = arith.constant 0 : i32
    %dma_start3A_512 = tpu.memref_slice %arg10[%dma_start3A_505, %dma_start3A_511] : memref<16x32xi32, #tpu.memory_space<vmem>> -> memref<1x32xi32, #tpu.memory_space<vmem>>
    %dma_start3A_513 = tpu.memref_squeeze %dma_start3A_512 : memref<1x32xi32, #tpu.memory_space<vmem>> -> memref<32xi32, #tpu.memory_space<vmem>>
    %dma_start3A_514 = arith.constant 0 : i32
    %dma_start3A_515 = arith.constant 0 : i32
    %dma_start3A_516 = tpu.memref_slice %arg6[%dma_start3A_514, %dma_start3A_515] : memref<50x256xf32, #tpu.memory_space<hbm>> -> memref<50x256xf32, #tpu.memory_space<hbm>>
    tpu.enqueue_indirect_dma source(%dma_start3A_516 : memref<50x256xf32, #tpu.memory_space<hbm>>) target(%dma_start3A_510 : memref<32x256xf32, #tpu.memory_space<vmem>>) offsets(%dma_start3A_513 : memref<32xi32, #tpu.memory_space<vmem>>) semaphore(%arg15 : memref<!tpu.dma_semaphore, #tpu.memory_space<semaphore_mem>>)
    %dma_start3A_517 = arith.constant 4 : i32
    %dma_start3A_518 = arith.constant 0 : i32
    %dma_start3A_519 = arith.constant 0 : i32
    %dma_start3A_520 = arith.constant 0 : i32
    %dma_start3A_521 = tpu.memref_slice %arg14[%dma_start3A_518, %dma_start3A_519, %dma_start3A_520] : memref<2x32x256xf32, #tpu.memory_space<vmem>> -> memref<1x32x256xf32, #tpu.memory_space<vmem>>
    %dma_start3A_522 = tpu.memref_squeeze %dma_start3A_521 : memref<1x32x256xf32, #tpu.memory_space<vmem>> -> memref<32x256xf32, #tpu.memory_space<vmem>>
    %dma_start3A_523 = arith.constant 0 : i32
    %dma_start3A_524 = tpu.memref_slice %arg11[%dma_start3A_517, %dma_start3A_523] : memref<16x32xi32, #tpu.memory_space<vmem>> -> memref<1x32xi32, #tpu.memory_space<vmem>>
    %dma_start3A_525 = tpu.memref_squeeze %dma_start3A_524 : memref<1x32xi32, #tpu.memory_space<vmem>> -> memref<32xi32, #tpu.memory_space<vmem>>
    %dma_start3A_526 = arith.constant 0 : i32
    %dma_start3A_527 = arith.constant 0 : i32
    %dma_start3A_528 = tpu.memref_slice %arg7[%dma_start3A_526, %dma_start3A_527] : memref<50x256xf32, #tpu.memory_space<hbm>> -> memref<50x256xf32, #tpu.memory_space<hbm>>
    tpu.enqueue_indirect_dma source(%dma_start3A_528 : memref<50x256xf32, #tpu.memory_space<hbm>>) target(%dma_start3A_522 : memref<32x256xf32, #tpu.memory_space<vmem>>) offsets(%dma_start3A_525 : memref<32xi32, #tpu.memory_space<vmem>>) semaphore(%arg15 : memref<!tpu.dma_semaphore, #tpu.memory_space<semaphore_mem>>)
    %dma_wait3A_529 = arith.constant 3 : i32
    %dma_wait3A_530 = arith.constant 1 : i32
    %dma_wait3A_531 = arith.constant 0 : i32
    %dma_wait3A_532 = arith.constant 0 : i32
    %dma_wait3A_533 = tpu.memref_slice %arg12[%dma_wait3A_530, %dma_wait3A_531, %dma_wait3A_532] : memref<2x32x1024xf32, #tpu.memory_space<vmem>> -> memref<1x32x1024xf32, #tpu.memory_space<vmem>>
    %dma_wait3A_534 = tpu.memref_squeeze %dma_wait3A_533 : memref<1x32x1024xf32, #tpu.memory_space<vmem>> -> memref<32x1024xf32, #tpu.memory_space<vmem>>
    %dma_wait3A_535 = arith.constant 0 : i32
    %dma_wait3A_536 = tpu.memref_slice %arg9[%dma_wait3A_529, %dma_wait3A_535] : memref<16x32xi32, #tpu.memory_space<vmem>> -> memref<1x32xi32, #tpu.memory_space<vmem>>
    %dma_wait3A_537 = tpu.memref_squeeze %dma_wait3A_536 : memref<1x32xi32, #tpu.memory_space<vmem>> -> memref<32xi32, #tpu.memory_space<vmem>>
    %dma_wait3A_538 = arith.constant 0 : i32
    %dma_wait3A_539 = arith.constant 0 : i32
    %dma_wait3A_540 = tpu.memref_slice %arg5[%dma_wait3A_538, %dma_wait3A_539] : memref<5x1024xf32, #tpu.memory_space<hbm>> -> memref<5x1024xf32, #tpu.memory_space<hbm>>
    tpu.wait_indirect_dma semaphore(%arg16 : memref<!tpu.dma_semaphore, #tpu.memory_space<semaphore_mem>>) src(%dma_wait3A_540 : memref<5x1024xf32, #tpu.memory_space<hbm>>) dst(%dma_wait3A_534 : memref<32x1024xf32, #tpu.memory_space<vmem>>)
    %dma_wait3A_541 = arith.constant 3 : i32
    %dma_wait3A_542 = arith.constant 1 : i32
    %dma_wait3A_543 = arith.constant 0 : i32
    %dma_wait3A_544 = arith.constant 0 : i32
    %dma_wait3A_545 = tpu.memref_slice %arg13[%dma_wait3A_542, %dma_wait3A_543, %dma_wait3A_544] : memref<2x32x256xf32, #tpu.memory_space<vmem>> -> memref<1x32x256xf32, #tpu.memory_space<vmem>>
    %dma_wait3A_546 = tpu.memref_squeeze %dma_wait3A_545 : memref<1x32x256xf32, #tpu.memory_space<vmem>> -> memref<32x256xf32, #tpu.memory_space<vmem>>
    %dma_wait3A_547 = arith.constant 0 : i32
    %dma_wait3A_548 = tpu.memref_slice %arg10[%dma_wait3A_541, %dma_wait3A_547] : memref<16x32xi32, #tpu.memory_space<vmem>> -> memref<1x32xi32, #tpu.memory_space<vmem>>
    %dma_wait3A_549 = tpu.memref_squeeze %dma_wait3A_548 : memref<1x32xi32, #tpu.memory_space<vmem>> -> memref<32xi32, #tpu.memory_space<vmem>>
    %dma_wait3A_550 = arith.constant 0 : i32
    %dma_wait3A_551 = arith.constant 0 : i32
    %dma_wait3A_552 = tpu.memref_slice %arg6[%dma_wait3A_550, %dma_wait3A_551] : memref<50x256xf32, #tpu.memory_space<hbm>> -> memref<50x256xf32, #tpu.memory_space<hbm>>
    tpu.wait_indirect_dma semaphore(%arg16 : memref<!tpu.dma_semaphore, #tpu.memory_space<semaphore_mem>>) src(%dma_wait3A_552 : memref<50x256xf32, #tpu.memory_space<hbm>>) dst(%dma_wait3A_546 : memref<32x256xf32, #tpu.memory_space<vmem>>)
    %dma_wait3A_553 = arith.constant 3 : i32
    %dma_wait3A_554 = arith.constant 1 : i32
    %dma_wait3A_555 = arith.constant 0 : i32
    %dma_wait3A_556 = arith.constant 0 : i32
    %dma_wait3A_557 = tpu.memref_slice %arg14[%dma_wait3A_554, %dma_wait3A_555, %dma_wait3A_556] : memref<2x32x256xf32, #tpu.memory_space<vmem>> -> memref<1x32x256xf32, #tpu.memory_space<vmem>>
    %dma_wait3A_558 = tpu.memref_squeeze %dma_wait3A_557 : memref<1x32x256xf32, #tpu.memory_space<vmem>> -> memref<32x256xf32, #tpu.memory_space<vmem>>
    %dma_wait3A_559 = arith.constant 0 : i32
    %dma_wait3A_560 = tpu.memref_slice %arg11[%dma_wait3A_553, %dma_wait3A_559] : memref<16x32xi32, #tpu.memory_space<vmem>> -> memref<1x32xi32, #tpu.memory_space<vmem>>
    %dma_wait3A_561 = tpu.memref_squeeze %dma_wait3A_560 : memref<1x32xi32, #tpu.memory_space<vmem>> -> memref<32xi32, #tpu.memory_space<vmem>>
    %dma_wait3A_562 = arith.constant 0 : i32
    %dma_wait3A_563 = arith.constant 0 : i32
    %dma_wait3A_564 = tpu.memref_slice %arg7[%dma_wait3A_562, %dma_wait3A_563] : memref<50x256xf32, #tpu.memory_space<hbm>> -> memref<50x256xf32, #tpu.memory_space<hbm>>
    tpu.wait_indirect_dma semaphore(%arg16 : memref<!tpu.dma_semaphore, #tpu.memory_space<semaphore_mem>>) src(%dma_wait3A_564 : memref<50x256xf32, #tpu.memory_space<hbm>>) dst(%dma_wait3A_558 : memref<32x256xf32, #tpu.memory_space<vmem>>)
    %add3A_565 = arith.constant 96 : i32
    %add3A_566 = arith.addi %mul3A_2, %add3A_565 : i32
    %dma_start3A_567 = arith.constant 1 : i32
    %dma_start3A_568 = arith.constant 0 : i32
    %dma_start3A_569 = arith.constant 0 : i32
    %dma_start3A_570 = tpu.memref_slice %arg12[%dma_start3A_567, %dma_start3A_568, %dma_start3A_569] : memref<2x32x1024xf32, #tpu.memory_space<vmem>> -> memref<1x32x1024xf32, #tpu.memory_space<vmem>>
    %dma_start3A_571 = tpu.memref_squeeze %dma_start3A_570 : memref<1x32x1024xf32, #tpu.memory_space<vmem>> -> memref<32x1024xf32, #tpu.memory_space<vmem>>
    %dma_start3A_572 = arith.constant 0 : i32
    %dma_start3A_573 = tpu.memref_slice %arg8[%add3A_566, %dma_start3A_572] : memref<16384x1536xf32, #tpu.memory_space<hbm>> -> memref<32x1024xf32, #tpu.memory_space<hbm>>
    %dma_start3A_574 = arith.constant 0 : i32
    %dma_start3A_575 = tpu.memref_slice %arg8[%add3A_566, %dma_start3A_574] : memref<16384x1536xf32, #tpu.memory_space<hbm>> -> memref<32x1024xf32, #tpu.memory_space<hbm>>
    %dma_start3A_576 = arith.constant 0 : i32
    %dma_start3A_577 = arith.constant 0 : i32
    %dma_start3A_578 = tpu.memref_slice %arg12[%dma_start3A_567, %dma_start3A_576, %dma_start3A_577] : memref<2x32x1024xf32, #tpu.memory_space<vmem>> -> memref<1x32x1024xf32, #tpu.memory_space<vmem>>
    %dma_start3A_579 = tpu.memref_squeeze %dma_start3A_578 : memref<1x32x1024xf32, #tpu.memory_space<vmem>> -> memref<32x1024xf32, #tpu.memory_space<vmem>>
    tpu.enqueue_dma source(%dma_start3A_579 : memref<32x1024xf32, #tpu.memory_space<vmem>>) target(%dma_start3A_575 : memref<32x1024xf32, #tpu.memory_space<hbm>>) target_semaphore(%arg18 : memref<!tpu.dma_semaphore, #tpu.memory_space<semaphore_mem>>)
    %dma_start3A_580 = arith.constant 1 : i32
    %dma_start3A_581 = arith.constant 0 : i32
    %dma_start3A_582 = arith.constant 0 : i32
    %dma_start3A_583 = tpu.memref_slice %arg13[%dma_start3A_580, %dma_start3A_581, %dma_start3A_582] : memref<2x32x256xf32, #tpu.memory_space<vmem>> -> memref<1x32x256xf32, #tpu.memory_space<vmem>>
    %dma_start3A_584 = tpu.memref_squeeze %dma_start3A_583 : memref<1x32x256xf32, #tpu.memory_space<vmem>> -> memref<32x256xf32, #tpu.memory_space<vmem>>
    %dma_start3A_585 = arith.constant 1024 : i32
    %dma_start3A_586 = tpu.memref_slice %arg8[%add3A_566, %dma_start3A_585] : memref<16384x1536xf32, #tpu.memory_space<hbm>> -> memref<32x256xf32, #tpu.memory_space<hbm>>
    %dma_start3A_587 = arith.constant 1024 : i32
    %dma_start3A_588 = tpu.memref_slice %arg8[%add3A_566, %dma_start3A_587] : memref<16384x1536xf32, #tpu.memory_space<hbm>> -> memref<32x256xf32, #tpu.memory_space<hbm>>
    %dma_start3A_589 = arith.constant 0 : i32
    %dma_start3A_590 = arith.constant 0 : i32
    %dma_start3A_591 = tpu.memref_slice %arg13[%dma_start3A_580, %dma_start3A_589, %dma_start3A_590] : memref<2x32x256xf32, #tpu.memory_space<vmem>> -> memref<1x32x256xf32, #tpu.memory_space<vmem>>
    %dma_start3A_592 = tpu.memref_squeeze %dma_start3A_591 : memref<1x32x256xf32, #tpu.memory_space<vmem>> -> memref<32x256xf32, #tpu.memory_space<vmem>>
    tpu.enqueue_dma source(%dma_start3A_592 : memref<32x256xf32, #tpu.memory_space<vmem>>) target(%dma_start3A_588 : memref<32x256xf32, #tpu.memory_space<hbm>>) target_semaphore(%arg18 : memref<!tpu.dma_semaphore, #tpu.memory_space<semaphore_mem>>)
    %dma_start3A_593 = arith.constant 1 : i32
    %dma_start3A_594 = arith.constant 0 : i32
    %dma_start3A_595 = arith.constant 0 : i32
    %dma_start3A_596 = tpu.memref_slice %arg14[%dma_start3A_593, %dma_start3A_594, %dma_start3A_595] : memref<2x32x256xf32, #tpu.memory_space<vmem>> -> memref<1x32x256xf32, #tpu.memory_space<vmem>>
    %dma_start3A_597 = tpu.memref_squeeze %dma_start3A_596 : memref<1x32x256xf32, #tpu.memory_space<vmem>> -> memref<32x256xf32, #tpu.memory_space<vmem>>
    %dma_start3A_598 = arith.constant 1280 : i32
    %dma_start3A_599 = tpu.memref_slice %arg8[%add3A_566, %dma_start3A_598] : memref<16384x1536xf32, #tpu.memory_space<hbm>> -> memref<32x256xf32, #tpu.memory_space<hbm>>
    %dma_start3A_600 = arith.constant 1280 : i32
    %dma_start3A_601 = tpu.memref_slice %arg8[%add3A_566, %dma_start3A_600] : memref<16384x1536xf32, #tpu.memory_space<hbm>> -> memref<32x256xf32, #tpu.memory_space<hbm>>
    %dma_start3A_602 = arith.constant 0 : i32
    %dma_start3A_603 = arith.constant 0 : i32
    %dma_start3A_604 = tpu.memref_slice %arg14[%dma_start3A_593, %dma_start3A_602, %dma_start3A_603] : memref<2x32x256xf32, #tpu.memory_space<vmem>> -> memref<1x32x256xf32, #tpu.memory_space<vmem>>
    %dma_start3A_605 = tpu.memref_squeeze %dma_start3A_604 : memref<1x32x256xf32, #tpu.memory_space<vmem>> -> memref<32x256xf32, #tpu.memory_space<vmem>>
    tpu.enqueue_dma source(%dma_start3A_605 : memref<32x256xf32, #tpu.memory_space<vmem>>) target(%dma_start3A_601 : memref<32x256xf32, #tpu.memory_space<hbm>>) target_semaphore(%arg18 : memref<!tpu.dma_semaphore, #tpu.memory_space<semaphore_mem>>)
    %dma_wait3A_606 = arith.constant 1 : i32
    %dma_wait3A_607 = arith.constant 0 : i32
    %dma_wait3A_608 = arith.constant 0 : i32
    %dma_wait3A_609 = tpu.memref_slice %arg12[%dma_wait3A_606, %dma_wait3A_607, %dma_wait3A_608] : memref<2x32x1024xf32, #tpu.memory_space<vmem>> -> memref<1x32x1024xf32, #tpu.memory_space<vmem>>
    %dma_wait3A_610 = tpu.memref_squeeze %dma_wait3A_609 : memref<1x32x1024xf32, #tpu.memory_space<vmem>> -> memref<32x1024xf32, #tpu.memory_space<vmem>>
    %dma_wait3A_611 = arith.constant 0 : i32
    %dma_wait3A_612 = tpu.memref_slice %arg8[%add3A_566, %dma_wait3A_611] : memref<16384x1536xf32, #tpu.memory_space<hbm>> -> memref<32x1024xf32, #tpu.memory_space<hbm>>
    %dma_wait3A_613 = arith.constant 0 : i32
    %dma_wait3A_614 = tpu.memref_slice %arg8[%add3A_566, %dma_wait3A_613] : memref<16384x1536xf32, #tpu.memory_space<hbm>> -> memref<32x1024xf32, #tpu.memory_space<hbm>>
    %dma_wait3A_615 = arith.constant 0 : i32
    %dma_wait3A_616 = arith.constant 0 : i32
    %dma_wait3A_617 = tpu.memref_slice %arg12[%dma_wait3A_606, %dma_wait3A_615, %dma_wait3A_616] : memref<2x32x1024xf32, #tpu.memory_space<vmem>> -> memref<1x32x1024xf32, #tpu.memory_space<vmem>>
    %dma_wait3A_618 = tpu.memref_squeeze %dma_wait3A_617 : memref<1x32x1024xf32, #tpu.memory_space<vmem>> -> memref<32x1024xf32, #tpu.memory_space<vmem>>
    tpu.wait_dma2 semaphore(%arg18 : memref<!tpu.dma_semaphore, #tpu.memory_space<semaphore_mem>>) src(%dma_wait3A_618 : memref<32x1024xf32, #tpu.memory_space<vmem>>) dst(%dma_wait3A_614 : memref<32x1024xf32, #tpu.memory_space<hbm>>)
    %dma_wait3A_619 = arith.constant 1 : i32
    %dma_wait3A_620 = arith.constant 0 : i32
    %dma_wait3A_621 = arith.constant 0 : i32
    %dma_wait3A_622 = tpu.memref_slice %arg13[%dma_wait3A_619, %dma_wait3A_620, %dma_wait3A_621] : memref<2x32x256xf32, #tpu.memory_space<vmem>> -> memref<1x32x256xf32, #tpu.memory_space<vmem>>
    %dma_wait3A_623 = tpu.memref_squeeze %dma_wait3A_622 : memref<1x32x256xf32, #tpu.memory_space<vmem>> -> memref<32x256xf32, #tpu.memory_space<vmem>>
    %dma_wait3A_624 = arith.constant 1024 : i32
    %dma_wait3A_625 = tpu.memref_slice %arg8[%add3A_566, %dma_wait3A_624] : memref<16384x1536xf32, #tpu.memory_space<hbm>> -> memref<32x256xf32, #tpu.memory_space<hbm>>
    %dma_wait3A_626 = arith.constant 1024 : i32
    %dma_wait3A_627 = tpu.memref_slice %arg8[%add3A_566, %dma_wait3A_626] : memref<16384x1536xf32, #tpu.memory_space<hbm>> -> memref<32x256xf32, #tpu.memory_space<hbm>>
    %dma_wait3A_628 = arith.constant 0 : i32
    %dma_wait3A_629 = arith.constant 0 : i32
    %dma_wait3A_630 = tpu.memref_slice %arg13[%dma_wait3A_619, %dma_wait3A_628, %dma_wait3A_629] : memref<2x32x256xf32, #tpu.memory_space<vmem>> -> memref<1x32x256xf32, #tpu.memory_space<vmem>>
    %dma_wait3A_631 = tpu.memref_squeeze %dma_wait3A_630 : memref<1x32x256xf32, #tpu.memory_space<vmem>> -> memref<32x256xf32, #tpu.memory_space<vmem>>
    tpu.wait_dma2 semaphore(%arg18 : memref<!tpu.dma_semaphore, #tpu.memory_space<semaphore_mem>>) src(%dma_wait3A_631 : memref<32x256xf32, #tpu.memory_space<vmem>>) dst(%dma_wait3A_627 : memref<32x256xf32, #tpu.memory_space<hbm>>)
    %dma_wait3A_632 = arith.constant 1 : i32
    %dma_wait3A_633 = arith.constant 0 : i32
    %dma_wait3A_634 = arith.constant 0 : i32
    %dma_wait3A_635 = tpu.memref_slice %arg14[%dma_wait3A_632, %dma_wait3A_633, %dma_wait3A_634] : memref<2x32x256xf32, #tpu.memory_space<vmem>> -> memref<1x32x256xf32, #tpu.memory_space<vmem>>
    %dma_wait3A_636 = tpu.memref_squeeze %dma_wait3A_635 : memref<1x32x256xf32, #tpu.memory_space<vmem>> -> memref<32x256xf32, #tpu.memory_space<vmem>>
    %dma_wait3A_637 = arith.constant 1280 : i32
    %dma_wait3A_638 = tpu.memref_slice %arg8[%add3A_566, %dma_wait3A_637] : memref<16384x1536xf32, #tpu.memory_space<hbm>> -> memref<32x256xf32, #tpu.memory_space<hbm>>
    %dma_wait3A_639 = arith.constant 1280 : i32
    %dma_wait3A_640 = tpu.memref_slice %arg8[%add3A_566, %dma_wait3A_639] : memref<16384x1536xf32, #tpu.memory_space<hbm>> -> memref<32x256xf32, #tpu.memory_space<hbm>>
    %dma_wait3A_641 = arith.constant 0 : i32
    %dma_wait3A_642 = arith.constant 0 : i32
    %dma_wait3A_643 = tpu.memref_slice %arg14[%dma_wait3A_632, %dma_wait3A_641, %dma_wait3A_642] : memref<2x32x256xf32, #tpu.memory_space<vmem>> -> memref<1x32x256xf32, #tpu.memory_space<vmem>>
    %dma_wait3A_644 = tpu.memref_squeeze %dma_wait3A_643 : memref<1x32x256xf32, #tpu.memory_space<vmem>> -> memref<32x256xf32, #tpu.memory_space<vmem>>
    tpu.wait_dma2 semaphore(%arg18 : memref<!tpu.dma_semaphore, #tpu.memory_space<semaphore_mem>>) src(%dma_wait3A_644 : memref<32x256xf32, #tpu.memory_space<vmem>>) dst(%dma_wait3A_640 : memref<32x256xf32, #tpu.memory_space<hbm>>)
    %dma_start3A_645 = arith.constant 5 : i32
    %dma_start3A_646 = arith.constant 1 : i32
    %dma_start3A_647 = arith.constant 0 : i32
    %dma_start3A_648 = arith.constant 0 : i32
    %dma_start3A_649 = tpu.memref_slice %arg12[%dma_start3A_646, %dma_start3A_647, %dma_start3A_648] : memref<2x32x1024xf32, #tpu.memory_space<vmem>> -> memref<1x32x1024xf32, #tpu.memory_space<vmem>>
    %dma_start3A_650 = tpu.memref_squeeze %dma_start3A_649 : memref<1x32x1024xf32, #tpu.memory_space<vmem>> -> memref<32x1024xf32, #tpu.memory_space<vmem>>
    %dma_start3A_651 = arith.constant 0 : i32
    %dma_start3A_652 = tpu.memref_slice %arg9[%dma_start3A_645, %dma_start3A_651] : memref<16x32xi32, #tpu.memory_space<vmem>> -> memref<1x32xi32, #tpu.memory_space<vmem>>
    %dma_start3A_653 = tpu.memref_squeeze %dma_start3A_652 : memref<1x32xi32, #tpu.memory_space<vmem>> -> memref<32xi32, #tpu.memory_space<vmem>>
    %dma_start3A_654 = arith.constant 0 : i32
    %dma_start3A_655 = arith.constant 0 : i32
    %dma_start3A_656 = tpu.memref_slice %arg5[%dma_start3A_654, %dma_start3A_655] : memref<5x1024xf32, #tpu.memory_space<hbm>> -> memref<5x1024xf32, #tpu.memory_space<hbm>>
    tpu.enqueue_indirect_dma source(%dma_start3A_656 : memref<5x1024xf32, #tpu.memory_space<hbm>>) target(%dma_start3A_650 : memref<32x1024xf32, #tpu.memory_space<vmem>>) offsets(%dma_start3A_653 : memref<32xi32, #tpu.memory_space<vmem>>) semaphore(%arg16 : memref<!tpu.dma_semaphore, #tpu.memory_space<semaphore_mem>>)
    %dma_start3A_657 = arith.constant 5 : i32
    %dma_start3A_658 = arith.constant 1 : i32
    %dma_start3A_659 = arith.constant 0 : i32
    %dma_start3A_660 = arith.constant 0 : i32
    %dma_start3A_661 = tpu.memref_slice %arg13[%dma_start3A_658, %dma_start3A_659, %dma_start3A_660] : memref<2x32x256xf32, #tpu.memory_space<vmem>> -> memref<1x32x256xf32, #tpu.memory_space<vmem>>
    %dma_start3A_662 = tpu.memref_squeeze %dma_start3A_661 : memref<1x32x256xf32, #tpu.memory_space<vmem>> -> memref<32x256xf32, #tpu.memory_space<vmem>>
    %dma_start3A_663 = arith.constant 0 : i32
    %dma_start3A_664 = tpu.memref_slice %arg10[%dma_start3A_657, %dma_start3A_663] : memref<16x32xi32, #tpu.memory_space<vmem>> -> memref<1x32xi32, #tpu.memory_space<vmem>>
    %dma_start3A_665 = tpu.memref_squeeze %dma_start3A_664 : memref<1x32xi32, #tpu.memory_space<vmem>> -> memref<32xi32, #tpu.memory_space<vmem>>
    %dma_start3A_666 = arith.constant 0 : i32
    %dma_start3A_667 = arith.constant 0 : i32
    %dma_start3A_668 = tpu.memref_slice %arg6[%dma_start3A_666, %dma_start3A_667] : memref<50x256xf32, #tpu.memory_space<hbm>> -> memref<50x256xf32, #tpu.memory_space<hbm>>
    tpu.enqueue_indirect_dma source(%dma_start3A_668 : memref<50x256xf32, #tpu.memory_space<hbm>>) target(%dma_start3A_662 : memref<32x256xf32, #tpu.memory_space<vmem>>) offsets(%dma_start3A_665 : memref<32xi32, #tpu.memory_space<vmem>>) semaphore(%arg16 : memref<!tpu.dma_semaphore, #tpu.memory_space<semaphore_mem>>)
    %dma_start3A_669 = arith.constant 5 : i32
    %dma_start3A_670 = arith.constant 1 : i32
    %dma_start3A_671 = arith.constant 0 : i32
    %dma_start3A_672 = arith.constant 0 : i32
    %dma_start3A_673 = tpu.memref_slice %arg14[%dma_start3A_670, %dma_start3A_671, %dma_start3A_672] : memref<2x32x256xf32, #tpu.memory_space<vmem>> -> memref<1x32x256xf32, #tpu.memory_space<vmem>>
    %dma_start3A_674 = tpu.memref_squeeze %dma_start3A_673 : memref<1x32x256xf32, #tpu.memory_space<vmem>> -> memref<32x256xf32, #tpu.memory_space<vmem>>
    %dma_start3A_675 = arith.constant 0 : i32
    %dma_start3A_676 = tpu.memref_slice %arg11[%dma_start3A_669, %dma_start3A_675] : memref<16x32xi32, #tpu.memory_space<vmem>> -> memref<1x32xi32, #tpu.memory_space<vmem>>
    %dma_start3A_677 = tpu.memref_squeeze %dma_start3A_676 : memref<1x32xi32, #tpu.memory_space<vmem>> -> memref<32xi32, #tpu.memory_space<vmem>>
    %dma_start3A_678 = arith.constant 0 : i32
    %dma_start3A_679 = arith.constant 0 : i32
    %dma_start3A_680 = tpu.memref_slice %arg7[%dma_start3A_678, %dma_start3A_679] : memref<50x256xf32, #tpu.memory_space<hbm>> -> memref<50x256xf32, #tpu.memory_space<hbm>>
    tpu.enqueue_indirect_dma source(%dma_start3A_680 : memref<50x256xf32, #tpu.memory_space<hbm>>) target(%dma_start3A_674 : memref<32x256xf32, #tpu.memory_space<vmem>>) offsets(%dma_start3A_677 : memref<32xi32, #tpu.memory_space<vmem>>) semaphore(%arg16 : memref<!tpu.dma_semaphore, #tpu.memory_space<semaphore_mem>>)
    %dma_wait3A_681 = arith.constant 4 : i32
    %dma_wait3A_682 = arith.constant 0 : i32
    %dma_wait3A_683 = arith.constant 0 : i32
    %dma_wait3A_684 = arith.constant 0 : i32
    %dma_wait3A_685 = tpu.memref_slice %arg12[%dma_wait3A_682, %dma_wait3A_683, %dma_wait3A_684] : memref<2x32x1024xf32, #tpu.memory_space<vmem>> -> memref<1x32x1024xf32, #tpu.memory_space<vmem>>
    %dma_wait3A_686 = tpu.memref_squeeze %dma_wait3A_685 : memref<1x32x1024xf32, #tpu.memory_space<vmem>> -> memref<32x1024xf32, #tpu.memory_space<vmem>>
    %dma_wait3A_687 = arith.constant 0 : i32
    %dma_wait3A_688 = tpu.memref_slice %arg9[%dma_wait3A_681, %dma_wait3A_687] : memref<16x32xi32, #tpu.memory_space<vmem>> -> memref<1x32xi32, #tpu.memory_space<vmem>>
    %dma_wait3A_689 = tpu.memref_squeeze %dma_wait3A_688 : memref<1x32xi32, #tpu.memory_space<vmem>> -> memref<32xi32, #tpu.memory_space<vmem>>
    %dma_wait3A_690 = arith.constant 0 : i32
    %dma_wait3A_691 = arith.constant 0 : i32
    %dma_wait3A_692 = tpu.memref_slice %arg5[%dma_wait3A_690, %dma_wait3A_691] : memref<5x1024xf32, #tpu.memory_space<hbm>> -> memref<5x1024xf32, #tpu.memory_space<hbm>>
    tpu.wait_indirect_dma semaphore(%arg15 : memref<!tpu.dma_semaphore, #tpu.memory_space<semaphore_mem>>) src(%dma_wait3A_692 : memref<5x1024xf32, #tpu.memory_space<hbm>>) dst(%dma_wait3A_686 : memref<32x1024xf32, #tpu.memory_space<vmem>>)
    %dma_wait3A_693 = arith.constant 4 : i32
    %dma_wait3A_694 = arith.constant 0 : i32
    %dma_wait3A_695 = arith.constant 0 : i32
    %dma_wait3A_696 = arith.constant 0 : i32
    %dma_wait3A_697 = tpu.memref_slice %arg13[%dma_wait3A_694, %dma_wait3A_695, %dma_wait3A_696] : memref<2x32x256xf32, #tpu.memory_space<vmem>> -> memref<1x32x256xf32, #tpu.memory_space<vmem>>
    %dma_wait3A_698 = tpu.memref_squeeze %dma_wait3A_697 : memref<1x32x256xf32, #tpu.memory_space<vmem>> -> memref<32x256xf32, #tpu.memory_space<vmem>>
    %dma_wait3A_699 = arith.constant 0 : i32
    %dma_wait3A_700 = tpu.memref_slice %arg10[%dma_wait3A_693, %dma_wait3A_699] : memref<16x32xi32, #tpu.memory_space<vmem>> -> memref<1x32xi32, #tpu.memory_space<vmem>>
    %dma_wait3A_701 = tpu.memref_squeeze %dma_wait3A_700 : memref<1x32xi32, #tpu.memory_space<vmem>> -> memref<32xi32, #tpu.memory_space<vmem>>
    %dma_wait3A_702 = arith.constant 0 : i32
    %dma_wait3A_703 = arith.constant 0 : i32
    %dma_wait3A_704 = tpu.memref_slice %arg6[%dma_wait3A_702, %dma_wait3A_703] : memref<50x256xf32, #tpu.memory_space<hbm>> -> memref<50x256xf32, #tpu.memory_space<hbm>>
    tpu.wait_indirect_dma semaphore(%arg15 : memref<!tpu.dma_semaphore, #tpu.memory_space<semaphore_mem>>) src(%dma_wait3A_704 : memref<50x256xf32, #tpu.memory_space<hbm>>) dst(%dma_wait3A_698 : memref<32x256xf32, #tpu.memory_space<vmem>>)
    %dma_wait3A_705 = arith.constant 4 : i32
    %dma_wait3A_706 = arith.constant 0 : i32
    %dma_wait3A_707 = arith.constant 0 : i32
    %dma_wait3A_708 = arith.constant 0 : i32
    %dma_wait3A_709 = tpu.memref_slice %arg14[%dma_wait3A_706, %dma_wait3A_707, %dma_wait3A_708] : memref<2x32x256xf32, #tpu.memory_space<vmem>> -> memref<1x32x256xf32, #tpu.memory_space<vmem>>
    %dma_wait3A_710 = tpu.memref_squeeze %dma_wait3A_709 : memref<1x32x256xf32, #tpu.memory_space<vmem>> -> memref<32x256xf32, #tpu.memory_space<vmem>>
    %dma_wait3A_711 = arith.constant 0 : i32
    %dma_wait3A_712 = tpu.memref_slice %arg11[%dma_wait3A_705, %dma_wait3A_711] : memref<16x32xi32, #tpu.memory_space<vmem>> -> memref<1x32xi32, #tpu.memory_space<vmem>>
    %dma_wait3A_713 = tpu.memref_squeeze %dma_wait3A_712 : memref<1x32xi32, #tpu.memory_space<vmem>> -> memref<32xi32, #tpu.memory_space<vmem>>
    %dma_wait3A_714 = arith.constant 0 : i32
    %dma_wait3A_715 = arith.constant 0 : i32
    %dma_wait3A_716 = tpu.memref_slice %arg7[%dma_wait3A_714, %dma_wait3A_715] : memref<50x256xf32, #tpu.memory_space<hbm>> -> memref<50x256xf32, #tpu.memory_space<hbm>>
    tpu.wait_indirect_dma semaphore(%arg15 : memref<!tpu.dma_semaphore, #tpu.memory_space<semaphore_mem>>) src(%dma_wait3A_716 : memref<50x256xf32, #tpu.memory_space<hbm>>) dst(%dma_wait3A_710 : memref<32x256xf32, #tpu.memory_space<vmem>>)
    %add3A_717 = arith.constant 128 : i32
    %add3A_718 = arith.addi %mul3A_2, %add3A_717 : i32
    %dma_start3A_719 = arith.constant 0 : i32
    %dma_start3A_720 = arith.constant 0 : i32
    %dma_start3A_721 = arith.constant 0 : i32
    %dma_start3A_722 = tpu.memref_slice %arg12[%dma_start3A_719, %dma_start3A_720, %dma_start3A_721] : memref<2x32x1024xf32, #tpu.memory_space<vmem>> -> memref<1x32x1024xf32, #tpu.memory_space<vmem>>
    %dma_start3A_723 = tpu.memref_squeeze %dma_start3A_722 : memref<1x32x1024xf32, #tpu.memory_space<vmem>> -> memref<32x1024xf32, #tpu.memory_space<vmem>>
    %dma_start3A_724 = arith.constant 0 : i32
    %dma_start3A_725 = tpu.memref_slice %arg8[%add3A_718, %dma_start3A_724] : memref<16384x1536xf32, #tpu.memory_space<hbm>> -> memref<32x1024xf32, #tpu.memory_space<hbm>>
    %dma_start3A_726 = arith.constant 0 : i32
    %dma_start3A_727 = tpu.memref_slice %arg8[%add3A_718, %dma_start3A_726] : memref<16384x1536xf32, #tpu.memory_space<hbm>> -> memref<32x1024xf32, #tpu.memory_space<hbm>>
    %dma_start3A_728 = arith.constant 0 : i32
    %dma_start3A_729 = arith.constant 0 : i32
    %dma_start3A_730 = tpu.memref_slice %arg12[%dma_start3A_719, %dma_start3A_728, %dma_start3A_729] : memref<2x32x1024xf32, #tpu.memory_space<vmem>> -> memref<1x32x1024xf32, #tpu.memory_space<vmem>>
    %dma_start3A_731 = tpu.memref_squeeze %dma_start3A_730 : memref<1x32x1024xf32, #tpu.memory_space<vmem>> -> memref<32x1024xf32, #tpu.memory_space<vmem>>
    tpu.enqueue_dma source(%dma_start3A_731 : memref<32x1024xf32, #tpu.memory_space<vmem>>) target(%dma_start3A_727 : memref<32x1024xf32, #tpu.memory_space<hbm>>) target_semaphore(%arg17 : memref<!tpu.dma_semaphore, #tpu.memory_space<semaphore_mem>>)
    %dma_start3A_732 = arith.constant 0 : i32
    %dma_start3A_733 = arith.constant 0 : i32
    %dma_start3A_734 = arith.constant 0 : i32
    %dma_start3A_735 = tpu.memref_slice %arg13[%dma_start3A_732, %dma_start3A_733, %dma_start3A_734] : memref<2x32x256xf32, #tpu.memory_space<vmem>> -> memref<1x32x256xf32, #tpu.memory_space<vmem>>
    %dma_start3A_736 = tpu.memref_squeeze %dma_start3A_735 : memref<1x32x256xf32, #tpu.memory_space<vmem>> -> memref<32x256xf32, #tpu.memory_space<vmem>>
    %dma_start3A_737 = arith.constant 1024 : i32
    %dma_start3A_738 = tpu.memref_slice %arg8[%add3A_718, %dma_start3A_737] : memref<16384x1536xf32, #tpu.memory_space<hbm>> -> memref<32x256xf32, #tpu.memory_space<hbm>>
    %dma_start3A_739 = arith.constant 1024 : i32
    %dma_start3A_740 = tpu.memref_slice %arg8[%add3A_718, %dma_start3A_739] : memref<16384x1536xf32, #tpu.memory_space<hbm>> -> memref<32x256xf32, #tpu.memory_space<hbm>>
    %dma_start3A_741 = arith.constant 0 : i32
    %dma_start3A_742 = arith.constant 0 : i32
    %dma_start3A_743 = tpu.memref_slice %arg13[%dma_start3A_732, %dma_start3A_741, %dma_start3A_742] : memref<2x32x256xf32, #tpu.memory_space<vmem>> -> memref<1x32x256xf32, #tpu.memory_space<vmem>>
    %dma_start3A_744 = tpu.memref_squeeze %dma_start3A_743 : memref<1x32x256xf32, #tpu.memory_space<vmem>> -> memref<32x256xf32, #tpu.memory_space<vmem>>
    tpu.enqueue_dma source(%dma_start3A_744 : memref<32x256xf32, #tpu.memory_space<vmem>>) target(%dma_start3A_740 : memref<32x256xf32, #tpu.memory_space<hbm>>) target_semaphore(%arg17 : memref<!tpu.dma_semaphore, #tpu.memory_space<semaphore_mem>>)
    %dma_start3A_745 = arith.constant 0 : i32
    %dma_start3A_746 = arith.constant 0 : i32
    %dma_start3A_747 = arith.constant 0 : i32
    %dma_start3A_748 = tpu.memref_slice %arg14[%dma_start3A_745, %dma_start3A_746, %dma_start3A_747] : memref<2x32x256xf32, #tpu.memory_space<vmem>> -> memref<1x32x256xf32, #tpu.memory_space<vmem>>
    %dma_start3A_749 = tpu.memref_squeeze %dma_start3A_748 : memref<1x32x256xf32, #tpu.memory_space<vmem>> -> memref<32x256xf32, #tpu.memory_space<vmem>>
    %dma_start3A_750 = arith.constant 1280 : i32
    %dma_start3A_751 = tpu.memref_slice %arg8[%add3A_718, %dma_start3A_750] : memref<16384x1536xf32, #tpu.memory_space<hbm>> -> memref<32x256xf32, #tpu.memory_space<hbm>>
    %dma_start3A_752 = arith.constant 1280 : i32
    %dma_start3A_753 = tpu.memref_slice %arg8[%add3A_718, %dma_start3A_752] : memref<16384x1536xf32, #tpu.memory_space<hbm>> -> memref<32x256xf32, #tpu.memory_space<hbm>>
    %dma_start3A_754 = arith.constant 0 : i32
    %dma_start3A_755 = arith.constant 0 : i32
    %dma_start3A_756 = tpu.memref_slice %arg14[%dma_start3A_745, %dma_start3A_754, %dma_start3A_755] : memref<2x32x256xf32, #tpu.memory_space<vmem>> -> memref<1x32x256xf32, #tpu.memory_space<vmem>>
    %dma_start3A_757 = tpu.memref_squeeze %dma_start3A_756 : memref<1x32x256xf32, #tpu.memory_space<vmem>> -> memref<32x256xf32, #tpu.memory_space<vmem>>
    tpu.enqueue_dma source(%dma_start3A_757 : memref<32x256xf32, #tpu.memory_space<vmem>>) target(%dma_start3A_753 : memref<32x256xf32, #tpu.memory_space<hbm>>) target_semaphore(%arg17 : memref<!tpu.dma_semaphore, #tpu.memory_space<semaphore_mem>>)
    %dma_wait3A_758 = arith.constant 0 : i32
    %dma_wait3A_759 = arith.constant 0 : i32
    %dma_wait3A_760 = arith.constant 0 : i32
    %dma_wait3A_761 = tpu.memref_slice %arg12[%dma_wait3A_758, %dma_wait3A_759, %dma_wait3A_760] : memref<2x32x1024xf32, #tpu.memory_space<vmem>> -> memref<1x32x1024xf32, #tpu.memory_space<vmem>>
    %dma_wait3A_762 = tpu.memref_squeeze %dma_wait3A_761 : memref<1x32x1024xf32, #tpu.memory_space<vmem>> -> memref<32x1024xf32, #tpu.memory_space<vmem>>
    %dma_wait3A_763 = arith.constant 0 : i32
    %dma_wait3A_764 = tpu.memref_slice %arg8[%add3A_718, %dma_wait3A_763] : memref<16384x1536xf32, #tpu.memory_space<hbm>> -> memref<32x1024xf32, #tpu.memory_space<hbm>>
    %dma_wait3A_765 = arith.constant 0 : i32
    %dma_wait3A_766 = tpu.memref_slice %arg8[%add3A_718, %dma_wait3A_765] : memref<16384x1536xf32, #tpu.memory_space<hbm>> -> memref<32x1024xf32, #tpu.memory_space<hbm>>
    %dma_wait3A_767 = arith.constant 0 : i32
    %dma_wait3A_768 = arith.constant 0 : i32
    %dma_wait3A_769 = tpu.memref_slice %arg12[%dma_wait3A_758, %dma_wait3A_767, %dma_wait3A_768] : memref<2x32x1024xf32, #tpu.memory_space<vmem>> -> memref<1x32x1024xf32, #tpu.memory_space<vmem>>
    %dma_wait3A_770 = tpu.memref_squeeze %dma_wait3A_769 : memref<1x32x1024xf32, #tpu.memory_space<vmem>> -> memref<32x1024xf32, #tpu.memory_space<vmem>>
    tpu.wait_dma2 semaphore(%arg17 : memref<!tpu.dma_semaphore, #tpu.memory_space<semaphore_mem>>) src(%dma_wait3A_770 : memref<32x1024xf32, #tpu.memory_space<vmem>>) dst(%dma_wait3A_766 : memref<32x1024xf32, #tpu.memory_space<hbm>>)
    %dma_wait3A_771 = arith.constant 0 : i32
    %dma_wait3A_772 = arith.constant 0 : i32
    %dma_wait3A_773 = arith.constant 0 : i32
    %dma_wait3A_774 = tpu.memref_slice %arg13[%dma_wait3A_771, %dma_wait3A_772, %dma_wait3A_773] : memref<2x32x256xf32, #tpu.memory_space<vmem>> -> memref<1x32x256xf32, #tpu.memory_space<vmem>>
    %dma_wait3A_775 = tpu.memref_squeeze %dma_wait3A_774 : memref<1x32x256xf32, #tpu.memory_space<vmem>> -> memref<32x256xf32, #tpu.memory_space<vmem>>
    %dma_wait3A_776 = arith.constant 1024 : i32
    %dma_wait3A_777 = tpu.memref_slice %arg8[%add3A_718, %dma_wait3A_776] : memref<16384x1536xf32, #tpu.memory_space<hbm>> -> memref<32x256xf32, #tpu.memory_space<hbm>>
    %dma_wait3A_778 = arith.constant 1024 : i32
    %dma_wait3A_779 = tpu.memref_slice %arg8[%add3A_718, %dma_wait3A_778] : memref<16384x1536xf32, #tpu.memory_space<hbm>> -> memref<32x256xf32, #tpu.memory_space<hbm>>
    %dma_wait3A_780 = arith.constant 0 : i32
    %dma_wait3A_781 = arith.constant 0 : i32
    %dma_wait3A_782 = tpu.memref_slice %arg13[%dma_wait3A_771, %dma_wait3A_780, %dma_wait3A_781] : memref<2x32x256xf32, #tpu.memory_space<vmem>> -> memref<1x32x256xf32, #tpu.memory_space<vmem>>
    %dma_wait3A_783 = tpu.memref_squeeze %dma_wait3A_782 : memref<1x32x256xf32, #tpu.memory_space<vmem>> -> memref<32x256xf32, #tpu.memory_space<vmem>>
    tpu.wait_dma2 semaphore(%arg17 : memref<!tpu.dma_semaphore, #tpu.memory_space<semaphore_mem>>) src(%dma_wait3A_783 : memref<32x256xf32, #tpu.memory_space<vmem>>) dst(%dma_wait3A_779 : memref<32x256xf32, #tpu.memory_space<hbm>>)
    %dma_wait3A_784 = arith.constant 0 : i32
    %dma_wait3A_785 = arith.constant 0 : i32
    %dma_wait3A_786 = arith.constant 0 : i32
    %dma_wait3A_787 = tpu.memref_slice %arg14[%dma_wait3A_784, %dma_wait3A_785, %dma_wait3A_786] : memref<2x32x256xf32, #tpu.memory_space<vmem>> -> memref<1x32x256xf32, #tpu.memory_space<vmem>>
    %dma_wait3A_788 = tpu.memref_squeeze %dma_wait3A_787 : memref<1x32x256xf32, #tpu.memory_space<vmem>> -> memref<32x256xf32, #tpu.memory_space<vmem>>
    %dma_wait3A_789 = arith.constant 1280 : i32
    %dma_wait3A_790 = tpu.memref_slice %arg8[%add3A_718, %dma_wait3A_789] : memref<16384x1536xf32, #tpu.memory_space<hbm>> -> memref<32x256xf32, #tpu.memory_space<hbm>>
    %dma_wait3A_791 = arith.constant 1280 : i32
    %dma_wait3A_792 = tpu.memref_slice %arg8[%add3A_718, %dma_wait3A_791] : memref<16384x1536xf32, #tpu.memory_space<hbm>> -> memref<32x256xf32, #tpu.memory_space<hbm>>
    %dma_wait3A_793 = arith.constant 0 : i32
    %dma_wait3A_794 = arith.constant 0 : i32
    %dma_wait3A_795 = tpu.memref_slice %arg14[%dma_wait3A_784, %dma_wait3A_793, %dma_wait3A_794] : memref<2x32x256xf32, #tpu.memory_space<vmem>> -> memref<1x32x256xf32, #tpu.memory_space<vmem>>
    %dma_wait3A_796 = tpu.memref_squeeze %dma_wait3A_795 : memref<1x32x256xf32, #tpu.memory_space<vmem>> -> memref<32x256xf32, #tpu.memory_space<vmem>>
    tpu.wait_dma2 semaphore(%arg17 : memref<!tpu.dma_semaphore, #tpu.memory_space<semaphore_mem>>) src(%dma_wait3A_796 : memref<32x256xf32, #tpu.memory_space<vmem>>) dst(%dma_wait3A_792 : memref<32x256xf32, #tpu.memory_space<hbm>>)
    %dma_start3A_797 = arith.constant 6 : i32
    %dma_start3A_798 = arith.constant 0 : i32
    %dma_start3A_799 = arith.constant 0 : i32
    %dma_start3A_800 = arith.constant 0 : i32
    %dma_start3A_801 = tpu.memref_slice %arg12[%dma_start3A_798, %dma_start3A_799, %dma_start3A_800] : memref<2x32x1024xf32, #tpu.memory_space<vmem>> -> memref<1x32x1024xf32, #tpu.memory_space<vmem>>
    %dma_start3A_802 = tpu.memref_squeeze %dma_start3A_801 : memref<1x32x1024xf32, #tpu.memory_space<vmem>> -> memref<32x1024xf32, #tpu.memory_space<vmem>>
    %dma_start3A_803 = arith.constant 0 : i32
    %dma_start3A_804 = tpu.memref_slice %arg9[%dma_start3A_797, %dma_start3A_803] : memref<16x32xi32, #tpu.memory_space<vmem>> -> memref<1x32xi32, #tpu.memory_space<vmem>>
    %dma_start3A_805 = tpu.memref_squeeze %dma_start3A_804 : memref<1x32xi32, #tpu.memory_space<vmem>> -> memref<32xi32, #tpu.memory_space<vmem>>
    %dma_start3A_806 = arith.constant 0 : i32
    %dma_start3A_807 = arith.constant 0 : i32
    %dma_start3A_808 = tpu.memref_slice %arg5[%dma_start3A_806, %dma_start3A_807] : memref<5x1024xf32, #tpu.memory_space<hbm>> -> memref<5x1024xf32, #tpu.memory_space<hbm>>
    tpu.enqueue_indirect_dma source(%dma_start3A_808 : memref<5x1024xf32, #tpu.memory_space<hbm>>) target(%dma_start3A_802 : memref<32x1024xf32, #tpu.memory_space<vmem>>) offsets(%dma_start3A_805 : memref<32xi32, #tpu.memory_space<vmem>>) semaphore(%arg15 : memref<!tpu.dma_semaphore, #tpu.memory_space<semaphore_mem>>)
    %dma_start3A_809 = arith.constant 6 : i32
    %dma_start3A_810 = arith.constant 0 : i32
    %dma_start3A_811 = arith.constant 0 : i32
    %dma_start3A_812 = arith.constant 0 : i32
    %dma_start3A_813 = tpu.memref_slice %arg13[%dma_start3A_810, %dma_start3A_811, %dma_start3A_812] : memref<2x32x256xf32, #tpu.memory_space<vmem>> -> memref<1x32x256xf32, #tpu.memory_space<vmem>>
    %dma_start3A_814 = tpu.memref_squeeze %dma_start3A_813 : memref<1x32x256xf32, #tpu.memory_space<vmem>> -> memref<32x256xf32, #tpu.memory_space<vmem>>
    %dma_start3A_815 = arith.constant 0 : i32
    %dma_start3A_816 = tpu.memref_slice %arg10[%dma_start3A_809, %dma_start3A_815] : memref<16x32xi32, #tpu.memory_space<vmem>> -> memref<1x32xi32, #tpu.memory_space<vmem>>
    %dma_start3A_817 = tpu.memref_squeeze %dma_start3A_816 : memref<1x32xi32, #tpu.memory_space<vmem>> -> memref<32xi32, #tpu.memory_space<vmem>>
    %dma_start3A_818 = arith.constant 0 : i32
    %dma_start3A_819 = arith.constant 0 : i32
    %dma_start3A_820 = tpu.memref_slice %arg6[%dma_start3A_818, %dma_start3A_819] : memref<50x256xf32, #tpu.memory_space<hbm>> -> memref<50x256xf32, #tpu.memory_space<hbm>>
    tpu.enqueue_indirect_dma source(%dma_start3A_820 : memref<50x256xf32, #tpu.memory_space<hbm>>) target(%dma_start3A_814 : memref<32x256xf32, #tpu.memory_space<vmem>>) offsets(%dma_start3A_817 : memref<32xi32, #tpu.memory_space<vmem>>) semaphore(%arg15 : memref<!tpu.dma_semaphore, #tpu.memory_space<semaphore_mem>>)
    %dma_start3A_821 = arith.constant 6 : i32
    %dma_start3A_822 = arith.constant 0 : i32
    %dma_start3A_823 = arith.constant 0 : i32
    %dma_start3A_824 = arith.constant 0 : i32
    %dma_start3A_825 = tpu.memref_slice %arg14[%dma_start3A_822, %dma_start3A_823, %dma_start3A_824] : memref<2x32x256xf32, #tpu.memory_space<vmem>> -> memref<1x32x256xf32, #tpu.memory_space<vmem>>
    %dma_start3A_826 = tpu.memref_squeeze %dma_start3A_825 : memref<1x32x256xf32, #tpu.memory_space<vmem>> -> memref<32x256xf32, #tpu.memory_space<vmem>>
    %dma_start3A_827 = arith.constant 0 : i32
    %dma_start3A_828 = tpu.memref_slice %arg11[%dma_start3A_821, %dma_start3A_827] : memref<16x32xi32, #tpu.memory_space<vmem>> -> memref<1x32xi32, #tpu.memory_space<vmem>>
    %dma_start3A_829 = tpu.memref_squeeze %dma_start3A_828 : memref<1x32xi32, #tpu.memory_space<vmem>> -> memref<32xi32, #tpu.memory_space<vmem>>
    %dma_start3A_830 = arith.constant 0 : i32
    %dma_start3A_831 = arith.constant 0 : i32
    %dma_start3A_832 = tpu.memref_slice %arg7[%dma_start3A_830, %dma_start3A_831] : memref<50x256xf32, #tpu.memory_space<hbm>> -> memref<50x256xf32, #tpu.memory_space<hbm>>
    tpu.enqueue_indirect_dma source(%dma_start3A_832 : memref<50x256xf32, #tpu.memory_space<hbm>>) target(%dma_start3A_826 : memref<32x256xf32, #tpu.memory_space<vmem>>) offsets(%dma_start3A_829 : memref<32xi32, #tpu.memory_space<vmem>>) semaphore(%arg15 : memref<!tpu.dma_semaphore, #tpu.memory_space<semaphore_mem>>)
    %dma_wait3A_833 = arith.constant 5 : i32
    %dma_wait3A_834 = arith.constant 1 : i32
    %dma_wait3A_835 = arith.constant 0 : i32
    %dma_wait3A_836 = arith.constant 0 : i32
    %dma_wait3A_837 = tpu.memref_slice %arg12[%dma_wait3A_834, %dma_wait3A_835, %dma_wait3A_836] : memref<2x32x1024xf32, #tpu.memory_space<vmem>> -> memref<1x32x1024xf32, #tpu.memory_space<vmem>>
    %dma_wait3A_838 = tpu.memref_squeeze %dma_wait3A_837 : memref<1x32x1024xf32, #tpu.memory_space<vmem>> -> memref<32x1024xf32, #tpu.memory_space<vmem>>
    %dma_wait3A_839 = arith.constant 0 : i32
    %dma_wait3A_840 = tpu.memref_slice %arg9[%dma_wait3A_833, %dma_wait3A_839] : memref<16x32xi32, #tpu.memory_space<vmem>> -> memref<1x32xi32, #tpu.memory_space<vmem>>
    %dma_wait3A_841 = tpu.memref_squeeze %dma_wait3A_840 : memref<1x32xi32, #tpu.memory_space<vmem>> -> memref<32xi32, #tpu.memory_space<vmem>>
    %dma_wait3A_842 = arith.constant 0 : i32
    %dma_wait3A_843 = arith.constant 0 : i32
    %dma_wait3A_844 = tpu.memref_slice %arg5[%dma_wait3A_842, %dma_wait3A_843] : memref<5x1024xf32, #tpu.memory_space<hbm>> -> memref<5x1024xf32, #tpu.memory_space<hbm>>
    tpu.wait_indirect_dma semaphore(%arg16 : memref<!tpu.dma_semaphore, #tpu.memory_space<semaphore_mem>>) src(%dma_wait3A_844 : memref<5x1024xf32, #tpu.memory_space<hbm>>) dst(%dma_wait3A_838 : memref<32x1024xf32, #tpu.memory_space<vmem>>)
    %dma_wait3A_845 = arith.constant 5 : i32
    %dma_wait3A_846 = arith.constant 1 : i32
    %dma_wait3A_847 = arith.constant 0 : i32
    %dma_wait3A_848 = arith.constant 0 : i32
    %dma_wait3A_849 = tpu.memref_slice %arg13[%dma_wait3A_846, %dma_wait3A_847, %dma_wait3A_848] : memref<2x32x256xf32, #tpu.memory_space<vmem>> -> memref<1x32x256xf32, #tpu.memory_space<vmem>>
    %dma_wait3A_850 = tpu.memref_squeeze %dma_wait3A_849 : memref<1x32x256xf32, #tpu.memory_space<vmem>> -> memref<32x256xf32, #tpu.memory_space<vmem>>
    %dma_wait3A_851 = arith.constant 0 : i32
    %dma_wait3A_852 = tpu.memref_slice %arg10[%dma_wait3A_845, %dma_wait3A_851] : memref<16x32xi32, #tpu.memory_space<vmem>> -> memref<1x32xi32, #tpu.memory_space<vmem>>
    %dma_wait3A_853 = tpu.memref_squeeze %dma_wait3A_852 : memref<1x32xi32, #tpu.memory_space<vmem>> -> memref<32xi32, #tpu.memory_space<vmem>>
    %dma_wait3A_854 = arith.constant 0 : i32
    %dma_wait3A_855 = arith.constant 0 : i32
    %dma_wait3A_856 = tpu.memref_slice %arg6[%dma_wait3A_854, %dma_wait3A_855] : memref<50x256xf32, #tpu.memory_space<hbm>> -> memref<50x256xf32, #tpu.memory_space<hbm>>
    tpu.wait_indirect_dma semaphore(%arg16 : memref<!tpu.dma_semaphore, #tpu.memory_space<semaphore_mem>>) src(%dma_wait3A_856 : memref<50x256xf32, #tpu.memory_space<hbm>>) dst(%dma_wait3A_850 : memref<32x256xf32, #tpu.memory_space<vmem>>)
    %dma_wait3A_857 = arith.constant 5 : i32
    %dma_wait3A_858 = arith.constant 1 : i32
    %dma_wait3A_859 = arith.constant 0 : i32
    %dma_wait3A_860 = arith.constant 0 : i32
    %dma_wait3A_861 = tpu.memref_slice %arg14[%dma_wait3A_858, %dma_wait3A_859, %dma_wait3A_860] : memref<2x32x256xf32, #tpu.memory_space<vmem>> -> memref<1x32x256xf32, #tpu.memory_space<vmem>>
    %dma_wait3A_862 = tpu.memref_squeeze %dma_wait3A_861 : memref<1x32x256xf32, #tpu.memory_space<vmem>> -> memref<32x256xf32, #tpu.memory_space<vmem>>
    %dma_wait3A_863 = arith.constant 0 : i32
    %dma_wait3A_864 = tpu.memref_slice %arg11[%dma_wait3A_857, %dma_wait3A_863] : memref<16x32xi32, #tpu.memory_space<vmem>> -> memref<1x32xi32, #tpu.memory_space<vmem>>
    %dma_wait3A_865 = tpu.memref_squeeze %dma_wait3A_864 : memref<1x32xi32, #tpu.memory_space<vmem>> -> memref<32xi32, #tpu.memory_space<vmem>>
    %dma_wait3A_866 = arith.constant 0 : i32
    %dma_wait3A_867 = arith.constant 0 : i32
    %dma_wait3A_868 = tpu.memref_slice %arg7[%dma_wait3A_866, %dma_wait3A_867] : memref<50x256xf32, #tpu.memory_space<hbm>> -> memref<50x256xf32, #tpu.memory_space<hbm>>
    tpu.wait_indirect_dma semaphore(%arg16 : memref<!tpu.dma_semaphore, #tpu.memory_space<semaphore_mem>>) src(%dma_wait3A_868 : memref<50x256xf32, #tpu.memory_space<hbm>>) dst(%dma_wait3A_862 : memref<32x256xf32, #tpu.memory_space<vmem>>)
    %add3A_869 = arith.constant 160 : i32
    %add3A_870 = arith.addi %mul3A_2, %add3A_869 : i32
    %dma_start3A_871 = arith.constant 1 : i32
    %dma_start3A_872 = arith.constant 0 : i32
    %dma_start3A_873 = arith.constant 0 : i32
    %dma_start3A_874 = tpu.memref_slice %arg12[%dma_start3A_871, %dma_start3A_872, %dma_start3A_873] : memref<2x32x1024xf32, #tpu.memory_space<vmem>> -> memref<1x32x1024xf32, #tpu.memory_space<vmem>>
    %dma_start3A_875 = tpu.memref_squeeze %dma_start3A_874 : memref<1x32x1024xf32, #tpu.memory_space<vmem>> -> memref<32x1024xf32, #tpu.memory_space<vmem>>
    %dma_start3A_876 = arith.constant 0 : i32
    %dma_start3A_877 = tpu.memref_slice %arg8[%add3A_870, %dma_start3A_876] : memref<16384x1536xf32, #tpu.memory_space<hbm>> -> memref<32x1024xf32, #tpu.memory_space<hbm>>
    %dma_start3A_878 = arith.constant 0 : i32
    %dma_start3A_879 = tpu.memref_slice %arg8[%add3A_870, %dma_start3A_878] : memref<16384x1536xf32, #tpu.memory_space<hbm>> -> memref<32x1024xf32, #tpu.memory_space<hbm>>
    %dma_start3A_880 = arith.constant 0 : i32
    %dma_start3A_881 = arith.constant 0 : i32
    %dma_start3A_882 = tpu.memref_slice %arg12[%dma_start3A_871, %dma_start3A_880, %dma_start3A_881] : memref<2x32x1024xf32, #tpu.memory_space<vmem>> -> memref<1x32x1024xf32, #tpu.memory_space<vmem>>
    %dma_start3A_883 = tpu.memref_squeeze %dma_start3A_882 : memref<1x32x1024xf32, #tpu.memory_space<vmem>> -> memref<32x1024xf32, #tpu.memory_space<vmem>>
    tpu.enqueue_dma source(%dma_start3A_883 : memref<32x1024xf32, #tpu.memory_space<vmem>>) target(%dma_start3A_879 : memref<32x1024xf32, #tpu.memory_space<hbm>>) target_semaphore(%arg18 : memref<!tpu.dma_semaphore, #tpu.memory_space<semaphore_mem>>)
    %dma_start3A_884 = arith.constant 1 : i32
    %dma_start3A_885 = arith.constant 0 : i32
    %dma_start3A_886 = arith.constant 0 : i32
    %dma_start3A_887 = tpu.memref_slice %arg13[%dma_start3A_884, %dma_start3A_885, %dma_start3A_886] : memref<2x32x256xf32, #tpu.memory_space<vmem>> -> memref<1x32x256xf32, #tpu.memory_space<vmem>>
    %dma_start3A_888 = tpu.memref_squeeze %dma_start3A_887 : memref<1x32x256xf32, #tpu.memory_space<vmem>> -> memref<32x256xf32, #tpu.memory_space<vmem>>
    %dma_start3A_889 = arith.constant 1024 : i32
    %dma_start3A_890 = tpu.memref_slice %arg8[%add3A_870, %dma_start3A_889] : memref<16384x1536xf32, #tpu.memory_space<hbm>> -> memref<32x256xf32, #tpu.memory_space<hbm>>
    %dma_start3A_891 = arith.constant 1024 : i32
    %dma_start3A_892 = tpu.memref_slice %arg8[%add3A_870, %dma_start3A_891] : memref<16384x1536xf32, #tpu.memory_space<hbm>> -> memref<32x256xf32, #tpu.memory_space<hbm>>
    %dma_start3A_893 = arith.constant 0 : i32
    %dma_start3A_894 = arith.constant 0 : i32
    %dma_start3A_895 = tpu.memref_slice %arg13[%dma_start3A_884, %dma_start3A_893, %dma_start3A_894] : memref<2x32x256xf32, #tpu.memory_space<vmem>> -> memref<1x32x256xf32, #tpu.memory_space<vmem>>
    %dma_start3A_896 = tpu.memref_squeeze %dma_start3A_895 : memref<1x32x256xf32, #tpu.memory_space<vmem>> -> memref<32x256xf32, #tpu.memory_space<vmem>>
    tpu.enqueue_dma source(%dma_start3A_896 : memref<32x256xf32, #tpu.memory_space<vmem>>) target(%dma_start3A_892 : memref<32x256xf32, #tpu.memory_space<hbm>>) target_semaphore(%arg18 : memref<!tpu.dma_semaphore, #tpu.memory_space<semaphore_mem>>)
    %dma_start3A_897 = arith.constant 1 : i32
    %dma_start3A_898 = arith.constant 0 : i32
    %dma_start3A_899 = arith.constant 0 : i32
    %dma_start3A_900 = tpu.memref_slice %arg14[%dma_start3A_897, %dma_start3A_898, %dma_start3A_899] : memref<2x32x256xf32, #tpu.memory_space<vmem>> -> memref<1x32x256xf32, #tpu.memory_space<vmem>>
    %dma_start3A_901 = tpu.memref_squeeze %dma_start3A_900 : memref<1x32x256xf32, #tpu.memory_space<vmem>> -> memref<32x256xf32, #tpu.memory_space<vmem>>
    %dma_start3A_902 = arith.constant 1280 : i32
    %dma_start3A_903 = tpu.memref_slice %arg8[%add3A_870, %dma_start3A_902] : memref<16384x1536xf32, #tpu.memory_space<hbm>> -> memref<32x256xf32, #tpu.memory_space<hbm>>
    %dma_start3A_904 = arith.constant 1280 : i32
    %dma_start3A_905 = tpu.memref_slice %arg8[%add3A_870, %dma_start3A_904] : memref<16384x1536xf32, #tpu.memory_space<hbm>> -> memref<32x256xf32, #tpu.memory_space<hbm>>
    %dma_start3A_906 = arith.constant 0 : i32
    %dma_start3A_907 = arith.constant 0 : i32
    %dma_start3A_908 = tpu.memref_slice %arg14[%dma_start3A_897, %dma_start3A_906, %dma_start3A_907] : memref<2x32x256xf32, #tpu.memory_space<vmem>> -> memref<1x32x256xf32, #tpu.memory_space<vmem>>
    %dma_start3A_909 = tpu.memref_squeeze %dma_start3A_908 : memref<1x32x256xf32, #tpu.memory_space<vmem>> -> memref<32x256xf32, #tpu.memory_space<vmem>>
    tpu.enqueue_dma source(%dma_start3A_909 : memref<32x256xf32, #tpu.memory_space<vmem>>) target(%dma_start3A_905 : memref<32x256xf32, #tpu.memory_space<hbm>>) target_semaphore(%arg18 : memref<!tpu.dma_semaphore, #tpu.memory_space<semaphore_mem>>)
    %dma_wait3A_910 = arith.constant 1 : i32
    %dma_wait3A_911 = arith.constant 0 : i32
    %dma_wait3A_912 = arith.constant 0 : i32
    %dma_wait3A_913 = tpu.memref_slice %arg12[%dma_wait3A_910, %dma_wait3A_911, %dma_wait3A_912] : memref<2x32x1024xf32, #tpu.memory_space<vmem>> -> memref<1x32x1024xf32, #tpu.memory_space<vmem>>
    %dma_wait3A_914 = tpu.memref_squeeze %dma_wait3A_913 : memref<1x32x1024xf32, #tpu.memory_space<vmem>> -> memref<32x1024xf32, #tpu.memory_space<vmem>>
    %dma_wait3A_915 = arith.constant 0 : i32
    %dma_wait3A_916 = tpu.memref_slice %arg8[%add3A_870, %dma_wait3A_915] : memref<16384x1536xf32, #tpu.memory_space<hbm>> -> memref<32x1024xf32, #tpu.memory_space<hbm>>
    %dma_wait3A_917 = arith.constant 0 : i32
    %dma_wait3A_918 = tpu.memref_slice %arg8[%add3A_870, %dma_wait3A_917] : memref<16384x1536xf32, #tpu.memory_space<hbm>> -> memref<32x1024xf32, #tpu.memory_space<hbm>>
    %dma_wait3A_919 = arith.constant 0 : i32
    %dma_wait3A_920 = arith.constant 0 : i32
    %dma_wait3A_921 = tpu.memref_slice %arg12[%dma_wait3A_910, %dma_wait3A_919, %dma_wait3A_920] : memref<2x32x1024xf32, #tpu.memory_space<vmem>> -> memref<1x32x1024xf32, #tpu.memory_space<vmem>>
    %dma_wait3A_922 = tpu.memref_squeeze %dma_wait3A_921 : memref<1x32x1024xf32, #tpu.memory_space<vmem>> -> memref<32x1024xf32, #tpu.memory_space<vmem>>
    tpu.wait_dma2 semaphore(%arg18 : memref<!tpu.dma_semaphore, #tpu.memory_space<semaphore_mem>>) src(%dma_wait3A_922 : memref<32x1024xf32, #tpu.memory_space<vmem>>) dst(%dma_wait3A_918 : memref<32x1024xf32, #tpu.memory_space<hbm>>)
    %dma_wait3A_923 = arith.constant 1 : i32
    %dma_wait3A_924 = arith.constant 0 : i32
    %dma_wait3A_925 = arith.constant 0 : i32
    %dma_wait3A_926 = tpu.memref_slice %arg13[%dma_wait3A_923, %dma_wait3A_924, %dma_wait3A_925] : memref<2x32x256xf32, #tpu.memory_space<vmem>> -> memref<1x32x256xf32, #tpu.memory_space<vmem>>
    %dma_wait3A_927 = tpu.memref_squeeze %dma_wait3A_926 : memref<1x32x256xf32, #tpu.memory_space<vmem>> -> memref<32x256xf32, #tpu.memory_space<vmem>>
    %dma_wait3A_928 = arith.constant 1024 : i32
    %dma_wait3A_929 = tpu.memref_slice %arg8[%add3A_870, %dma_wait3A_928] : memref<16384x1536xf32, #tpu.memory_space<hbm>> -> memref<32x256xf32, #tpu.memory_space<hbm>>
    %dma_wait3A_930 = arith.constant 1024 : i32
    %dma_wait3A_931 = tpu.memref_slice %arg8[%add3A_870, %dma_wait3A_930] : memref<16384x1536xf32, #tpu.memory_space<hbm>> -> memref<32x256xf32, #tpu.memory_space<hbm>>
    %dma_wait3A_932 = arith.constant 0 : i32
    %dma_wait3A_933 = arith.constant 0 : i32
    %dma_wait3A_934 = tpu.memref_slice %arg13[%dma_wait3A_923, %dma_wait3A_932, %dma_wait3A_933] : memref<2x32x256xf32, #tpu.memory_space<vmem>> -> memref<1x32x256xf32, #tpu.memory_space<vmem>>
    %dma_wait3A_935 = tpu.memref_squeeze %dma_wait3A_934 : memref<1x32x256xf32, #tpu.memory_space<vmem>> -> memref<32x256xf32, #tpu.memory_space<vmem>>
    tpu.wait_dma2 semaphore(%arg18 : memref<!tpu.dma_semaphore, #tpu.memory_space<semaphore_mem>>) src(%dma_wait3A_935 : memref<32x256xf32, #tpu.memory_space<vmem>>) dst(%dma_wait3A_931 : memref<32x256xf32, #tpu.memory_space<hbm>>)
    %dma_wait3A_936 = arith.constant 1 : i32
    %dma_wait3A_937 = arith.constant 0 : i32
    %dma_wait3A_938 = arith.constant 0 : i32
    %dma_wait3A_939 = tpu.memref_slice %arg14[%dma_wait3A_936, %dma_wait3A_937, %dma_wait3A_938] : memref<2x32x256xf32, #tpu.memory_space<vmem>> -> memref<1x32x256xf32, #tpu.memory_space<vmem>>
    %dma_wait3A_940 = tpu.memref_squeeze %dma_wait3A_939 : memref<1x32x256xf32, #tpu.memory_space<vmem>> -> memref<32x256xf32, #tpu.memory_space<vmem>>
    %dma_wait3A_941 = arith.constant 1280 : i32
    %dma_wait3A_942 = tpu.memref_slice %arg8[%add3A_870, %dma_wait3A_941] : memref<16384x1536xf32, #tpu.memory_space<hbm>> -> memref<32x256xf32, #tpu.memory_space<hbm>>
    %dma_wait3A_943 = arith.constant 1280 : i32
    %dma_wait3A_944 = tpu.memref_slice %arg8[%add3A_870, %dma_wait3A_943] : memref<16384x1536xf32, #tpu.memory_space<hbm>> -> memref<32x256xf32, #tpu.memory_space<hbm>>
    %dma_wait3A_945 = arith.constant 0 : i32
    %dma_wait3A_946 = arith.constant 0 : i32
    %dma_wait3A_947 = tpu.memref_slice %arg14[%dma_wait3A_936, %dma_wait3A_945, %dma_wait3A_946] : memref<2x32x256xf32, #tpu.memory_space<vmem>> -> memref<1x32x256xf32, #tpu.memory_space<vmem>>
    %dma_wait3A_948 = tpu.memref_squeeze %dma_wait3A_947 : memref<1x32x256xf32, #tpu.memory_space<vmem>> -> memref<32x256xf32, #tpu.memory_space<vmem>>
    tpu.wait_dma2 semaphore(%arg18 : memref<!tpu.dma_semaphore, #tpu.memory_space<semaphore_mem>>) src(%dma_wait3A_948 : memref<32x256xf32, #tpu.memory_space<vmem>>) dst(%dma_wait3A_944 : memref<32x256xf32, #tpu.memory_space<hbm>>)
    %dma_start3A_949 = arith.constant 7 : i32
    %dma_start3A_950 = arith.constant 1 : i32
    %dma_start3A_951 = arith.constant 0 : i32
    %dma_start3A_952 = arith.constant 0 : i32
    %dma_start3A_953 = tpu.memref_slice %arg12[%dma_start3A_950, %dma_start3A_951, %dma_start3A_952] : memref<2x32x1024xf32, #tpu.memory_space<vmem>> -> memref<1x32x1024xf32, #tpu.memory_space<vmem>>
    %dma_start3A_954 = tpu.memref_squeeze %dma_start3A_953 : memref<1x32x1024xf32, #tpu.memory_space<vmem>> -> memref<32x1024xf32, #tpu.memory_space<vmem>>
    %dma_start3A_955 = arith.constant 0 : i32
    %dma_start3A_956 = tpu.memref_slice %arg9[%dma_start3A_949, %dma_start3A_955] : memref<16x32xi32, #tpu.memory_space<vmem>> -> memref<1x32xi32, #tpu.memory_space<vmem>>
    %dma_start3A_957 = tpu.memref_squeeze %dma_start3A_956 : memref<1x32xi32, #tpu.memory_space<vmem>> -> memref<32xi32, #tpu.memory_space<vmem>>
    %dma_start3A_958 = arith.constant 0 : i32
    %dma_start3A_959 = arith.constant 0 : i32
    %dma_start3A_960 = tpu.memref_slice %arg5[%dma_start3A_958, %dma_start3A_959] : memref<5x1024xf32, #tpu.memory_space<hbm>> -> memref<5x1024xf32, #tpu.memory_space<hbm>>
    tpu.enqueue_indirect_dma source(%dma_start3A_960 : memref<5x1024xf32, #tpu.memory_space<hbm>>) target(%dma_start3A_954 : memref<32x1024xf32, #tpu.memory_space<vmem>>) offsets(%dma_start3A_957 : memref<32xi32, #tpu.memory_space<vmem>>) semaphore(%arg16 : memref<!tpu.dma_semaphore, #tpu.memory_space<semaphore_mem>>)
    %dma_start3A_961 = arith.constant 7 : i32
    %dma_start3A_962 = arith.constant 1 : i32
    %dma_start3A_963 = arith.constant 0 : i32
    %dma_start3A_964 = arith.constant 0 : i32
    %dma_start3A_965 = tpu.memref_slice %arg13[%dma_start3A_962, %dma_start3A_963, %dma_start3A_964] : memref<2x32x256xf32, #tpu.memory_space<vmem>> -> memref<1x32x256xf32, #tpu.memory_space<vmem>>
    %dma_start3A_966 = tpu.memref_squeeze %dma_start3A_965 : memref<1x32x256xf32, #tpu.memory_space<vmem>> -> memref<32x256xf32, #tpu.memory_space<vmem>>
    %dma_start3A_967 = arith.constant 0 : i32
    %dma_start3A_968 = tpu.memref_slice %arg10[%dma_start3A_961, %dma_start3A_967] : memref<16x32xi32, #tpu.memory_space<vmem>> -> memref<1x32xi32, #tpu.memory_space<vmem>>
    %dma_start3A_969 = tpu.memref_squeeze %dma_start3A_968 : memref<1x32xi32, #tpu.memory_space<vmem>> -> memref<32xi32, #tpu.memory_space<vmem>>
    %dma_start3A_970 = arith.constant 0 : i32
    %dma_start3A_971 = arith.constant 0 : i32
    %dma_start3A_972 = tpu.memref_slice %arg6[%dma_start3A_970, %dma_start3A_971] : memref<50x256xf32, #tpu.memory_space<hbm>> -> memref<50x256xf32, #tpu.memory_space<hbm>>
    tpu.enqueue_indirect_dma source(%dma_start3A_972 : memref<50x256xf32, #tpu.memory_space<hbm>>) target(%dma_start3A_966 : memref<32x256xf32, #tpu.memory_space<vmem>>) offsets(%dma_start3A_969 : memref<32xi32, #tpu.memory_space<vmem>>) semaphore(%arg16 : memref<!tpu.dma_semaphore, #tpu.memory_space<semaphore_mem>>)
    %dma_start3A_973 = arith.constant 7 : i32
    %dma_start3A_974 = arith.constant 1 : i32
    %dma_start3A_975 = arith.constant 0 : i32
    %dma_start3A_976 = arith.constant 0 : i32
    %dma_start3A_977 = tpu.memref_slice %arg14[%dma_start3A_974, %dma_start3A_975, %dma_start3A_976] : memref<2x32x256xf32, #tpu.memory_space<vmem>> -> memref<1x32x256xf32, #tpu.memory_space<vmem>>
    %dma_start3A_978 = tpu.memref_squeeze %dma_start3A_977 : memref<1x32x256xf32, #tpu.memory_space<vmem>> -> memref<32x256xf32, #tpu.memory_space<vmem>>
    %dma_start3A_979 = arith.constant 0 : i32
    %dma_start3A_980 = tpu.memref_slice %arg11[%dma_start3A_973, %dma_start3A_979] : memref<16x32xi32, #tpu.memory_space<vmem>> -> memref<1x32xi32, #tpu.memory_space<vmem>>
    %dma_start3A_981 = tpu.memref_squeeze %dma_start3A_980 : memref<1x32xi32, #tpu.memory_space<vmem>> -> memref<32xi32, #tpu.memory_space<vmem>>
    %dma_start3A_982 = arith.constant 0 : i32
    %dma_start3A_983 = arith.constant 0 : i32
    %dma_start3A_984 = tpu.memref_slice %arg7[%dma_start3A_982, %dma_start3A_983] : memref<50x256xf32, #tpu.memory_space<hbm>> -> memref<50x256xf32, #tpu.memory_space<hbm>>
    tpu.enqueue_indirect_dma source(%dma_start3A_984 : memref<50x256xf32, #tpu.memory_space<hbm>>) target(%dma_start3A_978 : memref<32x256xf32, #tpu.memory_space<vmem>>) offsets(%dma_start3A_981 : memref<32xi32, #tpu.memory_space<vmem>>) semaphore(%arg16 : memref<!tpu.dma_semaphore, #tpu.memory_space<semaphore_mem>>)
    %dma_wait3A_985 = arith.constant 6 : i32
    %dma_wait3A_986 = arith.constant 0 : i32
    %dma_wait3A_987 = arith.constant 0 : i32
    %dma_wait3A_988 = arith.constant 0 : i32
    %dma_wait3A_989 = tpu.memref_slice %arg12[%dma_wait3A_986, %dma_wait3A_987, %dma_wait3A_988] : memref<2x32x1024xf32, #tpu.memory_space<vmem>> -> memref<1x32x1024xf32, #tpu.memory_space<vmem>>
    %dma_wait3A_990 = tpu.memref_squeeze %dma_wait3A_989 : memref<1x32x1024xf32, #tpu.memory_space<vmem>> -> memref<32x1024xf32, #tpu.memory_space<vmem>>
    %dma_wait3A_991 = arith.constant 0 : i32
    %dma_wait3A_992 = tpu.memref_slice %arg9[%dma_wait3A_985, %dma_wait3A_991] : memref<16x32xi32, #tpu.memory_space<vmem>> -> memref<1x32xi32, #tpu.memory_space<vmem>>
    %dma_wait3A_993 = tpu.memref_squeeze %dma_wait3A_992 : memref<1x32xi32, #tpu.memory_space<vmem>> -> memref<32xi32, #tpu.memory_space<vmem>>
    %dma_wait3A_994 = arith.constant 0 : i32
    %dma_wait3A_995 = arith.constant 0 : i32
    %dma_wait3A_996 = tpu.memref_slice %arg5[%dma_wait3A_994, %dma_wait3A_995] : memref<5x1024xf32, #tpu.memory_space<hbm>> -> memref<5x1024xf32, #tpu.memory_space<hbm>>
    tpu.wait_indirect_dma semaphore(%arg15 : memref<!tpu.dma_semaphore, #tpu.memory_space<semaphore_mem>>) src(%dma_wait3A_996 : memref<5x1024xf32, #tpu.memory_space<hbm>>) dst(%dma_wait3A_990 : memref<32x1024xf32, #tpu.memory_space<vmem>>)
    %dma_wait3A_997 = arith.constant 6 : i32
    %dma_wait3A_998 = arith.constant 0 : i32
    %dma_wait3A_999 = arith.constant 0 : i32
    %dma_wait3A_1000 = arith.constant 0 : i32
    %dma_wait3A_1001 = tpu.memref_slice %arg13[%dma_wait3A_998, %dma_wait3A_999, %dma_wait3A_1000] : memref<2x32x256xf32, #tpu.memory_space<vmem>> -> memref<1x32x256xf32, #tpu.memory_space<vmem>>
    %dma_wait3A_1002 = tpu.memref_squeeze %dma_wait3A_1001 : memref<1x32x256xf32, #tpu.memory_space<vmem>> -> memref<32x256xf32, #tpu.memory_space<vmem>>
    %dma_wait3A_1003 = arith.constant 0 : i32
    %dma_wait3A_1004 = tpu.memref_slice %arg10[%dma_wait3A_997, %dma_wait3A_1003] : memref<16x32xi32, #tpu.memory_space<vmem>> -> memref<1x32xi32, #tpu.memory_space<vmem>>
    %dma_wait3A_1005 = tpu.memref_squeeze %dma_wait3A_1004 : memref<1x32xi32, #tpu.memory_space<vmem>> -> memref<32xi32, #tpu.memory_space<vmem>>
    %dma_wait3A_1006 = arith.constant 0 : i32
    %dma_wait3A_1007 = arith.constant 0 : i32
    %dma_wait3A_1008 = tpu.memref_slice %arg6[%dma_wait3A_1006, %dma_wait3A_1007] : memref<50x256xf32, #tpu.memory_space<hbm>> -> memref<50x256xf32, #tpu.memory_space<hbm>>
    tpu.wait_indirect_dma semaphore(%arg15 : memref<!tpu.dma_semaphore, #tpu.memory_space<semaphore_mem>>) src(%dma_wait3A_1008 : memref<50x256xf32, #tpu.memory_space<hbm>>) dst(%dma_wait3A_1002 : memref<32x256xf32, #tpu.memory_space<vmem>>)
    %dma_wait3A_1009 = arith.constant 6 : i32
    %dma_wait3A_1010 = arith.constant 0 : i32
    %dma_wait3A_1011 = arith.constant 0 : i32
    %dma_wait3A_1012 = arith.constant 0 : i32
    %dma_wait3A_1013 = tpu.memref_slice %arg14[%dma_wait3A_1010, %dma_wait3A_1011, %dma_wait3A_1012] : memref<2x32x256xf32, #tpu.memory_space<vmem>> -> memref<1x32x256xf32, #tpu.memory_space<vmem>>
    %dma_wait3A_1014 = tpu.memref_squeeze %dma_wait3A_1013 : memref<1x32x256xf32, #tpu.memory_space<vmem>> -> memref<32x256xf32, #tpu.memory_space<vmem>>
    %dma_wait3A_1015 = arith.constant 0 : i32
    %dma_wait3A_1016 = tpu.memref_slice %arg11[%dma_wait3A_1009, %dma_wait3A_1015] : memref<16x32xi32, #tpu.memory_space<vmem>> -> memref<1x32xi32, #tpu.memory_space<vmem>>
    %dma_wait3A_1017 = tpu.memref_squeeze %dma_wait3A_1016 : memref<1x32xi32, #tpu.memory_space<vmem>> -> memref<32xi32, #tpu.memory_space<vmem>>
    %dma_wait3A_1018 = arith.constant 0 : i32
    %dma_wait3A_1019 = arith.constant 0 : i32
    %dma_wait3A_1020 = tpu.memref_slice %arg7[%dma_wait3A_1018, %dma_wait3A_1019] : memref<50x256xf32, #tpu.memory_space<hbm>> -> memref<50x256xf32, #tpu.memory_space<hbm>>
    tpu.wait_indirect_dma semaphore(%arg15 : memref<!tpu.dma_semaphore, #tpu.memory_space<semaphore_mem>>) src(%dma_wait3A_1020 : memref<50x256xf32, #tpu.memory_space<hbm>>) dst(%dma_wait3A_1014 : memref<32x256xf32, #tpu.memory_space<vmem>>)
    %add3A_1021 = arith.constant 192 : i32
    %add3A_1022 = arith.addi %mul3A_2, %add3A_1021 : i32
    %dma_start3A_1023 = arith.constant 0 : i32
    %dma_start3A_1024 = arith.constant 0 : i32
    %dma_start3A_1025 = arith.constant 0 : i32
    %dma_start3A_1026 = tpu.memref_slice %arg12[%dma_start3A_1023, %dma_start3A_1024, %dma_start3A_1025] : memref<2x32x1024xf32, #tpu.memory_space<vmem>> -> memref<1x32x1024xf32, #tpu.memory_space<vmem>>
    %dma_start3A_1027 = tpu.memref_squeeze %dma_start3A_1026 : memref<1x32x1024xf32, #tpu.memory_space<vmem>> -> memref<32x1024xf32, #tpu.memory_space<vmem>>
    %dma_start3A_1028 = arith.constant 0 : i32
    %dma_start3A_1029 = tpu.memref_slice %arg8[%add3A_1022, %dma_start3A_1028] : memref<16384x1536xf32, #tpu.memory_space<hbm>> -> memref<32x1024xf32, #tpu.memory_space<hbm>>
    %dma_start3A_1030 = arith.constant 0 : i32
    %dma_start3A_1031 = tpu.memref_slice %arg8[%add3A_1022, %dma_start3A_1030] : memref<16384x1536xf32, #tpu.memory_space<hbm>> -> memref<32x1024xf32, #tpu.memory_space<hbm>>
    %dma_start3A_1032 = arith.constant 0 : i32
    %dma_start3A_1033 = arith.constant 0 : i32
    %dma_start3A_1034 = tpu.memref_slice %arg12[%dma_start3A_1023, %dma_start3A_1032, %dma_start3A_1033] : memref<2x32x1024xf32, #tpu.memory_space<vmem>> -> memref<1x32x1024xf32, #tpu.memory_space<vmem>>
    %dma_start3A_1035 = tpu.memref_squeeze %dma_start3A_1034 : memref<1x32x1024xf32, #tpu.memory_space<vmem>> -> memref<32x1024xf32, #tpu.memory_space<vmem>>
    tpu.enqueue_dma source(%dma_start3A_1035 : memref<32x1024xf32, #tpu.memory_space<vmem>>) target(%dma_start3A_1031 : memref<32x1024xf32, #tpu.memory_space<hbm>>) target_semaphore(%arg17 : memref<!tpu.dma_semaphore, #tpu.memory_space<semaphore_mem>>)
    %dma_start3A_1036 = arith.constant 0 : i32
    %dma_start3A_1037 = arith.constant 0 : i32
    %dma_start3A_1038 = arith.constant 0 : i32
    %dma_start3A_1039 = tpu.memref_slice %arg13[%dma_start3A_1036, %dma_start3A_1037, %dma_start3A_1038] : memref<2x32x256xf32, #tpu.memory_space<vmem>> -> memref<1x32x256xf32, #tpu.memory_space<vmem>>
    %dma_start3A_1040 = tpu.memref_squeeze %dma_start3A_1039 : memref<1x32x256xf32, #tpu.memory_space<vmem>> -> memref<32x256xf32, #tpu.memory_space<vmem>>
    %dma_start3A_1041 = arith.constant 1024 : i32
    %dma_start3A_1042 = tpu.memref_slice %arg8[%add3A_1022, %dma_start3A_1041] : memref<16384x1536xf32, #tpu.memory_space<hbm>> -> memref<32x256xf32, #tpu.memory_space<hbm>>
    %dma_start3A_1043 = arith.constant 1024 : i32
    %dma_start3A_1044 = tpu.memref_slice %arg8[%add3A_1022, %dma_start3A_1043] : memref<16384x1536xf32, #tpu.memory_space<hbm>> -> memref<32x256xf32, #tpu.memory_space<hbm>>
    %dma_start3A_1045 = arith.constant 0 : i32
    %dma_start3A_1046 = arith.constant 0 : i32
    %dma_start3A_1047 = tpu.memref_slice %arg13[%dma_start3A_1036, %dma_start3A_1045, %dma_start3A_1046] : memref<2x32x256xf32, #tpu.memory_space<vmem>> -> memref<1x32x256xf32, #tpu.memory_space<vmem>>
    %dma_start3A_1048 = tpu.memref_squeeze %dma_start3A_1047 : memref<1x32x256xf32, #tpu.memory_space<vmem>> -> memref<32x256xf32, #tpu.memory_space<vmem>>
    tpu.enqueue_dma source(%dma_start3A_1048 : memref<32x256xf32, #tpu.memory_space<vmem>>) target(%dma_start3A_1044 : memref<32x256xf32, #tpu.memory_space<hbm>>) target_semaphore(%arg17 : memref<!tpu.dma_semaphore, #tpu.memory_space<semaphore_mem>>)
    %dma_start3A_1049 = arith.constant 0 : i32
    %dma_start3A_1050 = arith.constant 0 : i32
    %dma_start3A_1051 = arith.constant 0 : i32
    %dma_start3A_1052 = tpu.memref_slice %arg14[%dma_start3A_1049, %dma_start3A_1050, %dma_start3A_1051] : memref<2x32x256xf32, #tpu.memory_space<vmem>> -> memref<1x32x256xf32, #tpu.memory_space<vmem>>
    %dma_start3A_1053 = tpu.memref_squeeze %dma_start3A_1052 : memref<1x32x256xf32, #tpu.memory_space<vmem>> -> memref<32x256xf32, #tpu.memory_space<vmem>>
    %dma_start3A_1054 = arith.constant 1280 : i32
    %dma_start3A_1055 = tpu.memref_slice %arg8[%add3A_1022, %dma_start3A_1054] : memref<16384x1536xf32, #tpu.memory_space<hbm>> -> memref<32x256xf32, #tpu.memory_space<hbm>>
    %dma_start3A_1056 = arith.constant 1280 : i32
    %dma_start3A_1057 = tpu.memref_slice %arg8[%add3A_1022, %dma_start3A_1056] : memref<16384x1536xf32, #tpu.memory_space<hbm>> -> memref<32x256xf32, #tpu.memory_space<hbm>>
    %dma_start3A_1058 = arith.constant 0 : i32
    %dma_start3A_1059 = arith.constant 0 : i32
    %dma_start3A_1060 = tpu.memref_slice %arg14[%dma_start3A_1049, %dma_start3A_1058, %dma_start3A_1059] : memref<2x32x256xf32, #tpu.memory_space<vmem>> -> memref<1x32x256xf32, #tpu.memory_space<vmem>>
    %dma_start3A_1061 = tpu.memref_squeeze %dma_start3A_1060 : memref<1x32x256xf32, #tpu.memory_space<vmem>> -> memref<32x256xf32, #tpu.memory_space<vmem>>
    tpu.enqueue_dma source(%dma_start3A_1061 : memref<32x256xf32, #tpu.memory_space<vmem>>) target(%dma_start3A_1057 : memref<32x256xf32, #tpu.memory_space<hbm>>) target_semaphore(%arg17 : memref<!tpu.dma_semaphore, #tpu.memory_space<semaphore_mem>>)
    %dma_wait3A_1062 = arith.constant 0 : i32
    %dma_wait3A_1063 = arith.constant 0 : i32
    %dma_wait3A_1064 = arith.constant 0 : i32
    %dma_wait3A_1065 = tpu.memref_slice %arg12[%dma_wait3A_1062, %dma_wait3A_1063, %dma_wait3A_1064] : memref<2x32x1024xf32, #tpu.memory_space<vmem>> -> memref<1x32x1024xf32, #tpu.memory_space<vmem>>
    %dma_wait3A_1066 = tpu.memref_squeeze %dma_wait3A_1065 : memref<1x32x1024xf32, #tpu.memory_space<vmem>> -> memref<32x1024xf32, #tpu.memory_space<vmem>>
    %dma_wait3A_1067 = arith.constant 0 : i32
    %dma_wait3A_1068 = tpu.memref_slice %arg8[%add3A_1022, %dma_wait3A_1067] : memref<16384x1536xf32, #tpu.memory_space<hbm>> -> memref<32x1024xf32, #tpu.memory_space<hbm>>
    %dma_wait3A_1069 = arith.constant 0 : i32
    %dma_wait3A_1070 = tpu.memref_slice %arg8[%add3A_1022, %dma_wait3A_1069] : memref<16384x1536xf32, #tpu.memory_space<hbm>> -> memref<32x1024xf32, #tpu.memory_space<hbm>>
    %dma_wait3A_1071 = arith.constant 0 : i32
    %dma_wait3A_1072 = arith.constant 0 : i32
    %dma_wait3A_1073 = tpu.memref_slice %arg12[%dma_wait3A_1062, %dma_wait3A_1071, %dma_wait3A_1072] : memref<2x32x1024xf32, #tpu.memory_space<vmem>> -> memref<1x32x1024xf32, #tpu.memory_space<vmem>>
    %dma_wait3A_1074 = tpu.memref_squeeze %dma_wait3A_1073 : memref<1x32x1024xf32, #tpu.memory_space<vmem>> -> memref<32x1024xf32, #tpu.memory_space<vmem>>
    tpu.wait_dma2 semaphore(%arg17 : memref<!tpu.dma_semaphore, #tpu.memory_space<semaphore_mem>>) src(%dma_wait3A_1074 : memref<32x1024xf32, #tpu.memory_space<vmem>>) dst(%dma_wait3A_1070 : memref<32x1024xf32, #tpu.memory_space<hbm>>)
    %dma_wait3A_1075 = arith.constant 0 : i32
    %dma_wait3A_1076 = arith.constant 0 : i32
    %dma_wait3A_1077 = arith.constant 0 : i32
    %dma_wait3A_1078 = tpu.memref_slice %arg13[%dma_wait3A_1075, %dma_wait3A_1076, %dma_wait3A_1077] : memref<2x32x256xf32, #tpu.memory_space<vmem>> -> memref<1x32x256xf32, #tpu.memory_space<vmem>>
    %dma_wait3A_1079 = tpu.memref_squeeze %dma_wait3A_1078 : memref<1x32x256xf32, #tpu.memory_space<vmem>> -> memref<32x256xf32, #tpu.memory_space<vmem>>
    %dma_wait3A_1080 = arith.constant 1024 : i32
    %dma_wait3A_1081 = tpu.memref_slice %arg8[%add3A_1022, %dma_wait3A_1080] : memref<16384x1536xf32, #tpu.memory_space<hbm>> -> memref<32x256xf32, #tpu.memory_space<hbm>>
    %dma_wait3A_1082 = arith.constant 1024 : i32
    %dma_wait3A_1083 = tpu.memref_slice %arg8[%add3A_1022, %dma_wait3A_1082] : memref<16384x1536xf32, #tpu.memory_space<hbm>> -> memref<32x256xf32, #tpu.memory_space<hbm>>
    %dma_wait3A_1084 = arith.constant 0 : i32
    %dma_wait3A_1085 = arith.constant 0 : i32
    %dma_wait3A_1086 = tpu.memref_slice %arg13[%dma_wait3A_1075, %dma_wait3A_1084, %dma_wait3A_1085] : memref<2x32x256xf32, #tpu.memory_space<vmem>> -> memref<1x32x256xf32, #tpu.memory_space<vmem>>
    %dma_wait3A_1087 = tpu.memref_squeeze %dma_wait3A_1086 : memref<1x32x256xf32, #tpu.memory_space<vmem>> -> memref<32x256xf32, #tpu.memory_space<vmem>>
    tpu.wait_dma2 semaphore(%arg17 : memref<!tpu.dma_semaphore, #tpu.memory_space<semaphore_mem>>) src(%dma_wait3A_1087 : memref<32x256xf32, #tpu.memory_space<vmem>>) dst(%dma_wait3A_1083 : memref<32x256xf32, #tpu.memory_space<hbm>>)
    %dma_wait3A_1088 = arith.constant 0 : i32
    %dma_wait3A_1089 = arith.constant 0 : i32
    %dma_wait3A_1090 = arith.constant 0 : i32
    %dma_wait3A_1091 = tpu.memref_slice %arg14[%dma_wait3A_1088, %dma_wait3A_1089, %dma_wait3A_1090] : memref<2x32x256xf32, #tpu.memory_space<vmem>> -> memref<1x32x256xf32, #tpu.memory_space<vmem>>
    %dma_wait3A_1092 = tpu.memref_squeeze %dma_wait3A_1091 : memref<1x32x256xf32, #tpu.memory_space<vmem>> -> memref<32x256xf32, #tpu.memory_space<vmem>>
    %dma_wait3A_1093 = arith.constant 1280 : i32
    %dma_wait3A_1094 = tpu.memref_slice %arg8[%add3A_1022, %dma_wait3A_1093] : memref<16384x1536xf32, #tpu.memory_space<hbm>> -> memref<32x256xf32, #tpu.memory_space<hbm>>
    %dma_wait3A_1095 = arith.constant 1280 : i32
    %dma_wait3A_1096 = tpu.memref_slice %arg8[%add3A_1022, %dma_wait3A_1095] : memref<16384x1536xf32, #tpu.memory_space<hbm>> -> memref<32x256xf32, #tpu.memory_space<hbm>>
    %dma_wait3A_1097 = arith.constant 0 : i32
    %dma_wait3A_1098 = arith.constant 0 : i32
    %dma_wait3A_1099 = tpu.memref_slice %arg14[%dma_wait3A_1088, %dma_wait3A_1097, %dma_wait3A_1098] : memref<2x32x256xf32, #tpu.memory_space<vmem>> -> memref<1x32x256xf32, #tpu.memory_space<vmem>>
    %dma_wait3A_1100 = tpu.memref_squeeze %dma_wait3A_1099 : memref<1x32x256xf32, #tpu.memory_space<vmem>> -> memref<32x256xf32, #tpu.memory_space<vmem>>
    tpu.wait_dma2 semaphore(%arg17 : memref<!tpu.dma_semaphore, #tpu.memory_space<semaphore_mem>>) src(%dma_wait3A_1100 : memref<32x256xf32, #tpu.memory_space<vmem>>) dst(%dma_wait3A_1096 : memref<32x256xf32, #tpu.memory_space<hbm>>)
    %dma_start3A_1101 = arith.constant 8 : i32
    %dma_start3A_1102 = arith.constant 0 : i32
    %dma_start3A_1103 = arith.constant 0 : i32
    %dma_start3A_1104 = arith.constant 0 : i32
    %dma_start3A_1105 = tpu.memref_slice %arg12[%dma_start3A_1102, %dma_start3A_1103, %dma_start3A_1104] : memref<2x32x1024xf32, #tpu.memory_space<vmem>> -> memref<1x32x1024xf32, #tpu.memory_space<vmem>>
    %dma_start3A_1106 = tpu.memref_squeeze %dma_start3A_1105 : memref<1x32x1024xf32, #tpu.memory_space<vmem>> -> memref<32x1024xf32, #tpu.memory_space<vmem>>
    %dma_start3A_1107 = arith.constant 0 : i32
    %dma_start3A_1108 = tpu.memref_slice %arg9[%dma_start3A_1101, %dma_start3A_1107] : memref<16x32xi32, #tpu.memory_space<vmem>> -> memref<1x32xi32, #tpu.memory_space<vmem>>
    %dma_start3A_1109 = tpu.memref_squeeze %dma_start3A_1108 : memref<1x32xi32, #tpu.memory_space<vmem>> -> memref<32xi32, #tpu.memory_space<vmem>>
    %dma_start3A_1110 = arith.constant 0 : i32
    %dma_start3A_1111 = arith.constant 0 : i32
    %dma_start3A_1112 = tpu.memref_slice %arg5[%dma_start3A_1110, %dma_start3A_1111] : memref<5x1024xf32, #tpu.memory_space<hbm>> -> memref<5x1024xf32, #tpu.memory_space<hbm>>
    tpu.enqueue_indirect_dma source(%dma_start3A_1112 : memref<5x1024xf32, #tpu.memory_space<hbm>>) target(%dma_start3A_1106 : memref<32x1024xf32, #tpu.memory_space<vmem>>) offsets(%dma_start3A_1109 : memref<32xi32, #tpu.memory_space<vmem>>) semaphore(%arg15 : memref<!tpu.dma_semaphore, #tpu.memory_space<semaphore_mem>>)
    %dma_start3A_1113 = arith.constant 8 : i32
    %dma_start3A_1114 = arith.constant 0 : i32
    %dma_start3A_1115 = arith.constant 0 : i32
    %dma_start3A_1116 = arith.constant 0 : i32
    %dma_start3A_1117 = tpu.memref_slice %arg13[%dma_start3A_1114, %dma_start3A_1115, %dma_start3A_1116] : memref<2x32x256xf32, #tpu.memory_space<vmem>> -> memref<1x32x256xf32, #tpu.memory_space<vmem>>
    %dma_start3A_1118 = tpu.memref_squeeze %dma_start3A_1117 : memref<1x32x256xf32, #tpu.memory_space<vmem>> -> memref<32x256xf32, #tpu.memory_space<vmem>>
    %dma_start3A_1119 = arith.constant 0 : i32
    %dma_start3A_1120 = tpu.memref_slice %arg10[%dma_start3A_1113, %dma_start3A_1119] : memref<16x32xi32, #tpu.memory_space<vmem>> -> memref<1x32xi32, #tpu.memory_space<vmem>>
    %dma_start3A_1121 = tpu.memref_squeeze %dma_start3A_1120 : memref<1x32xi32, #tpu.memory_space<vmem>> -> memref<32xi32, #tpu.memory_space<vmem>>
    %dma_start3A_1122 = arith.constant 0 : i32
    %dma_start3A_1123 = arith.constant 0 : i32
    %dma_start3A_1124 = tpu.memref_slice %arg6[%dma_start3A_1122, %dma_start3A_1123] : memref<50x256xf32, #tpu.memory_space<hbm>> -> memref<50x256xf32, #tpu.memory_space<hbm>>
    tpu.enqueue_indirect_dma source(%dma_start3A_1124 : memref<50x256xf32, #tpu.memory_space<hbm>>) target(%dma_start3A_1118 : memref<32x256xf32, #tpu.memory_space<vmem>>) offsets(%dma_start3A_1121 : memref<32xi32, #tpu.memory_space<vmem>>) semaphore(%arg15 : memref<!tpu.dma_semaphore, #tpu.memory_space<semaphore_mem>>)
    %dma_start3A_1125 = arith.constant 8 : i32
    %dma_start3A_1126 = arith.constant 0 : i32
    %dma_start3A_1127 = arith.constant 0 : i32
    %dma_start3A_1128 = arith.constant 0 : i32
    %dma_start3A_1129 = tpu.memref_slice %arg14[%dma_start3A_1126, %dma_start3A_1127, %dma_start3A_1128] : memref<2x32x256xf32, #tpu.memory_space<vmem>> -> memref<1x32x256xf32, #tpu.memory_space<vmem>>
    %dma_start3A_1130 = tpu.memref_squeeze %dma_start3A_1129 : memref<1x32x256xf32, #tpu.memory_space<vmem>> -> memref<32x256xf32, #tpu.memory_space<vmem>>
    %dma_start3A_1131 = arith.constant 0 : i32
    %dma_start3A_1132 = tpu.memref_slice %arg11[%dma_start3A_1125, %dma_start3A_1131] : memref<16x32xi32, #tpu.memory_space<vmem>> -> memref<1x32xi32, #tpu.memory_space<vmem>>
    %dma_start3A_1133 = tpu.memref_squeeze %dma_start3A_1132 : memref<1x32xi32, #tpu.memory_space<vmem>> -> memref<32xi32, #tpu.memory_space<vmem>>
    %dma_start3A_1134 = arith.constant 0 : i32
    %dma_start3A_1135 = arith.constant 0 : i32
    %dma_start3A_1136 = tpu.memref_slice %arg7[%dma_start3A_1134, %dma_start3A_1135] : memref<50x256xf32, #tpu.memory_space<hbm>> -> memref<50x256xf32, #tpu.memory_space<hbm>>
    tpu.enqueue_indirect_dma source(%dma_start3A_1136 : memref<50x256xf32, #tpu.memory_space<hbm>>) target(%dma_start3A_1130 : memref<32x256xf32, #tpu.memory_space<vmem>>) offsets(%dma_start3A_1133 : memref<32xi32, #tpu.memory_space<vmem>>) semaphore(%arg15 : memref<!tpu.dma_semaphore, #tpu.memory_space<semaphore_mem>>)
    %dma_wait3A_1137 = arith.constant 7 : i32
    %dma_wait3A_1138 = arith.constant 1 : i32
    %dma_wait3A_1139 = arith.constant 0 : i32
    %dma_wait3A_1140 = arith.constant 0 : i32
    %dma_wait3A_1141 = tpu.memref_slice %arg12[%dma_wait3A_1138, %dma_wait3A_1139, %dma_wait3A_1140] : memref<2x32x1024xf32, #tpu.memory_space<vmem>> -> memref<1x32x1024xf32, #tpu.memory_space<vmem>>
    %dma_wait3A_1142 = tpu.memref_squeeze %dma_wait3A_1141 : memref<1x32x1024xf32, #tpu.memory_space<vmem>> -> memref<32x1024xf32, #tpu.memory_space<vmem>>
    %dma_wait3A_1143 = arith.constant 0 : i32
    %dma_wait3A_1144 = tpu.memref_slice %arg9[%dma_wait3A_1137, %dma_wait3A_1143] : memref<16x32xi32, #tpu.memory_space<vmem>> -> memref<1x32xi32, #tpu.memory_space<vmem>>
    %dma_wait3A_1145 = tpu.memref_squeeze %dma_wait3A_1144 : memref<1x32xi32, #tpu.memory_space<vmem>> -> memref<32xi32, #tpu.memory_space<vmem>>
    %dma_wait3A_1146 = arith.constant 0 : i32
    %dma_wait3A_1147 = arith.constant 0 : i32
    %dma_wait3A_1148 = tpu.memref_slice %arg5[%dma_wait3A_1146, %dma_wait3A_1147] : memref<5x1024xf32, #tpu.memory_space<hbm>> -> memref<5x1024xf32, #tpu.memory_space<hbm>>
    tpu.wait_indirect_dma semaphore(%arg16 : memref<!tpu.dma_semaphore, #tpu.memory_space<semaphore_mem>>) src(%dma_wait3A_1148 : memref<5x1024xf32, #tpu.memory_space<hbm>>) dst(%dma_wait3A_1142 : memref<32x1024xf32, #tpu.memory_space<vmem>>)
    %dma_wait3A_1149 = arith.constant 7 : i32
    %dma_wait3A_1150 = arith.constant 1 : i32
    %dma_wait3A_1151 = arith.constant 0 : i32
    %dma_wait3A_1152 = arith.constant 0 : i32
    %dma_wait3A_1153 = tpu.memref_slice %arg13[%dma_wait3A_1150, %dma_wait3A_1151, %dma_wait3A_1152] : memref<2x32x256xf32, #tpu.memory_space<vmem>> -> memref<1x32x256xf32, #tpu.memory_space<vmem>>
    %dma_wait3A_1154 = tpu.memref_squeeze %dma_wait3A_1153 : memref<1x32x256xf32, #tpu.memory_space<vmem>> -> memref<32x256xf32, #tpu.memory_space<vmem>>
    %dma_wait3A_1155 = arith.constant 0 : i32
    %dma_wait3A_1156 = tpu.memref_slice %arg10[%dma_wait3A_1149, %dma_wait3A_1155] : memref<16x32xi32, #tpu.memory_space<vmem>> -> memref<1x32xi32, #tpu.memory_space<vmem>>
    %dma_wait3A_1157 = tpu.memref_squeeze %dma_wait3A_1156 : memref<1x32xi32, #tpu.memory_space<vmem>> -> memref<32xi32, #tpu.memory_space<vmem>>
    %dma_wait3A_1158 = arith.constant 0 : i32
    %dma_wait3A_1159 = arith.constant 0 : i32
    %dma_wait3A_1160 = tpu.memref_slice %arg6[%dma_wait3A_1158, %dma_wait3A_1159] : memref<50x256xf32, #tpu.memory_space<hbm>> -> memref<50x256xf32, #tpu.memory_space<hbm>>
    tpu.wait_indirect_dma semaphore(%arg16 : memref<!tpu.dma_semaphore, #tpu.memory_space<semaphore_mem>>) src(%dma_wait3A_1160 : memref<50x256xf32, #tpu.memory_space<hbm>>) dst(%dma_wait3A_1154 : memref<32x256xf32, #tpu.memory_space<vmem>>)
    %dma_wait3A_1161 = arith.constant 7 : i32
    %dma_wait3A_1162 = arith.constant 1 : i32
    %dma_wait3A_1163 = arith.constant 0 : i32
    %dma_wait3A_1164 = arith.constant 0 : i32
    %dma_wait3A_1165 = tpu.memref_slice %arg14[%dma_wait3A_1162, %dma_wait3A_1163, %dma_wait3A_1164] : memref<2x32x256xf32, #tpu.memory_space<vmem>> -> memref<1x32x256xf32, #tpu.memory_space<vmem>>
    %dma_wait3A_1166 = tpu.memref_squeeze %dma_wait3A_1165 : memref<1x32x256xf32, #tpu.memory_space<vmem>> -> memref<32x256xf32, #tpu.memory_space<vmem>>
    %dma_wait3A_1167 = arith.constant 0 : i32
    %dma_wait3A_1168 = tpu.memref_slice %arg11[%dma_wait3A_1161, %dma_wait3A_1167] : memref<16x32xi32, #tpu.memory_space<vmem>> -> memref<1x32xi32, #tpu.memory_space<vmem>>
    %dma_wait3A_1169 = tpu.memref_squeeze %dma_wait3A_1168 : memref<1x32xi32, #tpu.memory_space<vmem>> -> memref<32xi32, #tpu.memory_space<vmem>>
    %dma_wait3A_1170 = arith.constant 0 : i32
    %dma_wait3A_1171 = arith.constant 0 : i32
    %dma_wait3A_1172 = tpu.memref_slice %arg7[%dma_wait3A_1170, %dma_wait3A_1171] : memref<50x256xf32, #tpu.memory_space<hbm>> -> memref<50x256xf32, #tpu.memory_space<hbm>>
    tpu.wait_indirect_dma semaphore(%arg16 : memref<!tpu.dma_semaphore, #tpu.memory_space<semaphore_mem>>) src(%dma_wait3A_1172 : memref<50x256xf32, #tpu.memory_space<hbm>>) dst(%dma_wait3A_1166 : memref<32x256xf32, #tpu.memory_space<vmem>>)
    %add3A_1173 = arith.constant 224 : i32
    %add3A_1174 = arith.addi %mul3A_2, %add3A_1173 : i32
    %dma_start3A_1175 = arith.constant 1 : i32
    %dma_start3A_1176 = arith.constant 0 : i32
    %dma_start3A_1177 = arith.constant 0 : i32
    %dma_start3A_1178 = tpu.memref_slice %arg12[%dma_start3A_1175, %dma_start3A_1176, %dma_start3A_1177] : memref<2x32x1024xf32, #tpu.memory_space<vmem>> -> memref<1x32x1024xf32, #tpu.memory_space<vmem>>
    %dma_start3A_1179 = tpu.memref_squeeze %dma_start3A_1178 : memref<1x32x1024xf32, #tpu.memory_space<vmem>> -> memref<32x1024xf32, #tpu.memory_space<vmem>>
    %dma_start3A_1180 = arith.constant 0 : i32
    %dma_start3A_1181 = tpu.memref_slice %arg8[%add3A_1174, %dma_start3A_1180] : memref<16384x1536xf32, #tpu.memory_space<hbm>> -> memref<32x1024xf32, #tpu.memory_space<hbm>>
    %dma_start3A_1182 = arith.constant 0 : i32
    %dma_start3A_1183 = tpu.memref_slice %arg8[%add3A_1174, %dma_start3A_1182] : memref<16384x1536xf32, #tpu.memory_space<hbm>> -> memref<32x1024xf32, #tpu.memory_space<hbm>>
    %dma_start3A_1184 = arith.constant 0 : i32
    %dma_start3A_1185 = arith.constant 0 : i32
    %dma_start3A_1186 = tpu.memref_slice %arg12[%dma_start3A_1175, %dma_start3A_1184, %dma_start3A_1185] : memref<2x32x1024xf32, #tpu.memory_space<vmem>> -> memref<1x32x1024xf32, #tpu.memory_space<vmem>>
    %dma_start3A_1187 = tpu.memref_squeeze %dma_start3A_1186 : memref<1x32x1024xf32, #tpu.memory_space<vmem>> -> memref<32x1024xf32, #tpu.memory_space<vmem>>
    tpu.enqueue_dma source(%dma_start3A_1187 : memref<32x1024xf32, #tpu.memory_space<vmem>>) target(%dma_start3A_1183 : memref<32x1024xf32, #tpu.memory_space<hbm>>) target_semaphore(%arg18 : memref<!tpu.dma_semaphore, #tpu.memory_space<semaphore_mem>>)
    %dma_start3A_1188 = arith.constant 1 : i32
    %dma_start3A_1189 = arith.constant 0 : i32
    %dma_start3A_1190 = arith.constant 0 : i32
    %dma_start3A_1191 = tpu.memref_slice %arg13[%dma_start3A_1188, %dma_start3A_1189, %dma_start3A_1190] : memref<2x32x256xf32, #tpu.memory_space<vmem>> -> memref<1x32x256xf32, #tpu.memory_space<vmem>>
    %dma_start3A_1192 = tpu.memref_squeeze %dma_start3A_1191 : memref<1x32x256xf32, #tpu.memory_space<vmem>> -> memref<32x256xf32, #tpu.memory_space<vmem>>
    %dma_start3A_1193 = arith.constant 1024 : i32
    %dma_start3A_1194 = tpu.memref_slice %arg8[%add3A_1174, %dma_start3A_1193] : memref<16384x1536xf32, #tpu.memory_space<hbm>> -> memref<32x256xf32, #tpu.memory_space<hbm>>
    %dma_start3A_1195 = arith.constant 1024 : i32
    %dma_start3A_1196 = tpu.memref_slice %arg8[%add3A_1174, %dma_start3A_1195] : memref<16384x1536xf32, #tpu.memory_space<hbm>> -> memref<32x256xf32, #tpu.memory_space<hbm>>
    %dma_start3A_1197 = arith.constant 0 : i32
    %dma_start3A_1198 = arith.constant 0 : i32
    %dma_start3A_1199 = tpu.memref_slice %arg13[%dma_start3A_1188, %dma_start3A_1197, %dma_start3A_1198] : memref<2x32x256xf32, #tpu.memory_space<vmem>> -> memref<1x32x256xf32, #tpu.memory_space<vmem>>
    %dma_start3A_1200 = tpu.memref_squeeze %dma_start3A_1199 : memref<1x32x256xf32, #tpu.memory_space<vmem>> -> memref<32x256xf32, #tpu.memory_space<vmem>>
    tpu.enqueue_dma source(%dma_start3A_1200 : memref<32x256xf32, #tpu.memory_space<vmem>>) target(%dma_start3A_1196 : memref<32x256xf32, #tpu.memory_space<hbm>>) target_semaphore(%arg18 : memref<!tpu.dma_semaphore, #tpu.memory_space<semaphore_mem>>)
    %dma_start3A_1201 = arith.constant 1 : i32
    %dma_start3A_1202 = arith.constant 0 : i32
    %dma_start3A_1203 = arith.constant 0 : i32
    %dma_start3A_1204 = tpu.memref_slice %arg14[%dma_start3A_1201, %dma_start3A_1202, %dma_start3A_1203] : memref<2x32x256xf32, #tpu.memory_space<vmem>> -> memref<1x32x256xf32, #tpu.memory_space<vmem>>
    %dma_start3A_1205 = tpu.memref_squeeze %dma_start3A_1204 : memref<1x32x256xf32, #tpu.memory_space<vmem>> -> memref<32x256xf32, #tpu.memory_space<vmem>>
    %dma_start3A_1206 = arith.constant 1280 : i32
    %dma_start3A_1207 = tpu.memref_slice %arg8[%add3A_1174, %dma_start3A_1206] : memref<16384x1536xf32, #tpu.memory_space<hbm>> -> memref<32x256xf32, #tpu.memory_space<hbm>>
    %dma_start3A_1208 = arith.constant 1280 : i32
    %dma_start3A_1209 = tpu.memref_slice %arg8[%add3A_1174, %dma_start3A_1208] : memref<16384x1536xf32, #tpu.memory_space<hbm>> -> memref<32x256xf32, #tpu.memory_space<hbm>>
    %dma_start3A_1210 = arith.constant 0 : i32
    %dma_start3A_1211 = arith.constant 0 : i32
    %dma_start3A_1212 = tpu.memref_slice %arg14[%dma_start3A_1201, %dma_start3A_1210, %dma_start3A_1211] : memref<2x32x256xf32, #tpu.memory_space<vmem>> -> memref<1x32x256xf32, #tpu.memory_space<vmem>>
    %dma_start3A_1213 = tpu.memref_squeeze %dma_start3A_1212 : memref<1x32x256xf32, #tpu.memory_space<vmem>> -> memref<32x256xf32, #tpu.memory_space<vmem>>
    tpu.enqueue_dma source(%dma_start3A_1213 : memref<32x256xf32, #tpu.memory_space<vmem>>) target(%dma_start3A_1209 : memref<32x256xf32, #tpu.memory_space<hbm>>) target_semaphore(%arg18 : memref<!tpu.dma_semaphore, #tpu.memory_space<semaphore_mem>>)
    %dma_wait3A_1214 = arith.constant 1 : i32
    %dma_wait3A_1215 = arith.constant 0 : i32
    %dma_wait3A_1216 = arith.constant 0 : i32
    %dma_wait3A_1217 = tpu.memref_slice %arg12[%dma_wait3A_1214, %dma_wait3A_1215, %dma_wait3A_1216] : memref<2x32x1024xf32, #tpu.memory_space<vmem>> -> memref<1x32x1024xf32, #tpu.memory_space<vmem>>
    %dma_wait3A_1218 = tpu.memref_squeeze %dma_wait3A_1217 : memref<1x32x1024xf32, #tpu.memory_space<vmem>> -> memref<32x1024xf32, #tpu.memory_space<vmem>>
    %dma_wait3A_1219 = arith.constant 0 : i32
    %dma_wait3A_1220 = tpu.memref_slice %arg8[%add3A_1174, %dma_wait3A_1219] : memref<16384x1536xf32, #tpu.memory_space<hbm>> -> memref<32x1024xf32, #tpu.memory_space<hbm>>
    %dma_wait3A_1221 = arith.constant 0 : i32
    %dma_wait3A_1222 = tpu.memref_slice %arg8[%add3A_1174, %dma_wait3A_1221] : memref<16384x1536xf32, #tpu.memory_space<hbm>> -> memref<32x1024xf32, #tpu.memory_space<hbm>>
    %dma_wait3A_1223 = arith.constant 0 : i32
    %dma_wait3A_1224 = arith.constant 0 : i32
    %dma_wait3A_1225 = tpu.memref_slice %arg12[%dma_wait3A_1214, %dma_wait3A_1223, %dma_wait3A_1224] : memref<2x32x1024xf32, #tpu.memory_space<vmem>> -> memref<1x32x1024xf32, #tpu.memory_space<vmem>>
    %dma_wait3A_1226 = tpu.memref_squeeze %dma_wait3A_1225 : memref<1x32x1024xf32, #tpu.memory_space<vmem>> -> memref<32x1024xf32, #tpu.memory_space<vmem>>
    tpu.wait_dma2 semaphore(%arg18 : memref<!tpu.dma_semaphore, #tpu.memory_space<semaphore_mem>>) src(%dma_wait3A_1226 : memref<32x1024xf32, #tpu.memory_space<vmem>>) dst(%dma_wait3A_1222 : memref<32x1024xf32, #tpu.memory_space<hbm>>)
    %dma_wait3A_1227 = arith.constant 1 : i32
    %dma_wait3A_1228 = arith.constant 0 : i32
    %dma_wait3A_1229 = arith.constant 0 : i32
    %dma_wait3A_1230 = tpu.memref_slice %arg13[%dma_wait3A_1227, %dma_wait3A_1228, %dma_wait3A_1229] : memref<2x32x256xf32, #tpu.memory_space<vmem>> -> memref<1x32x256xf32, #tpu.memory_space<vmem>>
    %dma_wait3A_1231 = tpu.memref_squeeze %dma_wait3A_1230 : memref<1x32x256xf32, #tpu.memory_space<vmem>> -> memref<32x256xf32, #tpu.memory_space<vmem>>
    %dma_wait3A_1232 = arith.constant 1024 : i32
    %dma_wait3A_1233 = tpu.memref_slice %arg8[%add3A_1174, %dma_wait3A_1232] : memref<16384x1536xf32, #tpu.memory_space<hbm>> -> memref<32x256xf32, #tpu.memory_space<hbm>>
    %dma_wait3A_1234 = arith.constant 1024 : i32
    %dma_wait3A_1235 = tpu.memref_slice %arg8[%add3A_1174, %dma_wait3A_1234] : memref<16384x1536xf32, #tpu.memory_space<hbm>> -> memref<32x256xf32, #tpu.memory_space<hbm>>
    %dma_wait3A_1236 = arith.constant 0 : i32
    %dma_wait3A_1237 = arith.constant 0 : i32
    %dma_wait3A_1238 = tpu.memref_slice %arg13[%dma_wait3A_1227, %dma_wait3A_1236, %dma_wait3A_1237] : memref<2x32x256xf32, #tpu.memory_space<vmem>> -> memref<1x32x256xf32, #tpu.memory_space<vmem>>
    %dma_wait3A_1239 = tpu.memref_squeeze %dma_wait3A_1238 : memref<1x32x256xf32, #tpu.memory_space<vmem>> -> memref<32x256xf32, #tpu.memory_space<vmem>>
    tpu.wait_dma2 semaphore(%arg18 : memref<!tpu.dma_semaphore, #tpu.memory_space<semaphore_mem>>) src(%dma_wait3A_1239 : memref<32x256xf32, #tpu.memory_space<vmem>>) dst(%dma_wait3A_1235 : memref<32x256xf32, #tpu.memory_space<hbm>>)
    %dma_wait3A_1240 = arith.constant 1 : i32
    %dma_wait3A_1241 = arith.constant 0 : i32
    %dma_wait3A_1242 = arith.constant 0 : i32
    %dma_wait3A_1243 = tpu.memref_slice %arg14[%dma_wait3A_1240, %dma_wait3A_1241, %dma_wait3A_1242] : memref<2x32x256xf32, #tpu.memory_space<vmem>> -> memref<1x32x256xf32, #tpu.memory_space<vmem>>
    %dma_wait3A_1244 = tpu.memref_squeeze %dma_wait3A_1243 : memref<1x32x256xf32, #tpu.memory_space<vmem>> -> memref<32x256xf32, #tpu.memory_space<vmem>>
    %dma_wait3A_1245 = arith.constant 1280 : i32
    %dma_wait3A_1246 = tpu.memref_slice %arg8[%add3A_1174, %dma_wait3A_1245] : memref<16384x1536xf32, #tpu.memory_space<hbm>> -> memref<32x256xf32, #tpu.memory_space<hbm>>
    %dma_wait3A_1247 = arith.constant 1280 : i32
    %dma_wait3A_1248 = tpu.memref_slice %arg8[%add3A_1174, %dma_wait3A_1247] : memref<16384x1536xf32, #tpu.memory_space<hbm>> -> memref<32x256xf32, #tpu.memory_space<hbm>>
    %dma_wait3A_1249 = arith.constant 0 : i32
    %dma_wait3A_1250 = arith.constant 0 : i32
    %dma_wait3A_1251 = tpu.memref_slice %arg14[%dma_wait3A_1240, %dma_wait3A_1249, %dma_wait3A_1250] : memref<2x32x256xf32, #tpu.memory_space<vmem>> -> memref<1x32x256xf32, #tpu.memory_space<vmem>>
    %dma_wait3A_1252 = tpu.memref_squeeze %dma_wait3A_1251 : memref<1x32x256xf32, #tpu.memory_space<vmem>> -> memref<32x256xf32, #tpu.memory_space<vmem>>
    tpu.wait_dma2 semaphore(%arg18 : memref<!tpu.dma_semaphore, #tpu.memory_space<semaphore_mem>>) src(%dma_wait3A_1252 : memref<32x256xf32, #tpu.memory_space<vmem>>) dst(%dma_wait3A_1248 : memref<32x256xf32, #tpu.memory_space<hbm>>)
    %dma_start3A_1253 = arith.constant 9 : i32
    %dma_start3A_1254 = arith.constant 1 : i32
    %dma_start3A_1255 = arith.constant 0 : i32
    %dma_start3A_1256 = arith.constant 0 : i32
    %dma_start3A_1257 = tpu.memref_slice %arg12[%dma_start3A_1254, %dma_start3A_1255, %dma_start3A_1256] : memref<2x32x1024xf32, #tpu.memory_space<vmem>> -> memref<1x32x1024xf32, #tpu.memory_space<vmem>>
    %dma_start3A_1258 = tpu.memref_squeeze %dma_start3A_1257 : memref<1x32x1024xf32, #tpu.memory_space<vmem>> -> memref<32x1024xf32, #tpu.memory_space<vmem>>
    %dma_start3A_1259 = arith.constant 0 : i32
    %dma_start3A_1260 = tpu.memref_slice %arg9[%dma_start3A_1253, %dma_start3A_1259] : memref<16x32xi32, #tpu.memory_space<vmem>> -> memref<1x32xi32, #tpu.memory_space<vmem>>
    %dma_start3A_1261 = tpu.memref_squeeze %dma_start3A_1260 : memref<1x32xi32, #tpu.memory_space<vmem>> -> memref<32xi32, #tpu.memory_space<vmem>>
    %dma_start3A_1262 = arith.constant 0 : i32
    %dma_start3A_1263 = arith.constant 0 : i32
    %dma_start3A_1264 = tpu.memref_slice %arg5[%dma_start3A_1262, %dma_start3A_1263] : memref<5x1024xf32, #tpu.memory_space<hbm>> -> memref<5x1024xf32, #tpu.memory_space<hbm>>
    tpu.enqueue_indirect_dma source(%dma_start3A_1264 : memref<5x1024xf32, #tpu.memory_space<hbm>>) target(%dma_start3A_1258 : memref<32x1024xf32, #tpu.memory_space<vmem>>) offsets(%dma_start3A_1261 : memref<32xi32, #tpu.memory_space<vmem>>) semaphore(%arg16 : memref<!tpu.dma_semaphore, #tpu.memory_space<semaphore_mem>>)
    %dma_start3A_1265 = arith.constant 9 : i32
    %dma_start3A_1266 = arith.constant 1 : i32
    %dma_start3A_1267 = arith.constant 0 : i32
    %dma_start3A_1268 = arith.constant 0 : i32
    %dma_start3A_1269 = tpu.memref_slice %arg13[%dma_start3A_1266, %dma_start3A_1267, %dma_start3A_1268] : memref<2x32x256xf32, #tpu.memory_space<vmem>> -> memref<1x32x256xf32, #tpu.memory_space<vmem>>
    %dma_start3A_1270 = tpu.memref_squeeze %dma_start3A_1269 : memref<1x32x256xf32, #tpu.memory_space<vmem>> -> memref<32x256xf32, #tpu.memory_space<vmem>>
    %dma_start3A_1271 = arith.constant 0 : i32
    %dma_start3A_1272 = tpu.memref_slice %arg10[%dma_start3A_1265, %dma_start3A_1271] : memref<16x32xi32, #tpu.memory_space<vmem>> -> memref<1x32xi32, #tpu.memory_space<vmem>>
    %dma_start3A_1273 = tpu.memref_squeeze %dma_start3A_1272 : memref<1x32xi32, #tpu.memory_space<vmem>> -> memref<32xi32, #tpu.memory_space<vmem>>
    %dma_start3A_1274 = arith.constant 0 : i32
    %dma_start3A_1275 = arith.constant 0 : i32
    %dma_start3A_1276 = tpu.memref_slice %arg6[%dma_start3A_1274, %dma_start3A_1275] : memref<50x256xf32, #tpu.memory_space<hbm>> -> memref<50x256xf32, #tpu.memory_space<hbm>>
    tpu.enqueue_indirect_dma source(%dma_start3A_1276 : memref<50x256xf32, #tpu.memory_space<hbm>>) target(%dma_start3A_1270 : memref<32x256xf32, #tpu.memory_space<vmem>>) offsets(%dma_start3A_1273 : memref<32xi32, #tpu.memory_space<vmem>>) semaphore(%arg16 : memref<!tpu.dma_semaphore, #tpu.memory_space<semaphore_mem>>)
    %dma_start3A_1277 = arith.constant 9 : i32
    %dma_start3A_1278 = arith.constant 1 : i32
    %dma_start3A_1279 = arith.constant 0 : i32
    %dma_start3A_1280 = arith.constant 0 : i32
    %dma_start3A_1281 = tpu.memref_slice %arg14[%dma_start3A_1278, %dma_start3A_1279, %dma_start3A_1280] : memref<2x32x256xf32, #tpu.memory_space<vmem>> -> memref<1x32x256xf32, #tpu.memory_space<vmem>>
    %dma_start3A_1282 = tpu.memref_squeeze %dma_start3A_1281 : memref<1x32x256xf32, #tpu.memory_space<vmem>> -> memref<32x256xf32, #tpu.memory_space<vmem>>
    %dma_start3A_1283 = arith.constant 0 : i32
    %dma_start3A_1284 = tpu.memref_slice %arg11[%dma_start3A_1277, %dma_start3A_1283] : memref<16x32xi32, #tpu.memory_space<vmem>> -> memref<1x32xi32, #tpu.memory_space<vmem>>
    %dma_start3A_1285 = tpu.memref_squeeze %dma_start3A_1284 : memref<1x32xi32, #tpu.memory_space<vmem>> -> memref<32xi32, #tpu.memory_space<vmem>>
    %dma_start3A_1286 = arith.constant 0 : i32
    %dma_start3A_1287 = arith.constant 0 : i32
    %dma_start3A_1288 = tpu.memref_slice %arg7[%dma_start3A_1286, %dma_start3A_1287] : memref<50x256xf32, #tpu.memory_space<hbm>> -> memref<50x256xf32, #tpu.memory_space<hbm>>
    tpu.enqueue_indirect_dma source(%dma_start3A_1288 : memref<50x256xf32, #tpu.memory_space<hbm>>) target(%dma_start3A_1282 : memref<32x256xf32, #tpu.memory_space<vmem>>) offsets(%dma_start3A_1285 : memref<32xi32, #tpu.memory_space<vmem>>) semaphore(%arg16 : memref<!tpu.dma_semaphore, #tpu.memory_space<semaphore_mem>>)
    %dma_wait3A_1289 = arith.constant 8 : i32
    %dma_wait3A_1290 = arith.constant 0 : i32
    %dma_wait3A_1291 = arith.constant 0 : i32
    %dma_wait3A_1292 = arith.constant 0 : i32
    %dma_wait3A_1293 = tpu.memref_slice %arg12[%dma_wait3A_1290, %dma_wait3A_1291, %dma_wait3A_1292] : memref<2x32x1024xf32, #tpu.memory_space<vmem>> -> memref<1x32x1024xf32, #tpu.memory_space<vmem>>
    %dma_wait3A_1294 = tpu.memref_squeeze %dma_wait3A_1293 : memref<1x32x1024xf32, #tpu.memory_space<vmem>> -> memref<32x1024xf32, #tpu.memory_space<vmem>>
    %dma_wait3A_1295 = arith.constant 0 : i32
    %dma_wait3A_1296 = tpu.memref_slice %arg9[%dma_wait3A_1289, %dma_wait3A_1295] : memref<16x32xi32, #tpu.memory_space<vmem>> -> memref<1x32xi32, #tpu.memory_space<vmem>>
    %dma_wait3A_1297 = tpu.memref_squeeze %dma_wait3A_1296 : memref<1x32xi32, #tpu.memory_space<vmem>> -> memref<32xi32, #tpu.memory_space<vmem>>
    %dma_wait3A_1298 = arith.constant 0 : i32
    %dma_wait3A_1299 = arith.constant 0 : i32
    %dma_wait3A_1300 = tpu.memref_slice %arg5[%dma_wait3A_1298, %dma_wait3A_1299] : memref<5x1024xf32, #tpu.memory_space<hbm>> -> memref<5x1024xf32, #tpu.memory_space<hbm>>
    tpu.wait_indirect_dma semaphore(%arg15 : memref<!tpu.dma_semaphore, #tpu.memory_space<semaphore_mem>>) src(%dma_wait3A_1300 : memref<5x1024xf32, #tpu.memory_space<hbm>>) dst(%dma_wait3A_1294 : memref<32x1024xf32, #tpu.memory_space<vmem>>)
    %dma_wait3A_1301 = arith.constant 8 : i32
    %dma_wait3A_1302 = arith.constant 0 : i32
    %dma_wait3A_1303 = arith.constant 0 : i32
    %dma_wait3A_1304 = arith.constant 0 : i32
    %dma_wait3A_1305 = tpu.memref_slice %arg13[%dma_wait3A_1302, %dma_wait3A_1303, %dma_wait3A_1304] : memref<2x32x256xf32, #tpu.memory_space<vmem>> -> memref<1x32x256xf32, #tpu.memory_space<vmem>>
    %dma_wait3A_1306 = tpu.memref_squeeze %dma_wait3A_1305 : memref<1x32x256xf32, #tpu.memory_space<vmem>> -> memref<32x256xf32, #tpu.memory_space<vmem>>
    %dma_wait3A_1307 = arith.constant 0 : i32
    %dma_wait3A_1308 = tpu.memref_slice %arg10[%dma_wait3A_1301, %dma_wait3A_1307] : memref<16x32xi32, #tpu.memory_space<vmem>> -> memref<1x32xi32, #tpu.memory_space<vmem>>
    %dma_wait3A_1309 = tpu.memref_squeeze %dma_wait3A_1308 : memref<1x32xi32, #tpu.memory_space<vmem>> -> memref<32xi32, #tpu.memory_space<vmem>>
    %dma_wait3A_1310 = arith.constant 0 : i32
    %dma_wait3A_1311 = arith.constant 0 : i32
    %dma_wait3A_1312 = tpu.memref_slice %arg6[%dma_wait3A_1310, %dma_wait3A_1311] : memref<50x256xf32, #tpu.memory_space<hbm>> -> memref<50x256xf32, #tpu.memory_space<hbm>>
    tpu.wait_indirect_dma semaphore(%arg15 : memref<!tpu.dma_semaphore, #tpu.memory_space<semaphore_mem>>) src(%dma_wait3A_1312 : memref<50x256xf32, #tpu.memory_space<hbm>>) dst(%dma_wait3A_1306 : memref<32x256xf32, #tpu.memory_space<vmem>>)
    %dma_wait3A_1313 = arith.constant 8 : i32
    %dma_wait3A_1314 = arith.constant 0 : i32
    %dma_wait3A_1315 = arith.constant 0 : i32
    %dma_wait3A_1316 = arith.constant 0 : i32
    %dma_wait3A_1317 = tpu.memref_slice %arg14[%dma_wait3A_1314, %dma_wait3A_1315, %dma_wait3A_1316] : memref<2x32x256xf32, #tpu.memory_space<vmem>> -> memref<1x32x256xf32, #tpu.memory_space<vmem>>
    %dma_wait3A_1318 = tpu.memref_squeeze %dma_wait3A_1317 : memref<1x32x256xf32, #tpu.memory_space<vmem>> -> memref<32x256xf32, #tpu.memory_space<vmem>>
    %dma_wait3A_1319 = arith.constant 0 : i32
    %dma_wait3A_1320 = tpu.memref_slice %arg11[%dma_wait3A_1313, %dma_wait3A_1319] : memref<16x32xi32, #tpu.memory_space<vmem>> -> memref<1x32xi32, #tpu.memory_space<vmem>>
    %dma_wait3A_1321 = tpu.memref_squeeze %dma_wait3A_1320 : memref<1x32xi32, #tpu.memory_space<vmem>> -> memref<32xi32, #tpu.memory_space<vmem>>
    %dma_wait3A_1322 = arith.constant 0 : i32
    %dma_wait3A_1323 = arith.constant 0 : i32
    %dma_wait3A_1324 = tpu.memref_slice %arg7[%dma_wait3A_1322, %dma_wait3A_1323] : memref<50x256xf32, #tpu.memory_space<hbm>> -> memref<50x256xf32, #tpu.memory_space<hbm>>
    tpu.wait_indirect_dma semaphore(%arg15 : memref<!tpu.dma_semaphore, #tpu.memory_space<semaphore_mem>>) src(%dma_wait3A_1324 : memref<50x256xf32, #tpu.memory_space<hbm>>) dst(%dma_wait3A_1318 : memref<32x256xf32, #tpu.memory_space<vmem>>)
    %add3A_1325 = arith.constant 256 : i32
    %add3A_1326 = arith.addi %mul3A_2, %add3A_1325 : i32
    %dma_start3A_1327 = arith.constant 0 : i32
    %dma_start3A_1328 = arith.constant 0 : i32
    %dma_start3A_1329 = arith.constant 0 : i32
    %dma_start3A_1330 = tpu.memref_slice %arg12[%dma_start3A_1327, %dma_start3A_1328, %dma_start3A_1329] : memref<2x32x1024xf32, #tpu.memory_space<vmem>> -> memref<1x32x1024xf32, #tpu.memory_space<vmem>>
    %dma_start3A_1331 = tpu.memref_squeeze %dma_start3A_1330 : memref<1x32x1024xf32, #tpu.memory_space<vmem>> -> memref<32x1024xf32, #tpu.memory_space<vmem>>
    %dma_start3A_1332 = arith.constant 0 : i32
    %dma_start3A_1333 = tpu.memref_slice %arg8[%add3A_1326, %dma_start3A_1332] : memref<16384x1536xf32, #tpu.memory_space<hbm>> -> memref<32x1024xf32, #tpu.memory_space<hbm>>
    %dma_start3A_1334 = arith.constant 0 : i32
    %dma_start3A_1335 = tpu.memref_slice %arg8[%add3A_1326, %dma_start3A_1334] : memref<16384x1536xf32, #tpu.memory_space<hbm>> -> memref<32x1024xf32, #tpu.memory_space<hbm>>
    %dma_start3A_1336 = arith.constant 0 : i32
    %dma_start3A_1337 = arith.constant 0 : i32
    %dma_start3A_1338 = tpu.memref_slice %arg12[%dma_start3A_1327, %dma_start3A_1336, %dma_start3A_1337] : memref<2x32x1024xf32, #tpu.memory_space<vmem>> -> memref<1x32x1024xf32, #tpu.memory_space<vmem>>
    %dma_start3A_1339 = tpu.memref_squeeze %dma_start3A_1338 : memref<1x32x1024xf32, #tpu.memory_space<vmem>> -> memref<32x1024xf32, #tpu.memory_space<vmem>>
    tpu.enqueue_dma source(%dma_start3A_1339 : memref<32x1024xf32, #tpu.memory_space<vmem>>) target(%dma_start3A_1335 : memref<32x1024xf32, #tpu.memory_space<hbm>>) target_semaphore(%arg17 : memref<!tpu.dma_semaphore, #tpu.memory_space<semaphore_mem>>)
    %dma_start3A_1340 = arith.constant 0 : i32
    %dma_start3A_1341 = arith.constant 0 : i32
    %dma_start3A_1342 = arith.constant 0 : i32
    %dma_start3A_1343 = tpu.memref_slice %arg13[%dma_start3A_1340, %dma_start3A_1341, %dma_start3A_1342] : memref<2x32x256xf32, #tpu.memory_space<vmem>> -> memref<1x32x256xf32, #tpu.memory_space<vmem>>
    %dma_start3A_1344 = tpu.memref_squeeze %dma_start3A_1343 : memref<1x32x256xf32, #tpu.memory_space<vmem>> -> memref<32x256xf32, #tpu.memory_space<vmem>>
    %dma_start3A_1345 = arith.constant 1024 : i32
    %dma_start3A_1346 = tpu.memref_slice %arg8[%add3A_1326, %dma_start3A_1345] : memref<16384x1536xf32, #tpu.memory_space<hbm>> -> memref<32x256xf32, #tpu.memory_space<hbm>>
    %dma_start3A_1347 = arith.constant 1024 : i32
    %dma_start3A_1348 = tpu.memref_slice %arg8[%add3A_1326, %dma_start3A_1347] : memref<16384x1536xf32, #tpu.memory_space<hbm>> -> memref<32x256xf32, #tpu.memory_space<hbm>>
    %dma_start3A_1349 = arith.constant 0 : i32
    %dma_start3A_1350 = arith.constant 0 : i32
    %dma_start3A_1351 = tpu.memref_slice %arg13[%dma_start3A_1340, %dma_start3A_1349, %dma_start3A_1350] : memref<2x32x256xf32, #tpu.memory_space<vmem>> -> memref<1x32x256xf32, #tpu.memory_space<vmem>>
    %dma_start3A_1352 = tpu.memref_squeeze %dma_start3A_1351 : memref<1x32x256xf32, #tpu.memory_space<vmem>> -> memref<32x256xf32, #tpu.memory_space<vmem>>
    tpu.enqueue_dma source(%dma_start3A_1352 : memref<32x256xf32, #tpu.memory_space<vmem>>) target(%dma_start3A_1348 : memref<32x256xf32, #tpu.memory_space<hbm>>) target_semaphore(%arg17 : memref<!tpu.dma_semaphore, #tpu.memory_space<semaphore_mem>>)
    %dma_start3A_1353 = arith.constant 0 : i32
    %dma_start3A_1354 = arith.constant 0 : i32
    %dma_start3A_1355 = arith.constant 0 : i32
    %dma_start3A_1356 = tpu.memref_slice %arg14[%dma_start3A_1353, %dma_start3A_1354, %dma_start3A_1355] : memref<2x32x256xf32, #tpu.memory_space<vmem>> -> memref<1x32x256xf32, #tpu.memory_space<vmem>>
    %dma_start3A_1357 = tpu.memref_squeeze %dma_start3A_1356 : memref<1x32x256xf32, #tpu.memory_space<vmem>> -> memref<32x256xf32, #tpu.memory_space<vmem>>
    %dma_start3A_1358 = arith.constant 1280 : i32
    %dma_start3A_1359 = tpu.memref_slice %arg8[%add3A_1326, %dma_start3A_1358] : memref<16384x1536xf32, #tpu.memory_space<hbm>> -> memref<32x256xf32, #tpu.memory_space<hbm>>
    %dma_start3A_1360 = arith.constant 1280 : i32
    %dma_start3A_1361 = tpu.memref_slice %arg8[%add3A_1326, %dma_start3A_1360] : memref<16384x1536xf32, #tpu.memory_space<hbm>> -> memref<32x256xf32, #tpu.memory_space<hbm>>
    %dma_start3A_1362 = arith.constant 0 : i32
    %dma_start3A_1363 = arith.constant 0 : i32
    %dma_start3A_1364 = tpu.memref_slice %arg14[%dma_start3A_1353, %dma_start3A_1362, %dma_start3A_1363] : memref<2x32x256xf32, #tpu.memory_space<vmem>> -> memref<1x32x256xf32, #tpu.memory_space<vmem>>
    %dma_start3A_1365 = tpu.memref_squeeze %dma_start3A_1364 : memref<1x32x256xf32, #tpu.memory_space<vmem>> -> memref<32x256xf32, #tpu.memory_space<vmem>>
    tpu.enqueue_dma source(%dma_start3A_1365 : memref<32x256xf32, #tpu.memory_space<vmem>>) target(%dma_start3A_1361 : memref<32x256xf32, #tpu.memory_space<hbm>>) target_semaphore(%arg17 : memref<!tpu.dma_semaphore, #tpu.memory_space<semaphore_mem>>)
    %dma_wait3A_1366 = arith.constant 0 : i32
    %dma_wait3A_1367 = arith.constant 0 : i32
    %dma_wait3A_1368 = arith.constant 0 : i32
    %dma_wait3A_1369 = tpu.memref_slice %arg12[%dma_wait3A_1366, %dma_wait3A_1367, %dma_wait3A_1368] : memref<2x32x1024xf32, #tpu.memory_space<vmem>> -> memref<1x32x1024xf32, #tpu.memory_space<vmem>>
    %dma_wait3A_1370 = tpu.memref_squeeze %dma_wait3A_1369 : memref<1x32x1024xf32, #tpu.memory_space<vmem>> -> memref<32x1024xf32, #tpu.memory_space<vmem>>
    %dma_wait3A_1371 = arith.constant 0 : i32
    %dma_wait3A_1372 = tpu.memref_slice %arg8[%add3A_1326, %dma_wait3A_1371] : memref<16384x1536xf32, #tpu.memory_space<hbm>> -> memref<32x1024xf32, #tpu.memory_space<hbm>>
    %dma_wait3A_1373 = arith.constant 0 : i32
    %dma_wait3A_1374 = tpu.memref_slice %arg8[%add3A_1326, %dma_wait3A_1373] : memref<16384x1536xf32, #tpu.memory_space<hbm>> -> memref<32x1024xf32, #tpu.memory_space<hbm>>
    %dma_wait3A_1375 = arith.constant 0 : i32
    %dma_wait3A_1376 = arith.constant 0 : i32
    %dma_wait3A_1377 = tpu.memref_slice %arg12[%dma_wait3A_1366, %dma_wait3A_1375, %dma_wait3A_1376] : memref<2x32x1024xf32, #tpu.memory_space<vmem>> -> memref<1x32x1024xf32, #tpu.memory_space<vmem>>
    %dma_wait3A_1378 = tpu.memref_squeeze %dma_wait3A_1377 : memref<1x32x1024xf32, #tpu.memory_space<vmem>> -> memref<32x1024xf32, #tpu.memory_space<vmem>>
    tpu.wait_dma2 semaphore(%arg17 : memref<!tpu.dma_semaphore, #tpu.memory_space<semaphore_mem>>) src(%dma_wait3A_1378 : memref<32x1024xf32, #tpu.memory_space<vmem>>) dst(%dma_wait3A_1374 : memref<32x1024xf32, #tpu.memory_space<hbm>>)
    %dma_wait3A_1379 = arith.constant 0 : i32
    %dma_wait3A_1380 = arith.constant 0 : i32
    %dma_wait3A_1381 = arith.constant 0 : i32
    %dma_wait3A_1382 = tpu.memref_slice %arg13[%dma_wait3A_1379, %dma_wait3A_1380, %dma_wait3A_1381] : memref<2x32x256xf32, #tpu.memory_space<vmem>> -> memref<1x32x256xf32, #tpu.memory_space<vmem>>
    %dma_wait3A_1383 = tpu.memref_squeeze %dma_wait3A_1382 : memref<1x32x256xf32, #tpu.memory_space<vmem>> -> memref<32x256xf32, #tpu.memory_space<vmem>>
    %dma_wait3A_1384 = arith.constant 1024 : i32
    %dma_wait3A_1385 = tpu.memref_slice %arg8[%add3A_1326, %dma_wait3A_1384] : memref<16384x1536xf32, #tpu.memory_space<hbm>> -> memref<32x256xf32, #tpu.memory_space<hbm>>
    %dma_wait3A_1386 = arith.constant 1024 : i32
    %dma_wait3A_1387 = tpu.memref_slice %arg8[%add3A_1326, %dma_wait3A_1386] : memref<16384x1536xf32, #tpu.memory_space<hbm>> -> memref<32x256xf32, #tpu.memory_space<hbm>>
    %dma_wait3A_1388 = arith.constant 0 : i32
    %dma_wait3A_1389 = arith.constant 0 : i32
    %dma_wait3A_1390 = tpu.memref_slice %arg13[%dma_wait3A_1379, %dma_wait3A_1388, %dma_wait3A_1389] : memref<2x32x256xf32, #tpu.memory_space<vmem>> -> memref<1x32x256xf32, #tpu.memory_space<vmem>>
    %dma_wait3A_1391 = tpu.memref_squeeze %dma_wait3A_1390 : memref<1x32x256xf32, #tpu.memory_space<vmem>> -> memref<32x256xf32, #tpu.memory_space<vmem>>
    tpu.wait_dma2 semaphore(%arg17 : memref<!tpu.dma_semaphore, #tpu.memory_space<semaphore_mem>>) src(%dma_wait3A_1391 : memref<32x256xf32, #tpu.memory_space<vmem>>) dst(%dma_wait3A_1387 : memref<32x256xf32, #tpu.memory_space<hbm>>)
    %dma_wait3A_1392 = arith.constant 0 : i32
    %dma_wait3A_1393 = arith.constant 0 : i32
    %dma_wait3A_1394 = arith.constant 0 : i32
    %dma_wait3A_1395 = tpu.memref_slice %arg14[%dma_wait3A_1392, %dma_wait3A_1393, %dma_wait3A_1394] : memref<2x32x256xf32, #tpu.memory_space<vmem>> -> memref<1x32x256xf32, #tpu.memory_space<vmem>>
    %dma_wait3A_1396 = tpu.memref_squeeze %dma_wait3A_1395 : memref<1x32x256xf32, #tpu.memory_space<vmem>> -> memref<32x256xf32, #tpu.memory_space<vmem>>
    %dma_wait3A_1397 = arith.constant 1280 : i32
    %dma_wait3A_1398 = tpu.memref_slice %arg8[%add3A_1326, %dma_wait3A_1397] : memref<16384x1536xf32, #tpu.memory_space<hbm>> -> memref<32x256xf32, #tpu.memory_space<hbm>>
    %dma_wait3A_1399 = arith.constant 1280 : i32
    %dma_wait3A_1400 = tpu.memref_slice %arg8[%add3A_1326, %dma_wait3A_1399] : memref<16384x1536xf32, #tpu.memory_space<hbm>> -> memref<32x256xf32, #tpu.memory_space<hbm>>
    %dma_wait3A_1401 = arith.constant 0 : i32
    %dma_wait3A_1402 = arith.constant 0 : i32
    %dma_wait3A_1403 = tpu.memref_slice %arg14[%dma_wait3A_1392, %dma_wait3A_1401, %dma_wait3A_1402] : memref<2x32x256xf32, #tpu.memory_space<vmem>> -> memref<1x32x256xf32, #tpu.memory_space<vmem>>
    %dma_wait3A_1404 = tpu.memref_squeeze %dma_wait3A_1403 : memref<1x32x256xf32, #tpu.memory_space<vmem>> -> memref<32x256xf32, #tpu.memory_space<vmem>>
    tpu.wait_dma2 semaphore(%arg17 : memref<!tpu.dma_semaphore, #tpu.memory_space<semaphore_mem>>) src(%dma_wait3A_1404 : memref<32x256xf32, #tpu.memory_space<vmem>>) dst(%dma_wait3A_1400 : memref<32x256xf32, #tpu.memory_space<hbm>>)
    %dma_start3A_1405 = arith.constant 10 : i32
    %dma_start3A_1406 = arith.constant 0 : i32
    %dma_start3A_1407 = arith.constant 0 : i32
    %dma_start3A_1408 = arith.constant 0 : i32
    %dma_start3A_1409 = tpu.memref_slice %arg12[%dma_start3A_1406, %dma_start3A_1407, %dma_start3A_1408] : memref<2x32x1024xf32, #tpu.memory_space<vmem>> -> memref<1x32x1024xf32, #tpu.memory_space<vmem>>
    %dma_start3A_1410 = tpu.memref_squeeze %dma_start3A_1409 : memref<1x32x1024xf32, #tpu.memory_space<vmem>> -> memref<32x1024xf32, #tpu.memory_space<vmem>>
    %dma_start3A_1411 = arith.constant 0 : i32
    %dma_start3A_1412 = tpu.memref_slice %arg9[%dma_start3A_1405, %dma_start3A_1411] : memref<16x32xi32, #tpu.memory_space<vmem>> -> memref<1x32xi32, #tpu.memory_space<vmem>>
    %dma_start3A_1413 = tpu.memref_squeeze %dma_start3A_1412 : memref<1x32xi32, #tpu.memory_space<vmem>> -> memref<32xi32, #tpu.memory_space<vmem>>
    %dma_start3A_1414 = arith.constant 0 : i32
    %dma_start3A_1415 = arith.constant 0 : i32
    %dma_start3A_1416 = tpu.memref_slice %arg5[%dma_start3A_1414, %dma_start3A_1415] : memref<5x1024xf32, #tpu.memory_space<hbm>> -> memref<5x1024xf32, #tpu.memory_space<hbm>>
    tpu.enqueue_indirect_dma source(%dma_start3A_1416 : memref<5x1024xf32, #tpu.memory_space<hbm>>) target(%dma_start3A_1410 : memref<32x1024xf32, #tpu.memory_space<vmem>>) offsets(%dma_start3A_1413 : memref<32xi32, #tpu.memory_space<vmem>>) semaphore(%arg15 : memref<!tpu.dma_semaphore, #tpu.memory_space<semaphore_mem>>)
    %dma_start3A_1417 = arith.constant 10 : i32
    %dma_start3A_1418 = arith.constant 0 : i32
    %dma_start3A_1419 = arith.constant 0 : i32
    %dma_start3A_1420 = arith.constant 0 : i32
    %dma_start3A_1421 = tpu.memref_slice %arg13[%dma_start3A_1418, %dma_start3A_1419, %dma_start3A_1420] : memref<2x32x256xf32, #tpu.memory_space<vmem>> -> memref<1x32x256xf32, #tpu.memory_space<vmem>>
    %dma_start3A_1422 = tpu.memref_squeeze %dma_start3A_1421 : memref<1x32x256xf32, #tpu.memory_space<vmem>> -> memref<32x256xf32, #tpu.memory_space<vmem>>
    %dma_start3A_1423 = arith.constant 0 : i32
    %dma_start3A_1424 = tpu.memref_slice %arg10[%dma_start3A_1417, %dma_start3A_1423] : memref<16x32xi32, #tpu.memory_space<vmem>> -> memref<1x32xi32, #tpu.memory_space<vmem>>
    %dma_start3A_1425 = tpu.memref_squeeze %dma_start3A_1424 : memref<1x32xi32, #tpu.memory_space<vmem>> -> memref<32xi32, #tpu.memory_space<vmem>>
    %dma_start3A_1426 = arith.constant 0 : i32
    %dma_start3A_1427 = arith.constant 0 : i32
    %dma_start3A_1428 = tpu.memref_slice %arg6[%dma_start3A_1426, %dma_start3A_1427] : memref<50x256xf32, #tpu.memory_space<hbm>> -> memref<50x256xf32, #tpu.memory_space<hbm>>
    tpu.enqueue_indirect_dma source(%dma_start3A_1428 : memref<50x256xf32, #tpu.memory_space<hbm>>) target(%dma_start3A_1422 : memref<32x256xf32, #tpu.memory_space<vmem>>) offsets(%dma_start3A_1425 : memref<32xi32, #tpu.memory_space<vmem>>) semaphore(%arg15 : memref<!tpu.dma_semaphore, #tpu.memory_space<semaphore_mem>>)
    %dma_start3A_1429 = arith.constant 10 : i32
    %dma_start3A_1430 = arith.constant 0 : i32
    %dma_start3A_1431 = arith.constant 0 : i32
    %dma_start3A_1432 = arith.constant 0 : i32
    %dma_start3A_1433 = tpu.memref_slice %arg14[%dma_start3A_1430, %dma_start3A_1431, %dma_start3A_1432] : memref<2x32x256xf32, #tpu.memory_space<vmem>> -> memref<1x32x256xf32, #tpu.memory_space<vmem>>
    %dma_start3A_1434 = tpu.memref_squeeze %dma_start3A_1433 : memref<1x32x256xf32, #tpu.memory_space<vmem>> -> memref<32x256xf32, #tpu.memory_space<vmem>>
    %dma_start3A_1435 = arith.constant 0 : i32
    %dma_start3A_1436 = tpu.memref_slice %arg11[%dma_start3A_1429, %dma_start3A_1435] : memref<16x32xi32, #tpu.memory_space<vmem>> -> memref<1x32xi32, #tpu.memory_space<vmem>>
    %dma_start3A_1437 = tpu.memref_squeeze %dma_start3A_1436 : memref<1x32xi32, #tpu.memory_space<vmem>> -> memref<32xi32, #tpu.memory_space<vmem>>
    %dma_start3A_1438 = arith.constant 0 : i32
    %dma_start3A_1439 = arith.constant 0 : i32
    %dma_start3A_1440 = tpu.memref_slice %arg7[%dma_start3A_1438, %dma_start3A_1439] : memref<50x256xf32, #tpu.memory_space<hbm>> -> memref<50x256xf32, #tpu.memory_space<hbm>>
    tpu.enqueue_indirect_dma source(%dma_start3A_1440 : memref<50x256xf32, #tpu.memory_space<hbm>>) target(%dma_start3A_1434 : memref<32x256xf32, #tpu.memory_space<vmem>>) offsets(%dma_start3A_1437 : memref<32xi32, #tpu.memory_space<vmem>>) semaphore(%arg15 : memref<!tpu.dma_semaphore, #tpu.memory_space<semaphore_mem>>)
    %dma_wait3A_1441 = arith.constant 9 : i32
    %dma_wait3A_1442 = arith.constant 1 : i32
    %dma_wait3A_1443 = arith.constant 0 : i32
    %dma_wait3A_1444 = arith.constant 0 : i32
    %dma_wait3A_1445 = tpu.memref_slice %arg12[%dma_wait3A_1442, %dma_wait3A_1443, %dma_wait3A_1444] : memref<2x32x1024xf32, #tpu.memory_space<vmem>> -> memref<1x32x1024xf32, #tpu.memory_space<vmem>>
    %dma_wait3A_1446 = tpu.memref_squeeze %dma_wait3A_1445 : memref<1x32x1024xf32, #tpu.memory_space<vmem>> -> memref<32x1024xf32, #tpu.memory_space<vmem>>
    %dma_wait3A_1447 = arith.constant 0 : i32
    %dma_wait3A_1448 = tpu.memref_slice %arg9[%dma_wait3A_1441, %dma_wait3A_1447] : memref<16x32xi32, #tpu.memory_space<vmem>> -> memref<1x32xi32, #tpu.memory_space<vmem>>
    %dma_wait3A_1449 = tpu.memref_squeeze %dma_wait3A_1448 : memref<1x32xi32, #tpu.memory_space<vmem>> -> memref<32xi32, #tpu.memory_space<vmem>>
    %dma_wait3A_1450 = arith.constant 0 : i32
    %dma_wait3A_1451 = arith.constant 0 : i32
    %dma_wait3A_1452 = tpu.memref_slice %arg5[%dma_wait3A_1450, %dma_wait3A_1451] : memref<5x1024xf32, #tpu.memory_space<hbm>> -> memref<5x1024xf32, #tpu.memory_space<hbm>>
    tpu.wait_indirect_dma semaphore(%arg16 : memref<!tpu.dma_semaphore, #tpu.memory_space<semaphore_mem>>) src(%dma_wait3A_1452 : memref<5x1024xf32, #tpu.memory_space<hbm>>) dst(%dma_wait3A_1446 : memref<32x1024xf32, #tpu.memory_space<vmem>>)
    %dma_wait3A_1453 = arith.constant 9 : i32
    %dma_wait3A_1454 = arith.constant 1 : i32
    %dma_wait3A_1455 = arith.constant 0 : i32
    %dma_wait3A_1456 = arith.constant 0 : i32
    %dma_wait3A_1457 = tpu.memref_slice %arg13[%dma_wait3A_1454, %dma_wait3A_1455, %dma_wait3A_1456] : memref<2x32x256xf32, #tpu.memory_space<vmem>> -> memref<1x32x256xf32, #tpu.memory_space<vmem>>
    %dma_wait3A_1458 = tpu.memref_squeeze %dma_wait3A_1457 : memref<1x32x256xf32, #tpu.memory_space<vmem>> -> memref<32x256xf32, #tpu.memory_space<vmem>>
    %dma_wait3A_1459 = arith.constant 0 : i32
    %dma_wait3A_1460 = tpu.memref_slice %arg10[%dma_wait3A_1453, %dma_wait3A_1459] : memref<16x32xi32, #tpu.memory_space<vmem>> -> memref<1x32xi32, #tpu.memory_space<vmem>>
    %dma_wait3A_1461 = tpu.memref_squeeze %dma_wait3A_1460 : memref<1x32xi32, #tpu.memory_space<vmem>> -> memref<32xi32, #tpu.memory_space<vmem>>
    %dma_wait3A_1462 = arith.constant 0 : i32
    %dma_wait3A_1463 = arith.constant 0 : i32
    %dma_wait3A_1464 = tpu.memref_slice %arg6[%dma_wait3A_1462, %dma_wait3A_1463] : memref<50x256xf32, #tpu.memory_space<hbm>> -> memref<50x256xf32, #tpu.memory_space<hbm>>
    tpu.wait_indirect_dma semaphore(%arg16 : memref<!tpu.dma_semaphore, #tpu.memory_space<semaphore_mem>>) src(%dma_wait3A_1464 : memref<50x256xf32, #tpu.memory_space<hbm>>) dst(%dma_wait3A_1458 : memref<32x256xf32, #tpu.memory_space<vmem>>)
    %dma_wait3A_1465 = arith.constant 9 : i32
    %dma_wait3A_1466 = arith.constant 1 : i32
    %dma_wait3A_1467 = arith.constant 0 : i32
    %dma_wait3A_1468 = arith.constant 0 : i32
    %dma_wait3A_1469 = tpu.memref_slice %arg14[%dma_wait3A_1466, %dma_wait3A_1467, %dma_wait3A_1468] : memref<2x32x256xf32, #tpu.memory_space<vmem>> -> memref<1x32x256xf32, #tpu.memory_space<vmem>>
    %dma_wait3A_1470 = tpu.memref_squeeze %dma_wait3A_1469 : memref<1x32x256xf32, #tpu.memory_space<vmem>> -> memref<32x256xf32, #tpu.memory_space<vmem>>
    %dma_wait3A_1471 = arith.constant 0 : i32
    %dma_wait3A_1472 = tpu.memref_slice %arg11[%dma_wait3A_1465, %dma_wait3A_1471] : memref<16x32xi32, #tpu.memory_space<vmem>> -> memref<1x32xi32, #tpu.memory_space<vmem>>
    %dma_wait3A_1473 = tpu.memref_squeeze %dma_wait3A_1472 : memref<1x32xi32, #tpu.memory_space<vmem>> -> memref<32xi32, #tpu.memory_space<vmem>>
    %dma_wait3A_1474 = arith.constant 0 : i32
    %dma_wait3A_1475 = arith.constant 0 : i32
    %dma_wait3A_1476 = tpu.memref_slice %arg7[%dma_wait3A_1474, %dma_wait3A_1475] : memref<50x256xf32, #tpu.memory_space<hbm>> -> memref<50x256xf32, #tpu.memory_space<hbm>>
    tpu.wait_indirect_dma semaphore(%arg16 : memref<!tpu.dma_semaphore, #tpu.memory_space<semaphore_mem>>) src(%dma_wait3A_1476 : memref<50x256xf32, #tpu.memory_space<hbm>>) dst(%dma_wait3A_1470 : memref<32x256xf32, #tpu.memory_space<vmem>>)
    %add3A_1477 = arith.constant 288 : i32
    %add3A_1478 = arith.addi %mul3A_2, %add3A_1477 : i32
    %dma_start3A_1479 = arith.constant 1 : i32
    %dma_start3A_1480 = arith.constant 0 : i32
    %dma_start3A_1481 = arith.constant 0 : i32
    %dma_start3A_1482 = tpu.memref_slice %arg12[%dma_start3A_1479, %dma_start3A_1480, %dma_start3A_1481] : memref<2x32x1024xf32, #tpu.memory_space<vmem>> -> memref<1x32x1024xf32, #tpu.memory_space<vmem>>
    %dma_start3A_1483 = tpu.memref_squeeze %dma_start3A_1482 : memref<1x32x1024xf32, #tpu.memory_space<vmem>> -> memref<32x1024xf32, #tpu.memory_space<vmem>>
    %dma_start3A_1484 = arith.constant 0 : i32
    %dma_start3A_1485 = tpu.memref_slice %arg8[%add3A_1478, %dma_start3A_1484] : memref<16384x1536xf32, #tpu.memory_space<hbm>> -> memref<32x1024xf32, #tpu.memory_space<hbm>>
    %dma_start3A_1486 = arith.constant 0 : i32
    %dma_start3A_1487 = tpu.memref_slice %arg8[%add3A_1478, %dma_start3A_1486] : memref<16384x1536xf32, #tpu.memory_space<hbm>> -> memref<32x1024xf32, #tpu.memory_space<hbm>>
    %dma_start3A_1488 = arith.constant 0 : i32
    %dma_start3A_1489 = arith.constant 0 : i32
    %dma_start3A_1490 = tpu.memref_slice %arg12[%dma_start3A_1479, %dma_start3A_1488, %dma_start3A_1489] : memref<2x32x1024xf32, #tpu.memory_space<vmem>> -> memref<1x32x1024xf32, #tpu.memory_space<vmem>>
    %dma_start3A_1491 = tpu.memref_squeeze %dma_start3A_1490 : memref<1x32x1024xf32, #tpu.memory_space<vmem>> -> memref<32x1024xf32, #tpu.memory_space<vmem>>
    tpu.enqueue_dma source(%dma_start3A_1491 : memref<32x1024xf32, #tpu.memory_space<vmem>>) target(%dma_start3A_1487 : memref<32x1024xf32, #tpu.memory_space<hbm>>) target_semaphore(%arg18 : memref<!tpu.dma_semaphore, #tpu.memory_space<semaphore_mem>>)
    %dma_start3A_1492 = arith.constant 1 : i32
    %dma_start3A_1493 = arith.constant 0 : i32
    %dma_start3A_1494 = arith.constant 0 : i32
    %dma_start3A_1495 = tpu.memref_slice %arg13[%dma_start3A_1492, %dma_start3A_1493, %dma_start3A_1494] : memref<2x32x256xf32, #tpu.memory_space<vmem>> -> memref<1x32x256xf32, #tpu.memory_space<vmem>>
    %dma_start3A_1496 = tpu.memref_squeeze %dma_start3A_1495 : memref<1x32x256xf32, #tpu.memory_space<vmem>> -> memref<32x256xf32, #tpu.memory_space<vmem>>
    %dma_start3A_1497 = arith.constant 1024 : i32
    %dma_start3A_1498 = tpu.memref_slice %arg8[%add3A_1478, %dma_start3A_1497] : memref<16384x1536xf32, #tpu.memory_space<hbm>> -> memref<32x256xf32, #tpu.memory_space<hbm>>
    %dma_start3A_1499 = arith.constant 1024 : i32
    %dma_start3A_1500 = tpu.memref_slice %arg8[%add3A_1478, %dma_start3A_1499] : memref<16384x1536xf32, #tpu.memory_space<hbm>> -> memref<32x256xf32, #tpu.memory_space<hbm>>
    %dma_start3A_1501 = arith.constant 0 : i32
    %dma_start3A_1502 = arith.constant 0 : i32
    %dma_start3A_1503 = tpu.memref_slice %arg13[%dma_start3A_1492, %dma_start3A_1501, %dma_start3A_1502] : memref<2x32x256xf32, #tpu.memory_space<vmem>> -> memref<1x32x256xf32, #tpu.memory_space<vmem>>
    %dma_start3A_1504 = tpu.memref_squeeze %dma_start3A_1503 : memref<1x32x256xf32, #tpu.memory_space<vmem>> -> memref<32x256xf32, #tpu.memory_space<vmem>>
    tpu.enqueue_dma source(%dma_start3A_1504 : memref<32x256xf32, #tpu.memory_space<vmem>>) target(%dma_start3A_1500 : memref<32x256xf32, #tpu.memory_space<hbm>>) target_semaphore(%arg18 : memref<!tpu.dma_semaphore, #tpu.memory_space<semaphore_mem>>)
    %dma_start3A_1505 = arith.constant 1 : i32
    %dma_start3A_1506 = arith.constant 0 : i32
    %dma_start3A_1507 = arith.constant 0 : i32
    %dma_start3A_1508 = tpu.memref_slice %arg14[%dma_start3A_1505, %dma_start3A_1506, %dma_start3A_1507] : memref<2x32x256xf32, #tpu.memory_space<vmem>> -> memref<1x32x256xf32, #tpu.memory_space<vmem>>
    %dma_start3A_1509 = tpu.memref_squeeze %dma_start3A_1508 : memref<1x32x256xf32, #tpu.memory_space<vmem>> -> memref<32x256xf32, #tpu.memory_space<vmem>>
    %dma_start3A_1510 = arith.constant 1280 : i32
    %dma_start3A_1511 = tpu.memref_slice %arg8[%add3A_1478, %dma_start3A_1510] : memref<16384x1536xf32, #tpu.memory_space<hbm>> -> memref<32x256xf32, #tpu.memory_space<hbm>>
    %dma_start3A_1512 = arith.constant 1280 : i32
    %dma_start3A_1513 = tpu.memref_slice %arg8[%add3A_1478, %dma_start3A_1512] : memref<16384x1536xf32, #tpu.memory_space<hbm>> -> memref<32x256xf32, #tpu.memory_space<hbm>>
    %dma_start3A_1514 = arith.constant 0 : i32
    %dma_start3A_1515 = arith.constant 0 : i32
    %dma_start3A_1516 = tpu.memref_slice %arg14[%dma_start3A_1505, %dma_start3A_1514, %dma_start3A_1515] : memref<2x32x256xf32, #tpu.memory_space<vmem>> -> memref<1x32x256xf32, #tpu.memory_space<vmem>>
    %dma_start3A_1517 = tpu.memref_squeeze %dma_start3A_1516 : memref<1x32x256xf32, #tpu.memory_space<vmem>> -> memref<32x256xf32, #tpu.memory_space<vmem>>
    tpu.enqueue_dma source(%dma_start3A_1517 : memref<32x256xf32, #tpu.memory_space<vmem>>) target(%dma_start3A_1513 : memref<32x256xf32, #tpu.memory_space<hbm>>) target_semaphore(%arg18 : memref<!tpu.dma_semaphore, #tpu.memory_space<semaphore_mem>>)
    %dma_wait3A_1518 = arith.constant 1 : i32
    %dma_wait3A_1519 = arith.constant 0 : i32
    %dma_wait3A_1520 = arith.constant 0 : i32
    %dma_wait3A_1521 = tpu.memref_slice %arg12[%dma_wait3A_1518, %dma_wait3A_1519, %dma_wait3A_1520] : memref<2x32x1024xf32, #tpu.memory_space<vmem>> -> memref<1x32x1024xf32, #tpu.memory_space<vmem>>
    %dma_wait3A_1522 = tpu.memref_squeeze %dma_wait3A_1521 : memref<1x32x1024xf32, #tpu.memory_space<vmem>> -> memref<32x1024xf32, #tpu.memory_space<vmem>>
    %dma_wait3A_1523 = arith.constant 0 : i32
    %dma_wait3A_1524 = tpu.memref_slice %arg8[%add3A_1478, %dma_wait3A_1523] : memref<16384x1536xf32, #tpu.memory_space<hbm>> -> memref<32x1024xf32, #tpu.memory_space<hbm>>
    %dma_wait3A_1525 = arith.constant 0 : i32
    %dma_wait3A_1526 = tpu.memref_slice %arg8[%add3A_1478, %dma_wait3A_1525] : memref<16384x1536xf32, #tpu.memory_space<hbm>> -> memref<32x1024xf32, #tpu.memory_space<hbm>>
    %dma_wait3A_1527 = arith.constant 0 : i32
    %dma_wait3A_1528 = arith.constant 0 : i32
    %dma_wait3A_1529 = tpu.memref_slice %arg12[%dma_wait3A_1518, %dma_wait3A_1527, %dma_wait3A_1528] : memref<2x32x1024xf32, #tpu.memory_space<vmem>> -> memref<1x32x1024xf32, #tpu.memory_space<vmem>>
    %dma_wait3A_1530 = tpu.memref_squeeze %dma_wait3A_1529 : memref<1x32x1024xf32, #tpu.memory_space<vmem>> -> memref<32x1024xf32, #tpu.memory_space<vmem>>
    tpu.wait_dma2 semaphore(%arg18 : memref<!tpu.dma_semaphore, #tpu.memory_space<semaphore_mem>>) src(%dma_wait3A_1530 : memref<32x1024xf32, #tpu.memory_space<vmem>>) dst(%dma_wait3A_1526 : memref<32x1024xf32, #tpu.memory_space<hbm>>)
    %dma_wait3A_1531 = arith.constant 1 : i32
    %dma_wait3A_1532 = arith.constant 0 : i32
    %dma_wait3A_1533 = arith.constant 0 : i32
    %dma_wait3A_1534 = tpu.memref_slice %arg13[%dma_wait3A_1531, %dma_wait3A_1532, %dma_wait3A_1533] : memref<2x32x256xf32, #tpu.memory_space<vmem>> -> memref<1x32x256xf32, #tpu.memory_space<vmem>>
    %dma_wait3A_1535 = tpu.memref_squeeze %dma_wait3A_1534 : memref<1x32x256xf32, #tpu.memory_space<vmem>> -> memref<32x256xf32, #tpu.memory_space<vmem>>
    %dma_wait3A_1536 = arith.constant 1024 : i32
    %dma_wait3A_1537 = tpu.memref_slice %arg8[%add3A_1478, %dma_wait3A_1536] : memref<16384x1536xf32, #tpu.memory_space<hbm>> -> memref<32x256xf32, #tpu.memory_space<hbm>>
    %dma_wait3A_1538 = arith.constant 1024 : i32
    %dma_wait3A_1539 = tpu.memref_slice %arg8[%add3A_1478, %dma_wait3A_1538] : memref<16384x1536xf32, #tpu.memory_space<hbm>> -> memref<32x256xf32, #tpu.memory_space<hbm>>
    %dma_wait3A_1540 = arith.constant 0 : i32
    %dma_wait3A_1541 = arith.constant 0 : i32
    %dma_wait3A_1542 = tpu.memref_slice %arg13[%dma_wait3A_1531, %dma_wait3A_1540, %dma_wait3A_1541] : memref<2x32x256xf32, #tpu.memory_space<vmem>> -> memref<1x32x256xf32, #tpu.memory_space<vmem>>
    %dma_wait3A_1543 = tpu.memref_squeeze %dma_wait3A_1542 : memref<1x32x256xf32, #tpu.memory_space<vmem>> -> memref<32x256xf32, #tpu.memory_space<vmem>>
    tpu.wait_dma2 semaphore(%arg18 : memref<!tpu.dma_semaphore, #tpu.memory_space<semaphore_mem>>) src(%dma_wait3A_1543 : memref<32x256xf32, #tpu.memory_space<vmem>>) dst(%dma_wait3A_1539 : memref<32x256xf32, #tpu.memory_space<hbm>>)
    %dma_wait3A_1544 = arith.constant 1 : i32
    %dma_wait3A_1545 = arith.constant 0 : i32
    %dma_wait3A_1546 = arith.constant 0 : i32
    %dma_wait3A_1547 = tpu.memref_slice %arg14[%dma_wait3A_1544, %dma_wait3A_1545, %dma_wait3A_1546] : memref<2x32x256xf32, #tpu.memory_space<vmem>> -> memref<1x32x256xf32, #tpu.memory_space<vmem>>
    %dma_wait3A_1548 = tpu.memref_squeeze %dma_wait3A_1547 : memref<1x32x256xf32, #tpu.memory_space<vmem>> -> memref<32x256xf32, #tpu.memory_space<vmem>>
    %dma_wait3A_1549 = arith.constant 1280 : i32
    %dma_wait3A_1550 = tpu.memref_slice %arg8[%add3A_1478, %dma_wait3A_1549] : memref<16384x1536xf32, #tpu.memory_space<hbm>> -> memref<32x256xf32, #tpu.memory_space<hbm>>
    %dma_wait3A_1551 = arith.constant 1280 : i32
    %dma_wait3A_1552 = tpu.memref_slice %arg8[%add3A_1478, %dma_wait3A_1551] : memref<16384x1536xf32, #tpu.memory_space<hbm>> -> memref<32x256xf32, #tpu.memory_space<hbm>>
    %dma_wait3A_1553 = arith.constant 0 : i32
    %dma_wait3A_1554 = arith.constant 0 : i32
    %dma_wait3A_1555 = tpu.memref_slice %arg14[%dma_wait3A_1544, %dma_wait3A_1553, %dma_wait3A_1554] : memref<2x32x256xf32, #tpu.memory_space<vmem>> -> memref<1x32x256xf32, #tpu.memory_space<vmem>>
    %dma_wait3A_1556 = tpu.memref_squeeze %dma_wait3A_1555 : memref<1x32x256xf32, #tpu.memory_space<vmem>> -> memref<32x256xf32, #tpu.memory_space<vmem>>
    tpu.wait_dma2 semaphore(%arg18 : memref<!tpu.dma_semaphore, #tpu.memory_space<semaphore_mem>>) src(%dma_wait3A_1556 : memref<32x256xf32, #tpu.memory_space<vmem>>) dst(%dma_wait3A_1552 : memref<32x256xf32, #tpu.memory_space<hbm>>)
    %dma_start3A_1557 = arith.constant 11 : i32
    %dma_start3A_1558 = arith.constant 1 : i32
    %dma_start3A_1559 = arith.constant 0 : i32
    %dma_start3A_1560 = arith.constant 0 : i32
    %dma_start3A_1561 = tpu.memref_slice %arg12[%dma_start3A_1558, %dma_start3A_1559, %dma_start3A_1560] : memref<2x32x1024xf32, #tpu.memory_space<vmem>> -> memref<1x32x1024xf32, #tpu.memory_space<vmem>>
    %dma_start3A_1562 = tpu.memref_squeeze %dma_start3A_1561 : memref<1x32x1024xf32, #tpu.memory_space<vmem>> -> memref<32x1024xf32, #tpu.memory_space<vmem>>
    %dma_start3A_1563 = arith.constant 0 : i32
    %dma_start3A_1564 = tpu.memref_slice %arg9[%dma_start3A_1557, %dma_start3A_1563] : memref<16x32xi32, #tpu.memory_space<vmem>> -> memref<1x32xi32, #tpu.memory_space<vmem>>
    %dma_start3A_1565 = tpu.memref_squeeze %dma_start3A_1564 : memref<1x32xi32, #tpu.memory_space<vmem>> -> memref<32xi32, #tpu.memory_space<vmem>>
    %dma_start3A_1566 = arith.constant 0 : i32
    %dma_start3A_1567 = arith.constant 0 : i32
    %dma_start3A_1568 = tpu.memref_slice %arg5[%dma_start3A_1566, %dma_start3A_1567] : memref<5x1024xf32, #tpu.memory_space<hbm>> -> memref<5x1024xf32, #tpu.memory_space<hbm>>
    tpu.enqueue_indirect_dma source(%dma_start3A_1568 : memref<5x1024xf32, #tpu.memory_space<hbm>>) target(%dma_start3A_1562 : memref<32x1024xf32, #tpu.memory_space<vmem>>) offsets(%dma_start3A_1565 : memref<32xi32, #tpu.memory_space<vmem>>) semaphore(%arg16 : memref<!tpu.dma_semaphore, #tpu.memory_space<semaphore_mem>>)
    %dma_start3A_1569 = arith.constant 11 : i32
    %dma_start3A_1570 = arith.constant 1 : i32
    %dma_start3A_1571 = arith.constant 0 : i32
    %dma_start3A_1572 = arith.constant 0 : i32
    %dma_start3A_1573 = tpu.memref_slice %arg13[%dma_start3A_1570, %dma_start3A_1571, %dma_start3A_1572] : memref<2x32x256xf32, #tpu.memory_space<vmem>> -> memref<1x32x256xf32, #tpu.memory_space<vmem>>
    %dma_start3A_1574 = tpu.memref_squeeze %dma_start3A_1573 : memref<1x32x256xf32, #tpu.memory_space<vmem>> -> memref<32x256xf32, #tpu.memory_space<vmem>>
    %dma_start3A_1575 = arith.constant 0 : i32
    %dma_start3A_1576 = tpu.memref_slice %arg10[%dma_start3A_1569, %dma_start3A_1575] : memref<16x32xi32, #tpu.memory_space<vmem>> -> memref<1x32xi32, #tpu.memory_space<vmem>>
    %dma_start3A_1577 = tpu.memref_squeeze %dma_start3A_1576 : memref<1x32xi32, #tpu.memory_space<vmem>> -> memref<32xi32, #tpu.memory_space<vmem>>
    %dma_start3A_1578 = arith.constant 0 : i32
    %dma_start3A_1579 = arith.constant 0 : i32
    %dma_start3A_1580 = tpu.memref_slice %arg6[%dma_start3A_1578, %dma_start3A_1579] : memref<50x256xf32, #tpu.memory_space<hbm>> -> memref<50x256xf32, #tpu.memory_space<hbm>>
    tpu.enqueue_indirect_dma source(%dma_start3A_1580 : memref<50x256xf32, #tpu.memory_space<hbm>>) target(%dma_start3A_1574 : memref<32x256xf32, #tpu.memory_space<vmem>>) offsets(%dma_start3A_1577 : memref<32xi32, #tpu.memory_space<vmem>>) semaphore(%arg16 : memref<!tpu.dma_semaphore, #tpu.memory_space<semaphore_mem>>)
    %dma_start3A_1581 = arith.constant 11 : i32
    %dma_start3A_1582 = arith.constant 1 : i32
    %dma_start3A_1583 = arith.constant 0 : i32
    %dma_start3A_1584 = arith.constant 0 : i32
    %dma_start3A_1585 = tpu.memref_slice %arg14[%dma_start3A_1582, %dma_start3A_1583, %dma_start3A_1584] : memref<2x32x256xf32, #tpu.memory_space<vmem>> -> memref<1x32x256xf32, #tpu.memory_space<vmem>>
    %dma_start3A_1586 = tpu.memref_squeeze %dma_start3A_1585 : memref<1x32x256xf32, #tpu.memory_space<vmem>> -> memref<32x256xf32, #tpu.memory_space<vmem>>
    %dma_start3A_1587 = arith.constant 0 : i32
    %dma_start3A_1588 = tpu.memref_slice %arg11[%dma_start3A_1581, %dma_start3A_1587] : memref<16x32xi32, #tpu.memory_space<vmem>> -> memref<1x32xi32, #tpu.memory_space<vmem>>
    %dma_start3A_1589 = tpu.memref_squeeze %dma_start3A_1588 : memref<1x32xi32, #tpu.memory_space<vmem>> -> memref<32xi32, #tpu.memory_space<vmem>>
    %dma_start3A_1590 = arith.constant 0 : i32
    %dma_start3A_1591 = arith.constant 0 : i32
    %dma_start3A_1592 = tpu.memref_slice %arg7[%dma_start3A_1590, %dma_start3A_1591] : memref<50x256xf32, #tpu.memory_space<hbm>> -> memref<50x256xf32, #tpu.memory_space<hbm>>
    tpu.enqueue_indirect_dma source(%dma_start3A_1592 : memref<50x256xf32, #tpu.memory_space<hbm>>) target(%dma_start3A_1586 : memref<32x256xf32, #tpu.memory_space<vmem>>) offsets(%dma_start3A_1589 : memref<32xi32, #tpu.memory_space<vmem>>) semaphore(%arg16 : memref<!tpu.dma_semaphore, #tpu.memory_space<semaphore_mem>>)
    %dma_wait3A_1593 = arith.constant 10 : i32
    %dma_wait3A_1594 = arith.constant 0 : i32
    %dma_wait3A_1595 = arith.constant 0 : i32
    %dma_wait3A_1596 = arith.constant 0 : i32
    %dma_wait3A_1597 = tpu.memref_slice %arg12[%dma_wait3A_1594, %dma_wait3A_1595, %dma_wait3A_1596] : memref<2x32x1024xf32, #tpu.memory_space<vmem>> -> memref<1x32x1024xf32, #tpu.memory_space<vmem>>
    %dma_wait3A_1598 = tpu.memref_squeeze %dma_wait3A_1597 : memref<1x32x1024xf32, #tpu.memory_space<vmem>> -> memref<32x1024xf32, #tpu.memory_space<vmem>>
    %dma_wait3A_1599 = arith.constant 0 : i32
    %dma_wait3A_1600 = tpu.memref_slice %arg9[%dma_wait3A_1593, %dma_wait3A_1599] : memref<16x32xi32, #tpu.memory_space<vmem>> -> memref<1x32xi32, #tpu.memory_space<vmem>>
    %dma_wait3A_1601 = tpu.memref_squeeze %dma_wait3A_1600 : memref<1x32xi32, #tpu.memory_space<vmem>> -> memref<32xi32, #tpu.memory_space<vmem>>
    %dma_wait3A_1602 = arith.constant 0 : i32
    %dma_wait3A_1603 = arith.constant 0 : i32
    %dma_wait3A_1604 = tpu.memref_slice %arg5[%dma_wait3A_1602, %dma_wait3A_1603] : memref<5x1024xf32, #tpu.memory_space<hbm>> -> memref<5x1024xf32, #tpu.memory_space<hbm>>
    tpu.wait_indirect_dma semaphore(%arg15 : memref<!tpu.dma_semaphore, #tpu.memory_space<semaphore_mem>>) src(%dma_wait3A_1604 : memref<5x1024xf32, #tpu.memory_space<hbm>>) dst(%dma_wait3A_1598 : memref<32x1024xf32, #tpu.memory_space<vmem>>)
    %dma_wait3A_1605 = arith.constant 10 : i32
    %dma_wait3A_1606 = arith.constant 0 : i32
    %dma_wait3A_1607 = arith.constant 0 : i32
    %dma_wait3A_1608 = arith.constant 0 : i32
    %dma_wait3A_1609 = tpu.memref_slice %arg13[%dma_wait3A_1606, %dma_wait3A_1607, %dma_wait3A_1608] : memref<2x32x256xf32, #tpu.memory_space<vmem>> -> memref<1x32x256xf32, #tpu.memory_space<vmem>>
    %dma_wait3A_1610 = tpu.memref_squeeze %dma_wait3A_1609 : memref<1x32x256xf32, #tpu.memory_space<vmem>> -> memref<32x256xf32, #tpu.memory_space<vmem>>
    %dma_wait3A_1611 = arith.constant 0 : i32
    %dma_wait3A_1612 = tpu.memref_slice %arg10[%dma_wait3A_1605, %dma_wait3A_1611] : memref<16x32xi32, #tpu.memory_space<vmem>> -> memref<1x32xi32, #tpu.memory_space<vmem>>
    %dma_wait3A_1613 = tpu.memref_squeeze %dma_wait3A_1612 : memref<1x32xi32, #tpu.memory_space<vmem>> -> memref<32xi32, #tpu.memory_space<vmem>>
    %dma_wait3A_1614 = arith.constant 0 : i32
    %dma_wait3A_1615 = arith.constant 0 : i32
    %dma_wait3A_1616 = tpu.memref_slice %arg6[%dma_wait3A_1614, %dma_wait3A_1615] : memref<50x256xf32, #tpu.memory_space<hbm>> -> memref<50x256xf32, #tpu.memory_space<hbm>>
    tpu.wait_indirect_dma semaphore(%arg15 : memref<!tpu.dma_semaphore, #tpu.memory_space<semaphore_mem>>) src(%dma_wait3A_1616 : memref<50x256xf32, #tpu.memory_space<hbm>>) dst(%dma_wait3A_1610 : memref<32x256xf32, #tpu.memory_space<vmem>>)
    %dma_wait3A_1617 = arith.constant 10 : i32
    %dma_wait3A_1618 = arith.constant 0 : i32
    %dma_wait3A_1619 = arith.constant 0 : i32
    %dma_wait3A_1620 = arith.constant 0 : i32
    %dma_wait3A_1621 = tpu.memref_slice %arg14[%dma_wait3A_1618, %dma_wait3A_1619, %dma_wait3A_1620] : memref<2x32x256xf32, #tpu.memory_space<vmem>> -> memref<1x32x256xf32, #tpu.memory_space<vmem>>
    %dma_wait3A_1622 = tpu.memref_squeeze %dma_wait3A_1621 : memref<1x32x256xf32, #tpu.memory_space<vmem>> -> memref<32x256xf32, #tpu.memory_space<vmem>>
    %dma_wait3A_1623 = arith.constant 0 : i32
    %dma_wait3A_1624 = tpu.memref_slice %arg11[%dma_wait3A_1617, %dma_wait3A_1623] : memref<16x32xi32, #tpu.memory_space<vmem>> -> memref<1x32xi32, #tpu.memory_space<vmem>>
    %dma_wait3A_1625 = tpu.memref_squeeze %dma_wait3A_1624 : memref<1x32xi32, #tpu.memory_space<vmem>> -> memref<32xi32, #tpu.memory_space<vmem>>
    %dma_wait3A_1626 = arith.constant 0 : i32
    %dma_wait3A_1627 = arith.constant 0 : i32
    %dma_wait3A_1628 = tpu.memref_slice %arg7[%dma_wait3A_1626, %dma_wait3A_1627] : memref<50x256xf32, #tpu.memory_space<hbm>> -> memref<50x256xf32, #tpu.memory_space<hbm>>
    tpu.wait_indirect_dma semaphore(%arg15 : memref<!tpu.dma_semaphore, #tpu.memory_space<semaphore_mem>>) src(%dma_wait3A_1628 : memref<50x256xf32, #tpu.memory_space<hbm>>) dst(%dma_wait3A_1622 : memref<32x256xf32, #tpu.memory_space<vmem>>)
    %add3A_1629 = arith.constant 320 : i32
    %add3A_1630 = arith.addi %mul3A_2, %add3A_1629 : i32
    %dma_start3A_1631 = arith.constant 0 : i32
    %dma_start3A_1632 = arith.constant 0 : i32
    %dma_start3A_1633 = arith.constant 0 : i32
    %dma_start3A_1634 = tpu.memref_slice %arg12[%dma_start3A_1631, %dma_start3A_1632, %dma_start3A_1633] : memref<2x32x1024xf32, #tpu.memory_space<vmem>> -> memref<1x32x1024xf32, #tpu.memory_space<vmem>>
    %dma_start3A_1635 = tpu.memref_squeeze %dma_start3A_1634 : memref<1x32x1024xf32, #tpu.memory_space<vmem>> -> memref<32x1024xf32, #tpu.memory_space<vmem>>
    %dma_start3A_1636 = arith.constant 0 : i32
    %dma_start3A_1637 = tpu.memref_slice %arg8[%add3A_1630, %dma_start3A_1636] : memref<16384x1536xf32, #tpu.memory_space<hbm>> -> memref<32x1024xf32, #tpu.memory_space<hbm>>
    %dma_start3A_1638 = arith.constant 0 : i32
    %dma_start3A_1639 = tpu.memref_slice %arg8[%add3A_1630, %dma_start3A_1638] : memref<16384x1536xf32, #tpu.memory_space<hbm>> -> memref<32x1024xf32, #tpu.memory_space<hbm>>
    %dma_start3A_1640 = arith.constant 0 : i32
    %dma_start3A_1641 = arith.constant 0 : i32
    %dma_start3A_1642 = tpu.memref_slice %arg12[%dma_start3A_1631, %dma_start3A_1640, %dma_start3A_1641] : memref<2x32x1024xf32, #tpu.memory_space<vmem>> -> memref<1x32x1024xf32, #tpu.memory_space<vmem>>
    %dma_start3A_1643 = tpu.memref_squeeze %dma_start3A_1642 : memref<1x32x1024xf32, #tpu.memory_space<vmem>> -> memref<32x1024xf32, #tpu.memory_space<vmem>>
    tpu.enqueue_dma source(%dma_start3A_1643 : memref<32x1024xf32, #tpu.memory_space<vmem>>) target(%dma_start3A_1639 : memref<32x1024xf32, #tpu.memory_space<hbm>>) target_semaphore(%arg17 : memref<!tpu.dma_semaphore, #tpu.memory_space<semaphore_mem>>)
    %dma_start3A_1644 = arith.constant 0 : i32
    %dma_start3A_1645 = arith.constant 0 : i32
    %dma_start3A_1646 = arith.constant 0 : i32
    %dma_start3A_1647 = tpu.memref_slice %arg13[%dma_start3A_1644, %dma_start3A_1645, %dma_start3A_1646] : memref<2x32x256xf32, #tpu.memory_space<vmem>> -> memref<1x32x256xf32, #tpu.memory_space<vmem>>
    %dma_start3A_1648 = tpu.memref_squeeze %dma_start3A_1647 : memref<1x32x256xf32, #tpu.memory_space<vmem>> -> memref<32x256xf32, #tpu.memory_space<vmem>>
    %dma_start3A_1649 = arith.constant 1024 : i32
    %dma_start3A_1650 = tpu.memref_slice %arg8[%add3A_1630, %dma_start3A_1649] : memref<16384x1536xf32, #tpu.memory_space<hbm>> -> memref<32x256xf32, #tpu.memory_space<hbm>>
    %dma_start3A_1651 = arith.constant 1024 : i32
    %dma_start3A_1652 = tpu.memref_slice %arg8[%add3A_1630, %dma_start3A_1651] : memref<16384x1536xf32, #tpu.memory_space<hbm>> -> memref<32x256xf32, #tpu.memory_space<hbm>>
    %dma_start3A_1653 = arith.constant 0 : i32
    %dma_start3A_1654 = arith.constant 0 : i32
    %dma_start3A_1655 = tpu.memref_slice %arg13[%dma_start3A_1644, %dma_start3A_1653, %dma_start3A_1654] : memref<2x32x256xf32, #tpu.memory_space<vmem>> -> memref<1x32x256xf32, #tpu.memory_space<vmem>>
    %dma_start3A_1656 = tpu.memref_squeeze %dma_start3A_1655 : memref<1x32x256xf32, #tpu.memory_space<vmem>> -> memref<32x256xf32, #tpu.memory_space<vmem>>
    tpu.enqueue_dma source(%dma_start3A_1656 : memref<32x256xf32, #tpu.memory_space<vmem>>) target(%dma_start3A_1652 : memref<32x256xf32, #tpu.memory_space<hbm>>) target_semaphore(%arg17 : memref<!tpu.dma_semaphore, #tpu.memory_space<semaphore_mem>>)
    %dma_start3A_1657 = arith.constant 0 : i32
    %dma_start3A_1658 = arith.constant 0 : i32
    %dma_start3A_1659 = arith.constant 0 : i32
    %dma_start3A_1660 = tpu.memref_slice %arg14[%dma_start3A_1657, %dma_start3A_1658, %dma_start3A_1659] : memref<2x32x256xf32, #tpu.memory_space<vmem>> -> memref<1x32x256xf32, #tpu.memory_space<vmem>>
    %dma_start3A_1661 = tpu.memref_squeeze %dma_start3A_1660 : memref<1x32x256xf32, #tpu.memory_space<vmem>> -> memref<32x256xf32, #tpu.memory_space<vmem>>
    %dma_start3A_1662 = arith.constant 1280 : i32
    %dma_start3A_1663 = tpu.memref_slice %arg8[%add3A_1630, %dma_start3A_1662] : memref<16384x1536xf32, #tpu.memory_space<hbm>> -> memref<32x256xf32, #tpu.memory_space<hbm>>
    %dma_start3A_1664 = arith.constant 1280 : i32
    %dma_start3A_1665 = tpu.memref_slice %arg8[%add3A_1630, %dma_start3A_1664] : memref<16384x1536xf32, #tpu.memory_space<hbm>> -> memref<32x256xf32, #tpu.memory_space<hbm>>
    %dma_start3A_1666 = arith.constant 0 : i32
    %dma_start3A_1667 = arith.constant 0 : i32
    %dma_start3A_1668 = tpu.memref_slice %arg14[%dma_start3A_1657, %dma_start3A_1666, %dma_start3A_1667] : memref<2x32x256xf32, #tpu.memory_space<vmem>> -> memref<1x32x256xf32, #tpu.memory_space<vmem>>
    %dma_start3A_1669 = tpu.memref_squeeze %dma_start3A_1668 : memref<1x32x256xf32, #tpu.memory_space<vmem>> -> memref<32x256xf32, #tpu.memory_space<vmem>>
    tpu.enqueue_dma source(%dma_start3A_1669 : memref<32x256xf32, #tpu.memory_space<vmem>>) target(%dma_start3A_1665 : memref<32x256xf32, #tpu.memory_space<hbm>>) target_semaphore(%arg17 : memref<!tpu.dma_semaphore, #tpu.memory_space<semaphore_mem>>)
    %dma_wait3A_1670 = arith.constant 0 : i32
    %dma_wait3A_1671 = arith.constant 0 : i32
    %dma_wait3A_1672 = arith.constant 0 : i32
    %dma_wait3A_1673 = tpu.memref_slice %arg12[%dma_wait3A_1670, %dma_wait3A_1671, %dma_wait3A_1672] : memref<2x32x1024xf32, #tpu.memory_space<vmem>> -> memref<1x32x1024xf32, #tpu.memory_space<vmem>>
    %dma_wait3A_1674 = tpu.memref_squeeze %dma_wait3A_1673 : memref<1x32x1024xf32, #tpu.memory_space<vmem>> -> memref<32x1024xf32, #tpu.memory_space<vmem>>
    %dma_wait3A_1675 = arith.constant 0 : i32
    %dma_wait3A_1676 = tpu.memref_slice %arg8[%add3A_1630, %dma_wait3A_1675] : memref<16384x1536xf32, #tpu.memory_space<hbm>> -> memref<32x1024xf32, #tpu.memory_space<hbm>>
    %dma_wait3A_1677 = arith.constant 0 : i32
    %dma_wait3A_1678 = tpu.memref_slice %arg8[%add3A_1630, %dma_wait3A_1677] : memref<16384x1536xf32, #tpu.memory_space<hbm>> -> memref<32x1024xf32, #tpu.memory_space<hbm>>
    %dma_wait3A_1679 = arith.constant 0 : i32
    %dma_wait3A_1680 = arith.constant 0 : i32
    %dma_wait3A_1681 = tpu.memref_slice %arg12[%dma_wait3A_1670, %dma_wait3A_1679, %dma_wait3A_1680] : memref<2x32x1024xf32, #tpu.memory_space<vmem>> -> memref<1x32x1024xf32, #tpu.memory_space<vmem>>
    %dma_wait3A_1682 = tpu.memref_squeeze %dma_wait3A_1681 : memref<1x32x1024xf32, #tpu.memory_space<vmem>> -> memref<32x1024xf32, #tpu.memory_space<vmem>>
    tpu.wait_dma2 semaphore(%arg17 : memref<!tpu.dma_semaphore, #tpu.memory_space<semaphore_mem>>) src(%dma_wait3A_1682 : memref<32x1024xf32, #tpu.memory_space<vmem>>) dst(%dma_wait3A_1678 : memref<32x1024xf32, #tpu.memory_space<hbm>>)
    %dma_wait3A_1683 = arith.constant 0 : i32
    %dma_wait3A_1684 = arith.constant 0 : i32
    %dma_wait3A_1685 = arith.constant 0 : i32
    %dma_wait3A_1686 = tpu.memref_slice %arg13[%dma_wait3A_1683, %dma_wait3A_1684, %dma_wait3A_1685] : memref<2x32x256xf32, #tpu.memory_space<vmem>> -> memref<1x32x256xf32, #tpu.memory_space<vmem>>
    %dma_wait3A_1687 = tpu.memref_squeeze %dma_wait3A_1686 : memref<1x32x256xf32, #tpu.memory_space<vmem>> -> memref<32x256xf32, #tpu.memory_space<vmem>>
    %dma_wait3A_1688 = arith.constant 1024 : i32
    %dma_wait3A_1689 = tpu.memref_slice %arg8[%add3A_1630, %dma_wait3A_1688] : memref<16384x1536xf32, #tpu.memory_space<hbm>> -> memref<32x256xf32, #tpu.memory_space<hbm>>
    %dma_wait3A_1690 = arith.constant 1024 : i32
    %dma_wait3A_1691 = tpu.memref_slice %arg8[%add3A_1630, %dma_wait3A_1690] : memref<16384x1536xf32, #tpu.memory_space<hbm>> -> memref<32x256xf32, #tpu.memory_space<hbm>>
    %dma_wait3A_1692 = arith.constant 0 : i32
    %dma_wait3A_1693 = arith.constant 0 : i32
    %dma_wait3A_1694 = tpu.memref_slice %arg13[%dma_wait3A_1683, %dma_wait3A_1692, %dma_wait3A_1693] : memref<2x32x256xf32, #tpu.memory_space<vmem>> -> memref<1x32x256xf32, #tpu.memory_space<vmem>>
    %dma_wait3A_1695 = tpu.memref_squeeze %dma_wait3A_1694 : memref<1x32x256xf32, #tpu.memory_space<vmem>> -> memref<32x256xf32, #tpu.memory_space<vmem>>
    tpu.wait_dma2 semaphore(%arg17 : memref<!tpu.dma_semaphore, #tpu.memory_space<semaphore_mem>>) src(%dma_wait3A_1695 : memref<32x256xf32, #tpu.memory_space<vmem>>) dst(%dma_wait3A_1691 : memref<32x256xf32, #tpu.memory_space<hbm>>)
    %dma_wait3A_1696 = arith.constant 0 : i32
    %dma_wait3A_1697 = arith.constant 0 : i32
    %dma_wait3A_1698 = arith.constant 0 : i32
    %dma_wait3A_1699 = tpu.memref_slice %arg14[%dma_wait3A_1696, %dma_wait3A_1697, %dma_wait3A_1698] : memref<2x32x256xf32, #tpu.memory_space<vmem>> -> memref<1x32x256xf32, #tpu.memory_space<vmem>>
    %dma_wait3A_1700 = tpu.memref_squeeze %dma_wait3A_1699 : memref<1x32x256xf32, #tpu.memory_space<vmem>> -> memref<32x256xf32, #tpu.memory_space<vmem>>
    %dma_wait3A_1701 = arith.constant 1280 : i32
    %dma_wait3A_1702 = tpu.memref_slice %arg8[%add3A_1630, %dma_wait3A_1701] : memref<16384x1536xf32, #tpu.memory_space<hbm>> -> memref<32x256xf32, #tpu.memory_space<hbm>>
    %dma_wait3A_1703 = arith.constant 1280 : i32
    %dma_wait3A_1704 = tpu.memref_slice %arg8[%add3A_1630, %dma_wait3A_1703] : memref<16384x1536xf32, #tpu.memory_space<hbm>> -> memref<32x256xf32, #tpu.memory_space<hbm>>
    %dma_wait3A_1705 = arith.constant 0 : i32
    %dma_wait3A_1706 = arith.constant 0 : i32
    %dma_wait3A_1707 = tpu.memref_slice %arg14[%dma_wait3A_1696, %dma_wait3A_1705, %dma_wait3A_1706] : memref<2x32x256xf32, #tpu.memory_space<vmem>> -> memref<1x32x256xf32, #tpu.memory_space<vmem>>
    %dma_wait3A_1708 = tpu.memref_squeeze %dma_wait3A_1707 : memref<1x32x256xf32, #tpu.memory_space<vmem>> -> memref<32x256xf32, #tpu.memory_space<vmem>>
    tpu.wait_dma2 semaphore(%arg17 : memref<!tpu.dma_semaphore, #tpu.memory_space<semaphore_mem>>) src(%dma_wait3A_1708 : memref<32x256xf32, #tpu.memory_space<vmem>>) dst(%dma_wait3A_1704 : memref<32x256xf32, #tpu.memory_space<hbm>>)
    %dma_start3A_1709 = arith.constant 12 : i32
    %dma_start3A_1710 = arith.constant 0 : i32
    %dma_start3A_1711 = arith.constant 0 : i32
    %dma_start3A_1712 = arith.constant 0 : i32
    %dma_start3A_1713 = tpu.memref_slice %arg12[%dma_start3A_1710, %dma_start3A_1711, %dma_start3A_1712] : memref<2x32x1024xf32, #tpu.memory_space<vmem>> -> memref<1x32x1024xf32, #tpu.memory_space<vmem>>
    %dma_start3A_1714 = tpu.memref_squeeze %dma_start3A_1713 : memref<1x32x1024xf32, #tpu.memory_space<vmem>> -> memref<32x1024xf32, #tpu.memory_space<vmem>>
    %dma_start3A_1715 = arith.constant 0 : i32
    %dma_start3A_1716 = tpu.memref_slice %arg9[%dma_start3A_1709, %dma_start3A_1715] : memref<16x32xi32, #tpu.memory_space<vmem>> -> memref<1x32xi32, #tpu.memory_space<vmem>>
    %dma_start3A_1717 = tpu.memref_squeeze %dma_start3A_1716 : memref<1x32xi32, #tpu.memory_space<vmem>> -> memref<32xi32, #tpu.memory_space<vmem>>
    %dma_start3A_1718 = arith.constant 0 : i32
    %dma_start3A_1719 = arith.constant 0 : i32
    %dma_start3A_1720 = tpu.memref_slice %arg5[%dma_start3A_1718, %dma_start3A_1719] : memref<5x1024xf32, #tpu.memory_space<hbm>> -> memref<5x1024xf32, #tpu.memory_space<hbm>>
    tpu.enqueue_indirect_dma source(%dma_start3A_1720 : memref<5x1024xf32, #tpu.memory_space<hbm>>) target(%dma_start3A_1714 : memref<32x1024xf32, #tpu.memory_space<vmem>>) offsets(%dma_start3A_1717 : memref<32xi32, #tpu.memory_space<vmem>>) semaphore(%arg15 : memref<!tpu.dma_semaphore, #tpu.memory_space<semaphore_mem>>)
    %dma_start3A_1721 = arith.constant 12 : i32
    %dma_start3A_1722 = arith.constant 0 : i32
    %dma_start3A_1723 = arith.constant 0 : i32
    %dma_start3A_1724 = arith.constant 0 : i32
    %dma_start3A_1725 = tpu.memref_slice %arg13[%dma_start3A_1722, %dma_start3A_1723, %dma_start3A_1724] : memref<2x32x256xf32, #tpu.memory_space<vmem>> -> memref<1x32x256xf32, #tpu.memory_space<vmem>>
    %dma_start3A_1726 = tpu.memref_squeeze %dma_start3A_1725 : memref<1x32x256xf32, #tpu.memory_space<vmem>> -> memref<32x256xf32, #tpu.memory_space<vmem>>
    %dma_start3A_1727 = arith.constant 0 : i32
    %dma_start3A_1728 = tpu.memref_slice %arg10[%dma_start3A_1721, %dma_start3A_1727] : memref<16x32xi32, #tpu.memory_space<vmem>> -> memref<1x32xi32, #tpu.memory_space<vmem>>
    %dma_start3A_1729 = tpu.memref_squeeze %dma_start3A_1728 : memref<1x32xi32, #tpu.memory_space<vmem>> -> memref<32xi32, #tpu.memory_space<vmem>>
    %dma_start3A_1730 = arith.constant 0 : i32
    %dma_start3A_1731 = arith.constant 0 : i32
    %dma_start3A_1732 = tpu.memref_slice %arg6[%dma_start3A_1730, %dma_start3A_1731] : memref<50x256xf32, #tpu.memory_space<hbm>> -> memref<50x256xf32, #tpu.memory_space<hbm>>
    tpu.enqueue_indirect_dma source(%dma_start3A_1732 : memref<50x256xf32, #tpu.memory_space<hbm>>) target(%dma_start3A_1726 : memref<32x256xf32, #tpu.memory_space<vmem>>) offsets(%dma_start3A_1729 : memref<32xi32, #tpu.memory_space<vmem>>) semaphore(%arg15 : memref<!tpu.dma_semaphore, #tpu.memory_space<semaphore_mem>>)
    %dma_start3A_1733 = arith.constant 12 : i32
    %dma_start3A_1734 = arith.constant 0 : i32
    %dma_start3A_1735 = arith.constant 0 : i32
    %dma_start3A_1736 = arith.constant 0 : i32
    %dma_start3A_1737 = tpu.memref_slice %arg14[%dma_start3A_1734, %dma_start3A_1735, %dma_start3A_1736] : memref<2x32x256xf32, #tpu.memory_space<vmem>> -> memref<1x32x256xf32, #tpu.memory_space<vmem>>
    %dma_start3A_1738 = tpu.memref_squeeze %dma_start3A_1737 : memref<1x32x256xf32, #tpu.memory_space<vmem>> -> memref<32x256xf32, #tpu.memory_space<vmem>>
    %dma_start3A_1739 = arith.constant 0 : i32
    %dma_start3A_1740 = tpu.memref_slice %arg11[%dma_start3A_1733, %dma_start3A_1739] : memref<16x32xi32, #tpu.memory_space<vmem>> -> memref<1x32xi32, #tpu.memory_space<vmem>>
    %dma_start3A_1741 = tpu.memref_squeeze %dma_start3A_1740 : memref<1x32xi32, #tpu.memory_space<vmem>> -> memref<32xi32, #tpu.memory_space<vmem>>
    %dma_start3A_1742 = arith.constant 0 : i32
    %dma_start3A_1743 = arith.constant 0 : i32
    %dma_start3A_1744 = tpu.memref_slice %arg7[%dma_start3A_1742, %dma_start3A_1743] : memref<50x256xf32, #tpu.memory_space<hbm>> -> memref<50x256xf32, #tpu.memory_space<hbm>>
    tpu.enqueue_indirect_dma source(%dma_start3A_1744 : memref<50x256xf32, #tpu.memory_space<hbm>>) target(%dma_start3A_1738 : memref<32x256xf32, #tpu.memory_space<vmem>>) offsets(%dma_start3A_1741 : memref<32xi32, #tpu.memory_space<vmem>>) semaphore(%arg15 : memref<!tpu.dma_semaphore, #tpu.memory_space<semaphore_mem>>)
    %dma_wait3A_1745 = arith.constant 11 : i32
    %dma_wait3A_1746 = arith.constant 1 : i32
    %dma_wait3A_1747 = arith.constant 0 : i32
    %dma_wait3A_1748 = arith.constant 0 : i32
    %dma_wait3A_1749 = tpu.memref_slice %arg12[%dma_wait3A_1746, %dma_wait3A_1747, %dma_wait3A_1748] : memref<2x32x1024xf32, #tpu.memory_space<vmem>> -> memref<1x32x1024xf32, #tpu.memory_space<vmem>>
    %dma_wait3A_1750 = tpu.memref_squeeze %dma_wait3A_1749 : memref<1x32x1024xf32, #tpu.memory_space<vmem>> -> memref<32x1024xf32, #tpu.memory_space<vmem>>
    %dma_wait3A_1751 = arith.constant 0 : i32
    %dma_wait3A_1752 = tpu.memref_slice %arg9[%dma_wait3A_1745, %dma_wait3A_1751] : memref<16x32xi32, #tpu.memory_space<vmem>> -> memref<1x32xi32, #tpu.memory_space<vmem>>
    %dma_wait3A_1753 = tpu.memref_squeeze %dma_wait3A_1752 : memref<1x32xi32, #tpu.memory_space<vmem>> -> memref<32xi32, #tpu.memory_space<vmem>>
    %dma_wait3A_1754 = arith.constant 0 : i32
    %dma_wait3A_1755 = arith.constant 0 : i32
    %dma_wait3A_1756 = tpu.memref_slice %arg5[%dma_wait3A_1754, %dma_wait3A_1755] : memref<5x1024xf32, #tpu.memory_space<hbm>> -> memref<5x1024xf32, #tpu.memory_space<hbm>>
    tpu.wait_indirect_dma semaphore(%arg16 : memref<!tpu.dma_semaphore, #tpu.memory_space<semaphore_mem>>) src(%dma_wait3A_1756 : memref<5x1024xf32, #tpu.memory_space<hbm>>) dst(%dma_wait3A_1750 : memref<32x1024xf32, #tpu.memory_space<vmem>>)
    %dma_wait3A_1757 = arith.constant 11 : i32
    %dma_wait3A_1758 = arith.constant 1 : i32
    %dma_wait3A_1759 = arith.constant 0 : i32
    %dma_wait3A_1760 = arith.constant 0 : i32
    %dma_wait3A_1761 = tpu.memref_slice %arg13[%dma_wait3A_1758, %dma_wait3A_1759, %dma_wait3A_1760] : memref<2x32x256xf32, #tpu.memory_space<vmem>> -> memref<1x32x256xf32, #tpu.memory_space<vmem>>
    %dma_wait3A_1762 = tpu.memref_squeeze %dma_wait3A_1761 : memref<1x32x256xf32, #tpu.memory_space<vmem>> -> memref<32x256xf32, #tpu.memory_space<vmem>>
    %dma_wait3A_1763 = arith.constant 0 : i32
    %dma_wait3A_1764 = tpu.memref_slice %arg10[%dma_wait3A_1757, %dma_wait3A_1763] : memref<16x32xi32, #tpu.memory_space<vmem>> -> memref<1x32xi32, #tpu.memory_space<vmem>>
    %dma_wait3A_1765 = tpu.memref_squeeze %dma_wait3A_1764 : memref<1x32xi32, #tpu.memory_space<vmem>> -> memref<32xi32, #tpu.memory_space<vmem>>
    %dma_wait3A_1766 = arith.constant 0 : i32
    %dma_wait3A_1767 = arith.constant 0 : i32
    %dma_wait3A_1768 = tpu.memref_slice %arg6[%dma_wait3A_1766, %dma_wait3A_1767] : memref<50x256xf32, #tpu.memory_space<hbm>> -> memref<50x256xf32, #tpu.memory_space<hbm>>
    tpu.wait_indirect_dma semaphore(%arg16 : memref<!tpu.dma_semaphore, #tpu.memory_space<semaphore_mem>>) src(%dma_wait3A_1768 : memref<50x256xf32, #tpu.memory_space<hbm>>) dst(%dma_wait3A_1762 : memref<32x256xf32, #tpu.memory_space<vmem>>)
    %dma_wait3A_1769 = arith.constant 11 : i32
    %dma_wait3A_1770 = arith.constant 1 : i32
    %dma_wait3A_1771 = arith.constant 0 : i32
    %dma_wait3A_1772 = arith.constant 0 : i32
    %dma_wait3A_1773 = tpu.memref_slice %arg14[%dma_wait3A_1770, %dma_wait3A_1771, %dma_wait3A_1772] : memref<2x32x256xf32, #tpu.memory_space<vmem>> -> memref<1x32x256xf32, #tpu.memory_space<vmem>>
    %dma_wait3A_1774 = tpu.memref_squeeze %dma_wait3A_1773 : memref<1x32x256xf32, #tpu.memory_space<vmem>> -> memref<32x256xf32, #tpu.memory_space<vmem>>
    %dma_wait3A_1775 = arith.constant 0 : i32
    %dma_wait3A_1776 = tpu.memref_slice %arg11[%dma_wait3A_1769, %dma_wait3A_1775] : memref<16x32xi32, #tpu.memory_space<vmem>> -> memref<1x32xi32, #tpu.memory_space<vmem>>
    %dma_wait3A_1777 = tpu.memref_squeeze %dma_wait3A_1776 : memref<1x32xi32, #tpu.memory_space<vmem>> -> memref<32xi32, #tpu.memory_space<vmem>>
    %dma_wait3A_1778 = arith.constant 0 : i32
    %dma_wait3A_1779 = arith.constant 0 : i32
    %dma_wait3A_1780 = tpu.memref_slice %arg7[%dma_wait3A_1778, %dma_wait3A_1779] : memref<50x256xf32, #tpu.memory_space<hbm>> -> memref<50x256xf32, #tpu.memory_space<hbm>>
    tpu.wait_indirect_dma semaphore(%arg16 : memref<!tpu.dma_semaphore, #tpu.memory_space<semaphore_mem>>) src(%dma_wait3A_1780 : memref<50x256xf32, #tpu.memory_space<hbm>>) dst(%dma_wait3A_1774 : memref<32x256xf32, #tpu.memory_space<vmem>>)
    %add3A_1781 = arith.constant 352 : i32
    %add3A_1782 = arith.addi %mul3A_2, %add3A_1781 : i32
    %dma_start3A_1783 = arith.constant 1 : i32
    %dma_start3A_1784 = arith.constant 0 : i32
    %dma_start3A_1785 = arith.constant 0 : i32
    %dma_start3A_1786 = tpu.memref_slice %arg12[%dma_start3A_1783, %dma_start3A_1784, %dma_start3A_1785] : memref<2x32x1024xf32, #tpu.memory_space<vmem>> -> memref<1x32x1024xf32, #tpu.memory_space<vmem>>
    %dma_start3A_1787 = tpu.memref_squeeze %dma_start3A_1786 : memref<1x32x1024xf32, #tpu.memory_space<vmem>> -> memref<32x1024xf32, #tpu.memory_space<vmem>>
    %dma_start3A_1788 = arith.constant 0 : i32
    %dma_start3A_1789 = tpu.memref_slice %arg8[%add3A_1782, %dma_start3A_1788] : memref<16384x1536xf32, #tpu.memory_space<hbm>> -> memref<32x1024xf32, #tpu.memory_space<hbm>>
    %dma_start3A_1790 = arith.constant 0 : i32
    %dma_start3A_1791 = tpu.memref_slice %arg8[%add3A_1782, %dma_start3A_1790] : memref<16384x1536xf32, #tpu.memory_space<hbm>> -> memref<32x1024xf32, #tpu.memory_space<hbm>>
    %dma_start3A_1792 = arith.constant 0 : i32
    %dma_start3A_1793 = arith.constant 0 : i32
    %dma_start3A_1794 = tpu.memref_slice %arg12[%dma_start3A_1783, %dma_start3A_1792, %dma_start3A_1793] : memref<2x32x1024xf32, #tpu.memory_space<vmem>> -> memref<1x32x1024xf32, #tpu.memory_space<vmem>>
    %dma_start3A_1795 = tpu.memref_squeeze %dma_start3A_1794 : memref<1x32x1024xf32, #tpu.memory_space<vmem>> -> memref<32x1024xf32, #tpu.memory_space<vmem>>
    tpu.enqueue_dma source(%dma_start3A_1795 : memref<32x1024xf32, #tpu.memory_space<vmem>>) target(%dma_start3A_1791 : memref<32x1024xf32, #tpu.memory_space<hbm>>) target_semaphore(%arg18 : memref<!tpu.dma_semaphore, #tpu.memory_space<semaphore_mem>>)
    %dma_start3A_1796 = arith.constant 1 : i32
    %dma_start3A_1797 = arith.constant 0 : i32
    %dma_start3A_1798 = arith.constant 0 : i32
    %dma_start3A_1799 = tpu.memref_slice %arg13[%dma_start3A_1796, %dma_start3A_1797, %dma_start3A_1798] : memref<2x32x256xf32, #tpu.memory_space<vmem>> -> memref<1x32x256xf32, #tpu.memory_space<vmem>>
    %dma_start3A_1800 = tpu.memref_squeeze %dma_start3A_1799 : memref<1x32x256xf32, #tpu.memory_space<vmem>> -> memref<32x256xf32, #tpu.memory_space<vmem>>
    %dma_start3A_1801 = arith.constant 1024 : i32
    %dma_start3A_1802 = tpu.memref_slice %arg8[%add3A_1782, %dma_start3A_1801] : memref<16384x1536xf32, #tpu.memory_space<hbm>> -> memref<32x256xf32, #tpu.memory_space<hbm>>
    %dma_start3A_1803 = arith.constant 1024 : i32
    %dma_start3A_1804 = tpu.memref_slice %arg8[%add3A_1782, %dma_start3A_1803] : memref<16384x1536xf32, #tpu.memory_space<hbm>> -> memref<32x256xf32, #tpu.memory_space<hbm>>
    %dma_start3A_1805 = arith.constant 0 : i32
    %dma_start3A_1806 = arith.constant 0 : i32
    %dma_start3A_1807 = tpu.memref_slice %arg13[%dma_start3A_1796, %dma_start3A_1805, %dma_start3A_1806] : memref<2x32x256xf32, #tpu.memory_space<vmem>> -> memref<1x32x256xf32, #tpu.memory_space<vmem>>
    %dma_start3A_1808 = tpu.memref_squeeze %dma_start3A_1807 : memref<1x32x256xf32, #tpu.memory_space<vmem>> -> memref<32x256xf32, #tpu.memory_space<vmem>>
    tpu.enqueue_dma source(%dma_start3A_1808 : memref<32x256xf32, #tpu.memory_space<vmem>>) target(%dma_start3A_1804 : memref<32x256xf32, #tpu.memory_space<hbm>>) target_semaphore(%arg18 : memref<!tpu.dma_semaphore, #tpu.memory_space<semaphore_mem>>)
    %dma_start3A_1809 = arith.constant 1 : i32
    %dma_start3A_1810 = arith.constant 0 : i32
    %dma_start3A_1811 = arith.constant 0 : i32
    %dma_start3A_1812 = tpu.memref_slice %arg14[%dma_start3A_1809, %dma_start3A_1810, %dma_start3A_1811] : memref<2x32x256xf32, #tpu.memory_space<vmem>> -> memref<1x32x256xf32, #tpu.memory_space<vmem>>
    %dma_start3A_1813 = tpu.memref_squeeze %dma_start3A_1812 : memref<1x32x256xf32, #tpu.memory_space<vmem>> -> memref<32x256xf32, #tpu.memory_space<vmem>>
    %dma_start3A_1814 = arith.constant 1280 : i32
    %dma_start3A_1815 = tpu.memref_slice %arg8[%add3A_1782, %dma_start3A_1814] : memref<16384x1536xf32, #tpu.memory_space<hbm>> -> memref<32x256xf32, #tpu.memory_space<hbm>>
    %dma_start3A_1816 = arith.constant 1280 : i32
    %dma_start3A_1817 = tpu.memref_slice %arg8[%add3A_1782, %dma_start3A_1816] : memref<16384x1536xf32, #tpu.memory_space<hbm>> -> memref<32x256xf32, #tpu.memory_space<hbm>>
    %dma_start3A_1818 = arith.constant 0 : i32
    %dma_start3A_1819 = arith.constant 0 : i32
    %dma_start3A_1820 = tpu.memref_slice %arg14[%dma_start3A_1809, %dma_start3A_1818, %dma_start3A_1819] : memref<2x32x256xf32, #tpu.memory_space<vmem>> -> memref<1x32x256xf32, #tpu.memory_space<vmem>>
    %dma_start3A_1821 = tpu.memref_squeeze %dma_start3A_1820 : memref<1x32x256xf32, #tpu.memory_space<vmem>> -> memref<32x256xf32, #tpu.memory_space<vmem>>
    tpu.enqueue_dma source(%dma_start3A_1821 : memref<32x256xf32, #tpu.memory_space<vmem>>) target(%dma_start3A_1817 : memref<32x256xf32, #tpu.memory_space<hbm>>) target_semaphore(%arg18 : memref<!tpu.dma_semaphore, #tpu.memory_space<semaphore_mem>>)
    %dma_wait3A_1822 = arith.constant 1 : i32
    %dma_wait3A_1823 = arith.constant 0 : i32
    %dma_wait3A_1824 = arith.constant 0 : i32
    %dma_wait3A_1825 = tpu.memref_slice %arg12[%dma_wait3A_1822, %dma_wait3A_1823, %dma_wait3A_1824] : memref<2x32x1024xf32, #tpu.memory_space<vmem>> -> memref<1x32x1024xf32, #tpu.memory_space<vmem>>
    %dma_wait3A_1826 = tpu.memref_squeeze %dma_wait3A_1825 : memref<1x32x1024xf32, #tpu.memory_space<vmem>> -> memref<32x1024xf32, #tpu.memory_space<vmem>>
    %dma_wait3A_1827 = arith.constant 0 : i32
    %dma_wait3A_1828 = tpu.memref_slice %arg8[%add3A_1782, %dma_wait3A_1827] : memref<16384x1536xf32, #tpu.memory_space<hbm>> -> memref<32x1024xf32, #tpu.memory_space<hbm>>
    %dma_wait3A_1829 = arith.constant 0 : i32
    %dma_wait3A_1830 = tpu.memref_slice %arg8[%add3A_1782, %dma_wait3A_1829] : memref<16384x1536xf32, #tpu.memory_space<hbm>> -> memref<32x1024xf32, #tpu.memory_space<hbm>>
    %dma_wait3A_1831 = arith.constant 0 : i32
    %dma_wait3A_1832 = arith.constant 0 : i32
    %dma_wait3A_1833 = tpu.memref_slice %arg12[%dma_wait3A_1822, %dma_wait3A_1831, %dma_wait3A_1832] : memref<2x32x1024xf32, #tpu.memory_space<vmem>> -> memref<1x32x1024xf32, #tpu.memory_space<vmem>>
    %dma_wait3A_1834 = tpu.memref_squeeze %dma_wait3A_1833 : memref<1x32x1024xf32, #tpu.memory_space<vmem>> -> memref<32x1024xf32, #tpu.memory_space<vmem>>
    tpu.wait_dma2 semaphore(%arg18 : memref<!tpu.dma_semaphore, #tpu.memory_space<semaphore_mem>>) src(%dma_wait3A_1834 : memref<32x1024xf32, #tpu.memory_space<vmem>>) dst(%dma_wait3A_1830 : memref<32x1024xf32, #tpu.memory_space<hbm>>)
    %dma_wait3A_1835 = arith.constant 1 : i32
    %dma_wait3A_1836 = arith.constant 0 : i32
    %dma_wait3A_1837 = arith.constant 0 : i32
    %dma_wait3A_1838 = tpu.memref_slice %arg13[%dma_wait3A_1835, %dma_wait3A_1836, %dma_wait3A_1837] : memref<2x32x256xf32, #tpu.memory_space<vmem>> -> memref<1x32x256xf32, #tpu.memory_space<vmem>>
    %dma_wait3A_1839 = tpu.memref_squeeze %dma_wait3A_1838 : memref<1x32x256xf32, #tpu.memory_space<vmem>> -> memref<32x256xf32, #tpu.memory_space<vmem>>
    %dma_wait3A_1840 = arith.constant 1024 : i32
    %dma_wait3A_1841 = tpu.memref_slice %arg8[%add3A_1782, %dma_wait3A_1840] : memref<16384x1536xf32, #tpu.memory_space<hbm>> -> memref<32x256xf32, #tpu.memory_space<hbm>>
    %dma_wait3A_1842 = arith.constant 1024 : i32
    %dma_wait3A_1843 = tpu.memref_slice %arg8[%add3A_1782, %dma_wait3A_1842] : memref<16384x1536xf32, #tpu.memory_space<hbm>> -> memref<32x256xf32, #tpu.memory_space<hbm>>
    %dma_wait3A_1844 = arith.constant 0 : i32
    %dma_wait3A_1845 = arith.constant 0 : i32
    %dma_wait3A_1846 = tpu.memref_slice %arg13[%dma_wait3A_1835, %dma_wait3A_1844, %dma_wait3A_1845] : memref<2x32x256xf32, #tpu.memory_space<vmem>> -> memref<1x32x256xf32, #tpu.memory_space<vmem>>
    %dma_wait3A_1847 = tpu.memref_squeeze %dma_wait3A_1846 : memref<1x32x256xf32, #tpu.memory_space<vmem>> -> memref<32x256xf32, #tpu.memory_space<vmem>>
    tpu.wait_dma2 semaphore(%arg18 : memref<!tpu.dma_semaphore, #tpu.memory_space<semaphore_mem>>) src(%dma_wait3A_1847 : memref<32x256xf32, #tpu.memory_space<vmem>>) dst(%dma_wait3A_1843 : memref<32x256xf32, #tpu.memory_space<hbm>>)
    %dma_wait3A_1848 = arith.constant 1 : i32
    %dma_wait3A_1849 = arith.constant 0 : i32
    %dma_wait3A_1850 = arith.constant 0 : i32
    %dma_wait3A_1851 = tpu.memref_slice %arg14[%dma_wait3A_1848, %dma_wait3A_1849, %dma_wait3A_1850] : memref<2x32x256xf32, #tpu.memory_space<vmem>> -> memref<1x32x256xf32, #tpu.memory_space<vmem>>
    %dma_wait3A_1852 = tpu.memref_squeeze %dma_wait3A_1851 : memref<1x32x256xf32, #tpu.memory_space<vmem>> -> memref<32x256xf32, #tpu.memory_space<vmem>>
    %dma_wait3A_1853 = arith.constant 1280 : i32
    %dma_wait3A_1854 = tpu.memref_slice %arg8[%add3A_1782, %dma_wait3A_1853] : memref<16384x1536xf32, #tpu.memory_space<hbm>> -> memref<32x256xf32, #tpu.memory_space<hbm>>
    %dma_wait3A_1855 = arith.constant 1280 : i32
    %dma_wait3A_1856 = tpu.memref_slice %arg8[%add3A_1782, %dma_wait3A_1855] : memref<16384x1536xf32, #tpu.memory_space<hbm>> -> memref<32x256xf32, #tpu.memory_space<hbm>>
    %dma_wait3A_1857 = arith.constant 0 : i32
    %dma_wait3A_1858 = arith.constant 0 : i32
    %dma_wait3A_1859 = tpu.memref_slice %arg14[%dma_wait3A_1848, %dma_wait3A_1857, %dma_wait3A_1858] : memref<2x32x256xf32, #tpu.memory_space<vmem>> -> memref<1x32x256xf32, #tpu.memory_space<vmem>>
    %dma_wait3A_1860 = tpu.memref_squeeze %dma_wait3A_1859 : memref<1x32x256xf32, #tpu.memory_space<vmem>> -> memref<32x256xf32, #tpu.memory_space<vmem>>
    tpu.wait_dma2 semaphore(%arg18 : memref<!tpu.dma_semaphore, #tpu.memory_space<semaphore_mem>>) src(%dma_wait3A_1860 : memref<32x256xf32, #tpu.memory_space<vmem>>) dst(%dma_wait3A_1856 : memref<32x256xf32, #tpu.memory_space<hbm>>)
    %dma_start3A_1861 = arith.constant 13 : i32
    %dma_start3A_1862 = arith.constant 1 : i32
    %dma_start3A_1863 = arith.constant 0 : i32
    %dma_start3A_1864 = arith.constant 0 : i32
    %dma_start3A_1865 = tpu.memref_slice %arg12[%dma_start3A_1862, %dma_start3A_1863, %dma_start3A_1864] : memref<2x32x1024xf32, #tpu.memory_space<vmem>> -> memref<1x32x1024xf32, #tpu.memory_space<vmem>>
    %dma_start3A_1866 = tpu.memref_squeeze %dma_start3A_1865 : memref<1x32x1024xf32, #tpu.memory_space<vmem>> -> memref<32x1024xf32, #tpu.memory_space<vmem>>
    %dma_start3A_1867 = arith.constant 0 : i32
    %dma_start3A_1868 = tpu.memref_slice %arg9[%dma_start3A_1861, %dma_start3A_1867] : memref<16x32xi32, #tpu.memory_space<vmem>> -> memref<1x32xi32, #tpu.memory_space<vmem>>
    %dma_start3A_1869 = tpu.memref_squeeze %dma_start3A_1868 : memref<1x32xi32, #tpu.memory_space<vmem>> -> memref<32xi32, #tpu.memory_space<vmem>>
    %dma_start3A_1870 = arith.constant 0 : i32
    %dma_start3A_1871 = arith.constant 0 : i32
    %dma_start3A_1872 = tpu.memref_slice %arg5[%dma_start3A_1870, %dma_start3A_1871] : memref<5x1024xf32, #tpu.memory_space<hbm>> -> memref<5x1024xf32, #tpu.memory_space<hbm>>
    tpu.enqueue_indirect_dma source(%dma_start3A_1872 : memref<5x1024xf32, #tpu.memory_space<hbm>>) target(%dma_start3A_1866 : memref<32x1024xf32, #tpu.memory_space<vmem>>) offsets(%dma_start3A_1869 : memref<32xi32, #tpu.memory_space<vmem>>) semaphore(%arg16 : memref<!tpu.dma_semaphore, #tpu.memory_space<semaphore_mem>>)
    %dma_start3A_1873 = arith.constant 13 : i32
    %dma_start3A_1874 = arith.constant 1 : i32
    %dma_start3A_1875 = arith.constant 0 : i32
    %dma_start3A_1876 = arith.constant 0 : i32
    %dma_start3A_1877 = tpu.memref_slice %arg13[%dma_start3A_1874, %dma_start3A_1875, %dma_start3A_1876] : memref<2x32x256xf32, #tpu.memory_space<vmem>> -> memref<1x32x256xf32, #tpu.memory_space<vmem>>
    %dma_start3A_1878 = tpu.memref_squeeze %dma_start3A_1877 : memref<1x32x256xf32, #tpu.memory_space<vmem>> -> memref<32x256xf32, #tpu.memory_space<vmem>>
    %dma_start3A_1879 = arith.constant 0 : i32
    %dma_start3A_1880 = tpu.memref_slice %arg10[%dma_start3A_1873, %dma_start3A_1879] : memref<16x32xi32, #tpu.memory_space<vmem>> -> memref<1x32xi32, #tpu.memory_space<vmem>>
    %dma_start3A_1881 = tpu.memref_squeeze %dma_start3A_1880 : memref<1x32xi32, #tpu.memory_space<vmem>> -> memref<32xi32, #tpu.memory_space<vmem>>
    %dma_start3A_1882 = arith.constant 0 : i32
    %dma_start3A_1883 = arith.constant 0 : i32
    %dma_start3A_1884 = tpu.memref_slice %arg6[%dma_start3A_1882, %dma_start3A_1883] : memref<50x256xf32, #tpu.memory_space<hbm>> -> memref<50x256xf32, #tpu.memory_space<hbm>>
    tpu.enqueue_indirect_dma source(%dma_start3A_1884 : memref<50x256xf32, #tpu.memory_space<hbm>>) target(%dma_start3A_1878 : memref<32x256xf32, #tpu.memory_space<vmem>>) offsets(%dma_start3A_1881 : memref<32xi32, #tpu.memory_space<vmem>>) semaphore(%arg16 : memref<!tpu.dma_semaphore, #tpu.memory_space<semaphore_mem>>)
    %dma_start3A_1885 = arith.constant 13 : i32
    %dma_start3A_1886 = arith.constant 1 : i32
    %dma_start3A_1887 = arith.constant 0 : i32
    %dma_start3A_1888 = arith.constant 0 : i32
    %dma_start3A_1889 = tpu.memref_slice %arg14[%dma_start3A_1886, %dma_start3A_1887, %dma_start3A_1888] : memref<2x32x256xf32, #tpu.memory_space<vmem>> -> memref<1x32x256xf32, #tpu.memory_space<vmem>>
    %dma_start3A_1890 = tpu.memref_squeeze %dma_start3A_1889 : memref<1x32x256xf32, #tpu.memory_space<vmem>> -> memref<32x256xf32, #tpu.memory_space<vmem>>
    %dma_start3A_1891 = arith.constant 0 : i32
    %dma_start3A_1892 = tpu.memref_slice %arg11[%dma_start3A_1885, %dma_start3A_1891] : memref<16x32xi32, #tpu.memory_space<vmem>> -> memref<1x32xi32, #tpu.memory_space<vmem>>
    %dma_start3A_1893 = tpu.memref_squeeze %dma_start3A_1892 : memref<1x32xi32, #tpu.memory_space<vmem>> -> memref<32xi32, #tpu.memory_space<vmem>>
    %dma_start3A_1894 = arith.constant 0 : i32
    %dma_start3A_1895 = arith.constant 0 : i32
    %dma_start3A_1896 = tpu.memref_slice %arg7[%dma_start3A_1894, %dma_start3A_1895] : memref<50x256xf32, #tpu.memory_space<hbm>> -> memref<50x256xf32, #tpu.memory_space<hbm>>
    tpu.enqueue_indirect_dma source(%dma_start3A_1896 : memref<50x256xf32, #tpu.memory_space<hbm>>) target(%dma_start3A_1890 : memref<32x256xf32, #tpu.memory_space<vmem>>) offsets(%dma_start3A_1893 : memref<32xi32, #tpu.memory_space<vmem>>) semaphore(%arg16 : memref<!tpu.dma_semaphore, #tpu.memory_space<semaphore_mem>>)
    %dma_wait3A_1897 = arith.constant 12 : i32
    %dma_wait3A_1898 = arith.constant 0 : i32
    %dma_wait3A_1899 = arith.constant 0 : i32
    %dma_wait3A_1900 = arith.constant 0 : i32
    %dma_wait3A_1901 = tpu.memref_slice %arg12[%dma_wait3A_1898, %dma_wait3A_1899, %dma_wait3A_1900] : memref<2x32x1024xf32, #tpu.memory_space<vmem>> -> memref<1x32x1024xf32, #tpu.memory_space<vmem>>
    %dma_wait3A_1902 = tpu.memref_squeeze %dma_wait3A_1901 : memref<1x32x1024xf32, #tpu.memory_space<vmem>> -> memref<32x1024xf32, #tpu.memory_space<vmem>>
    %dma_wait3A_1903 = arith.constant 0 : i32
    %dma_wait3A_1904 = tpu.memref_slice %arg9[%dma_wait3A_1897, %dma_wait3A_1903] : memref<16x32xi32, #tpu.memory_space<vmem>> -> memref<1x32xi32, #tpu.memory_space<vmem>>
    %dma_wait3A_1905 = tpu.memref_squeeze %dma_wait3A_1904 : memref<1x32xi32, #tpu.memory_space<vmem>> -> memref<32xi32, #tpu.memory_space<vmem>>
    %dma_wait3A_1906 = arith.constant 0 : i32
    %dma_wait3A_1907 = arith.constant 0 : i32
    %dma_wait3A_1908 = tpu.memref_slice %arg5[%dma_wait3A_1906, %dma_wait3A_1907] : memref<5x1024xf32, #tpu.memory_space<hbm>> -> memref<5x1024xf32, #tpu.memory_space<hbm>>
    tpu.wait_indirect_dma semaphore(%arg15 : memref<!tpu.dma_semaphore, #tpu.memory_space<semaphore_mem>>) src(%dma_wait3A_1908 : memref<5x1024xf32, #tpu.memory_space<hbm>>) dst(%dma_wait3A_1902 : memref<32x1024xf32, #tpu.memory_space<vmem>>)
    %dma_wait3A_1909 = arith.constant 12 : i32
    %dma_wait3A_1910 = arith.constant 0 : i32
    %dma_wait3A_1911 = arith.constant 0 : i32
    %dma_wait3A_1912 = arith.constant 0 : i32
    %dma_wait3A_1913 = tpu.memref_slice %arg13[%dma_wait3A_1910, %dma_wait3A_1911, %dma_wait3A_1912] : memref<2x32x256xf32, #tpu.memory_space<vmem>> -> memref<1x32x256xf32, #tpu.memory_space<vmem>>
    %dma_wait3A_1914 = tpu.memref_squeeze %dma_wait3A_1913 : memref<1x32x256xf32, #tpu.memory_space<vmem>> -> memref<32x256xf32, #tpu.memory_space<vmem>>
    %dma_wait3A_1915 = arith.constant 0 : i32
    %dma_wait3A_1916 = tpu.memref_slice %arg10[%dma_wait3A_1909, %dma_wait3A_1915] : memref<16x32xi32, #tpu.memory_space<vmem>> -> memref<1x32xi32, #tpu.memory_space<vmem>>
    %dma_wait3A_1917 = tpu.memref_squeeze %dma_wait3A_1916 : memref<1x32xi32, #tpu.memory_space<vmem>> -> memref<32xi32, #tpu.memory_space<vmem>>
    %dma_wait3A_1918 = arith.constant 0 : i32
    %dma_wait3A_1919 = arith.constant 0 : i32
    %dma_wait3A_1920 = tpu.memref_slice %arg6[%dma_wait3A_1918, %dma_wait3A_1919] : memref<50x256xf32, #tpu.memory_space<hbm>> -> memref<50x256xf32, #tpu.memory_space<hbm>>
    tpu.wait_indirect_dma semaphore(%arg15 : memref<!tpu.dma_semaphore, #tpu.memory_space<semaphore_mem>>) src(%dma_wait3A_1920 : memref<50x256xf32, #tpu.memory_space<hbm>>) dst(%dma_wait3A_1914 : memref<32x256xf32, #tpu.memory_space<vmem>>)
    %dma_wait3A_1921 = arith.constant 12 : i32
    %dma_wait3A_1922 = arith.constant 0 : i32
    %dma_wait3A_1923 = arith.constant 0 : i32
    %dma_wait3A_1924 = arith.constant 0 : i32
    %dma_wait3A_1925 = tpu.memref_slice %arg14[%dma_wait3A_1922, %dma_wait3A_1923, %dma_wait3A_1924] : memref<2x32x256xf32, #tpu.memory_space<vmem>> -> memref<1x32x256xf32, #tpu.memory_space<vmem>>
    %dma_wait3A_1926 = tpu.memref_squeeze %dma_wait3A_1925 : memref<1x32x256xf32, #tpu.memory_space<vmem>> -> memref<32x256xf32, #tpu.memory_space<vmem>>
    %dma_wait3A_1927 = arith.constant 0 : i32
    %dma_wait3A_1928 = tpu.memref_slice %arg11[%dma_wait3A_1921, %dma_wait3A_1927] : memref<16x32xi32, #tpu.memory_space<vmem>> -> memref<1x32xi32, #tpu.memory_space<vmem>>
    %dma_wait3A_1929 = tpu.memref_squeeze %dma_wait3A_1928 : memref<1x32xi32, #tpu.memory_space<vmem>> -> memref<32xi32, #tpu.memory_space<vmem>>
    %dma_wait3A_1930 = arith.constant 0 : i32
    %dma_wait3A_1931 = arith.constant 0 : i32
    %dma_wait3A_1932 = tpu.memref_slice %arg7[%dma_wait3A_1930, %dma_wait3A_1931] : memref<50x256xf32, #tpu.memory_space<hbm>> -> memref<50x256xf32, #tpu.memory_space<hbm>>
    tpu.wait_indirect_dma semaphore(%arg15 : memref<!tpu.dma_semaphore, #tpu.memory_space<semaphore_mem>>) src(%dma_wait3A_1932 : memref<50x256xf32, #tpu.memory_space<hbm>>) dst(%dma_wait3A_1926 : memref<32x256xf32, #tpu.memory_space<vmem>>)
    %add3A_1933 = arith.constant 384 : i32
    %add3A_1934 = arith.addi %mul3A_2, %add3A_1933 : i32
    %dma_start3A_1935 = arith.constant 0 : i32
    %dma_start3A_1936 = arith.constant 0 : i32
    %dma_start3A_1937 = arith.constant 0 : i32
    %dma_start3A_1938 = tpu.memref_slice %arg12[%dma_start3A_1935, %dma_start3A_1936, %dma_start3A_1937] : memref<2x32x1024xf32, #tpu.memory_space<vmem>> -> memref<1x32x1024xf32, #tpu.memory_space<vmem>>
    %dma_start3A_1939 = tpu.memref_squeeze %dma_start3A_1938 : memref<1x32x1024xf32, #tpu.memory_space<vmem>> -> memref<32x1024xf32, #tpu.memory_space<vmem>>
    %dma_start3A_1940 = arith.constant 0 : i32
    %dma_start3A_1941 = tpu.memref_slice %arg8[%add3A_1934, %dma_start3A_1940] : memref<16384x1536xf32, #tpu.memory_space<hbm>> -> memref<32x1024xf32, #tpu.memory_space<hbm>>
    %dma_start3A_1942 = arith.constant 0 : i32
    %dma_start3A_1943 = tpu.memref_slice %arg8[%add3A_1934, %dma_start3A_1942] : memref<16384x1536xf32, #tpu.memory_space<hbm>> -> memref<32x1024xf32, #tpu.memory_space<hbm>>
    %dma_start3A_1944 = arith.constant 0 : i32
    %dma_start3A_1945 = arith.constant 0 : i32
    %dma_start3A_1946 = tpu.memref_slice %arg12[%dma_start3A_1935, %dma_start3A_1944, %dma_start3A_1945] : memref<2x32x1024xf32, #tpu.memory_space<vmem>> -> memref<1x32x1024xf32, #tpu.memory_space<vmem>>
    %dma_start3A_1947 = tpu.memref_squeeze %dma_start3A_1946 : memref<1x32x1024xf32, #tpu.memory_space<vmem>> -> memref<32x1024xf32, #tpu.memory_space<vmem>>
    tpu.enqueue_dma source(%dma_start3A_1947 : memref<32x1024xf32, #tpu.memory_space<vmem>>) target(%dma_start3A_1943 : memref<32x1024xf32, #tpu.memory_space<hbm>>) target_semaphore(%arg17 : memref<!tpu.dma_semaphore, #tpu.memory_space<semaphore_mem>>)
    %dma_start3A_1948 = arith.constant 0 : i32
    %dma_start3A_1949 = arith.constant 0 : i32
    %dma_start3A_1950 = arith.constant 0 : i32
    %dma_start3A_1951 = tpu.memref_slice %arg13[%dma_start3A_1948, %dma_start3A_1949, %dma_start3A_1950] : memref<2x32x256xf32, #tpu.memory_space<vmem>> -> memref<1x32x256xf32, #tpu.memory_space<vmem>>
    %dma_start3A_1952 = tpu.memref_squeeze %dma_start3A_1951 : memref<1x32x256xf32, #tpu.memory_space<vmem>> -> memref<32x256xf32, #tpu.memory_space<vmem>>
    %dma_start3A_1953 = arith.constant 1024 : i32
    %dma_start3A_1954 = tpu.memref_slice %arg8[%add3A_1934, %dma_start3A_1953] : memref<16384x1536xf32, #tpu.memory_space<hbm>> -> memref<32x256xf32, #tpu.memory_space<hbm>>
    %dma_start3A_1955 = arith.constant 1024 : i32
    %dma_start3A_1956 = tpu.memref_slice %arg8[%add3A_1934, %dma_start3A_1955] : memref<16384x1536xf32, #tpu.memory_space<hbm>> -> memref<32x256xf32, #tpu.memory_space<hbm>>
    %dma_start3A_1957 = arith.constant 0 : i32
    %dma_start3A_1958 = arith.constant 0 : i32
    %dma_start3A_1959 = tpu.memref_slice %arg13[%dma_start3A_1948, %dma_start3A_1957, %dma_start3A_1958] : memref<2x32x256xf32, #tpu.memory_space<vmem>> -> memref<1x32x256xf32, #tpu.memory_space<vmem>>
    %dma_start3A_1960 = tpu.memref_squeeze %dma_start3A_1959 : memref<1x32x256xf32, #tpu.memory_space<vmem>> -> memref<32x256xf32, #tpu.memory_space<vmem>>
    tpu.enqueue_dma source(%dma_start3A_1960 : memref<32x256xf32, #tpu.memory_space<vmem>>) target(%dma_start3A_1956 : memref<32x256xf32, #tpu.memory_space<hbm>>) target_semaphore(%arg17 : memref<!tpu.dma_semaphore, #tpu.memory_space<semaphore_mem>>)
    %dma_start3A_1961 = arith.constant 0 : i32
    %dma_start3A_1962 = arith.constant 0 : i32
    %dma_start3A_1963 = arith.constant 0 : i32
    %dma_start3A_1964 = tpu.memref_slice %arg14[%dma_start3A_1961, %dma_start3A_1962, %dma_start3A_1963] : memref<2x32x256xf32, #tpu.memory_space<vmem>> -> memref<1x32x256xf32, #tpu.memory_space<vmem>>
    %dma_start3A_1965 = tpu.memref_squeeze %dma_start3A_1964 : memref<1x32x256xf32, #tpu.memory_space<vmem>> -> memref<32x256xf32, #tpu.memory_space<vmem>>
    %dma_start3A_1966 = arith.constant 1280 : i32
    %dma_start3A_1967 = tpu.memref_slice %arg8[%add3A_1934, %dma_start3A_1966] : memref<16384x1536xf32, #tpu.memory_space<hbm>> -> memref<32x256xf32, #tpu.memory_space<hbm>>
    %dma_start3A_1968 = arith.constant 1280 : i32
    %dma_start3A_1969 = tpu.memref_slice %arg8[%add3A_1934, %dma_start3A_1968] : memref<16384x1536xf32, #tpu.memory_space<hbm>> -> memref<32x256xf32, #tpu.memory_space<hbm>>
    %dma_start3A_1970 = arith.constant 0 : i32
    %dma_start3A_1971 = arith.constant 0 : i32
    %dma_start3A_1972 = tpu.memref_slice %arg14[%dma_start3A_1961, %dma_start3A_1970, %dma_start3A_1971] : memref<2x32x256xf32, #tpu.memory_space<vmem>> -> memref<1x32x256xf32, #tpu.memory_space<vmem>>
    %dma_start3A_1973 = tpu.memref_squeeze %dma_start3A_1972 : memref<1x32x256xf32, #tpu.memory_space<vmem>> -> memref<32x256xf32, #tpu.memory_space<vmem>>
    tpu.enqueue_dma source(%dma_start3A_1973 : memref<32x256xf32, #tpu.memory_space<vmem>>) target(%dma_start3A_1969 : memref<32x256xf32, #tpu.memory_space<hbm>>) target_semaphore(%arg17 : memref<!tpu.dma_semaphore, #tpu.memory_space<semaphore_mem>>)
    %dma_wait3A_1974 = arith.constant 0 : i32
    %dma_wait3A_1975 = arith.constant 0 : i32
    %dma_wait3A_1976 = arith.constant 0 : i32
    %dma_wait3A_1977 = tpu.memref_slice %arg12[%dma_wait3A_1974, %dma_wait3A_1975, %dma_wait3A_1976] : memref<2x32x1024xf32, #tpu.memory_space<vmem>> -> memref<1x32x1024xf32, #tpu.memory_space<vmem>>
    %dma_wait3A_1978 = tpu.memref_squeeze %dma_wait3A_1977 : memref<1x32x1024xf32, #tpu.memory_space<vmem>> -> memref<32x1024xf32, #tpu.memory_space<vmem>>
    %dma_wait3A_1979 = arith.constant 0 : i32
    %dma_wait3A_1980 = tpu.memref_slice %arg8[%add3A_1934, %dma_wait3A_1979] : memref<16384x1536xf32, #tpu.memory_space<hbm>> -> memref<32x1024xf32, #tpu.memory_space<hbm>>
    %dma_wait3A_1981 = arith.constant 0 : i32
    %dma_wait3A_1982 = tpu.memref_slice %arg8[%add3A_1934, %dma_wait3A_1981] : memref<16384x1536xf32, #tpu.memory_space<hbm>> -> memref<32x1024xf32, #tpu.memory_space<hbm>>
    %dma_wait3A_1983 = arith.constant 0 : i32
    %dma_wait3A_1984 = arith.constant 0 : i32
    %dma_wait3A_1985 = tpu.memref_slice %arg12[%dma_wait3A_1974, %dma_wait3A_1983, %dma_wait3A_1984] : memref<2x32x1024xf32, #tpu.memory_space<vmem>> -> memref<1x32x1024xf32, #tpu.memory_space<vmem>>
    %dma_wait3A_1986 = tpu.memref_squeeze %dma_wait3A_1985 : memref<1x32x1024xf32, #tpu.memory_space<vmem>> -> memref<32x1024xf32, #tpu.memory_space<vmem>>
    tpu.wait_dma2 semaphore(%arg17 : memref<!tpu.dma_semaphore, #tpu.memory_space<semaphore_mem>>) src(%dma_wait3A_1986 : memref<32x1024xf32, #tpu.memory_space<vmem>>) dst(%dma_wait3A_1982 : memref<32x1024xf32, #tpu.memory_space<hbm>>)
    %dma_wait3A_1987 = arith.constant 0 : i32
    %dma_wait3A_1988 = arith.constant 0 : i32
    %dma_wait3A_1989 = arith.constant 0 : i32
    %dma_wait3A_1990 = tpu.memref_slice %arg13[%dma_wait3A_1987, %dma_wait3A_1988, %dma_wait3A_1989] : memref<2x32x256xf32, #tpu.memory_space<vmem>> -> memref<1x32x256xf32, #tpu.memory_space<vmem>>
    %dma_wait3A_1991 = tpu.memref_squeeze %dma_wait3A_1990 : memref<1x32x256xf32, #tpu.memory_space<vmem>> -> memref<32x256xf32, #tpu.memory_space<vmem>>
    %dma_wait3A_1992 = arith.constant 1024 : i32
    %dma_wait3A_1993 = tpu.memref_slice %arg8[%add3A_1934, %dma_wait3A_1992] : memref<16384x1536xf32, #tpu.memory_space<hbm>> -> memref<32x256xf32, #tpu.memory_space<hbm>>
    %dma_wait3A_1994 = arith.constant 1024 : i32
    %dma_wait3A_1995 = tpu.memref_slice %arg8[%add3A_1934, %dma_wait3A_1994] : memref<16384x1536xf32, #tpu.memory_space<hbm>> -> memref<32x256xf32, #tpu.memory_space<hbm>>
    %dma_wait3A_1996 = arith.constant 0 : i32
    %dma_wait3A_1997 = arith.constant 0 : i32
    %dma_wait3A_1998 = tpu.memref_slice %arg13[%dma_wait3A_1987, %dma_wait3A_1996, %dma_wait3A_1997] : memref<2x32x256xf32, #tpu.memory_space<vmem>> -> memref<1x32x256xf32, #tpu.memory_space<vmem>>
    %dma_wait3A_1999 = tpu.memref_squeeze %dma_wait3A_1998 : memref<1x32x256xf32, #tpu.memory_space<vmem>> -> memref<32x256xf32, #tpu.memory_space<vmem>>
    tpu.wait_dma2 semaphore(%arg17 : memref<!tpu.dma_semaphore, #tpu.memory_space<semaphore_mem>>) src(%dma_wait3A_1999 : memref<32x256xf32, #tpu.memory_space<vmem>>) dst(%dma_wait3A_1995 : memref<32x256xf32, #tpu.memory_space<hbm>>)
    %dma_wait3A_2000 = arith.constant 0 : i32
    %dma_wait3A_2001 = arith.constant 0 : i32
    %dma_wait3A_2002 = arith.constant 0 : i32
    %dma_wait3A_2003 = tpu.memref_slice %arg14[%dma_wait3A_2000, %dma_wait3A_2001, %dma_wait3A_2002] : memref<2x32x256xf32, #tpu.memory_space<vmem>> -> memref<1x32x256xf32, #tpu.memory_space<vmem>>
    %dma_wait3A_2004 = tpu.memref_squeeze %dma_wait3A_2003 : memref<1x32x256xf32, #tpu.memory_space<vmem>> -> memref<32x256xf32, #tpu.memory_space<vmem>>
    %dma_wait3A_2005 = arith.constant 1280 : i32
    %dma_wait3A_2006 = tpu.memref_slice %arg8[%add3A_1934, %dma_wait3A_2005] : memref<16384x1536xf32, #tpu.memory_space<hbm>> -> memref<32x256xf32, #tpu.memory_space<hbm>>
    %dma_wait3A_2007 = arith.constant 1280 : i32
    %dma_wait3A_2008 = tpu.memref_slice %arg8[%add3A_1934, %dma_wait3A_2007] : memref<16384x1536xf32, #tpu.memory_space<hbm>> -> memref<32x256xf32, #tpu.memory_space<hbm>>
    %dma_wait3A_2009 = arith.constant 0 : i32
    %dma_wait3A_2010 = arith.constant 0 : i32
    %dma_wait3A_2011 = tpu.memref_slice %arg14[%dma_wait3A_2000, %dma_wait3A_2009, %dma_wait3A_2010] : memref<2x32x256xf32, #tpu.memory_space<vmem>> -> memref<1x32x256xf32, #tpu.memory_space<vmem>>
    %dma_wait3A_2012 = tpu.memref_squeeze %dma_wait3A_2011 : memref<1x32x256xf32, #tpu.memory_space<vmem>> -> memref<32x256xf32, #tpu.memory_space<vmem>>
    tpu.wait_dma2 semaphore(%arg17 : memref<!tpu.dma_semaphore, #tpu.memory_space<semaphore_mem>>) src(%dma_wait3A_2012 : memref<32x256xf32, #tpu.memory_space<vmem>>) dst(%dma_wait3A_2008 : memref<32x256xf32, #tpu.memory_space<hbm>>)
    %dma_start3A_2013 = arith.constant 14 : i32
    %dma_start3A_2014 = arith.constant 0 : i32
    %dma_start3A_2015 = arith.constant 0 : i32
    %dma_start3A_2016 = arith.constant 0 : i32
    %dma_start3A_2017 = tpu.memref_slice %arg12[%dma_start3A_2014, %dma_start3A_2015, %dma_start3A_2016] : memref<2x32x1024xf32, #tpu.memory_space<vmem>> -> memref<1x32x1024xf32, #tpu.memory_space<vmem>>
    %dma_start3A_2018 = tpu.memref_squeeze %dma_start3A_2017 : memref<1x32x1024xf32, #tpu.memory_space<vmem>> -> memref<32x1024xf32, #tpu.memory_space<vmem>>
    %dma_start3A_2019 = arith.constant 0 : i32
    %dma_start3A_2020 = tpu.memref_slice %arg9[%dma_start3A_2013, %dma_start3A_2019] : memref<16x32xi32, #tpu.memory_space<vmem>> -> memref<1x32xi32, #tpu.memory_space<vmem>>
    %dma_start3A_2021 = tpu.memref_squeeze %dma_start3A_2020 : memref<1x32xi32, #tpu.memory_space<vmem>> -> memref<32xi32, #tpu.memory_space<vmem>>
    %dma_start3A_2022 = arith.constant 0 : i32
    %dma_start3A_2023 = arith.constant 0 : i32
    %dma_start3A_2024 = tpu.memref_slice %arg5[%dma_start3A_2022, %dma_start3A_2023] : memref<5x1024xf32, #tpu.memory_space<hbm>> -> memref<5x1024xf32, #tpu.memory_space<hbm>>
    tpu.enqueue_indirect_dma source(%dma_start3A_2024 : memref<5x1024xf32, #tpu.memory_space<hbm>>) target(%dma_start3A_2018 : memref<32x1024xf32, #tpu.memory_space<vmem>>) offsets(%dma_start3A_2021 : memref<32xi32, #tpu.memory_space<vmem>>) semaphore(%arg15 : memref<!tpu.dma_semaphore, #tpu.memory_space<semaphore_mem>>)
    %dma_start3A_2025 = arith.constant 14 : i32
    %dma_start3A_2026 = arith.constant 0 : i32
    %dma_start3A_2027 = arith.constant 0 : i32
    %dma_start3A_2028 = arith.constant 0 : i32
    %dma_start3A_2029 = tpu.memref_slice %arg13[%dma_start3A_2026, %dma_start3A_2027, %dma_start3A_2028] : memref<2x32x256xf32, #tpu.memory_space<vmem>> -> memref<1x32x256xf32, #tpu.memory_space<vmem>>
    %dma_start3A_2030 = tpu.memref_squeeze %dma_start3A_2029 : memref<1x32x256xf32, #tpu.memory_space<vmem>> -> memref<32x256xf32, #tpu.memory_space<vmem>>
    %dma_start3A_2031 = arith.constant 0 : i32
    %dma_start3A_2032 = tpu.memref_slice %arg10[%dma_start3A_2025, %dma_start3A_2031] : memref<16x32xi32, #tpu.memory_space<vmem>> -> memref<1x32xi32, #tpu.memory_space<vmem>>
    %dma_start3A_2033 = tpu.memref_squeeze %dma_start3A_2032 : memref<1x32xi32, #tpu.memory_space<vmem>> -> memref<32xi32, #tpu.memory_space<vmem>>
    %dma_start3A_2034 = arith.constant 0 : i32
    %dma_start3A_2035 = arith.constant 0 : i32
    %dma_start3A_2036 = tpu.memref_slice %arg6[%dma_start3A_2034, %dma_start3A_2035] : memref<50x256xf32, #tpu.memory_space<hbm>> -> memref<50x256xf32, #tpu.memory_space<hbm>>
    tpu.enqueue_indirect_dma source(%dma_start3A_2036 : memref<50x256xf32, #tpu.memory_space<hbm>>) target(%dma_start3A_2030 : memref<32x256xf32, #tpu.memory_space<vmem>>) offsets(%dma_start3A_2033 : memref<32xi32, #tpu.memory_space<vmem>>) semaphore(%arg15 : memref<!tpu.dma_semaphore, #tpu.memory_space<semaphore_mem>>)
    %dma_start3A_2037 = arith.constant 14 : i32
    %dma_start3A_2038 = arith.constant 0 : i32
    %dma_start3A_2039 = arith.constant 0 : i32
    %dma_start3A_2040 = arith.constant 0 : i32
    %dma_start3A_2041 = tpu.memref_slice %arg14[%dma_start3A_2038, %dma_start3A_2039, %dma_start3A_2040] : memref<2x32x256xf32, #tpu.memory_space<vmem>> -> memref<1x32x256xf32, #tpu.memory_space<vmem>>
    %dma_start3A_2042 = tpu.memref_squeeze %dma_start3A_2041 : memref<1x32x256xf32, #tpu.memory_space<vmem>> -> memref<32x256xf32, #tpu.memory_space<vmem>>
    %dma_start3A_2043 = arith.constant 0 : i32
    %dma_start3A_2044 = tpu.memref_slice %arg11[%dma_start3A_2037, %dma_start3A_2043] : memref<16x32xi32, #tpu.memory_space<vmem>> -> memref<1x32xi32, #tpu.memory_space<vmem>>
    %dma_start3A_2045 = tpu.memref_squeeze %dma_start3A_2044 : memref<1x32xi32, #tpu.memory_space<vmem>> -> memref<32xi32, #tpu.memory_space<vmem>>
    %dma_start3A_2046 = arith.constant 0 : i32
    %dma_start3A_2047 = arith.constant 0 : i32
    %dma_start3A_2048 = tpu.memref_slice %arg7[%dma_start3A_2046, %dma_start3A_2047] : memref<50x256xf32, #tpu.memory_space<hbm>> -> memref<50x256xf32, #tpu.memory_space<hbm>>
    tpu.enqueue_indirect_dma source(%dma_start3A_2048 : memref<50x256xf32, #tpu.memory_space<hbm>>) target(%dma_start3A_2042 : memref<32x256xf32, #tpu.memory_space<vmem>>) offsets(%dma_start3A_2045 : memref<32xi32, #tpu.memory_space<vmem>>) semaphore(%arg15 : memref<!tpu.dma_semaphore, #tpu.memory_space<semaphore_mem>>)
    %dma_wait3A_2049 = arith.constant 13 : i32
    %dma_wait3A_2050 = arith.constant 1 : i32
    %dma_wait3A_2051 = arith.constant 0 : i32
    %dma_wait3A_2052 = arith.constant 0 : i32
    %dma_wait3A_2053 = tpu.memref_slice %arg12[%dma_wait3A_2050, %dma_wait3A_2051, %dma_wait3A_2052] : memref<2x32x1024xf32, #tpu.memory_space<vmem>> -> memref<1x32x1024xf32, #tpu.memory_space<vmem>>
    %dma_wait3A_2054 = tpu.memref_squeeze %dma_wait3A_2053 : memref<1x32x1024xf32, #tpu.memory_space<vmem>> -> memref<32x1024xf32, #tpu.memory_space<vmem>>
    %dma_wait3A_2055 = arith.constant 0 : i32
    %dma_wait3A_2056 = tpu.memref_slice %arg9[%dma_wait3A_2049, %dma_wait3A_2055] : memref<16x32xi32, #tpu.memory_space<vmem>> -> memref<1x32xi32, #tpu.memory_space<vmem>>
    %dma_wait3A_2057 = tpu.memref_squeeze %dma_wait3A_2056 : memref<1x32xi32, #tpu.memory_space<vmem>> -> memref<32xi32, #tpu.memory_space<vmem>>
    %dma_wait3A_2058 = arith.constant 0 : i32
    %dma_wait3A_2059 = arith.constant 0 : i32
    %dma_wait3A_2060 = tpu.memref_slice %arg5[%dma_wait3A_2058, %dma_wait3A_2059] : memref<5x1024xf32, #tpu.memory_space<hbm>> -> memref<5x1024xf32, #tpu.memory_space<hbm>>
    tpu.wait_indirect_dma semaphore(%arg16 : memref<!tpu.dma_semaphore, #tpu.memory_space<semaphore_mem>>) src(%dma_wait3A_2060 : memref<5x1024xf32, #tpu.memory_space<hbm>>) dst(%dma_wait3A_2054 : memref<32x1024xf32, #tpu.memory_space<vmem>>)
    %dma_wait3A_2061 = arith.constant 13 : i32
    %dma_wait3A_2062 = arith.constant 1 : i32
    %dma_wait3A_2063 = arith.constant 0 : i32
    %dma_wait3A_2064 = arith.constant 0 : i32
    %dma_wait3A_2065 = tpu.memref_slice %arg13[%dma_wait3A_2062, %dma_wait3A_2063, %dma_wait3A_2064] : memref<2x32x256xf32, #tpu.memory_space<vmem>> -> memref<1x32x256xf32, #tpu.memory_space<vmem>>
    %dma_wait3A_2066 = tpu.memref_squeeze %dma_wait3A_2065 : memref<1x32x256xf32, #tpu.memory_space<vmem>> -> memref<32x256xf32, #tpu.memory_space<vmem>>
    %dma_wait3A_2067 = arith.constant 0 : i32
    %dma_wait3A_2068 = tpu.memref_slice %arg10[%dma_wait3A_2061, %dma_wait3A_2067] : memref<16x32xi32, #tpu.memory_space<vmem>> -> memref<1x32xi32, #tpu.memory_space<vmem>>
    %dma_wait3A_2069 = tpu.memref_squeeze %dma_wait3A_2068 : memref<1x32xi32, #tpu.memory_space<vmem>> -> memref<32xi32, #tpu.memory_space<vmem>>
    %dma_wait3A_2070 = arith.constant 0 : i32
    %dma_wait3A_2071 = arith.constant 0 : i32
    %dma_wait3A_2072 = tpu.memref_slice %arg6[%dma_wait3A_2070, %dma_wait3A_2071] : memref<50x256xf32, #tpu.memory_space<hbm>> -> memref<50x256xf32, #tpu.memory_space<hbm>>
    tpu.wait_indirect_dma semaphore(%arg16 : memref<!tpu.dma_semaphore, #tpu.memory_space<semaphore_mem>>) src(%dma_wait3A_2072 : memref<50x256xf32, #tpu.memory_space<hbm>>) dst(%dma_wait3A_2066 : memref<32x256xf32, #tpu.memory_space<vmem>>)
    %dma_wait3A_2073 = arith.constant 13 : i32
    %dma_wait3A_2074 = arith.constant 1 : i32
    %dma_wait3A_2075 = arith.constant 0 : i32
    %dma_wait3A_2076 = arith.constant 0 : i32
    %dma_wait3A_2077 = tpu.memref_slice %arg14[%dma_wait3A_2074, %dma_wait3A_2075, %dma_wait3A_2076] : memref<2x32x256xf32, #tpu.memory_space<vmem>> -> memref<1x32x256xf32, #tpu.memory_space<vmem>>
    %dma_wait3A_2078 = tpu.memref_squeeze %dma_wait3A_2077 : memref<1x32x256xf32, #tpu.memory_space<vmem>> -> memref<32x256xf32, #tpu.memory_space<vmem>>
    %dma_wait3A_2079 = arith.constant 0 : i32
    %dma_wait3A_2080 = tpu.memref_slice %arg11[%dma_wait3A_2073, %dma_wait3A_2079] : memref<16x32xi32, #tpu.memory_space<vmem>> -> memref<1x32xi32, #tpu.memory_space<vmem>>
    %dma_wait3A_2081 = tpu.memref_squeeze %dma_wait3A_2080 : memref<1x32xi32, #tpu.memory_space<vmem>> -> memref<32xi32, #tpu.memory_space<vmem>>
    %dma_wait3A_2082 = arith.constant 0 : i32
    %dma_wait3A_2083 = arith.constant 0 : i32
    %dma_wait3A_2084 = tpu.memref_slice %arg7[%dma_wait3A_2082, %dma_wait3A_2083] : memref<50x256xf32, #tpu.memory_space<hbm>> -> memref<50x256xf32, #tpu.memory_space<hbm>>
    tpu.wait_indirect_dma semaphore(%arg16 : memref<!tpu.dma_semaphore, #tpu.memory_space<semaphore_mem>>) src(%dma_wait3A_2084 : memref<50x256xf32, #tpu.memory_space<hbm>>) dst(%dma_wait3A_2078 : memref<32x256xf32, #tpu.memory_space<vmem>>)
    %add3A_2085 = arith.constant 416 : i32
    %add3A_2086 = arith.addi %mul3A_2, %add3A_2085 : i32
    %dma_start3A_2087 = arith.constant 1 : i32
    %dma_start3A_2088 = arith.constant 0 : i32
    %dma_start3A_2089 = arith.constant 0 : i32
    %dma_start3A_2090 = tpu.memref_slice %arg12[%dma_start3A_2087, %dma_start3A_2088, %dma_start3A_2089] : memref<2x32x1024xf32, #tpu.memory_space<vmem>> -> memref<1x32x1024xf32, #tpu.memory_space<vmem>>
    %dma_start3A_2091 = tpu.memref_squeeze %dma_start3A_2090 : memref<1x32x1024xf32, #tpu.memory_space<vmem>> -> memref<32x1024xf32, #tpu.memory_space<vmem>>
    %dma_start3A_2092 = arith.constant 0 : i32
    %dma_start3A_2093 = tpu.memref_slice %arg8[%add3A_2086, %dma_start3A_2092] : memref<16384x1536xf32, #tpu.memory_space<hbm>> -> memref<32x1024xf32, #tpu.memory_space<hbm>>
    %dma_start3A_2094 = arith.constant 0 : i32
    %dma_start3A_2095 = tpu.memref_slice %arg8[%add3A_2086, %dma_start3A_2094] : memref<16384x1536xf32, #tpu.memory_space<hbm>> -> memref<32x1024xf32, #tpu.memory_space<hbm>>
    %dma_start3A_2096 = arith.constant 0 : i32
    %dma_start3A_2097 = arith.constant 0 : i32
    %dma_start3A_2098 = tpu.memref_slice %arg12[%dma_start3A_2087, %dma_start3A_2096, %dma_start3A_2097] : memref<2x32x1024xf32, #tpu.memory_space<vmem>> -> memref<1x32x1024xf32, #tpu.memory_space<vmem>>
    %dma_start3A_2099 = tpu.memref_squeeze %dma_start3A_2098 : memref<1x32x1024xf32, #tpu.memory_space<vmem>> -> memref<32x1024xf32, #tpu.memory_space<vmem>>
    tpu.enqueue_dma source(%dma_start3A_2099 : memref<32x1024xf32, #tpu.memory_space<vmem>>) target(%dma_start3A_2095 : memref<32x1024xf32, #tpu.memory_space<hbm>>) target_semaphore(%arg18 : memref<!tpu.dma_semaphore, #tpu.memory_space<semaphore_mem>>)
    %dma_start3A_2100 = arith.constant 1 : i32
    %dma_start3A_2101 = arith.constant 0 : i32
    %dma_start3A_2102 = arith.constant 0 : i32
    %dma_start3A_2103 = tpu.memref_slice %arg13[%dma_start3A_2100, %dma_start3A_2101, %dma_start3A_2102] : memref<2x32x256xf32, #tpu.memory_space<vmem>> -> memref<1x32x256xf32, #tpu.memory_space<vmem>>
    %dma_start3A_2104 = tpu.memref_squeeze %dma_start3A_2103 : memref<1x32x256xf32, #tpu.memory_space<vmem>> -> memref<32x256xf32, #tpu.memory_space<vmem>>
    %dma_start3A_2105 = arith.constant 1024 : i32
    %dma_start3A_2106 = tpu.memref_slice %arg8[%add3A_2086, %dma_start3A_2105] : memref<16384x1536xf32, #tpu.memory_space<hbm>> -> memref<32x256xf32, #tpu.memory_space<hbm>>
    %dma_start3A_2107 = arith.constant 1024 : i32
    %dma_start3A_2108 = tpu.memref_slice %arg8[%add3A_2086, %dma_start3A_2107] : memref<16384x1536xf32, #tpu.memory_space<hbm>> -> memref<32x256xf32, #tpu.memory_space<hbm>>
    %dma_start3A_2109 = arith.constant 0 : i32
    %dma_start3A_2110 = arith.constant 0 : i32
    %dma_start3A_2111 = tpu.memref_slice %arg13[%dma_start3A_2100, %dma_start3A_2109, %dma_start3A_2110] : memref<2x32x256xf32, #tpu.memory_space<vmem>> -> memref<1x32x256xf32, #tpu.memory_space<vmem>>
    %dma_start3A_2112 = tpu.memref_squeeze %dma_start3A_2111 : memref<1x32x256xf32, #tpu.memory_space<vmem>> -> memref<32x256xf32, #tpu.memory_space<vmem>>
    tpu.enqueue_dma source(%dma_start3A_2112 : memref<32x256xf32, #tpu.memory_space<vmem>>) target(%dma_start3A_2108 : memref<32x256xf32, #tpu.memory_space<hbm>>) target_semaphore(%arg18 : memref<!tpu.dma_semaphore, #tpu.memory_space<semaphore_mem>>)
    %dma_start3A_2113 = arith.constant 1 : i32
    %dma_start3A_2114 = arith.constant 0 : i32
    %dma_start3A_2115 = arith.constant 0 : i32
    %dma_start3A_2116 = tpu.memref_slice %arg14[%dma_start3A_2113, %dma_start3A_2114, %dma_start3A_2115] : memref<2x32x256xf32, #tpu.memory_space<vmem>> -> memref<1x32x256xf32, #tpu.memory_space<vmem>>
    %dma_start3A_2117 = tpu.memref_squeeze %dma_start3A_2116 : memref<1x32x256xf32, #tpu.memory_space<vmem>> -> memref<32x256xf32, #tpu.memory_space<vmem>>
    %dma_start3A_2118 = arith.constant 1280 : i32
    %dma_start3A_2119 = tpu.memref_slice %arg8[%add3A_2086, %dma_start3A_2118] : memref<16384x1536xf32, #tpu.memory_space<hbm>> -> memref<32x256xf32, #tpu.memory_space<hbm>>
    %dma_start3A_2120 = arith.constant 1280 : i32
    %dma_start3A_2121 = tpu.memref_slice %arg8[%add3A_2086, %dma_start3A_2120] : memref<16384x1536xf32, #tpu.memory_space<hbm>> -> memref<32x256xf32, #tpu.memory_space<hbm>>
    %dma_start3A_2122 = arith.constant 0 : i32
    %dma_start3A_2123 = arith.constant 0 : i32
    %dma_start3A_2124 = tpu.memref_slice %arg14[%dma_start3A_2113, %dma_start3A_2122, %dma_start3A_2123] : memref<2x32x256xf32, #tpu.memory_space<vmem>> -> memref<1x32x256xf32, #tpu.memory_space<vmem>>
    %dma_start3A_2125 = tpu.memref_squeeze %dma_start3A_2124 : memref<1x32x256xf32, #tpu.memory_space<vmem>> -> memref<32x256xf32, #tpu.memory_space<vmem>>
    tpu.enqueue_dma source(%dma_start3A_2125 : memref<32x256xf32, #tpu.memory_space<vmem>>) target(%dma_start3A_2121 : memref<32x256xf32, #tpu.memory_space<hbm>>) target_semaphore(%arg18 : memref<!tpu.dma_semaphore, #tpu.memory_space<semaphore_mem>>)
    %dma_wait3A_2126 = arith.constant 1 : i32
    %dma_wait3A_2127 = arith.constant 0 : i32
    %dma_wait3A_2128 = arith.constant 0 : i32
    %dma_wait3A_2129 = tpu.memref_slice %arg12[%dma_wait3A_2126, %dma_wait3A_2127, %dma_wait3A_2128] : memref<2x32x1024xf32, #tpu.memory_space<vmem>> -> memref<1x32x1024xf32, #tpu.memory_space<vmem>>
    %dma_wait3A_2130 = tpu.memref_squeeze %dma_wait3A_2129 : memref<1x32x1024xf32, #tpu.memory_space<vmem>> -> memref<32x1024xf32, #tpu.memory_space<vmem>>
    %dma_wait3A_2131 = arith.constant 0 : i32
    %dma_wait3A_2132 = tpu.memref_slice %arg8[%add3A_2086, %dma_wait3A_2131] : memref<16384x1536xf32, #tpu.memory_space<hbm>> -> memref<32x1024xf32, #tpu.memory_space<hbm>>
    %dma_wait3A_2133 = arith.constant 0 : i32
    %dma_wait3A_2134 = tpu.memref_slice %arg8[%add3A_2086, %dma_wait3A_2133] : memref<16384x1536xf32, #tpu.memory_space<hbm>> -> memref<32x1024xf32, #tpu.memory_space<hbm>>
    %dma_wait3A_2135 = arith.constant 0 : i32
    %dma_wait3A_2136 = arith.constant 0 : i32
    %dma_wait3A_2137 = tpu.memref_slice %arg12[%dma_wait3A_2126, %dma_wait3A_2135, %dma_wait3A_2136] : memref<2x32x1024xf32, #tpu.memory_space<vmem>> -> memref<1x32x1024xf32, #tpu.memory_space<vmem>>
    %dma_wait3A_2138 = tpu.memref_squeeze %dma_wait3A_2137 : memref<1x32x1024xf32, #tpu.memory_space<vmem>> -> memref<32x1024xf32, #tpu.memory_space<vmem>>
    tpu.wait_dma2 semaphore(%arg18 : memref<!tpu.dma_semaphore, #tpu.memory_space<semaphore_mem>>) src(%dma_wait3A_2138 : memref<32x1024xf32, #tpu.memory_space<vmem>>) dst(%dma_wait3A_2134 : memref<32x1024xf32, #tpu.memory_space<hbm>>)
    %dma_wait3A_2139 = arith.constant 1 : i32
    %dma_wait3A_2140 = arith.constant 0 : i32
    %dma_wait3A_2141 = arith.constant 0 : i32
    %dma_wait3A_2142 = tpu.memref_slice %arg13[%dma_wait3A_2139, %dma_wait3A_2140, %dma_wait3A_2141] : memref<2x32x256xf32, #tpu.memory_space<vmem>> -> memref<1x32x256xf32, #tpu.memory_space<vmem>>
    %dma_wait3A_2143 = tpu.memref_squeeze %dma_wait3A_2142 : memref<1x32x256xf32, #tpu.memory_space<vmem>> -> memref<32x256xf32, #tpu.memory_space<vmem>>
    %dma_wait3A_2144 = arith.constant 1024 : i32
    %dma_wait3A_2145 = tpu.memref_slice %arg8[%add3A_2086, %dma_wait3A_2144] : memref<16384x1536xf32, #tpu.memory_space<hbm>> -> memref<32x256xf32, #tpu.memory_space<hbm>>
    %dma_wait3A_2146 = arith.constant 1024 : i32
    %dma_wait3A_2147 = tpu.memref_slice %arg8[%add3A_2086, %dma_wait3A_2146] : memref<16384x1536xf32, #tpu.memory_space<hbm>> -> memref<32x256xf32, #tpu.memory_space<hbm>>
    %dma_wait3A_2148 = arith.constant 0 : i32
    %dma_wait3A_2149 = arith.constant 0 : i32
    %dma_wait3A_2150 = tpu.memref_slice %arg13[%dma_wait3A_2139, %dma_wait3A_2148, %dma_wait3A_2149] : memref<2x32x256xf32, #tpu.memory_space<vmem>> -> memref<1x32x256xf32, #tpu.memory_space<vmem>>
    %dma_wait3A_2151 = tpu.memref_squeeze %dma_wait3A_2150 : memref<1x32x256xf32, #tpu.memory_space<vmem>> -> memref<32x256xf32, #tpu.memory_space<vmem>>
    tpu.wait_dma2 semaphore(%arg18 : memref<!tpu.dma_semaphore, #tpu.memory_space<semaphore_mem>>) src(%dma_wait3A_2151 : memref<32x256xf32, #tpu.memory_space<vmem>>) dst(%dma_wait3A_2147 : memref<32x256xf32, #tpu.memory_space<hbm>>)
    %dma_wait3A_2152 = arith.constant 1 : i32
    %dma_wait3A_2153 = arith.constant 0 : i32
    %dma_wait3A_2154 = arith.constant 0 : i32
    %dma_wait3A_2155 = tpu.memref_slice %arg14[%dma_wait3A_2152, %dma_wait3A_2153, %dma_wait3A_2154] : memref<2x32x256xf32, #tpu.memory_space<vmem>> -> memref<1x32x256xf32, #tpu.memory_space<vmem>>
    %dma_wait3A_2156 = tpu.memref_squeeze %dma_wait3A_2155 : memref<1x32x256xf32, #tpu.memory_space<vmem>> -> memref<32x256xf32, #tpu.memory_space<vmem>>
    %dma_wait3A_2157 = arith.constant 1280 : i32
    %dma_wait3A_2158 = tpu.memref_slice %arg8[%add3A_2086, %dma_wait3A_2157] : memref<16384x1536xf32, #tpu.memory_space<hbm>> -> memref<32x256xf32, #tpu.memory_space<hbm>>
    %dma_wait3A_2159 = arith.constant 1280 : i32
    %dma_wait3A_2160 = tpu.memref_slice %arg8[%add3A_2086, %dma_wait3A_2159] : memref<16384x1536xf32, #tpu.memory_space<hbm>> -> memref<32x256xf32, #tpu.memory_space<hbm>>
    %dma_wait3A_2161 = arith.constant 0 : i32
    %dma_wait3A_2162 = arith.constant 0 : i32
    %dma_wait3A_2163 = tpu.memref_slice %arg14[%dma_wait3A_2152, %dma_wait3A_2161, %dma_wait3A_2162] : memref<2x32x256xf32, #tpu.memory_space<vmem>> -> memref<1x32x256xf32, #tpu.memory_space<vmem>>
    %dma_wait3A_2164 = tpu.memref_squeeze %dma_wait3A_2163 : memref<1x32x256xf32, #tpu.memory_space<vmem>> -> memref<32x256xf32, #tpu.memory_space<vmem>>
    tpu.wait_dma2 semaphore(%arg18 : memref<!tpu.dma_semaphore, #tpu.memory_space<semaphore_mem>>) src(%dma_wait3A_2164 : memref<32x256xf32, #tpu.memory_space<vmem>>) dst(%dma_wait3A_2160 : memref<32x256xf32, #tpu.memory_space<hbm>>)
    %dma_start3A_2165 = arith.constant 15 : i32
    %dma_start3A_2166 = arith.constant 1 : i32
    %dma_start3A_2167 = arith.constant 0 : i32
    %dma_start3A_2168 = arith.constant 0 : i32
    %dma_start3A_2169 = tpu.memref_slice %arg12[%dma_start3A_2166, %dma_start3A_2167, %dma_start3A_2168] : memref<2x32x1024xf32, #tpu.memory_space<vmem>> -> memref<1x32x1024xf32, #tpu.memory_space<vmem>>
    %dma_start3A_2170 = tpu.memref_squeeze %dma_start3A_2169 : memref<1x32x1024xf32, #tpu.memory_space<vmem>> -> memref<32x1024xf32, #tpu.memory_space<vmem>>
    %dma_start3A_2171 = arith.constant 0 : i32
    %dma_start3A_2172 = tpu.memref_slice %arg9[%dma_start3A_2165, %dma_start3A_2171] : memref<16x32xi32, #tpu.memory_space<vmem>> -> memref<1x32xi32, #tpu.memory_space<vmem>>
    %dma_start3A_2173 = tpu.memref_squeeze %dma_start3A_2172 : memref<1x32xi32, #tpu.memory_space<vmem>> -> memref<32xi32, #tpu.memory_space<vmem>>
    %dma_start3A_2174 = arith.constant 0 : i32
    %dma_start3A_2175 = arith.constant 0 : i32
    %dma_start3A_2176 = tpu.memref_slice %arg5[%dma_start3A_2174, %dma_start3A_2175] : memref<5x1024xf32, #tpu.memory_space<hbm>> -> memref<5x1024xf32, #tpu.memory_space<hbm>>
    tpu.enqueue_indirect_dma source(%dma_start3A_2176 : memref<5x1024xf32, #tpu.memory_space<hbm>>) target(%dma_start3A_2170 : memref<32x1024xf32, #tpu.memory_space<vmem>>) offsets(%dma_start3A_2173 : memref<32xi32, #tpu.memory_space<vmem>>) semaphore(%arg16 : memref<!tpu.dma_semaphore, #tpu.memory_space<semaphore_mem>>)
    %dma_start3A_2177 = arith.constant 15 : i32
    %dma_start3A_2178 = arith.constant 1 : i32
    %dma_start3A_2179 = arith.constant 0 : i32
    %dma_start3A_2180 = arith.constant 0 : i32
    %dma_start3A_2181 = tpu.memref_slice %arg13[%dma_start3A_2178, %dma_start3A_2179, %dma_start3A_2180] : memref<2x32x256xf32, #tpu.memory_space<vmem>> -> memref<1x32x256xf32, #tpu.memory_space<vmem>>
    %dma_start3A_2182 = tpu.memref_squeeze %dma_start3A_2181 : memref<1x32x256xf32, #tpu.memory_space<vmem>> -> memref<32x256xf32, #tpu.memory_space<vmem>>
    %dma_start3A_2183 = arith.constant 0 : i32
    %dma_start3A_2184 = tpu.memref_slice %arg10[%dma_start3A_2177, %dma_start3A_2183] : memref<16x32xi32, #tpu.memory_space<vmem>> -> memref<1x32xi32, #tpu.memory_space<vmem>>
    %dma_start3A_2185 = tpu.memref_squeeze %dma_start3A_2184 : memref<1x32xi32, #tpu.memory_space<vmem>> -> memref<32xi32, #tpu.memory_space<vmem>>
    %dma_start3A_2186 = arith.constant 0 : i32
    %dma_start3A_2187 = arith.constant 0 : i32
    %dma_start3A_2188 = tpu.memref_slice %arg6[%dma_start3A_2186, %dma_start3A_2187] : memref<50x256xf32, #tpu.memory_space<hbm>> -> memref<50x256xf32, #tpu.memory_space<hbm>>
    tpu.enqueue_indirect_dma source(%dma_start3A_2188 : memref<50x256xf32, #tpu.memory_space<hbm>>) target(%dma_start3A_2182 : memref<32x256xf32, #tpu.memory_space<vmem>>) offsets(%dma_start3A_2185 : memref<32xi32, #tpu.memory_space<vmem>>) semaphore(%arg16 : memref<!tpu.dma_semaphore, #tpu.memory_space<semaphore_mem>>)
    %dma_start3A_2189 = arith.constant 15 : i32
    %dma_start3A_2190 = arith.constant 1 : i32
    %dma_start3A_2191 = arith.constant 0 : i32
    %dma_start3A_2192 = arith.constant 0 : i32
    %dma_start3A_2193 = tpu.memref_slice %arg14[%dma_start3A_2190, %dma_start3A_2191, %dma_start3A_2192] : memref<2x32x256xf32, #tpu.memory_space<vmem>> -> memref<1x32x256xf32, #tpu.memory_space<vmem>>
    %dma_start3A_2194 = tpu.memref_squeeze %dma_start3A_2193 : memref<1x32x256xf32, #tpu.memory_space<vmem>> -> memref<32x256xf32, #tpu.memory_space<vmem>>
    %dma_start3A_2195 = arith.constant 0 : i32
    %dma_start3A_2196 = tpu.memref_slice %arg11[%dma_start3A_2189, %dma_start3A_2195] : memref<16x32xi32, #tpu.memory_space<vmem>> -> memref<1x32xi32, #tpu.memory_space<vmem>>
    %dma_start3A_2197 = tpu.memref_squeeze %dma_start3A_2196 : memref<1x32xi32, #tpu.memory_space<vmem>> -> memref<32xi32, #tpu.memory_space<vmem>>
    %dma_start3A_2198 = arith.constant 0 : i32
    %dma_start3A_2199 = arith.constant 0 : i32
    %dma_start3A_2200 = tpu.memref_slice %arg7[%dma_start3A_2198, %dma_start3A_2199] : memref<50x256xf32, #tpu.memory_space<hbm>> -> memref<50x256xf32, #tpu.memory_space<hbm>>
    tpu.enqueue_indirect_dma source(%dma_start3A_2200 : memref<50x256xf32, #tpu.memory_space<hbm>>) target(%dma_start3A_2194 : memref<32x256xf32, #tpu.memory_space<vmem>>) offsets(%dma_start3A_2197 : memref<32xi32, #tpu.memory_space<vmem>>) semaphore(%arg16 : memref<!tpu.dma_semaphore, #tpu.memory_space<semaphore_mem>>)
    %dma_wait3A_2201 = arith.constant 14 : i32
    %dma_wait3A_2202 = arith.constant 0 : i32
    %dma_wait3A_2203 = arith.constant 0 : i32
    %dma_wait3A_2204 = arith.constant 0 : i32
    %dma_wait3A_2205 = tpu.memref_slice %arg12[%dma_wait3A_2202, %dma_wait3A_2203, %dma_wait3A_2204] : memref<2x32x1024xf32, #tpu.memory_space<vmem>> -> memref<1x32x1024xf32, #tpu.memory_space<vmem>>
    %dma_wait3A_2206 = tpu.memref_squeeze %dma_wait3A_2205 : memref<1x32x1024xf32, #tpu.memory_space<vmem>> -> memref<32x1024xf32, #tpu.memory_space<vmem>>
    %dma_wait3A_2207 = arith.constant 0 : i32
    %dma_wait3A_2208 = tpu.memref_slice %arg9[%dma_wait3A_2201, %dma_wait3A_2207] : memref<16x32xi32, #tpu.memory_space<vmem>> -> memref<1x32xi32, #tpu.memory_space<vmem>>
    %dma_wait3A_2209 = tpu.memref_squeeze %dma_wait3A_2208 : memref<1x32xi32, #tpu.memory_space<vmem>> -> memref<32xi32, #tpu.memory_space<vmem>>
    %dma_wait3A_2210 = arith.constant 0 : i32
    %dma_wait3A_2211 = arith.constant 0 : i32
    %dma_wait3A_2212 = tpu.memref_slice %arg5[%dma_wait3A_2210, %dma_wait3A_2211] : memref<5x1024xf32, #tpu.memory_space<hbm>> -> memref<5x1024xf32, #tpu.memory_space<hbm>>
    tpu.wait_indirect_dma semaphore(%arg15 : memref<!tpu.dma_semaphore, #tpu.memory_space<semaphore_mem>>) src(%dma_wait3A_2212 : memref<5x1024xf32, #tpu.memory_space<hbm>>) dst(%dma_wait3A_2206 : memref<32x1024xf32, #tpu.memory_space<vmem>>)
    %dma_wait3A_2213 = arith.constant 14 : i32
    %dma_wait3A_2214 = arith.constant 0 : i32
    %dma_wait3A_2215 = arith.constant 0 : i32
    %dma_wait3A_2216 = arith.constant 0 : i32
    %dma_wait3A_2217 = tpu.memref_slice %arg13[%dma_wait3A_2214, %dma_wait3A_2215, %dma_wait3A_2216] : memref<2x32x256xf32, #tpu.memory_space<vmem>> -> memref<1x32x256xf32, #tpu.memory_space<vmem>>
    %dma_wait3A_2218 = tpu.memref_squeeze %dma_wait3A_2217 : memref<1x32x256xf32, #tpu.memory_space<vmem>> -> memref<32x256xf32, #tpu.memory_space<vmem>>
    %dma_wait3A_2219 = arith.constant 0 : i32
    %dma_wait3A_2220 = tpu.memref_slice %arg10[%dma_wait3A_2213, %dma_wait3A_2219] : memref<16x32xi32, #tpu.memory_space<vmem>> -> memref<1x32xi32, #tpu.memory_space<vmem>>
    %dma_wait3A_2221 = tpu.memref_squeeze %dma_wait3A_2220 : memref<1x32xi32, #tpu.memory_space<vmem>> -> memref<32xi32, #tpu.memory_space<vmem>>
    %dma_wait3A_2222 = arith.constant 0 : i32
    %dma_wait3A_2223 = arith.constant 0 : i32
    %dma_wait3A_2224 = tpu.memref_slice %arg6[%dma_wait3A_2222, %dma_wait3A_2223] : memref<50x256xf32, #tpu.memory_space<hbm>> -> memref<50x256xf32, #tpu.memory_space<hbm>>
    tpu.wait_indirect_dma semaphore(%arg15 : memref<!tpu.dma_semaphore, #tpu.memory_space<semaphore_mem>>) src(%dma_wait3A_2224 : memref<50x256xf32, #tpu.memory_space<hbm>>) dst(%dma_wait3A_2218 : memref<32x256xf32, #tpu.memory_space<vmem>>)
    %dma_wait3A_2225 = arith.constant 14 : i32
    %dma_wait3A_2226 = arith.constant 0 : i32
    %dma_wait3A_2227 = arith.constant 0 : i32
    %dma_wait3A_2228 = arith.constant 0 : i32
    %dma_wait3A_2229 = tpu.memref_slice %arg14[%dma_wait3A_2226, %dma_wait3A_2227, %dma_wait3A_2228] : memref<2x32x256xf32, #tpu.memory_space<vmem>> -> memref<1x32x256xf32, #tpu.memory_space<vmem>>
    %dma_wait3A_2230 = tpu.memref_squeeze %dma_wait3A_2229 : memref<1x32x256xf32, #tpu.memory_space<vmem>> -> memref<32x256xf32, #tpu.memory_space<vmem>>
    %dma_wait3A_2231 = arith.constant 0 : i32
    %dma_wait3A_2232 = tpu.memref_slice %arg11[%dma_wait3A_2225, %dma_wait3A_2231] : memref<16x32xi32, #tpu.memory_space<vmem>> -> memref<1x32xi32, #tpu.memory_space<vmem>>
    %dma_wait3A_2233 = tpu.memref_squeeze %dma_wait3A_2232 : memref<1x32xi32, #tpu.memory_space<vmem>> -> memref<32xi32, #tpu.memory_space<vmem>>
    %dma_wait3A_2234 = arith.constant 0 : i32
    %dma_wait3A_2235 = arith.constant 0 : i32
    %dma_wait3A_2236 = tpu.memref_slice %arg7[%dma_wait3A_2234, %dma_wait3A_2235] : memref<50x256xf32, #tpu.memory_space<hbm>> -> memref<50x256xf32, #tpu.memory_space<hbm>>
    tpu.wait_indirect_dma semaphore(%arg15 : memref<!tpu.dma_semaphore, #tpu.memory_space<semaphore_mem>>) src(%dma_wait3A_2236 : memref<50x256xf32, #tpu.memory_space<hbm>>) dst(%dma_wait3A_2230 : memref<32x256xf32, #tpu.memory_space<vmem>>)
    %add3A_2237 = arith.constant 448 : i32
    %add3A_2238 = arith.addi %mul3A_2, %add3A_2237 : i32
    %dma_start3A_2239 = arith.constant 0 : i32
    %dma_start3A_2240 = arith.constant 0 : i32
    %dma_start3A_2241 = arith.constant 0 : i32
    %dma_start3A_2242 = tpu.memref_slice %arg12[%dma_start3A_2239, %dma_start3A_2240, %dma_start3A_2241] : memref<2x32x1024xf32, #tpu.memory_space<vmem>> -> memref<1x32x1024xf32, #tpu.memory_space<vmem>>
    %dma_start3A_2243 = tpu.memref_squeeze %dma_start3A_2242 : memref<1x32x1024xf32, #tpu.memory_space<vmem>> -> memref<32x1024xf32, #tpu.memory_space<vmem>>
    %dma_start3A_2244 = arith.constant 0 : i32
    %dma_start3A_2245 = tpu.memref_slice %arg8[%add3A_2238, %dma_start3A_2244] : memref<16384x1536xf32, #tpu.memory_space<hbm>> -> memref<32x1024xf32, #tpu.memory_space<hbm>>
    %dma_start3A_2246 = arith.constant 0 : i32
    %dma_start3A_2247 = tpu.memref_slice %arg8[%add3A_2238, %dma_start3A_2246] : memref<16384x1536xf32, #tpu.memory_space<hbm>> -> memref<32x1024xf32, #tpu.memory_space<hbm>>
    %dma_start3A_2248 = arith.constant 0 : i32
    %dma_start3A_2249 = arith.constant 0 : i32
    %dma_start3A_2250 = tpu.memref_slice %arg12[%dma_start3A_2239, %dma_start3A_2248, %dma_start3A_2249] : memref<2x32x1024xf32, #tpu.memory_space<vmem>> -> memref<1x32x1024xf32, #tpu.memory_space<vmem>>
    %dma_start3A_2251 = tpu.memref_squeeze %dma_start3A_2250 : memref<1x32x1024xf32, #tpu.memory_space<vmem>> -> memref<32x1024xf32, #tpu.memory_space<vmem>>
    tpu.enqueue_dma source(%dma_start3A_2251 : memref<32x1024xf32, #tpu.memory_space<vmem>>) target(%dma_start3A_2247 : memref<32x1024xf32, #tpu.memory_space<hbm>>) target_semaphore(%arg17 : memref<!tpu.dma_semaphore, #tpu.memory_space<semaphore_mem>>)
    %dma_start3A_2252 = arith.constant 0 : i32
    %dma_start3A_2253 = arith.constant 0 : i32
    %dma_start3A_2254 = arith.constant 0 : i32
    %dma_start3A_2255 = tpu.memref_slice %arg13[%dma_start3A_2252, %dma_start3A_2253, %dma_start3A_2254] : memref<2x32x256xf32, #tpu.memory_space<vmem>> -> memref<1x32x256xf32, #tpu.memory_space<vmem>>
    %dma_start3A_2256 = tpu.memref_squeeze %dma_start3A_2255 : memref<1x32x256xf32, #tpu.memory_space<vmem>> -> memref<32x256xf32, #tpu.memory_space<vmem>>
    %dma_start3A_2257 = arith.constant 1024 : i32
    %dma_start3A_2258 = tpu.memref_slice %arg8[%add3A_2238, %dma_start3A_2257] : memref<16384x1536xf32, #tpu.memory_space<hbm>> -> memref<32x256xf32, #tpu.memory_space<hbm>>
    %dma_start3A_2259 = arith.constant 1024 : i32
    %dma_start3A_2260 = tpu.memref_slice %arg8[%add3A_2238, %dma_start3A_2259] : memref<16384x1536xf32, #tpu.memory_space<hbm>> -> memref<32x256xf32, #tpu.memory_space<hbm>>
    %dma_start3A_2261 = arith.constant 0 : i32
    %dma_start3A_2262 = arith.constant 0 : i32
    %dma_start3A_2263 = tpu.memref_slice %arg13[%dma_start3A_2252, %dma_start3A_2261, %dma_start3A_2262] : memref<2x32x256xf32, #tpu.memory_space<vmem>> -> memref<1x32x256xf32, #tpu.memory_space<vmem>>
    %dma_start3A_2264 = tpu.memref_squeeze %dma_start3A_2263 : memref<1x32x256xf32, #tpu.memory_space<vmem>> -> memref<32x256xf32, #tpu.memory_space<vmem>>
    tpu.enqueue_dma source(%dma_start3A_2264 : memref<32x256xf32, #tpu.memory_space<vmem>>) target(%dma_start3A_2260 : memref<32x256xf32, #tpu.memory_space<hbm>>) target_semaphore(%arg17 : memref<!tpu.dma_semaphore, #tpu.memory_space<semaphore_mem>>)
    %dma_start3A_2265 = arith.constant 0 : i32
    %dma_start3A_2266 = arith.constant 0 : i32
    %dma_start3A_2267 = arith.constant 0 : i32
    %dma_start3A_2268 = tpu.memref_slice %arg14[%dma_start3A_2265, %dma_start3A_2266, %dma_start3A_2267] : memref<2x32x256xf32, #tpu.memory_space<vmem>> -> memref<1x32x256xf32, #tpu.memory_space<vmem>>
    %dma_start3A_2269 = tpu.memref_squeeze %dma_start3A_2268 : memref<1x32x256xf32, #tpu.memory_space<vmem>> -> memref<32x256xf32, #tpu.memory_space<vmem>>
    %dma_start3A_2270 = arith.constant 1280 : i32
    %dma_start3A_2271 = tpu.memref_slice %arg8[%add3A_2238, %dma_start3A_2270] : memref<16384x1536xf32, #tpu.memory_space<hbm>> -> memref<32x256xf32, #tpu.memory_space<hbm>>
    %dma_start3A_2272 = arith.constant 1280 : i32
    %dma_start3A_2273 = tpu.memref_slice %arg8[%add3A_2238, %dma_start3A_2272] : memref<16384x1536xf32, #tpu.memory_space<hbm>> -> memref<32x256xf32, #tpu.memory_space<hbm>>
    %dma_start3A_2274 = arith.constant 0 : i32
    %dma_start3A_2275 = arith.constant 0 : i32
    %dma_start3A_2276 = tpu.memref_slice %arg14[%dma_start3A_2265, %dma_start3A_2274, %dma_start3A_2275] : memref<2x32x256xf32, #tpu.memory_space<vmem>> -> memref<1x32x256xf32, #tpu.memory_space<vmem>>
    %dma_start3A_2277 = tpu.memref_squeeze %dma_start3A_2276 : memref<1x32x256xf32, #tpu.memory_space<vmem>> -> memref<32x256xf32, #tpu.memory_space<vmem>>
    tpu.enqueue_dma source(%dma_start3A_2277 : memref<32x256xf32, #tpu.memory_space<vmem>>) target(%dma_start3A_2273 : memref<32x256xf32, #tpu.memory_space<hbm>>) target_semaphore(%arg17 : memref<!tpu.dma_semaphore, #tpu.memory_space<semaphore_mem>>)
    %dma_wait3A_2278 = arith.constant 15 : i32
    %dma_wait3A_2279 = arith.constant 1 : i32
    %dma_wait3A_2280 = arith.constant 0 : i32
    %dma_wait3A_2281 = arith.constant 0 : i32
    %dma_wait3A_2282 = tpu.memref_slice %arg12[%dma_wait3A_2279, %dma_wait3A_2280, %dma_wait3A_2281] : memref<2x32x1024xf32, #tpu.memory_space<vmem>> -> memref<1x32x1024xf32, #tpu.memory_space<vmem>>
    %dma_wait3A_2283 = tpu.memref_squeeze %dma_wait3A_2282 : memref<1x32x1024xf32, #tpu.memory_space<vmem>> -> memref<32x1024xf32, #tpu.memory_space<vmem>>
    %dma_wait3A_2284 = arith.constant 0 : i32
    %dma_wait3A_2285 = tpu.memref_slice %arg9[%dma_wait3A_2278, %dma_wait3A_2284] : memref<16x32xi32, #tpu.memory_space<vmem>> -> memref<1x32xi32, #tpu.memory_space<vmem>>
    %dma_wait3A_2286 = tpu.memref_squeeze %dma_wait3A_2285 : memref<1x32xi32, #tpu.memory_space<vmem>> -> memref<32xi32, #tpu.memory_space<vmem>>
    %dma_wait3A_2287 = arith.constant 0 : i32
    %dma_wait3A_2288 = arith.constant 0 : i32
    %dma_wait3A_2289 = tpu.memref_slice %arg5[%dma_wait3A_2287, %dma_wait3A_2288] : memref<5x1024xf32, #tpu.memory_space<hbm>> -> memref<5x1024xf32, #tpu.memory_space<hbm>>
    tpu.wait_indirect_dma semaphore(%arg16 : memref<!tpu.dma_semaphore, #tpu.memory_space<semaphore_mem>>) src(%dma_wait3A_2289 : memref<5x1024xf32, #tpu.memory_space<hbm>>) dst(%dma_wait3A_2283 : memref<32x1024xf32, #tpu.memory_space<vmem>>)
    %dma_wait3A_2290 = arith.constant 15 : i32
    %dma_wait3A_2291 = arith.constant 1 : i32
    %dma_wait3A_2292 = arith.constant 0 : i32
    %dma_wait3A_2293 = arith.constant 0 : i32
    %dma_wait3A_2294 = tpu.memref_slice %arg13[%dma_wait3A_2291, %dma_wait3A_2292, %dma_wait3A_2293] : memref<2x32x256xf32, #tpu.memory_space<vmem>> -> memref<1x32x256xf32, #tpu.memory_space<vmem>>
    %dma_wait3A_2295 = tpu.memref_squeeze %dma_wait3A_2294 : memref<1x32x256xf32, #tpu.memory_space<vmem>> -> memref<32x256xf32, #tpu.memory_space<vmem>>
    %dma_wait3A_2296 = arith.constant 0 : i32
    %dma_wait3A_2297 = tpu.memref_slice %arg10[%dma_wait3A_2290, %dma_wait3A_2296] : memref<16x32xi32, #tpu.memory_space<vmem>> -> memref<1x32xi32, #tpu.memory_space<vmem>>
    %dma_wait3A_2298 = tpu.memref_squeeze %dma_wait3A_2297 : memref<1x32xi32, #tpu.memory_space<vmem>> -> memref<32xi32, #tpu.memory_space<vmem>>
    %dma_wait3A_2299 = arith.constant 0 : i32
    %dma_wait3A_2300 = arith.constant 0 : i32
    %dma_wait3A_2301 = tpu.memref_slice %arg6[%dma_wait3A_2299, %dma_wait3A_2300] : memref<50x256xf32, #tpu.memory_space<hbm>> -> memref<50x256xf32, #tpu.memory_space<hbm>>
    tpu.wait_indirect_dma semaphore(%arg16 : memref<!tpu.dma_semaphore, #tpu.memory_space<semaphore_mem>>) src(%dma_wait3A_2301 : memref<50x256xf32, #tpu.memory_space<hbm>>) dst(%dma_wait3A_2295 : memref<32x256xf32, #tpu.memory_space<vmem>>)
    %dma_wait3A_2302 = arith.constant 15 : i32
    %dma_wait3A_2303 = arith.constant 1 : i32
    %dma_wait3A_2304 = arith.constant 0 : i32
    %dma_wait3A_2305 = arith.constant 0 : i32
    %dma_wait3A_2306 = tpu.memref_slice %arg14[%dma_wait3A_2303, %dma_wait3A_2304, %dma_wait3A_2305] : memref<2x32x256xf32, #tpu.memory_space<vmem>> -> memref<1x32x256xf32, #tpu.memory_space<vmem>>
    %dma_wait3A_2307 = tpu.memref_squeeze %dma_wait3A_2306 : memref<1x32x256xf32, #tpu.memory_space<vmem>> -> memref<32x256xf32, #tpu.memory_space<vmem>>
    %dma_wait3A_2308 = arith.constant 0 : i32
    %dma_wait3A_2309 = tpu.memref_slice %arg11[%dma_wait3A_2302, %dma_wait3A_2308] : memref<16x32xi32, #tpu.memory_space<vmem>> -> memref<1x32xi32, #tpu.memory_space<vmem>>
    %dma_wait3A_2310 = tpu.memref_squeeze %dma_wait3A_2309 : memref<1x32xi32, #tpu.memory_space<vmem>> -> memref<32xi32, #tpu.memory_space<vmem>>
    %dma_wait3A_2311 = arith.constant 0 : i32
    %dma_wait3A_2312 = arith.constant 0 : i32
    %dma_wait3A_2313 = tpu.memref_slice %arg7[%dma_wait3A_2311, %dma_wait3A_2312] : memref<50x256xf32, #tpu.memory_space<hbm>> -> memref<50x256xf32, #tpu.memory_space<hbm>>
    tpu.wait_indirect_dma semaphore(%arg16 : memref<!tpu.dma_semaphore, #tpu.memory_space<semaphore_mem>>) src(%dma_wait3A_2313 : memref<50x256xf32, #tpu.memory_space<hbm>>) dst(%dma_wait3A_2307 : memref<32x256xf32, #tpu.memory_space<vmem>>)
    %add3A_2314 = arith.constant 480 : i32
    %add3A_2315 = arith.addi %mul3A_2, %add3A_2314 : i32
    %dma_start3A_2316 = arith.constant 1 : i32
    %dma_start3A_2317 = arith.constant 0 : i32
    %dma_start3A_2318 = arith.constant 0 : i32
    %dma_start3A_2319 = tpu.memref_slice %arg12[%dma_start3A_2316, %dma_start3A_2317, %dma_start3A_2318] : memref<2x32x1024xf32, #tpu.memory_space<vmem>> -> memref<1x32x1024xf32, #tpu.memory_space<vmem>>
    %dma_start3A_2320 = tpu.memref_squeeze %dma_start3A_2319 : memref<1x32x1024xf32, #tpu.memory_space<vmem>> -> memref<32x1024xf32, #tpu.memory_space<vmem>>
    %dma_start3A_2321 = arith.constant 0 : i32
    %dma_start3A_2322 = tpu.memref_slice %arg8[%add3A_2315, %dma_start3A_2321] : memref<16384x1536xf32, #tpu.memory_space<hbm>> -> memref<32x1024xf32, #tpu.memory_space<hbm>>
    %dma_start3A_2323 = arith.constant 0 : i32
    %dma_start3A_2324 = tpu.memref_slice %arg8[%add3A_2315, %dma_start3A_2323] : memref<16384x1536xf32, #tpu.memory_space<hbm>> -> memref<32x1024xf32, #tpu.memory_space<hbm>>
    %dma_start3A_2325 = arith.constant 0 : i32
    %dma_start3A_2326 = arith.constant 0 : i32
    %dma_start3A_2327 = tpu.memref_slice %arg12[%dma_start3A_2316, %dma_start3A_2325, %dma_start3A_2326] : memref<2x32x1024xf32, #tpu.memory_space<vmem>> -> memref<1x32x1024xf32, #tpu.memory_space<vmem>>
    %dma_start3A_2328 = tpu.memref_squeeze %dma_start3A_2327 : memref<1x32x1024xf32, #tpu.memory_space<vmem>> -> memref<32x1024xf32, #tpu.memory_space<vmem>>
    tpu.enqueue_dma source(%dma_start3A_2328 : memref<32x1024xf32, #tpu.memory_space<vmem>>) target(%dma_start3A_2324 : memref<32x1024xf32, #tpu.memory_space<hbm>>) target_semaphore(%arg18 : memref<!tpu.dma_semaphore, #tpu.memory_space<semaphore_mem>>)
    %dma_start3A_2329 = arith.constant 1 : i32
    %dma_start3A_2330 = arith.constant 0 : i32
    %dma_start3A_2331 = arith.constant 0 : i32
    %dma_start3A_2332 = tpu.memref_slice %arg13[%dma_start3A_2329, %dma_start3A_2330, %dma_start3A_2331] : memref<2x32x256xf32, #tpu.memory_space<vmem>> -> memref<1x32x256xf32, #tpu.memory_space<vmem>>
    %dma_start3A_2333 = tpu.memref_squeeze %dma_start3A_2332 : memref<1x32x256xf32, #tpu.memory_space<vmem>> -> memref<32x256xf32, #tpu.memory_space<vmem>>
    %dma_start3A_2334 = arith.constant 1024 : i32
    %dma_start3A_2335 = tpu.memref_slice %arg8[%add3A_2315, %dma_start3A_2334] : memref<16384x1536xf32, #tpu.memory_space<hbm>> -> memref<32x256xf32, #tpu.memory_space<hbm>>
    %dma_start3A_2336 = arith.constant 1024 : i32
    %dma_start3A_2337 = tpu.memref_slice %arg8[%add3A_2315, %dma_start3A_2336] : memref<16384x1536xf32, #tpu.memory_space<hbm>> -> memref<32x256xf32, #tpu.memory_space<hbm>>
    %dma_start3A_2338 = arith.constant 0 : i32
    %dma_start3A_2339 = arith.constant 0 : i32
    %dma_start3A_2340 = tpu.memref_slice %arg13[%dma_start3A_2329, %dma_start3A_2338, %dma_start3A_2339] : memref<2x32x256xf32, #tpu.memory_space<vmem>> -> memref<1x32x256xf32, #tpu.memory_space<vmem>>
    %dma_start3A_2341 = tpu.memref_squeeze %dma_start3A_2340 : memref<1x32x256xf32, #tpu.memory_space<vmem>> -> memref<32x256xf32, #tpu.memory_space<vmem>>
    tpu.enqueue_dma source(%dma_start3A_2341 : memref<32x256xf32, #tpu.memory_space<vmem>>) target(%dma_start3A_2337 : memref<32x256xf32, #tpu.memory_space<hbm>>) target_semaphore(%arg18 : memref<!tpu.dma_semaphore, #tpu.memory_space<semaphore_mem>>)
    %dma_start3A_2342 = arith.constant 1 : i32
    %dma_start3A_2343 = arith.constant 0 : i32
    %dma_start3A_2344 = arith.constant 0 : i32
    %dma_start3A_2345 = tpu.memref_slice %arg14[%dma_start3A_2342, %dma_start3A_2343, %dma_start3A_2344] : memref<2x32x256xf32, #tpu.memory_space<vmem>> -> memref<1x32x256xf32, #tpu.memory_space<vmem>>
    %dma_start3A_2346 = tpu.memref_squeeze %dma_start3A_2345 : memref<1x32x256xf32, #tpu.memory_space<vmem>> -> memref<32x256xf32, #tpu.memory_space<vmem>>
    %dma_start3A_2347 = arith.constant 1280 : i32
    %dma_start3A_2348 = tpu.memref_slice %arg8[%add3A_2315, %dma_start3A_2347] : memref<16384x1536xf32, #tpu.memory_space<hbm>> -> memref<32x256xf32, #tpu.memory_space<hbm>>
    %dma_start3A_2349 = arith.constant 1280 : i32
    %dma_start3A_2350 = tpu.memref_slice %arg8[%add3A_2315, %dma_start3A_2349] : memref<16384x1536xf32, #tpu.memory_space<hbm>> -> memref<32x256xf32, #tpu.memory_space<hbm>>
    %dma_start3A_2351 = arith.constant 0 : i32
    %dma_start3A_2352 = arith.constant 0 : i32
    %dma_start3A_2353 = tpu.memref_slice %arg14[%dma_start3A_2342, %dma_start3A_2351, %dma_start3A_2352] : memref<2x32x256xf32, #tpu.memory_space<vmem>> -> memref<1x32x256xf32, #tpu.memory_space<vmem>>
    %dma_start3A_2354 = tpu.memref_squeeze %dma_start3A_2353 : memref<1x32x256xf32, #tpu.memory_space<vmem>> -> memref<32x256xf32, #tpu.memory_space<vmem>>
    tpu.enqueue_dma source(%dma_start3A_2354 : memref<32x256xf32, #tpu.memory_space<vmem>>) target(%dma_start3A_2350 : memref<32x256xf32, #tpu.memory_space<hbm>>) target_semaphore(%arg18 : memref<!tpu.dma_semaphore, #tpu.memory_space<semaphore_mem>>)
    %dma_wait3A_2355 = arith.constant 0 : i32
    %dma_wait3A_2356 = arith.constant 0 : i32
    %dma_wait3A_2357 = arith.constant 0 : i32
    %dma_wait3A_2358 = tpu.memref_slice %arg12[%dma_wait3A_2355, %dma_wait3A_2356, %dma_wait3A_2357] : memref<2x32x1024xf32, #tpu.memory_space<vmem>> -> memref<1x32x1024xf32, #tpu.memory_space<vmem>>
    %dma_wait3A_2359 = tpu.memref_squeeze %dma_wait3A_2358 : memref<1x32x1024xf32, #tpu.memory_space<vmem>> -> memref<32x1024xf32, #tpu.memory_space<vmem>>
    %dma_wait3A_2360 = arith.constant 0 : i32
    %dma_wait3A_2361 = tpu.memref_slice %arg8[%add3A_2238, %dma_wait3A_2360] : memref<16384x1536xf32, #tpu.memory_space<hbm>> -> memref<32x1024xf32, #tpu.memory_space<hbm>>
    %dma_wait3A_2362 = arith.constant 0 : i32
    %dma_wait3A_2363 = tpu.memref_slice %arg8[%add3A_2238, %dma_wait3A_2362] : memref<16384x1536xf32, #tpu.memory_space<hbm>> -> memref<32x1024xf32, #tpu.memory_space<hbm>>
    %dma_wait3A_2364 = arith.constant 0 : i32
    %dma_wait3A_2365 = arith.constant 0 : i32
    %dma_wait3A_2366 = tpu.memref_slice %arg12[%dma_wait3A_2355, %dma_wait3A_2364, %dma_wait3A_2365] : memref<2x32x1024xf32, #tpu.memory_space<vmem>> -> memref<1x32x1024xf32, #tpu.memory_space<vmem>>
    %dma_wait3A_2367 = tpu.memref_squeeze %dma_wait3A_2366 : memref<1x32x1024xf32, #tpu.memory_space<vmem>> -> memref<32x1024xf32, #tpu.memory_space<vmem>>
    tpu.wait_dma2 semaphore(%arg17 : memref<!tpu.dma_semaphore, #tpu.memory_space<semaphore_mem>>) src(%dma_wait3A_2367 : memref<32x1024xf32, #tpu.memory_space<vmem>>) dst(%dma_wait3A_2363 : memref<32x1024xf32, #tpu.memory_space<hbm>>)
    %dma_wait3A_2368 = arith.constant 0 : i32
    %dma_wait3A_2369 = arith.constant 0 : i32
    %dma_wait3A_2370 = arith.constant 0 : i32
    %dma_wait3A_2371 = tpu.memref_slice %arg13[%dma_wait3A_2368, %dma_wait3A_2369, %dma_wait3A_2370] : memref<2x32x256xf32, #tpu.memory_space<vmem>> -> memref<1x32x256xf32, #tpu.memory_space<vmem>>
    %dma_wait3A_2372 = tpu.memref_squeeze %dma_wait3A_2371 : memref<1x32x256xf32, #tpu.memory_space<vmem>> -> memref<32x256xf32, #tpu.memory_space<vmem>>
    %dma_wait3A_2373 = arith.constant 1024 : i32
    %dma_wait3A_2374 = tpu.memref_slice %arg8[%add3A_2238, %dma_wait3A_2373] : memref<16384x1536xf32, #tpu.memory_space<hbm>> -> memref<32x256xf32, #tpu.memory_space<hbm>>
    %dma_wait3A_2375 = arith.constant 1024 : i32
    %dma_wait3A_2376 = tpu.memref_slice %arg8[%add3A_2238, %dma_wait3A_2375] : memref<16384x1536xf32, #tpu.memory_space<hbm>> -> memref<32x256xf32, #tpu.memory_space<hbm>>
    %dma_wait3A_2377 = arith.constant 0 : i32
    %dma_wait3A_2378 = arith.constant 0 : i32
    %dma_wait3A_2379 = tpu.memref_slice %arg13[%dma_wait3A_2368, %dma_wait3A_2377, %dma_wait3A_2378] : memref<2x32x256xf32, #tpu.memory_space<vmem>> -> memref<1x32x256xf32, #tpu.memory_space<vmem>>
    %dma_wait3A_2380 = tpu.memref_squeeze %dma_wait3A_2379 : memref<1x32x256xf32, #tpu.memory_space<vmem>> -> memref<32x256xf32, #tpu.memory_space<vmem>>
    tpu.wait_dma2 semaphore(%arg17 : memref<!tpu.dma_semaphore, #tpu.memory_space<semaphore_mem>>) src(%dma_wait3A_2380 : memref<32x256xf32, #tpu.memory_space<vmem>>) dst(%dma_wait3A_2376 : memref<32x256xf32, #tpu.memory_space<hbm>>)
    %dma_wait3A_2381 = arith.constant 0 : i32
    %dma_wait3A_2382 = arith.constant 0 : i32
    %dma_wait3A_2383 = arith.constant 0 : i32
    %dma_wait3A_2384 = tpu.memref_slice %arg14[%dma_wait3A_2381, %dma_wait3A_2382, %dma_wait3A_2383] : memref<2x32x256xf32, #tpu.memory_space<vmem>> -> memref<1x32x256xf32, #tpu.memory_space<vmem>>
    %dma_wait3A_2385 = tpu.memref_squeeze %dma_wait3A_2384 : memref<1x32x256xf32, #tpu.memory_space<vmem>> -> memref<32x256xf32, #tpu.memory_space<vmem>>
    %dma_wait3A_2386 = arith.constant 1280 : i32
    %dma_wait3A_2387 = tpu.memref_slice %arg8[%add3A_2238, %dma_wait3A_2386] : memref<16384x1536xf32, #tpu.memory_space<hbm>> -> memref<32x256xf32, #tpu.memory_space<hbm>>
    %dma_wait3A_2388 = arith.constant 1280 : i32
    %dma_wait3A_2389 = tpu.memref_slice %arg8[%add3A_2238, %dma_wait3A_2388] : memref<16384x1536xf32, #tpu.memory_space<hbm>> -> memref<32x256xf32, #tpu.memory_space<hbm>>
    %dma_wait3A_2390 = arith.constant 0 : i32
    %dma_wait3A_2391 = arith.constant 0 : i32
    %dma_wait3A_2392 = tpu.memref_slice %arg14[%dma_wait3A_2381, %dma_wait3A_2390, %dma_wait3A_2391] : memref<2x32x256xf32, #tpu.memory_space<vmem>> -> memref<1x32x256xf32, #tpu.memory_space<vmem>>
    %dma_wait3A_2393 = tpu.memref_squeeze %dma_wait3A_2392 : memref<1x32x256xf32, #tpu.memory_space<vmem>> -> memref<32x256xf32, #tpu.memory_space<vmem>>
    tpu.wait_dma2 semaphore(%arg17 : memref<!tpu.dma_semaphore, #tpu.memory_space<semaphore_mem>>) src(%dma_wait3A_2393 : memref<32x256xf32, #tpu.memory_space<vmem>>) dst(%dma_wait3A_2389 : memref<32x256xf32, #tpu.memory_space<hbm>>)
    %dma_wait3A_2394 = arith.constant 1 : i32
    %dma_wait3A_2395 = arith.constant 0 : i32
    %dma_wait3A_2396 = arith.constant 0 : i32
    %dma_wait3A_2397 = tpu.memref_slice %arg12[%dma_wait3A_2394, %dma_wait3A_2395, %dma_wait3A_2396] : memref<2x32x1024xf32, #tpu.memory_space<vmem>> -> memref<1x32x1024xf32, #tpu.memory_space<vmem>>
    %dma_wait3A_2398 = tpu.memref_squeeze %dma_wait3A_2397 : memref<1x32x1024xf32, #tpu.memory_space<vmem>> -> memref<32x1024xf32, #tpu.memory_space<vmem>>
    %dma_wait3A_2399 = arith.constant 0 : i32
    %dma_wait3A_2400 = tpu.memref_slice %arg8[%add3A_2315, %dma_wait3A_2399] : memref<16384x1536xf32, #tpu.memory_space<hbm>> -> memref<32x1024xf32, #tpu.memory_space<hbm>>
    %dma_wait3A_2401 = arith.constant 0 : i32
    %dma_wait3A_2402 = tpu.memref_slice %arg8[%add3A_2315, %dma_wait3A_2401] : memref<16384x1536xf32, #tpu.memory_space<hbm>> -> memref<32x1024xf32, #tpu.memory_space<hbm>>
    %dma_wait3A_2403 = arith.constant 0 : i32
    %dma_wait3A_2404 = arith.constant 0 : i32
    %dma_wait3A_2405 = tpu.memref_slice %arg12[%dma_wait3A_2394, %dma_wait3A_2403, %dma_wait3A_2404] : memref<2x32x1024xf32, #tpu.memory_space<vmem>> -> memref<1x32x1024xf32, #tpu.memory_space<vmem>>
    %dma_wait3A_2406 = tpu.memref_squeeze %dma_wait3A_2405 : memref<1x32x1024xf32, #tpu.memory_space<vmem>> -> memref<32x1024xf32, #tpu.memory_space<vmem>>
    tpu.wait_dma2 semaphore(%arg18 : memref<!tpu.dma_semaphore, #tpu.memory_space<semaphore_mem>>) src(%dma_wait3A_2406 : memref<32x1024xf32, #tpu.memory_space<vmem>>) dst(%dma_wait3A_2402 : memref<32x1024xf32, #tpu.memory_space<hbm>>)
    %dma_wait3A_2407 = arith.constant 1 : i32
    %dma_wait3A_2408 = arith.constant 0 : i32
    %dma_wait3A_2409 = arith.constant 0 : i32
    %dma_wait3A_2410 = tpu.memref_slice %arg13[%dma_wait3A_2407, %dma_wait3A_2408, %dma_wait3A_2409] : memref<2x32x256xf32, #tpu.memory_space<vmem>> -> memref<1x32x256xf32, #tpu.memory_space<vmem>>
    %dma_wait3A_2411 = tpu.memref_squeeze %dma_wait3A_2410 : memref<1x32x256xf32, #tpu.memory_space<vmem>> -> memref<32x256xf32, #tpu.memory_space<vmem>>
    %dma_wait3A_2412 = arith.constant 1024 : i32
    %dma_wait3A_2413 = tpu.memref_slice %arg8[%add3A_2315, %dma_wait3A_2412] : memref<16384x1536xf32, #tpu.memory_space<hbm>> -> memref<32x256xf32, #tpu.memory_space<hbm>>
    %dma_wait3A_2414 = arith.constant 1024 : i32
    %dma_wait3A_2415 = tpu.memref_slice %arg8[%add3A_2315, %dma_wait3A_2414] : memref<16384x1536xf32, #tpu.memory_space<hbm>> -> memref<32x256xf32, #tpu.memory_space<hbm>>
    %dma_wait3A_2416 = arith.constant 0 : i32
    %dma_wait3A_2417 = arith.constant 0 : i32
    %dma_wait3A_2418 = tpu.memref_slice %arg13[%dma_wait3A_2407, %dma_wait3A_2416, %dma_wait3A_2417] : memref<2x32x256xf32, #tpu.memory_space<vmem>> -> memref<1x32x256xf32, #tpu.memory_space<vmem>>
    %dma_wait3A_2419 = tpu.memref_squeeze %dma_wait3A_2418 : memref<1x32x256xf32, #tpu.memory_space<vmem>> -> memref<32x256xf32, #tpu.memory_space<vmem>>
    tpu.wait_dma2 semaphore(%arg18 : memref<!tpu.dma_semaphore, #tpu.memory_space<semaphore_mem>>) src(%dma_wait3A_2419 : memref<32x256xf32, #tpu.memory_space<vmem>>) dst(%dma_wait3A_2415 : memref<32x256xf32, #tpu.memory_space<hbm>>)
    %dma_wait3A_2420 = arith.constant 1 : i32
    %dma_wait3A_2421 = arith.constant 0 : i32
    %dma_wait3A_2422 = arith.constant 0 : i32
    %dma_wait3A_2423 = tpu.memref_slice %arg14[%dma_wait3A_2420, %dma_wait3A_2421, %dma_wait3A_2422] : memref<2x32x256xf32, #tpu.memory_space<vmem>> -> memref<1x32x256xf32, #tpu.memory_space<vmem>>
    %dma_wait3A_2424 = tpu.memref_squeeze %dma_wait3A_2423 : memref<1x32x256xf32, #tpu.memory_space<vmem>> -> memref<32x256xf32, #tpu.memory_space<vmem>>
    %dma_wait3A_2425 = arith.constant 1280 : i32
    %dma_wait3A_2426 = tpu.memref_slice %arg8[%add3A_2315, %dma_wait3A_2425] : memref<16384x1536xf32, #tpu.memory_space<hbm>> -> memref<32x256xf32, #tpu.memory_space<hbm>>
    %dma_wait3A_2427 = arith.constant 1280 : i32
    %dma_wait3A_2428 = tpu.memref_slice %arg8[%add3A_2315, %dma_wait3A_2427] : memref<16384x1536xf32, #tpu.memory_space<hbm>> -> memref<32x256xf32, #tpu.memory_space<hbm>>
    %dma_wait3A_2429 = arith.constant 0 : i32
    %dma_wait3A_2430 = arith.constant 0 : i32
    %dma_wait3A_2431 = tpu.memref_slice %arg14[%dma_wait3A_2420, %dma_wait3A_2429, %dma_wait3A_2430] : memref<2x32x256xf32, #tpu.memory_space<vmem>> -> memref<1x32x256xf32, #tpu.memory_space<vmem>>
    %dma_wait3A_2432 = tpu.memref_squeeze %dma_wait3A_2431 : memref<1x32x256xf32, #tpu.memory_space<vmem>> -> memref<32x256xf32, #tpu.memory_space<vmem>>
    tpu.wait_dma2 semaphore(%arg18 : memref<!tpu.dma_semaphore, #tpu.memory_space<semaphore_mem>>) src(%dma_wait3A_2432 : memref<32x256xf32, #tpu.memory_space<vmem>>) dst(%dma_wait3A_2428 : memref<32x256xf32, #tpu.memory_space<hbm>>)
    return
  }
}

</mosaic_0001>

<sc_bundles>
// kernel: kernel.3.cloned.1.call-start
scs
__scs_entry_jumppad:
0x0: {  	(pc) =	sbr.rel $0x88, $3  }
0x1: {  	(tag) =	ssettag $0x0;
	lr =	simm.s32 $0x1  }
0x2: {  	[smem:$0x3F9B] =	sst lr;
	_ =	strace $0xD0000000  }
0x3: {  	_ = 	snop  }
0x4: {  	_ = 	snop  }
0x5: {  	_ = 	snop  }
0x6: {  	_ = 	snop  }
0x7: {  	_ = 	snop  }
__scs_overlays_trampoline_lowered:
0x8: {  	[smem:$0x3FAA] =	sst s0  }
0x9: {  	[smem:$0x3FAB] =	sst s1  }
0xa: {  	[smem:$0x3FAC] =	sst s2  }
0xb: {  	[smem:$0x3FAD] =	sst s3  }
0xc: {  	[smem:$0x3FAE] =	sst s4  }
0xd: {  	[smem:$0x3FAF] =	sst s5  }
0xe: {  	[smem:$0x3FB0] =	sst s6  }
0xf: {  	[smem:$0x3FB1] =	sst s7  }
0x10: {  	[smem:$0x3FB2] =	sst s8  }
0x11: {  	[smem:$0x3FB3] =	sst s9;
	s0 =	simm.s32 @!p0 $0x0  }
0x12: {  	s1 =	sld [smem:$0x3F99];
	s0 =	simm.s32 @p0 $0x1  }
0x13: {  	[smem:$0x3FB4] =	sst s0;
	s0 =	simm.s32 @!p1 $0x0  }
0x14: {  	s2 =	sld [smem:$0x3F98];
	s0 =	simm.s32 @p1 $0x1  }
0x15: {  	[smem:$0x3FB5] =	sst s0;
	s0 =	simm.s32 @!p2 $0x0  }
0x16: {  	s3 =	sld [smem:$0x3FDB];
	s0 =	simm.s32 @p2 $0x1  }
0x17: {  	s4 =	simm.s32 $0x1BF5;
	[smem:$0x3FB7] =	sst s0  }
0x18: {  	s0 =	sld [smem:$0x3F9A];
	_ =	swait.ge [sflag:s4], $0x0  }
0x19: {  	s7 =	sld [smem:$0x3F9B]  }
0x1a: {  	s8 =	sadd.s32 $0xFFFFE003, lr  }
0x1b: {  	s9 =	sadd.s32 $0xFFFFFEF7, lr;
	s5 =	simm.s32 $0xFFFFFFFF;
	p2 =	slt.u32 s8, $0xFFFFF086  }
0x1c: {  	p1 =	slt.u32 s9, $0xF7A;
	s5 =	simm.s32 @!p2 $0x0  }
0x1d: {  	s5 =	simm.s32 @p1 $0x1;
	p0 =	seq.s32 s7, s2  }
0x1e: {  	s7 =	smul.u32 @!p0 $0xF7A, s2;
	p2 =	seq.s32 @!p0 s5, $0x0  }
0x1f: {  	s9 =	smul.u32 $0xF7A, s1;
	s8 =	simm.s32 @!p0 $0x1BF5;
	p2 =	por !p2, p0  }
0x20: {  	[sflag:s8] =	ssyncset.s32 @!p0 $0xFFFFF086;
	s6 =	sadd.s32 @!p0 s3, s7;
	s7 =	simm.s32 @!p0 $0x108  }
0x21: {  	s3 =	sadd.s32 s3, s9;
	s6 =	sadd.s32 @!p0 $0x88, s6;
	s7 =	simm.s32 @p2 $0x1082  }
0x22: {  	[simem:s7], [sflag:s8] =	dma.local @!p0 [hbm:s6], $0xF7A  }
0x23: {  	s9 =	sor.u32 $0xD0000000, s2;
	s6 =	simm.s32 $0x108;
	_ =	swait.ge @!p0 [sflag:s8], $0x0  }
0x24: {  	s3 =	sadd.s32 $0x88, s3;
	s6 =	simm.s32 @!p1 $0x1082;
	[sflag:s4] =	ssyncset.s32 $0xFFFFF086  }
0x25: {  	[simem:s6], [sflag:s4] =	dma.local [hbm:s3], $0xF7A  }
0x26: {  	[smem:$0x3F9B] =	sst s1;
	(tag) =	ssettag s2;
	_ =	strace s9  }
0x27: {  	s1 =	sld [smem:$0x3FAB]  }
0x28: {  	s2 =	sld [smem:$0x3FAC]  }
0x29: {  	s4 =	sld [smem:$0x3FAE]  }
0x2a: {  	p0 =	seq.s32 s5, $0x0;
	s5 =	sld [smem:$0x3FAF]  }
0x2b: {  	s6 =	sld [smem:$0x3FB0]  }
0x2c: {  	s7 =	sld [smem:$0x3FB1]  }
0x2d: {  	s3 =	simm.s32 $0x108;
	s8 =	sld [smem:$0x3FB2]  }
0x2e: {  	s3 =	simm.s32 @!p0 $0x1082;
	s9 =	sld [smem:$0x3FB3]  }
0x2f: {  	lr =	sadd.s32 s0, s3;
	s0 =	sld [smem:$0x3FAA]  }
0x30: {  	s3 =	sld [smem:$0x3FAD]  }
0x31: {  	[smem:$0x3FB6] =	sst s10  }
0x32: {  	s10 =	sld [smem:$0x3FB4];
	_ =	sdelay $0x3  }
0x33: {  	p0 =	seq.s32 s10, $0x1;
	s10 =	sld [smem:$0x3FB6];
	_ =	sdelay $0x3  }
0x34: {  	[smem:$0x3FB6] =	sst s10  }
0x35: {  	s10 =	sld [smem:$0x3FB5];
	_ =	sdelay $0x3  }
0x36: {  	p1 =	seq.s32 s10, $0x1;
	s10 =	sld [smem:$0x3FB6];
	_ =	sdelay $0x3  }
0x37: {  	[smem:$0x3FB6] =	sst s10  }
0x38: {  	s10 =	sld [smem:$0x3FB7]  }
0x39: {  	_ = 	snop;
	(pc) =	sbr.ind lr, $3  }
0x3a: {  	_ = 	snop  }
0x3b: {  	_ = 	snop  }
0x3c: {  	p2 =	seq.s32 s10, $0x1;
	s10 =	sld [smem:$0x3FB6]  }
0x3d: {  	_ =	shalt  }
0x3e: {  	_ =	shalt  }
0x3f: {  	_ =	shalt  }
0x40: {  	_ =	shalt  }
0x41: {  	_ =	shalt  }
0x42: {  	_ =	shalt  }
0x43: {  	_ =	shalt  }
0x44: {  	_ =	shalt  }
0x45: {  	_ =	shalt  }
0x46: {  	_ =	shalt  }
0x47: {  	_ =	shalt  }
0x48: {  	_ =	shalt  }
0x49: {  	_ =	shalt  }
0x4a: {  	_ =	shalt  }
0x4b: {  	_ =	shalt  }
0x4c: {  	_ =	shalt  }
0x4d: {  	_ =	shalt  }
0x4e: {  	_ =	shalt  }
0x4f: {  	_ =	shalt  }
0x50: {  	_ =	shalt  }
0x51: {  	_ =	shalt  }
0x52: {  	_ =	shalt  }
0x53: {  	_ =	shalt  }
0x54: {  	_ =	shalt  }
0x55: {  	_ =	shalt  }
0x56: {  	_ =	shalt  }
0x57: {  	_ =	shalt  }
0x58: {  	_ =	shalt  }
0x59: {  	_ =	shalt  }
0x5a: {  	_ =	shalt  }
0x5b: {  	_ =	shalt  }
0x5c: {  	_ =	shalt  }
0x5d: {  	_ =	shalt  }
0x5e: {  	_ =	shalt  }
0x5f: {  	_ =	shalt  }
0x60: {  	_ =	shalt  }
0x61: {  	_ =	shalt  }
0x62: {  	_ =	shalt  }
0x63: {  	_ =	shalt  }
0x64: {  	_ =	shalt  }
0x65: {  	_ =	shalt  }
0x66: {  	_ =	shalt  }
0x67: {  	_ =	shalt  }
0x68: {  	_ =	shalt  }
0x69: {  	_ =	shalt  }
0x6a: {  	_ =	shalt  }
0x6b: {  	_ =	shalt  }
0x6c: {  	_ =	shalt  }
0x6d: {  	_ =	shalt  }
0x6e: {  	_ =	shalt  }
0x6f: {  	_ =	shalt  }
0x70: {  	_ =	shalt  }
0x71: {  	_ =	shalt  }
0x72: {  	_ =	shalt  }
0x73: {  	_ =	shalt  }
0x74: {  	_ =	shalt  }
0x75: {  	_ =	shalt  }
0x76: {  	_ =	shalt  }
0x77: {  	_ =	shalt  }
0x78: {  	_ =	shalt  }
0x79: {  	_ =	shalt  }
0x7a: {  	_ =	shalt  }
0x7b: {  	_ =	shalt  }
0x7c: {  	_ =	shalt  }
0x7d: {  	_ =	shalt  }
0x7e: {  	_ =	shalt  }
0x7f: {  	_ =	shalt  }
0x80: {  	_ =	shalt  }
0x81: {  	_ =	shalt  }
0x82: {  	_ =	shalt  }
0x83: {  	_ =	shalt  }
0x84: {  	_ =	shalt  }
0x85: {  	_ =	shalt  }
0x86: {  	_ =	shalt  }
0x87: {  	_ =	shalt  }
.Lfunc_end0:
.L_simem_size_0:
called_computation_lowered:
.L_overlay_start_0:
0x88: {  	s2 =	sld [smem:$0x3FD9]  }
0x89: {  	s3 =	sld [smem:$0x3FFE];
	_ =	sdelay $0x1  }
0x8a: {  	s1 =	srdreg.scid  }
0x8b: {  	s0 =	sand.u32 $0x1, s1  }
0x8c: {  	s17 =	sshll.u32 s0, $0xA;
	s2 =	sadd.s32 s3, s2  }
0x8d: {  	s2 =	sadd.s32 s2, s17  }
0x8e: {  	[smem:$0x3FC2] =	sst s2  }
0x8f: {  	_ = 	snop  }
0x90: {  	s2 =	sld [smem:$0x3FC6]  }
0x91: {  	s18 =	sld [smem:$0x3FC5]  }
0x92: {  	s4 =	sld [smem:$0x3FC4]  }
0x93: {  	s5 =	sld [smem:$0x3FD0];
	(tm) =	ssettm $0x1  }
0x94: {  	s6 =	sld [smem:$0x3FFB];
	_ =	sdelay $0x3  }
0x95: {  	_ =	strace s6  }
0x96: {  	s6 =	sld [smem:$0x3FFC];
	_ =	sdelay $0x3  }
0x97: {  	_ =	strace s6  }
0x98: {  	s6 =	sld [smem:$0x3FFD];
	_ =	sdelay $0x3  }
0x99: {  	_ =	strace s6  }
0x9a: {  	_ =	strace $0x8FFFFFFF  }
0x9b: {  	s19 =	sld [smem:$0x3FDB];
	_ =	sdelay $0x1  }
0x9c: {  	s7 =	simm.s32 $_scs_section_size  }
0x9d: {  	s8 =	simm.s32 $_size__tile_overlayer_lowered;
	s9 =	simm.s32 $_tile_overlayer_lowered  }
0x9e: {  	s22 =	simm.s32 $0x1BFF;
	s21 =	sshll.u32 s9, $0x1;
	s6 =	sadd.s32 s7, s19  }
0x9f: {  	s10 =	simm.s32 $0x0;
	s20 =	sshll.u32 s8, $0x1;
	s8 =	sadd.s32 s21, s6  }
0xa0: {  	[timem:s10], [sflag:s22] =	dma.local [hbm:s8], s20  }
0xa1: {  	_ =	swait.ge [sflag:s22], s20  }
0xa2: {  	s7 =	ssub.s32 $0x0, s20;
	[sflag:s22] =	ssyncset.done $0x0  }
0xa3: {  	[sflag:s22] =	ssyncadd.s32 s7;
	_ =	sdelay $0x1  }
0xa4: {  	s23 =	simm.s32 $0x1B8B  }
0xa5: {  	_ =	swait.ge [sflag:s23], $0x1  }
0xa6: {  	[sflag:s23] =	ssyncset.done $0x0  }
0xa7: {  	s25 =	simm.s32 $0x1B8E;
	s24 =	sld [smem:$0x3FFE];
	[sflag:s23] =	ssyncadd.s32 $0xFFFFFFFF  }
0xa8: {  	s26 =	simm.s32 $execute0_lowered;
	[smem:$0x3FD2] =	sst s25  }
0xa9: {  	s8 =	sshll.u32 s26, $0x1;
	_ =	strace $0x80000046;
	[dreg:$0x1] =	wrdreg $0xFFFFFFFF  }
0xaa: {  	s28 =	simm.s32 $_size_execute0_lowered;
	s6 =	sadd.s32 s6, s8;
	[dreg:$0x0] =	wrdreg $0x0  }
0xab: {  	s8 =	sshll.u32 s28, $0x1;
	[dreg:$0x2] =	wrdreg s6  }
0xac: {  	[dreg:$0x3] =	wrdreg s8  }
0xad: {  	[dreg:$0x4] =	wrdreg $0xC0  }
0xae: {  	_ =	task [dreg:s10], $0x5FFFF  }
0xaf: {  	[dreg:$0x1] =	wrdreg $0xFFFFFFFF  }
0xb0: {  	[dreg:$0x0] =	wrdreg $0x60  }
0xb1: {  	[dreg:$0x2] =	wrdreg s24  }
0xb2: {  	[dreg:$0x3] =	wrdreg s2  }
0xb3: {  	[dreg:$0x4] =	wrdreg s18  }
0xb4: {  	[dreg:$0x5] =	wrdreg s4  }
0xb5: {  	[dreg:$0x6] =	wrdreg s5  }
0xb6: {  	[dreg:$0x7] =	wrdreg $0x9  }
0xb7: {  	_ =	task.clear_ibuf [dreg:s10], $0x8FFFF;
	_ =	strace $0x90000046  }
0xb8: {  	s29 =	simm.s32 $0x9;
	_ =	strace $0x80000048  }
0xb9: {  	_ =	swait.ge [sflag:s29], $0x1  }
0xba: {  	[sflag:s29] =	ssyncadd.s32 $0xFFFFFFFF  }
0xbb: {  	_ =	strace $0x90000048  }
0xbc: {  	_ =	sfence  }
0xbd: {  	s30 =	sld [smem:$0x0];
	_ =	sdelay $0x2  }
0xbe: {  	s31 =	sshll.u32 s1, $0xD;
	s1 =	sshrl.u32 s1, $0x2  }
0xbf: {  	s3 =	sand.u32 $0x4000, s31;
	s1 =	sadd.s32 s1, s30  }
0xc0: {  	s0 =	sor.u32 s3, s0;
	s1 =	sshll.u32 s1, $0x11  }
0xc1: {  	s0 =	sor.u32 s1, s0  }
0xc2: {  	s0 =	sadd.s32 $0x8F2B, s0  }
0xc3: {  	[sflag:s0] =	ssyncadd.remote.s32 $0x1  }
0xc4: {  	_ =	sfence.sel $0xFFFF  }
0xc5: {  	[dreg:$0x0] =	wrdreg $0xFFFFFFFF;
	(pc) =	sbr.abs _section_cstart, $3  }
0xc6: {  	[dreg:$0x1] =	wrdreg $0xFFFFFFFF  }
0xc7: {  	_ =	task.clear_ibuf [dreg:s10], $0x2FFFF;
	_ =	strace $0x9FFFFFFF  }
0xc8: {  	(tm) =	ssettm $0x7FFFFFFF  }
0xc9: {  	_ =	shalt  }
tec
execute0_lowered:
.L_overlay_start_1:
0x0: {  	(tag) =	ssettag $0x1  }
0x1: {  	s3 =	rddreg [dreg:$0x0]  }
0x2: {  	s0 =	srdreg.scid;
	s5 =	stileid.u32  }
0x3: {  	s1 =	rddreg [dreg:$0x1];
	s0 =	sand.u32 $0x1, s0;
	s5 =	sshll.u32 s5, $0x1  }
0x4: {  	s2 =	rddreg [dreg:$0x2];
	s7 =	sor.u32 s0, s5  }
0x5: {  	s4 =	rddreg [dreg:$0x3];
	s8 =	sshll.u32 s7, $0x8  }
0x6: {  	s6 =	rddreg [dreg:$0x4];
	s5 =	simm.s32 $0x0;
	s3 =	sadd.s32 s8, s3  }
0x7: {  	[smem:$0x7FF] =	sst s5;
	s7 =	smul.u32 $0xC0000, s7;
	s8 =	sadd.s32 $0x400, s3  }
0x8: {  	_ =	strace $0x80000047;
	s23 =	sadd.s32 $0x2400, s3;
	[dreg:$0x6] =	wrdreg s8  }
0x9: {  	s7 =	sshrl.u32 s7, $0x3;
	s3 =	sadd.s32 $0x4400, s3;
	[dreg:$0x7] =	wrdreg s23  }
0xa: {  	s8 =	sadd.s32 s6, s7;
	[dreg:$0x8] =	wrdreg s3  }
0xb: {  	s24 =	sadd.s32 $0x400, s8;
	[smem:$0x7FB] =	sst s8  }
0xc: {  	s25 =	sadd.s32 $0x500, s8;
	[dreg:$0x9] =	wrdreg s24  }
0xd: {  	s26 =	sadd.s32 $0x1800, s8;
	[dreg:$0xa] =	wrdreg s25  }
0xe: {  	s28 =	sadd.s32 $0x1C00, s8;
	[dreg:$0xb] =	wrdreg s26  }
0xf: {  	s30 =	sadd.s32 $0x1D00, s8;
	[dreg:$0xc] =	wrdreg s28  }
0x10: {  	s6 =	sadd.s32 $0x3000, s8;
	[dreg:$0xd] =	wrdreg s30  }
0x11: {  	s7 =	sadd.s32 $0x3400, s8;
	[dreg:$0xe] =	wrdreg s6  }
0x12: {  	s9 =	sadd.s32 $0x3500, s8;
	[dreg:$0xf] =	wrdreg s7  }
0x13: {  	s10 =	sadd.s32 $0x4800, s8;
	[dreg:$0x10] =	wrdreg s9  }
0x14: {  	s11 =	sadd.s32 $0x4C00, s8;
	[dreg:$0x11] =	wrdreg s10  }
0x15: {  	s12 =	sadd.s32 $0x4D00, s8;
	[dreg:$0x12] =	wrdreg s11  }
0x16: {  	s13 =	sadd.s32 $0x6000, s8;
	[dreg:$0x13] =	wrdreg s12  }
0x17: {  	s14 =	sadd.s32 $0x6400, s8;
	[dreg:$0x14] =	wrdreg s13  }
0x18: {  	s15 =	sadd.s32 $0x6500, s8;
	[dreg:$0x15] =	wrdreg s14  }
0x19: {  	s16 =	sadd.s32 $0x7800, s8;
	[dreg:$0x16] =	wrdreg s15  }
0x1a: {  	s17 =	sadd.s32 $0x7C00, s8;
	[dreg:$0x17] =	wrdreg s16  }
0x1b: {  	s18 =	sadd.s32 $0x7D00, s8;
	[dreg:$0x18] =	wrdreg s17  }
0x1c: {  	s19 =	sadd.s32 $0x9000, s8;
	[dreg:$0x19] =	wrdreg s18  }
0x1d: {  	s20 =	sadd.s32 $0x9400, s8;
	[dreg:$0x1a] =	wrdreg s19  }
0x1e: {  	s21 =	sadd.s32 $0x9500, s8;
	[dreg:$0x1b] =	wrdreg s20  }
0x1f: {  	s22 =	sadd.s32 $0xA800, s8;
	[dreg:$0x1c] =	wrdreg s21  }
0x20: {  	s23 =	sadd.s32 $0xAC00, s8;
	[dreg:$0x1d] =	wrdreg s22  }
0x21: {  	[dreg:$0x1e] =	wrdreg s23;
	s24 =	sadd.s32 $0xAD00, s8  }
0x22: {  	s25 =	sadd.s32 $0xC000, s8;
	[dreg:$0x1f] =	wrdreg s24  }
0x23: {  	s26 =	sadd.s32 $0xC400, s8;
	[smem:$0x7E4] =	sst s25  }
0x24: {  	s28 =	sadd.s32 $0xC500, s8;
	[smem:$0x7E5] =	sst s26  }
0x25: {  	s30 =	sadd.s32 $0xD800, s8;
	[smem:$0x7E6] =	sst s28  }
0x26: {  	s6 =	sadd.s32 $0xDC00, s8;
	[smem:$0x7E7] =	sst s30  }
0x27: {  	s7 =	sadd.s32 $0xDD00, s8;
	[smem:$0x7E8] =	sst s6  }
0x28: {  	s9 =	sadd.s32 $0xF000, s8;
	[smem:$0x7E9] =	sst s7  }
0x29: {  	s10 =	sadd.s32 $0xF400, s8;
	[smem:$0x7EA] =	sst s9  }
0x2a: {  	s11 =	sadd.s32 $0xF500, s8;
	[smem:$0x7EB] =	sst s10  }
0x2b: {  	s12 =	sadd.s32 $0x10800, s8;
	[smem:$0x7EC] =	sst s11  }
0x2c: {  	s13 =	sadd.s32 $0x10C00, s8;
	[smem:$0x7ED] =	sst s12  }
0x2d: {  	s14 =	sadd.s32 $0x10D00, s8;
	[smem:$0x7EE] =	sst s13  }
0x2e: {  	s15 =	sadd.s32 $0x12000, s8;
	[smem:$0x7EF] =	sst s14  }
0x2f: {  	s16 =	sadd.s32 $0x12400, s8;
	[smem:$0x7F0] =	sst s15  }
0x30: {  	s17 =	sadd.s32 $0x12500, s8;
	[smem:$0x7F1] =	sst s16  }
0x31: {  	s18 =	sadd.s32 $0x13800, s8;
	[smem:$0x7F2] =	sst s17  }
0x32: {  	s29 =	simm.s32 $0x1;
	s19 =	sadd.s32 $0x13C00, s8;
	[smem:$0x7F3] =	sst s18  }
0x33: {  	s31 =	simm.s32 $0x3;
	s20 =	sadd.s32 $0x13D00, s8;
	[smem:$0x7F4] =	sst s19  }
0x34: {  	s0 =	ssub.s32 $0x2, s0;
	s21 =	sadd.s32 $0x15000, s8;
	[smem:$0x7F5] =	sst s20  }
0x35: {  	s3 =	simm.s32 $0x2;
	s22 =	sadd.s32 $0x15400, s8;
	[smem:$0x7F6] =	sst s21  }
0x36: {  	s23 =	sadd.s32 $0x15500, s8;
	[smem:$0x7F7] =	sst s22;
	s24 =	sshrl.u32 s0, $0x1  }
0x37: {  	[smem:$0x7F8] =	sst s23;
	s25 =	sadd.s32 $0x16800, s8;
	s26 =	sadd.s32 $0x16C00, s8  }
0x38: {  	s7 =	sadd.s32 $0x100, s1;
	s28 =	sadd.s32 $0x16D00, s8;
	[smem:$0x7F9] =	sst s25  }
0x39: {  	s8 =	sadd.s32 $0x200, s1;
	s9 =	sadd.s32 $0x300, s1;
	[smem:$0x7FA] =	sst s26  }
0x3a: {  	v2 =	vlaneseq.u32;
	s30 =	simm.s32 $0x1000;
	s12 =	simm.s32 $0x800;
	[smem:$0x7FC] =	sst s28  }
0x3b: {  	vm0 =	vmmov $0xffff;
	v1 =	vshrl.u32 v2, $0x3;
	s16 =	simm.s32 $0x3000;
	s0 =	ssub.s32 s0, s24;
	[smem:$0x7FD] =	sst s30  }
0x3c: {  	v0 =	vand.u32 $0x7, v2;
	v2 =	vor.u32 $0x8, v2;
	v1 =	vmul.u32 $0x8, v1;
	s24 =	simm.s32 $0x2000;
	s10 =	smax.u32 s0, $0x1;
	s0 =	simm.s32 $0x4  }
.LBB2_1:
0x3d: {  	[smem:$0x7E3] =	sst s10  }
0x3e: {  	s15 =	rddreg [dreg:$0x6];
	s11 =	simm.s32 $0x5  }
0x3f: {  	[tilespmem:s5], [sflag:$0x5] =	stream.linear.gather [hbm4b:s15+s5], $0x800, $0x38;
	[tilespmem:$0x19800] =	vst v63  }
0x40: {  	_ =	swait.ge [sflag:s11], $0x800  }
0x41: {  	[sflag:s11] =	ssyncset.done $0x0  }
0x42: {  	s25 =	rddreg [dreg:$0x7];
	[sflag:s11] =	ssyncadd.s32 $0xFFFFF800  }
0x43: {  	[tilespmem:s12], [sflag:$0x5] =	stream.linear.gather [hbm4b:s25+s5], $0x800, $0x38;
	[tilespmem:$0x19800] =	vst v63  }
0x44: {  	_ =	swait.ge [sflag:s11], $0x800  }
0x45: {  	s17 =	sld [smem:$0x7FD]  }
0x46: {  	[sflag:s11] =	ssyncset.done $0x0  }
0x47: {  	s26 =	rddreg [dreg:$0x8];
	[sflag:s11] =	ssyncadd.s32 $0xFFFFF800  }
0x48: {  	[tilespmem:s17], [sflag:$0x5] =	stream.linear.gather [hbm4b:s26+s5], $0x800, $0x38;
	[tilespmem:$0x19800] =	vst v63  }
0x49: {  	_ =	swait.ge [sflag:s11], $0x800  }
0x4a: {  	[sflag:s11] =	ssyncset.done $0x0  }
0x4b: {  	[sflag:s11] =	ssyncadd.s32 $0xFFFFF800  }
0x4c: {  	v3 =	vld [tilespmem:$0x0];
	_ =	sdelay $0x4  }
0x4d: {  	v4 =	vshll.u32 v3, $0x3  }
0x4e: {  	v3 =	vand.u32 $0x7, v3;
	v4 =	vand.u32 $0xFFFFFFC0, v4  }
0x4f: {  	v3 =	vor.u32 v3, v4  }
0x50: {  	v4 =	vperm.xlane v3, v0;
	_ =	sdelay $0x1  }
0x51: {  	v4 =	vadd.s32 v1, v4;
	_ =	sdelay $0x3  }
0x52: {  	s6 =	simm.s32 $0x1800  }
0x53: {  	[tilespmem:s6], [sflag:$0x1] =	stream.indirect_vreg.gather [hbm4b:s1+s5], $0x80, v4, vm0, $0xb8;
	[tilespmem:$0x19800] =	vst v63  }
0x54: {  	v3 =	vperm.xlane v3, v2  }
0x55: {  	[tilespmem:s24], [sflag:$0x1] =	stream.indirect_vreg.gather [hbm4b:s7+s5], $0x80, v4, vm0, $0xb8;
	[tilespmem:$0x19800] =	vst v63  }
0x56: {  	s28 =	simm.s32 $0x2800;
	v3 =	vadd.s32 v1, v3  }
0x57: {  	[tilespmem:s28], [sflag:$0x1] =	stream.indirect_vreg.gather [hbm4b:s8+s5], $0x80, v4, vm0, $0xb8;
	[tilespmem:$0x19800] =	vst v63  }
0x58: {  	_ = 	snop  }
0x59: {  	[tilespmem:s16], [sflag:$0x1] =	stream.indirect_vreg.gather [hbm4b:s9+s5], $0x80, v4, vm0, $0xb8;
	[tilespmem:$0x19800] =	vst v63  }
0x5a: {  	s30 =	simm.s32 $0x3800  }
0x5b: {  	[tilespmem:s30], [sflag:$0x1] =	stream.indirect_vreg.gather [hbm4b:s1+s5], $0x80, v3, vm0, $0xb8;
	[tilespmem:$0x19800] =	vst v63  }
0x5c: {  	s6 =	simm.s32 $0x4000  }
0x5d: {  	[tilespmem:s6], [sflag:$0x1] =	stream.indirect_vreg.gather [hbm4b:s7+s5], $0x80, v3, vm0, $0xb8;
	[tilespmem:$0x19800] =	vst v63  }
0x5e: {  	s11 =	simm.s32 $0x4800  }
0x5f: {  	[tilespmem:s11], [sflag:$0x1] =	stream.indirect_vreg.gather [hbm4b:s8+s5], $0x80, v3, vm0, $0xb8;
	[tilespmem:$0x19800] =	vst v63  }
0x60: {  	s14 =	simm.s32 $0x5000  }
0x61: {  	[tilespmem:s14], [sflag:$0x1] =	stream.indirect_vreg.gather [hbm4b:s9+s5], $0x80, v3, vm0, $0xb8;
	[tilespmem:$0x19800] =	vst v63  }
0x62: {  	v3 =	vld [tilespmem:$0x10];
	_ =	sdelay $0x4  }
0x63: {  	v25 =	vshll.u32 v3, $0x3  }
0x64: {  	v3 =	vand.u32 $0x7, v3;
	v4 =	vand.u32 $0xFFFFFFC0, v25  }
0x65: {  	v3 =	vor.u32 v3, v4  }
0x66: {  	v4 =	vperm.xlane v3, v0;
	_ =	sdelay $0x1  }
0x67: {  	v4 =	vadd.s32 v1, v4;
	_ =	sdelay $0x3  }
0x68: {  	s15 =	simm.s32 $0x5800  }
0x69: {  	[tilespmem:s15], [sflag:$0x1] =	stream.indirect_vreg.gather [hbm4b:s1+s5], $0x80, v4, vm0, $0xb8;
	[tilespmem:$0x19800] =	vst v63  }
0x6a: {  	s17 =	simm.s32 $0x6000;
	v3 =	vperm.xlane v3, v2  }
0x6b: {  	[tilespmem:s17], [sflag:$0x1] =	stream.indirect_vreg.gather [hbm4b:s7+s5], $0x80, v4, vm0, $0xb8;
	[tilespmem:$0x19800] =	vst v63  }
0x6c: {  	s18 =	simm.s32 $0x6800;
	v3 =	vadd.s32 v1, v3  }
0x6d: {  	[tilespmem:s18], [sflag:$0x1] =	stream.indirect_vreg.gather [hbm4b:s8+s5], $0x80, v4, vm0, $0xb8;
	[tilespmem:$0x19800] =	vst v63  }
0x6e: {  	s19 =	simm.s32 $0x7000  }
0x6f: {  	[tilespmem:s19], [sflag:$0x1] =	stream.indirect_vreg.gather [hbm4b:s9+s5], $0x80, v4, vm0, $0xb8;
	[tilespmem:$0x19800] =	vst v63  }
0x70: {  	s20 =	simm.s32 $0x7800  }
0x71: {  	[tilespmem:s20], [sflag:$0x1] =	stream.indirect_vreg.gather [hbm4b:s1+s5], $0x80, v3, vm0, $0xb8;
	[tilespmem:$0x19800] =	vst v63  }
0x72: {  	s21 =	simm.s32 $0x8000  }
0x73: {  	[tilespmem:s21], [sflag:$0x1] =	stream.indirect_vreg.gather [hbm4b:s7+s5], $0x80, v3, vm0, $0xb8;
	[tilespmem:$0x19800] =	vst v63  }
0x74: {  	s26 =	simm.s32 $0x8800  }
0x75: {  	[tilespmem:s26], [sflag:$0x1] =	stream.indirect_vreg.gather [hbm4b:s8+s5], $0x80, v3, vm0, $0xb8;
	[tilespmem:$0x19800] =	vst v63  }
0x76: {  	s28 =	simm.s32 $0x9000  }
0x77: {  	[tilespmem:s28], [sflag:$0x1] =	stream.indirect_vreg.gather [hbm4b:s9+s5], $0x80, v3, vm0, $0xb8;
	[tilespmem:$0x19800] =	vst v63  }
0x78: {  	v3 =	vld [tilespmem:$0x800];
	_ =	sdelay $0x4  }
0x79: {  	v26 =	vshll.u32 v3, $0x1  }
0x7a: {  	v3 =	vand.u32 $0x7, v3;
	v4 =	vand.u32 $0xFFFFFFF0, v26  }
0x7b: {  	v3 =	vor.u32 v3, v4  }
0x7c: {  	v4 =	vperm.xlane v3, v0;
	_ =	sdelay $0x1  }
0x7d: {  	v3 =	vperm.xlane v3, v2;
	v4 =	vadd.s32 v1, v4;
	_ =	sdelay $0x1  }
0x7e: {  	v3 =	vadd.s32 v1, v3;
	_ =	sdelay $0x1  }
0x7f: {  	s30 =	simm.s32 $0x11800  }
0x80: {  	[tilespmem:s30], [sflag:$0x1] =	stream.indirect_vreg.gather [hbm4b:s2+s5], $0x80, v4, vm0, $0xb8;
	[tilespmem:$0x19800] =	vst v63  }
0x81: {  	s6 =	simm.s32 $0x12000  }
0x82: {  	[tilespmem:s6], [sflag:$0x1] =	stream.indirect_vreg.gather [hbm4b:s2+s5], $0x80, v3, vm0, $0xb8;
	[tilespmem:$0x19800] =	vst v63  }
0x83: {  	v3 =	vld [tilespmem:$0x810];
	_ =	sdelay $0x4  }
0x84: {  	v27 =	vshll.u32 v3, $0x1  }
0x85: {  	v3 =	vand.u32 $0x7, v3;
	v4 =	vand.u32 $0xFFFFFFF0, v27  }
0x86: {  	v3 =	vor.u32 v3, v4  }
0x87: {  	v4 =	vperm.xlane v3, v0;
	_ =	sdelay $0x1  }
0x88: {  	v3 =	vperm.xlane v3, v2;
	v4 =	vadd.s32 v1, v4;
	_ =	sdelay $0x1  }
0x89: {  	v3 =	vadd.s32 v1, v3;
	_ =	sdelay $0x1  }
0x8a: {  	s11 =	simm.s32 $0x12800  }
0x8b: {  	[tilespmem:s11], [sflag:$0x1] =	stream.indirect_vreg.gather [hbm4b:s2+s5], $0x80, v4, vm0, $0xb8;
	[tilespmem:$0x19800] =	vst v63  }
0x8c: {  	s14 =	simm.s32 $0x13000  }
0x8d: {  	[tilespmem:s14], [sflag:$0x1] =	stream.indirect_vreg.gather [hbm4b:s2+s5], $0x80, v3, vm0, $0xb8;
	[tilespmem:$0x19800] =	vst v63  }
0x8e: {  	v3 =	vld [tilespmem:$0x1000];
	_ =	sdelay $0x4  }
0x8f: {  	v28 =	vshll.u32 v3, $0x1  }
0x90: {  	v3 =	vand.u32 $0x7, v3;
	v4 =	vand.u32 $0xFFFFFFF0, v28  }
0x91: {  	v3 =	vor.u32 v3, v4  }
0x92: {  	v4 =	vperm.xlane v3, v0;
	_ =	sdelay $0x1  }
0x93: {  	v3 =	vperm.xlane v3, v2;
	v4 =	vadd.s32 v1, v4;
	_ =	sdelay $0x1  }
0x94: {  	v3 =	vadd.s32 v1, v3;
	_ =	sdelay $0x1  }
0x95: {  	s15 =	simm.s32 $0x15800  }
0x96: {  	[tilespmem:s15], [sflag:$0x1] =	stream.indirect_vreg.gather [hbm4b:s4+s5], $0x80, v4, vm0, $0xb8;
	[tilespmem:$0x19800] =	vst v63  }
0x97: {  	s17 =	simm.s32 $0x16000  }
0x98: {  	[tilespmem:s17], [sflag:$0x1] =	stream.indirect_vreg.gather [hbm4b:s4+s5], $0x80, v3, vm0, $0xb8;
	[tilespmem:$0x19800] =	vst v63  }
0x99: {  	v3 =	vld [tilespmem:$0x1010];
	_ =	sdelay $0x4  }
0x9a: {  	v29 =	vshll.u32 v3, $0x1  }
0x9b: {  	v3 =	vand.u32 $0x7, v3;
	v4 =	vand.u32 $0xFFFFFFF0, v29  }
0x9c: {  	v3 =	vor.u32 v3, v4  }
0x9d: {  	v4 =	vperm.xlane v3, v0;
	_ =	sdelay $0x1  }
0x9e: {  	v3 =	vperm.xlane v3, v2;
	v4 =	vadd.s32 v1, v4;
	_ =	sdelay $0x1  }
0x9f: {  	v3 =	vadd.s32 v1, v3;
	_ =	sdelay $0x1  }
0xa0: {  	s18 =	simm.s32 $0x16800  }
0xa1: {  	[tilespmem:s18], [sflag:$0x1] =	stream.indirect_vreg.gather [hbm4b:s4+s5], $0x80, v4, vm0, $0xb8;
	[tilespmem:$0x19800] =	vst v63  }
0xa2: {  	s19 =	simm.s32 $0x17000  }
0xa3: {  	[tilespmem:s19], [sflag:$0x1] =	stream.indirect_vreg.gather [hbm4b:s4+s5], $0x80, v3, vm0, $0xb8;
	[tilespmem:$0x19800] =	vst v63  }
0xa4: {  	v3 =	vld [tilespmem:$0x80];
	_ =	sdelay $0x4  }
0xa5: {  	v30 =	vshll.u32 v3, $0x3  }
0xa6: {  	v3 =	vand.u32 $0x7, v3;
	v4 =	vand.u32 $0xFFFFFFC0, v30  }
0xa7: {  	v3 =	vor.u32 v3, v4  }
0xa8: {  	v4 =	vperm.xlane v3, v0;
	_ =	sdelay $0x1  }
0xa9: {  	v4 =	vadd.s32 v1, v4;
	_ =	sdelay $0x3  }
0xaa: {  	s20 =	simm.s32 $0x9800  }
0xab: {  	[tilespmem:s20], [sflag:$0x2] =	stream.indirect_vreg.gather [hbm4b:s1+s5], $0x80, v4, vm0, $0xb8;
	[tilespmem:$0x19800] =	vst v63  }
0xac: {  	s21 =	simm.s32 $0xA000;
	v3 =	vperm.xlane v3, v2  }
0xad: {  	[tilespmem:s21], [sflag:$0x2] =	stream.indirect_vreg.gather [hbm4b:s7+s5], $0x80, v4, vm0, $0xb8;
	[tilespmem:$0x19800] =	vst v63  }
0xae: {  	s26 =	simm.s32 $0xA800;
	v3 =	vadd.s32 v1, v3  }
0xaf: {  	[tilespmem:s26], [sflag:$0x2] =	stream.indirect_vreg.gather [hbm4b:s8+s5], $0x80, v4, vm0, $0xb8;
	[tilespmem:$0x19800] =	vst v63  }
0xb0: {  	s28 =	simm.s32 $0xB000  }
0xb1: {  	[tilespmem:s28], [sflag:$0x2] =	stream.indirect_vreg.gather [hbm4b:s9+s5], $0x80, v4, vm0, $0xb8;
	[tilespmem:$0x19800] =	vst v63  }
0xb2: {  	s30 =	simm.s32 $0xB800  }
0xb3: {  	[tilespmem:s30], [sflag:$0x2] =	stream.indirect_vreg.gather [hbm4b:s1+s5], $0x80, v3, vm0, $0xb8;
	[tilespmem:$0x19800] =	vst v63  }
0xb4: {  	s6 =	simm.s32 $0xC000  }
0xb5: {  	[tilespmem:s6], [sflag:$0x2] =	stream.indirect_vreg.gather [hbm4b:s7+s5], $0x80, v3, vm0, $0xb8;
	[tilespmem:$0x19800] =	vst v63  }
0xb6: {  	s11 =	simm.s32 $0xC800  }
0xb7: {  	[tilespmem:s11], [sflag:$0x2] =	stream.indirect_vreg.gather [hbm4b:s8+s5], $0x80, v3, vm0, $0xb8;
	[tilespmem:$0x19800] =	vst v63  }
0xb8: {  	s17 =	simm.s32 $0xD000  }
0xb9: {  	[tilespmem:s17], [sflag:$0x2] =	stream.indirect_vreg.gather [hbm4b:s9+s5], $0x80, v3, vm0, $0xb8;
	[tilespmem:$0x19800] =	vst v63  }
0xba: {  	v3 =	vld [tilespmem:$0x90];
	_ =	sdelay $0x4  }
0xbb: {  	v31 =	vshll.u32 v3, $0x3  }
0xbc: {  	v3 =	vand.u32 $0x7, v3;
	v4 =	vand.u32 $0xFFFFFFC0, v31  }
0xbd: {  	v3 =	vor.u32 v3, v4  }
0xbe: {  	v4 =	vperm.xlane v3, v0;
	_ =	sdelay $0x1  }
0xbf: {  	v4 =	vadd.s32 v1, v4;
	_ =	sdelay $0x3  }
0xc0: {  	s18 =	simm.s32 $0xD800  }
0xc1: {  	[tilespmem:s18], [sflag:$0x2] =	stream.indirect_vreg.gather [hbm4b:s1+s5], $0x80, v4, vm0, $0xb8;
	[tilespmem:$0x19800] =	vst v63  }
0xc2: {  	s19 =	simm.s32 $0xE000;
	v3 =	vperm.xlane v3, v2  }
0xc3: {  	[tilespmem:s19], [sflag:$0x2] =	stream.indirect_vreg.gather [hbm4b:s7+s5], $0x80, v4, vm0, $0xb8;
	[tilespmem:$0x19800] =	vst v63  }
0xc4: {  	s26 =	simm.s32 $0xE800;
	v3 =	vadd.s32 v1, v3  }
0xc5: {  	[tilespmem:s26], [sflag:$0x2] =	stream.indirect_vreg.gather [hbm4b:s8+s5], $0x80, v4, vm0, $0xb8;
	[tilespmem:$0x19800] =	vst v63  }
0xc6: {  	s28 =	simm.s32 $0xF000  }
0xc7: {  	[tilespmem:s28], [sflag:$0x2] =	stream.indirect_vreg.gather [hbm4b:s9+s5], $0x80, v4, vm0, $0xb8;
	[tilespmem:$0x19800] =	vst v63  }
0xc8: {  	s30 =	simm.s32 $0xF800  }
0xc9: {  	[tilespmem:s30], [sflag:$0x2] =	stream.indirect_vreg.gather [hbm4b:s1+s5], $0x80, v3, vm0, $0xb8;
	[tilespmem:$0x19800] =	vst v63  }
0xca: {  	s6 =	simm.s32 $0x10000  }
0xcb: {  	[tilespmem:s6], [sflag:$0x2] =	stream.indirect_vreg.gather [hbm4b:s7+s5], $0x80, v3, vm0, $0xb8;
	[tilespmem:$0x19800] =	vst v63  }
0xcc: {  	s11 =	simm.s32 $0x10800  }
0xcd: {  	[tilespmem:s11], [sflag:$0x2] =	stream.indirect_vreg.gather [hbm4b:s8+s5], $0x80, v3, vm0, $0xb8;
	[tilespmem:$0x19800] =	vst v63  }
0xce: {  	s17 =	simm.s32 $0x11000  }
0xcf: {  	[tilespmem:s17], [sflag:$0x2] =	stream.indirect_vreg.gather [hbm4b:s9+s5], $0x80, v3, vm0, $0xb8;
	[tilespmem:$0x19800] =	vst v63  }
0xd0: {  	v3 =	vld [tilespmem:$0x880];
	_ =	sdelay $0x4  }
0xd1: {  	v32 =	vshll.u32 v3, $0x1  }
0xd2: {  	v3 =	vand.u32 $0x7, v3;
	v4 =	vand.u32 $0xFFFFFFF0, v32  }
0xd3: {  	v3 =	vor.u32 v3, v4  }
0xd4: {  	v4 =	vperm.xlane v3, v0;
	_ =	sdelay $0x1  }
0xd5: {  	v3 =	vperm.xlane v3, v2;
	v4 =	vadd.s32 v1, v4;
	_ =	sdelay $0x1  }
0xd6: {  	v3 =	vadd.s32 v1, v3;
	_ =	sdelay $0x1  }
0xd7: {  	s18 =	simm.s32 $0x13800  }
0xd8: {  	[tilespmem:s18], [sflag:$0x2] =	stream.indirect_vreg.gather [hbm4b:s2+s5], $0x80, v4, vm0, $0xb8;
	[tilespmem:$0x19800] =	vst v63  }
0xd9: {  	s19 =	simm.s32 $0x14000  }
0xda: {  	[tilespmem:s19], [sflag:$0x2] =	stream.indirect_vreg.gather [hbm4b:s2+s5], $0x80, v3, vm0, $0xb8;
	[tilespmem:$0x19800] =	vst v63  }
0xdb: {  	v3 =	vld [tilespmem:$0x890];
	_ =	sdelay $0x4  }
0xdc: {  	v33 =	vshll.u32 v3, $0x1  }
0xdd: {  	v3 =	vand.u32 $0x7, v3;
	v4 =	vand.u32 $0xFFFFFFF0, v33  }
0xde: {  	v3 =	vor.u32 v3, v4  }
0xdf: {  	v4 =	vperm.xlane v3, v0;
	_ =	sdelay $0x1  }
0xe0: {  	v3 =	vperm.xlane v3, v2;
	v4 =	vadd.s32 v1, v4;
	_ =	sdelay $0x1  }
0xe1: {  	v3 =	vadd.s32 v1, v3;
	_ =	sdelay $0x1  }
0xe2: {  	s26 =	simm.s32 $0x14800  }
0xe3: {  	[tilespmem:s26], [sflag:$0x2] =	stream.indirect_vreg.gather [hbm4b:s2+s5], $0x80, v4, vm0, $0xb8;
	[tilespmem:$0x19800] =	vst v63  }
0xe4: {  	s28 =	simm.s32 $0x15000  }
0xe5: {  	[tilespmem:s28], [sflag:$0x2] =	stream.indirect_vreg.gather [hbm4b:s2+s5], $0x80, v3, vm0, $0xb8;
	[tilespmem:$0x19800] =	vst v63  }
0xe6: {  	v3 =	vld [tilespmem:$0x1080];
	_ =	sdelay $0x4  }
0xe7: {  	v34 =	vshll.u32 v3, $0x1  }
0xe8: {  	v3 =	vand.u32 $0x7, v3;
	v4 =	vand.u32 $0xFFFFFFF0, v34  }
0xe9: {  	v3 =	vor.u32 v3, v4  }
0xea: {  	v4 =	vperm.xlane v3, v0;
	_ =	sdelay $0x1  }
0xeb: {  	v3 =	vperm.xlane v3, v2;
	v4 =	vadd.s32 v1, v4;
	_ =	sdelay $0x1  }
0xec: {  	v3 =	vadd.s32 v1, v3;
	_ =	sdelay $0x1  }
0xed: {  	s30 =	simm.s32 $0x17800  }
0xee: {  	[tilespmem:s30], [sflag:$0x2] =	stream.indirect_vreg.gather [hbm4b:s4+s5], $0x80, v4, vm0, $0xb8;
	[tilespmem:$0x19800] =	vst v63  }
0xef: {  	s11 =	simm.s32 $0x18000  }
0xf0: {  	[tilespmem:s11], [sflag:$0x2] =	stream.indirect_vreg.gather [hbm4b:s4+s5], $0x80, v3, vm0, $0xb8;
	[tilespmem:$0x19800] =	vst v63  }
0xf1: {  	v3 =	vld [tilespmem:$0x1090];
	_ =	sdelay $0x4  }
0xf2: {  	v35 =	vshll.u32 v3, $0x1  }
0xf3: {  	v3 =	vand.u32 $0x7, v3;
	v4 =	vand.u32 $0xFFFFFFF0, v35  }
0xf4: {  	v3 =	vor.u32 v3, v4  }
0xf5: {  	v4 =	vperm.xlane v3, v0;
	_ =	sdelay $0x1  }
0xf6: {  	v3 =	vperm.xlane v3, v2;
	v4 =	vadd.s32 v1, v4;
	_ =	sdelay $0x1  }
0xf7: {  	v3 =	vadd.s32 v1, v3;
	_ =	sdelay $0x1  }
0xf8: {  	s17 =	simm.s32 $0x18800  }
0xf9: {  	[tilespmem:s17], [sflag:$0x2] =	stream.indirect_vreg.gather [hbm4b:s4+s5], $0x80, v4, vm0, $0xb8;
	[tilespmem:$0x19800] =	vst v63  }
0xfa: {  	s18 =	simm.s32 $0x19000  }
0xfb: {  	[tilespmem:s18], [sflag:$0x2] =	stream.indirect_vreg.gather [hbm4b:s4+s5], $0x80, v3, vm0, $0xb8;
	[tilespmem:$0x19800] =	vst v63  }
0xfc: {  	_ =	swait.ge [sflag:s29], $0x8000  }
0xfd: {  	[sflag:s29] =	ssyncset.done $0x0  }
0xfe: {  	[sflag:s29] =	ssyncadd.s32 $0xFFFF8000  }
0xff: {  	_ =	swait.ge [sflag:s29], $0x2000  }
0x100: {  	[sflag:s29] =	ssyncset.done $0x0  }
0x101: {  	[sflag:s29] =	ssyncadd.s32 $0xFFFFE000  }
0x102: {  	_ =	swait.ge [sflag:s29], $0x2000  }
0x103: {  	s26 =	sld [smem:$0x7FB]  }
0x104: {  	[sflag:s29] =	ssyncset.done $0x0  }
0x105: {  	s28 =	simm.s32 $0x1800;
	[sflag:s29] =	ssyncadd.s32 $0xFFFFE000  }
0x106: {  	[hbm4b:s26+s24] =	stream.strided.scatter [tilespmem:s28], [sflag:$0x3], $0x8000, s16, s24, $0x38;
	[tilespmem:$0x19800] =	vst v63  }
0x107: {  	s11 =	simm.s32 $0x11800;
	s19 =	rddreg [dreg:$0x9]  }
0x108: {  	[hbm4b:s19+s12] =	stream.strided.scatter [tilespmem:s11], [sflag:$0x3], $0x2000, s16, s12, $0x38;
	[tilespmem:$0x19800] =	vst v63  }
0x109: {  	s14 =	simm.s32 $0x15800;
	s30 =	rddreg [dreg:$0xa]  }
0x10a: {  	[hbm4b:s30+s12] =	stream.strided.scatter [tilespmem:s14], [sflag:$0x3], $0x2000, s16, s12, $0x38;
	[tilespmem:$0x19800] =	vst v63  }
0x10b: {  	_ =	swait.ge [sflag:s31], $0x8000  }
0x10c: {  	[sflag:s31] =	ssyncset.done $0x0  }
0x10d: {  	[sflag:s31] =	ssyncadd.s32 $0xFFFF8000  }
0x10e: {  	_ =	swait.ge [sflag:s31], $0x2000  }
0x10f: {  	[sflag:s31] =	ssyncset.done $0x0  }
0x110: {  	[sflag:s31] =	ssyncadd.s32 $0xFFFFE000  }
0x111: {  	_ =	swait.ge [sflag:s31], $0x2000  }
0x112: {  	[sflag:s31] =	ssyncset.done $0x0  }
0x113: {  	[sflag:s31] =	ssyncadd.s32 $0xFFFFE000  }
0x114: {  	v3 =	vld [tilespmem:$0x100];
	_ =	sdelay $0x4  }
0x115: {  	v36 =	vshll.u32 v3, $0x3  }
0x116: {  	v3 =	vand.u32 $0x7, v3;
	v4 =	vand.u32 $0xFFFFFFC0, v36  }
0x117: {  	v3 =	vor.u32 v3, v4  }
0x118: {  	v4 =	vperm.xlane v3, v0;
	_ =	sdelay $0x1  }
0x119: {  	v4 =	vadd.s32 v1, v4;
	_ =	sdelay $0x4  }
0x11a: {  	[tilespmem:s28], [sflag:$0x1] =	stream.indirect_vreg.gather [hbm4b:s1+s5], $0x80, v4, vm0, $0xb8;
	[tilespmem:$0x19800] =	vst v63  }
0x11b: {  	v3 =	vperm.xlane v3, v2  }
0x11c: {  	[tilespmem:s24], [sflag:$0x1] =	stream.indirect_vreg.gather [hbm4b:s7+s5], $0x80, v4, vm0, $0xb8;
	[tilespmem:$0x19800] =	vst v63  }
0x11d: {  	s13 =	simm.s32 $0x2800;
	v3 =	vadd.s32 v1, v3  }
0x11e: {  	[tilespmem:s13], [sflag:$0x1] =	stream.indirect_vreg.gather [hbm4b:s8+s5], $0x80, v4, vm0, $0xb8;
	[tilespmem:$0x19800] =	vst v63  }
0x11f: {  	_ = 	snop  }
0x120: {  	[tilespmem:s16], [sflag:$0x1] =	stream.indirect_vreg.gather [hbm4b:s9+s5], $0x80, v4, vm0, $0xb8;
	[tilespmem:$0x19800] =	vst v63  }
0x121: {  	s30 =	simm.s32 $0x3800  }
0x122: {  	[tilespmem:s30], [sflag:$0x1] =	stream.indirect_vreg.gather [hbm4b:s1+s5], $0x80, v3, vm0, $0xb8;
	[tilespmem:$0x19800] =	vst v63  }
0x123: {  	s18 =	simm.s32 $0x4000  }
0x124: {  	[tilespmem:s18], [sflag:$0x1] =	stream.indirect_vreg.gather [hbm4b:s7+s5], $0x80, v3, vm0, $0xb8;
	[tilespmem:$0x19800] =	vst v63  }
0x125: {  	s19 =	simm.s32 $0x4800  }
0x126: {  	[tilespmem:s19], [sflag:$0x1] =	stream.indirect_vreg.gather [hbm4b:s8+s5], $0x80, v3, vm0, $0xb8;
	[tilespmem:$0x19800] =	vst v63  }
0x127: {  	s22 =	simm.s32 $0x5000  }
0x128: {  	[tilespmem:s22], [sflag:$0x1] =	stream.indirect_vreg.gather [hbm4b:s9+s5], $0x80, v3, vm0, $0xb8;
	[tilespmem:$0x19800] =	vst v63  }
0x129: {  	v3 =	vld [tilespmem:$0x110];
	_ =	sdelay $0x4  }
0x12a: {  	v37 =	vshll.u32 v3, $0x3  }
0x12b: {  	v3 =	vand.u32 $0x7, v3;
	v4 =	vand.u32 $0xFFFFFFC0, v37  }
0x12c: {  	v3 =	vor.u32 v3, v4  }
0x12d: {  	v4 =	vperm.xlane v3, v0;
	_ =	sdelay $0x1  }
0x12e: {  	v4 =	vadd.s32 v1, v4;
	_ =	sdelay $0x3  }
0x12f: {  	s23 =	simm.s32 $0x5800  }
0x130: {  	[tilespmem:s23], [sflag:$0x1] =	stream.indirect_vreg.gather [hbm4b:s1+s5], $0x80, v4, vm0, $0xb8;
	[tilespmem:$0x19800] =	vst v63  }
0x131: {  	s25 =	simm.s32 $0x6000;
	v3 =	vperm.xlane v3, v2  }
0x132: {  	[tilespmem:s25], [sflag:$0x1] =	stream.indirect_vreg.gather [hbm4b:s7+s5], $0x80, v4, vm0, $0xb8;
	[tilespmem:$0x19800] =	vst v63  }
0x133: {  	s22 =	simm.s32 $0x6800;
	v3 =	vadd.s32 v1, v3  }
0x134: {  	[tilespmem:s22], [sflag:$0x1] =	stream.indirect_vreg.gather [hbm4b:s8+s5], $0x80, v4, vm0, $0xb8;
	[tilespmem:$0x19800] =	vst v63  }
0x135: {  	s23 =	simm.s32 $0x7000  }
0x136: {  	[tilespmem:s23], [sflag:$0x1] =	stream.indirect_vreg.gather [hbm4b:s9+s5], $0x80, v4, vm0, $0xb8;
	[tilespmem:$0x19800] =	vst v63  }
0x137: {  	s25 =	simm.s32 $0x7800  }
0x138: {  	[tilespmem:s25], [sflag:$0x1] =	stream.indirect_vreg.gather [hbm4b:s1+s5], $0x80, v3, vm0, $0xb8;
	[tilespmem:$0x19800] =	vst v63  }
0x139: {  	s26 =	simm.s32 $0x8000  }
0x13a: {  	[tilespmem:s26], [sflag:$0x1] =	stream.indirect_vreg.gather [hbm4b:s7+s5], $0x80, v3, vm0, $0xb8;
	[tilespmem:$0x19800] =	vst v63  }
0x13b: {  	s28 =	simm.s32 $0x8800  }
0x13c: {  	[tilespmem:s28], [sflag:$0x1] =	stream.indirect_vreg.gather [hbm4b:s8+s5], $0x80, v3, vm0, $0xb8;
	[tilespmem:$0x19800] =	vst v63  }
0x13d: {  	s13 =	simm.s32 $0x9000  }
0x13e: {  	[tilespmem:s13], [sflag:$0x1] =	stream.indirect_vreg.gather [hbm4b:s9+s5], $0x80, v3, vm0, $0xb8;
	[tilespmem:$0x19800] =	vst v63  }
0x13f: {  	v3 =	vld [tilespmem:$0x900];
	_ =	sdelay $0x4  }
0x140: {  	v38 =	vshll.u32 v3, $0x1  }
0x141: {  	v3 =	vand.u32 $0x7, v3;
	v4 =	vand.u32 $0xFFFFFFF0, v38  }
0x142: {  	v3 =	vor.u32 v3, v4  }
0x143: {  	v4 =	vperm.xlane v3, v0;
	_ =	sdelay $0x1  }
0x144: {  	v3 =	vperm.xlane v3, v2;
	v4 =	vadd.s32 v1, v4;
	_ =	sdelay $0x1  }
0x145: {  	v3 =	vadd.s32 v1, v3;
	_ =	sdelay $0x2  }
0x146: {  	[tilespmem:s11], [sflag:$0x1] =	stream.indirect_vreg.gather [hbm4b:s2+s5], $0x80, v4, vm0, $0xb8;
	[tilespmem:$0x19800] =	vst v63  }
0x147: {  	s15 =	simm.s32 $0x12000  }
0x148: {  	[tilespmem:s15], [sflag:$0x1] =	stream.indirect_vreg.gather [hbm4b:s2+s5], $0x80, v3, vm0, $0xb8;
	[tilespmem:$0x19800] =	vst v63  }
0x149: {  	v3 =	vld [tilespmem:$0x910];
	_ =	sdelay $0x4  }
0x14a: {  	v39 =	vshll.u32 v3, $0x1  }
0x14b: {  	v3 =	vand.u32 $0x7, v3;
	v4 =	vand.u32 $0xFFFFFFF0, v39  }
0x14c: {  	v3 =	vor.u32 v3, v4  }
0x14d: {  	v4 =	vperm.xlane v3, v0;
	_ =	sdelay $0x1  }
0x14e: {  	v3 =	vperm.xlane v3, v2;
	v4 =	vadd.s32 v1, v4;
	_ =	sdelay $0x1  }
0x14f: {  	v3 =	vadd.s32 v1, v3;
	_ =	sdelay $0x1  }
0x150: {  	s13 =	simm.s32 $0x12800  }
0x151: {  	[tilespmem:s13], [sflag:$0x1] =	stream.indirect_vreg.gather [hbm4b:s2+s5], $0x80, v4, vm0, $0xb8;
	[tilespmem:$0x19800] =	vst v63  }
0x152: {  	s17 =	simm.s32 $0x13000  }
0x153: {  	[tilespmem:s17], [sflag:$0x1] =	stream.indirect_vreg.gather [hbm4b:s2+s5], $0x80, v3, vm0, $0xb8;
	[tilespmem:$0x19800] =	vst v63  }
0x154: {  	v3 =	vld [tilespmem:$0x1100];
	_ =	sdelay $0x4  }
0x155: {  	v40 =	vshll.u32 v3, $0x1  }
0x156: {  	v3 =	vand.u32 $0x7, v3;
	v4 =	vand.u32 $0xFFFFFFF0, v40  }
0x157: {  	v3 =	vor.u32 v3, v4  }
0x158: {  	v4 =	vperm.xlane v3, v0;
	_ =	sdelay $0x1  }
0x159: {  	v3 =	vperm.xlane v3, v2;
	v4 =	vadd.s32 v1, v4;
	_ =	sdelay $0x1  }
0x15a: {  	v3 =	vadd.s32 v1, v3;
	_ =	sdelay $0x2  }
0x15b: {  	[tilespmem:s14], [sflag:$0x1] =	stream.indirect_vreg.gather [hbm4b:s4+s5], $0x80, v4, vm0, $0xb8;
	[tilespmem:$0x19800] =	vst v63  }
0x15c: {  	s11 =	simm.s32 $0x16000  }
0x15d: {  	[tilespmem:s11], [sflag:$0x1] =	stream.indirect_vreg.gather [hbm4b:s4+s5], $0x80, v3, vm0, $0xb8;
	[tilespmem:$0x19800] =	vst v63  }
0x15e: {  	v3 =	vld [tilespmem:$0x1110];
	_ =	sdelay $0x4  }
0x15f: {  	v41 =	vshll.u32 v3, $0x1  }
0x160: {  	v3 =	vand.u32 $0x7, v3;
	v4 =	vand.u32 $0xFFFFFFF0, v41  }
0x161: {  	v3 =	vor.u32 v3, v4  }
0x162: {  	v4 =	vperm.xlane v3, v0;
	_ =	sdelay $0x1  }
0x163: {  	v3 =	vperm.xlane v3, v2;
	v4 =	vadd.s32 v1, v4;
	_ =	sdelay $0x1  }
0x164: {  	v3 =	vadd.s32 v1, v3;
	_ =	sdelay $0x1  }
0x165: {  	s15 =	simm.s32 $0x16800  }
0x166: {  	[tilespmem:s15], [sflag:$0x1] =	stream.indirect_vreg.gather [hbm4b:s4+s5], $0x80, v4, vm0, $0xb8;
	[tilespmem:$0x19800] =	vst v63  }
0x167: {  	s10 =	simm.s32 $0x17000  }
0x168: {  	[tilespmem:s10], [sflag:$0x1] =	stream.indirect_vreg.gather [hbm4b:s4+s5], $0x80, v3, vm0, $0xb8;
	[tilespmem:$0x19800] =	vst v63  }
0x169: {  	_ =	swait.ge [sflag:s3], $0x8000  }
0x16a: {  	[sflag:s3] =	ssyncset.done $0x0  }
0x16b: {  	[sflag:s3] =	ssyncadd.s32 $0xFFFF8000  }
0x16c: {  	_ =	swait.ge [sflag:s3], $0x2000  }
0x16d: {  	[sflag:s3] =	ssyncset.done $0x0  }
0x16e: {  	[sflag:s3] =	ssyncadd.s32 $0xFFFFE000  }
0x16f: {  	_ =	swait.ge [sflag:s3], $0x2000  }
0x170: {  	[sflag:s3] =	ssyncset.done $0x0  }
0x171: {  	s10 =	simm.s32 $0x9800;
	s17 =	rddreg [dreg:$0xb];
	[sflag:s3] =	ssyncadd.s32 $0xFFFFE000  }
0x172: {  	[hbm4b:s17+s24] =	stream.strided.scatter [tilespmem:s10], [sflag:$0x4], $0x8000, s16, s24, $0x38;
	[tilespmem:$0x19800] =	vst v63  }
0x173: {  	s11 =	simm.s32 $0x13800;
	s6 =	rddreg [dreg:$0xc]  }
0x174: {  	[hbm4b:s6+s12] =	stream.strided.scatter [tilespmem:s11], [sflag:$0x4], $0x2000, s16, s12, $0x38;
	[tilespmem:$0x19800] =	vst v63  }
0x175: {  	s15 =	rddreg [dreg:$0xd];
	s6 =	simm.s32 $0x17800  }
0x176: {  	[hbm4b:s15+s12] =	stream.strided.scatter [tilespmem:s6], [sflag:$0x4], $0x2000, s16, s12, $0x38;
	[tilespmem:$0x19800] =	vst v63  }
0x177: {  	_ =	swait.ge [sflag:s0], $0x8000  }
0x178: {  	[sflag:s0] =	ssyncset.done $0x0  }
0x179: {  	[sflag:s0] =	ssyncadd.s32 $0xFFFF8000  }
0x17a: {  	_ =	swait.ge [sflag:s0], $0x2000  }
0x17b: {  	[sflag:s0] =	ssyncset.done $0x0  }
0x17c: {  	[sflag:s0] =	ssyncadd.s32 $0xFFFFE000  }
0x17d: {  	_ =	swait.ge [sflag:s0], $0x2000  }
0x17e: {  	[sflag:s0] =	ssyncset.done $0x0  }
0x17f: {  	[sflag:s0] =	ssyncadd.s32 $0xFFFFE000  }
0x180: {  	v3 =	vld [tilespmem:$0x180];
	_ =	sdelay $0x4  }
0x181: {  	v42 =	vshll.u32 v3, $0x3  }
0x182: {  	v3 =	vand.u32 $0x7, v3;
	v4 =	vand.u32 $0xFFFFFFC0, v42  }
0x183: {  	v3 =	vor.u32 v3, v4  }
0x184: {  	v4 =	vperm.xlane v3, v0;
	_ =	sdelay $0x1  }
0x185: {  	v4 =	vadd.s32 v1, v4;
	_ =	sdelay $0x4  }
0x186: {  	[tilespmem:s10], [sflag:$0x2] =	stream.indirect_vreg.gather [hbm4b:s1+s5], $0x80, v4, vm0, $0xb8;
	[tilespmem:$0x19800] =	vst v63  }
0x187: {  	s20 =	simm.s32 $0xA000;
	v3 =	vperm.xlane v3, v2  }
0x188: {  	[tilespmem:s20], [sflag:$0x2] =	stream.indirect_vreg.gather [hbm4b:s7+s5], $0x80, v4, vm0, $0xb8;
	[tilespmem:$0x19800] =	vst v63  }
0x189: {  	s17 =	simm.s32 $0xA800;
	v3 =	vadd.s32 v1, v3  }
0x18a: {  	[tilespmem:s17], [sflag:$0x2] =	stream.indirect_vreg.gather [hbm4b:s8+s5], $0x80, v4, vm0, $0xb8;
	[tilespmem:$0x19800] =	vst v63  }
0x18b: {  	s20 =	simm.s32 $0xB000  }
0x18c: {  	[tilespmem:s20], [sflag:$0x2] =	stream.indirect_vreg.gather [hbm4b:s9+s5], $0x80, v4, vm0, $0xb8;
	[tilespmem:$0x19800] =	vst v63  }
0x18d: {  	s15 =	simm.s32 $0xB800  }
0x18e: {  	[tilespmem:s15], [sflag:$0x2] =	stream.indirect_vreg.gather [hbm4b:s1+s5], $0x80, v3, vm0, $0xb8;
	[tilespmem:$0x19800] =	vst v63  }
0x18f: {  	s17 =	simm.s32 $0xC000  }
0x190: {  	[tilespmem:s17], [sflag:$0x2] =	stream.indirect_vreg.gather [hbm4b:s7+s5], $0x80, v3, vm0, $0xb8;
	[tilespmem:$0x19800] =	vst v63  }
0x191: {  	s20 =	simm.s32 $0xC800  }
0x192: {  	[tilespmem:s20], [sflag:$0x2] =	stream.indirect_vreg.gather [hbm4b:s8+s5], $0x80, v3, vm0, $0xb8;
	[tilespmem:$0x19800] =	vst v63  }
0x193: {  	s15 =	simm.s32 $0xD000  }
0x194: {  	[tilespmem:s15], [sflag:$0x2] =	stream.indirect_vreg.gather [hbm4b:s9+s5], $0x80, v3, vm0, $0xb8;
	[tilespmem:$0x19800] =	vst v63  }
0x195: {  	v3 =	vld [tilespmem:$0x190];
	_ =	sdelay $0x4  }
0x196: {  	v43 =	vshll.u32 v3, $0x3  }
0x197: {  	v3 =	vand.u32 $0x7, v3;
	v4 =	vand.u32 $0xFFFFFFC0, v43  }
0x198: {  	v3 =	vor.u32 v3, v4  }
0x199: {  	v4 =	vperm.xlane v3, v0;
	_ =	sdelay $0x1  }
0x19a: {  	v4 =	vadd.s32 v1, v4;
	_ =	sdelay $0x3  }
0x19b: {  	s21 =	simm.s32 $0xD800  }
0x19c: {  	[tilespmem:s21], [sflag:$0x2] =	stream.indirect_vreg.gather [hbm4b:s1+s5], $0x80, v4, vm0, $0xb8;
	[tilespmem:$0x19800] =	vst v63  }
0x19d: {  	s17 =	simm.s32 $0xE000;
	v3 =	vperm.xlane v3, v2  }
0x19e: {  	[tilespmem:s17], [sflag:$0x2] =	stream.indirect_vreg.gather [hbm4b:s7+s5], $0x80, v4, vm0, $0xb8;
	[tilespmem:$0x19800] =	vst v63  }
0x19f: {  	s15 =	simm.s32 $0xE800;
	v3 =	vadd.s32 v1, v3  }
0x1a0: {  	[tilespmem:s15], [sflag:$0x2] =	stream.indirect_vreg.gather [hbm4b:s8+s5], $0x80, v4, vm0, $0xb8;
	[tilespmem:$0x19800] =	vst v63  }
0x1a1: {  	s17 =	simm.s32 $0xF000  }
0x1a2: {  	[tilespmem:s17], [sflag:$0x2] =	stream.indirect_vreg.gather [hbm4b:s9+s5], $0x80, v4, vm0, $0xb8;
	[tilespmem:$0x19800] =	vst v63  }
0x1a3: {  	s15 =	simm.s32 $0xF800  }
0x1a4: {  	[tilespmem:s15], [sflag:$0x2] =	stream.indirect_vreg.gather [hbm4b:s1+s5], $0x80, v3, vm0, $0xb8;
	[tilespmem:$0x19800] =	vst v63  }
0x1a5: {  	s17 =	simm.s32 $0x10000  }
0x1a6: {  	[tilespmem:s17], [sflag:$0x2] =	stream.indirect_vreg.gather [hbm4b:s7+s5], $0x80, v3, vm0, $0xb8;
	[tilespmem:$0x19800] =	vst v63  }
0x1a7: {  	s15 =	simm.s32 $0x10800  }
0x1a8: {  	[tilespmem:s15], [sflag:$0x2] =	stream.indirect_vreg.gather [hbm4b:s8+s5], $0x80, v3, vm0, $0xb8;
	[tilespmem:$0x19800] =	vst v63  }
0x1a9: {  	s17 =	simm.s32 $0x11000  }
0x1aa: {  	[tilespmem:s17], [sflag:$0x2] =	stream.indirect_vreg.gather [hbm4b:s9+s5], $0x80, v3, vm0, $0xb8;
	[tilespmem:$0x19800] =	vst v63  }
0x1ab: {  	v3 =	vld [tilespmem:$0x980];
	_ =	sdelay $0x4  }
0x1ac: {  	v44 =	vshll.u32 v3, $0x1  }
0x1ad: {  	v3 =	vand.u32 $0x7, v3;
	v4 =	vand.u32 $0xFFFFFFF0, v44  }
0x1ae: {  	v3 =	vor.u32 v3, v4  }
0x1af: {  	v4 =	vperm.xlane v3, v0;
	_ =	sdelay $0x1  }
0x1b0: {  	v3 =	vperm.xlane v3, v2;
	v4 =	vadd.s32 v1, v4;
	_ =	sdelay $0x1  }
0x1b1: {  	v3 =	vadd.s32 v1, v3;
	_ =	sdelay $0x2  }
0x1b2: {  	[tilespmem:s11], [sflag:$0x2] =	stream.indirect_vreg.gather [hbm4b:s2+s5], $0x80, v4, vm0, $0xb8;
	[tilespmem:$0x19800] =	vst v63  }
0x1b3: {  	s11 =	simm.s32 $0x14000  }
0x1b4: {  	[tilespmem:s11], [sflag:$0x2] =	stream.indirect_vreg.gather [hbm4b:s2+s5], $0x80, v3, vm0, $0xb8;
	[tilespmem:$0x19800] =	vst v63  }
0x1b5: {  	v3 =	vld [tilespmem:$0x990];
	_ =	sdelay $0x4  }
0x1b6: {  	v45 =	vshll.u32 v3, $0x1  }
0x1b7: {  	v3 =	vand.u32 $0x7, v3;
	v4 =	vand.u32 $0xFFFFFFF0, v45  }
0x1b8: {  	v3 =	vor.u32 v3, v4  }
0x1b9: {  	v4 =	vperm.xlane v3, v0;
	_ =	sdelay $0x1  }
0x1ba: {  	v3 =	vperm.xlane v3, v2;
	v4 =	vadd.s32 v1, v4;
	_ =	sdelay $0x1  }
0x1bb: {  	v3 =	vadd.s32 v1, v3;
	_ =	sdelay $0x1  }
0x1bc: {  	s15 =	simm.s32 $0x14800  }
0x1bd: {  	[tilespmem:s15], [sflag:$0x2] =	stream.indirect_vreg.gather [hbm4b:s2+s5], $0x80, v4, vm0, $0xb8;
	[tilespmem:$0x19800] =	vst v63  }
0x1be: {  	s17 =	simm.s32 $0x15000  }
0x1bf: {  	[tilespmem:s17], [sflag:$0x2] =	stream.indirect_vreg.gather [hbm4b:s2+s5], $0x80, v3, vm0, $0xb8;
	[tilespmem:$0x19800] =	vst v63  }
0x1c0: {  	v3 =	vld [tilespmem:$0x1180];
	_ =	sdelay $0x4  }
0x1c1: {  	v46 =	vshll.u32 v3, $0x1  }
0x1c2: {  	v3 =	vand.u32 $0x7, v3;
	v4 =	vand.u32 $0xFFFFFFF0, v46  }
0x1c3: {  	v3 =	vor.u32 v3, v4  }
0x1c4: {  	v4 =	vperm.xlane v3, v0;
	_ =	sdelay $0x1  }
0x1c5: {  	v3 =	vperm.xlane v3, v2;
	v4 =	vadd.s32 v1, v4;
	_ =	sdelay $0x1  }
0x1c6: {  	v3 =	vadd.s32 v1, v3;
	_ =	sdelay $0x2  }
0x1c7: {  	[tilespmem:s6], [sflag:$0x2] =	stream.indirect_vreg.gather [hbm4b:s4+s5], $0x80, v4, vm0, $0xb8;
	[tilespmem:$0x19800] =	vst v63  }
0x1c8: {  	s11 =	simm.s32 $0x18000  }
0x1c9: {  	[tilespmem:s11], [sflag:$0x2] =	stream.indirect_vreg.gather [hbm4b:s4+s5], $0x80, v3, vm0, $0xb8;
	[tilespmem:$0x19800] =	vst v63  }
0x1ca: {  	v3 =	vld [tilespmem:$0x1190];
	_ =	sdelay $0x4  }
0x1cb: {  	v47 =	vshll.u32 v3, $0x1  }
0x1cc: {  	v3 =	vand.u32 $0x7, v3;
	v4 =	vand.u32 $0xFFFFFFF0, v47  }
0x1cd: {  	v3 =	vor.u32 v3, v4  }
0x1ce: {  	v4 =	vperm.xlane v3, v0;
	_ =	sdelay $0x1  }
0x1cf: {  	v3 =	vperm.xlane v3, v2;
	v4 =	vadd.s32 v1, v4;
	_ =	sdelay $0x1  }
0x1d0: {  	v3 =	vadd.s32 v1, v3;
	_ =	sdelay $0x1  }
0x1d1: {  	s15 =	simm.s32 $0x18800  }
0x1d2: {  	[tilespmem:s15], [sflag:$0x2] =	stream.indirect_vreg.gather [hbm4b:s4+s5], $0x80, v4, vm0, $0xb8;
	[tilespmem:$0x19800] =	vst v63  }
0x1d3: {  	s17 =	simm.s32 $0x19000  }
0x1d4: {  	[tilespmem:s17], [sflag:$0x2] =	stream.indirect_vreg.gather [hbm4b:s4+s5], $0x80, v3, vm0, $0xb8;
	[tilespmem:$0x19800] =	vst v63  }
0x1d5: {  	_ =	swait.ge [sflag:s29], $0x8000  }
0x1d6: {  	[sflag:s29] =	ssyncset.done $0x0  }
0x1d7: {  	[sflag:s29] =	ssyncadd.s32 $0xFFFF8000  }
0x1d8: {  	_ =	swait.ge [sflag:s29], $0x2000  }
0x1d9: {  	[sflag:s29] =	ssyncset.done $0x0  }
0x1da: {  	[sflag:s29] =	ssyncadd.s32 $0xFFFFE000  }
0x1db: {  	_ =	swait.ge [sflag:s29], $0x2000  }
0x1dc: {  	[sflag:s29] =	ssyncset.done $0x0  }
0x1dd: {  	s10 =	simm.s32 $0x1800;
	s11 =	rddreg [dreg:$0xe];
	[sflag:s29] =	ssyncadd.s32 $0xFFFFE000  }
0x1de: {  	[hbm4b:s11+s24] =	stream.strided.scatter [tilespmem:s10], [sflag:$0x3], $0x8000, s16, s24, $0x38;
	[tilespmem:$0x19800] =	vst v63  }
0x1df: {  	s17 =	rddreg [dreg:$0xf];
	s11 =	simm.s32 $0x11800  }
0x1e0: {  	[hbm4b:s17+s12] =	stream.strided.scatter [tilespmem:s11], [sflag:$0x3], $0x2000, s16, s12, $0x38;
	[tilespmem:$0x19800] =	vst v63  }
0x1e1: {  	s15 =	rddreg [dreg:$0x10]  }
0x1e2: {  	[hbm4b:s15+s12] =	stream.strided.scatter [tilespmem:s14], [sflag:$0x3], $0x2000, s16, s12, $0x38;
	[tilespmem:$0x19800] =	vst v63  }
0x1e3: {  	_ =	swait.ge [sflag:s31], $0x8000  }
0x1e4: {  	[sflag:s31] =	ssyncset.done $0x0  }
0x1e5: {  	[sflag:s31] =	ssyncadd.s32 $0xFFFF8000  }
0x1e6: {  	_ =	swait.ge [sflag:s31], $0x2000  }
0x1e7: {  	[sflag:s31] =	ssyncset.done $0x0  }
0x1e8: {  	[sflag:s31] =	ssyncadd.s32 $0xFFFFE000  }
0x1e9: {  	_ =	swait.ge [sflag:s31], $0x2000  }
0x1ea: {  	[sflag:s31] =	ssyncset.done $0x0  }
0x1eb: {  	[sflag:s31] =	ssyncadd.s32 $0xFFFFE000  }
0x1ec: {  	v3 =	vld [tilespmem:$0x200];
	_ =	sdelay $0x4  }
0x1ed: {  	v48 =	vshll.u32 v3, $0x3  }
0x1ee: {  	v3 =	vand.u32 $0x7, v3;
	v4 =	vand.u32 $0xFFFFFFC0, v48  }
0x1ef: {  	v3 =	vor.u32 v3, v4  }
0x1f0: {  	v4 =	vperm.xlane v3, v0;
	_ =	sdelay $0x1  }
0x1f1: {  	v4 =	vadd.s32 v1, v4;
	_ =	sdelay $0x4  }
0x1f2: {  	[tilespmem:s10], [sflag:$0x1] =	stream.indirect_vreg.gather [hbm4b:s1+s5], $0x80, v4, vm0, $0xb8;
	[tilespmem:$0x19800] =	vst v63  }
0x1f3: {  	v3 =	vperm.xlane v3, v2  }
0x1f4: {  	[tilespmem:s24], [sflag:$0x1] =	stream.indirect_vreg.gather [hbm4b:s7+s5], $0x80, v4, vm0, $0xb8;
	[tilespmem:$0x19800] =	vst v63  }
0x1f5: {  	s15 =	simm.s32 $0x2800;
	v3 =	vadd.s32 v1, v3  }
0x1f6: {  	[tilespmem:s15], [sflag:$0x1] =	stream.indirect_vreg.gather [hbm4b:s8+s5], $0x80, v4, vm0, $0xb8;
	[tilespmem:$0x19800] =	vst v63  }
0x1f7: {  	_ = 	snop  }
0x1f8: {  	[tilespmem:s16], [sflag:$0x1] =	stream.indirect_vreg.gather [hbm4b:s9+s5], $0x80, v4, vm0, $0xb8;
	[tilespmem:$0x19800] =	vst v63  }
0x1f9: {  	_ = 	snop  }
0x1fa: {  	[tilespmem:s30], [sflag:$0x1] =	stream.indirect_vreg.gather [hbm4b:s1+s5], $0x80, v3, vm0, $0xb8;
	[tilespmem:$0x19800] =	vst v63  }
0x1fb: {  	_ = 	snop  }
0x1fc: {  	[tilespmem:s18], [sflag:$0x1] =	stream.indirect_vreg.gather [hbm4b:s7+s5], $0x80, v3, vm0, $0xb8;
	[tilespmem:$0x19800] =	vst v63  }
0x1fd: {  	_ = 	snop  }
0x1fe: {  	[tilespmem:s19], [sflag:$0x1] =	stream.indirect_vreg.gather [hbm4b:s8+s5], $0x80, v3, vm0, $0xb8;
	[tilespmem:$0x19800] =	vst v63  }
0x1ff: {  	s17 =	simm.s32 $0x5000  }
0x200: {  	[tilespmem:s17], [sflag:$0x1] =	stream.indirect_vreg.gather [hbm4b:s9+s5], $0x80, v3, vm0, $0xb8;
	[tilespmem:$0x19800] =	vst v63  }
0x201: {  	v3 =	vld [tilespmem:$0x210];
	_ =	sdelay $0x4  }
0x202: {  	v49 =	vshll.u32 v3, $0x3  }
0x203: {  	v3 =	vand.u32 $0x7, v3;
	v4 =	vand.u32 $0xFFFFFFC0, v49  }
0x204: {  	v3 =	vor.u32 v3, v4  }
0x205: {  	v4 =	vperm.xlane v3, v0;
	_ =	sdelay $0x1  }
0x206: {  	v4 =	vadd.s32 v1, v4;
	_ =	sdelay $0x3  }
0x207: {  	s18 =	simm.s32 $0x5800  }
0x208: {  	[tilespmem:s18], [sflag:$0x1] =	stream.indirect_vreg.gather [hbm4b:s1+s5], $0x80, v4, vm0, $0xb8;
	[tilespmem:$0x19800] =	vst v63  }
0x209: {  	s19 =	simm.s32 $0x6000;
	v3 =	vperm.xlane v3, v2  }
0x20a: {  	[tilespmem:s19], [sflag:$0x1] =	stream.indirect_vreg.gather [hbm4b:s7+s5], $0x80, v4, vm0, $0xb8;
	[tilespmem:$0x19800] =	vst v63  }
0x20b: {  	v3 =	vadd.s32 v1, v3  }
0x20c: {  	[tilespmem:s22], [sflag:$0x1] =	stream.indirect_vreg.gather [hbm4b:s8+s5], $0x80, v4, vm0, $0xb8;
	[tilespmem:$0x19800] =	vst v63  }
0x20d: {  	_ = 	snop  }
0x20e: {  	[tilespmem:s23], [sflag:$0x1] =	stream.indirect_vreg.gather [hbm4b:s9+s5], $0x80, v4, vm0, $0xb8;
	[tilespmem:$0x19800] =	vst v63  }
0x20f: {  	_ = 	snop  }
0x210: {  	[tilespmem:s25], [sflag:$0x1] =	stream.indirect_vreg.gather [hbm4b:s1+s5], $0x80, v3, vm0, $0xb8;
	[tilespmem:$0x19800] =	vst v63  }
0x211: {  	_ = 	snop  }
0x212: {  	[tilespmem:s26], [sflag:$0x1] =	stream.indirect_vreg.gather [hbm4b:s7+s5], $0x80, v3, vm0, $0xb8;
	[tilespmem:$0x19800] =	vst v63  }
0x213: {  	_ = 	snop  }
0x214: {  	[tilespmem:s28], [sflag:$0x1] =	stream.indirect_vreg.gather [hbm4b:s8+s5], $0x80, v3, vm0, $0xb8;
	[tilespmem:$0x19800] =	vst v63  }
0x215: {  	s10 =	simm.s32 $0x9000  }
0x216: {  	[tilespmem:s10], [sflag:$0x1] =	stream.indirect_vreg.gather [hbm4b:s9+s5], $0x80, v3, vm0, $0xb8;
	[tilespmem:$0x19800] =	vst v63  }
0x217: {  	v3 =	vld [tilespmem:$0xA00];
	_ =	sdelay $0x4  }
0x218: {  	v50 =	vshll.u32 v3, $0x1  }
0x219: {  	v3 =	vand.u32 $0x7, v3;
	v4 =	vand.u32 $0xFFFFFFF0, v50  }
0x21a: {  	v3 =	vor.u32 v3, v4  }
0x21b: {  	v4 =	vperm.xlane v3, v0;
	_ =	sdelay $0x1  }
0x21c: {  	v3 =	vperm.xlane v3, v2;
	v4 =	vadd.s32 v1, v4;
	_ =	sdelay $0x1  }
0x21d: {  	v3 =	vadd.s32 v1, v3;
	_ =	sdelay $0x2  }
0x21e: {  	[tilespmem:s11], [sflag:$0x1] =	stream.indirect_vreg.gather [hbm4b:s2+s5], $0x80, v4, vm0, $0xb8;
	[tilespmem:$0x19800] =	vst v63  }
0x21f: {  	s30 =	simm.s32 $0x12000  }
0x220: {  	[tilespmem:s30], [sflag:$0x1] =	stream.indirect_vreg.gather [hbm4b:s2+s5], $0x80, v3, vm0, $0xb8;
	[tilespmem:$0x19800] =	vst v63  }
0x221: {  	v3 =	vld [tilespmem:$0xA10];
	_ =	sdelay $0x4  }
0x222: {  	v51 =	vshll.u32 v3, $0x1  }
0x223: {  	v3 =	vand.u32 $0x7, v3;
	v4 =	vand.u32 $0xFFFFFFF0, v51  }
0x224: {  	v3 =	vor.u32 v3, v4  }
0x225: {  	v4 =	vperm.xlane v3, v0;
	_ =	sdelay $0x1  }
0x226: {  	v3 =	vperm.xlane v3, v2;
	v4 =	vadd.s32 v1, v4;
	_ =	sdelay $0x1  }
0x227: {  	v3 =	vadd.s32 v1, v3;
	_ =	sdelay $0x2  }
0x228: {  	[tilespmem:s13], [sflag:$0x1] =	stream.indirect_vreg.gather [hbm4b:s2+s5], $0x80, v4, vm0, $0xb8;
	[tilespmem:$0x19800] =	vst v63  }
0x229: {  	s18 =	simm.s32 $0x13000  }
0x22a: {  	[tilespmem:s18], [sflag:$0x1] =	stream.indirect_vreg.gather [hbm4b:s2+s5], $0x80, v3, vm0, $0xb8;
	[tilespmem:$0x19800] =	vst v63  }
0x22b: {  	v3 =	vld [tilespmem:$0x1200];
	_ =	sdelay $0x4  }
0x22c: {  	v52 =	vshll.u32 v3, $0x1  }
0x22d: {  	v3 =	vand.u32 $0x7, v3;
	v4 =	vand.u32 $0xFFFFFFF0, v52  }
0x22e: {  	v3 =	vor.u32 v3, v4  }
0x22f: {  	v4 =	vperm.xlane v3, v0;
	_ =	sdelay $0x1  }
0x230: {  	v3 =	vperm.xlane v3, v2;
	v4 =	vadd.s32 v1, v4;
	_ =	sdelay $0x1  }
0x231: {  	v3 =	vadd.s32 v1, v3;
	_ =	sdelay $0x2  }
0x232: {  	[tilespmem:s14], [sflag:$0x1] =	stream.indirect_vreg.gather [hbm4b:s4+s5], $0x80, v4, vm0, $0xb8;
	[tilespmem:$0x19800] =	vst v63  }
0x233: {  	s19 =	simm.s32 $0x16000  }
0x234: {  	[tilespmem:s19], [sflag:$0x1] =	stream.indirect_vreg.gather [hbm4b:s4+s5], $0x80, v3, vm0, $0xb8;
	[tilespmem:$0x19800] =	vst v63  }
0x235: {  	v3 =	vld [tilespmem:$0x1210];
	_ =	sdelay $0x4  }
0x236: {  	v53 =	vshll.u32 v3, $0x1  }
0x237: {  	v3 =	vand.u32 $0x7, v3;
	v4 =	vand.u32 $0xFFFFFFF0, v53  }
0x238: {  	v3 =	vor.u32 v3, v4  }
0x239: {  	v4 =	vperm.xlane v3, v0;
	_ =	sdelay $0x1  }
0x23a: {  	v3 =	vperm.xlane v3, v2;
	v4 =	vadd.s32 v1, v4;
	_ =	sdelay $0x1  }
0x23b: {  	v3 =	vadd.s32 v1, v3;
	_ =	sdelay $0x1  }
0x23c: {  	s15 =	simm.s32 $0x16800  }
0x23d: {  	[tilespmem:s15], [sflag:$0x1] =	stream.indirect_vreg.gather [hbm4b:s4+s5], $0x80, v4, vm0, $0xb8;
	[tilespmem:$0x19800] =	vst v63  }
0x23e: {  	s22 =	simm.s32 $0x17000  }
0x23f: {  	[tilespmem:s22], [sflag:$0x1] =	stream.indirect_vreg.gather [hbm4b:s4+s5], $0x80, v3, vm0, $0xb8;
	[tilespmem:$0x19800] =	vst v63  }
0x240: {  	_ =	swait.ge [sflag:s3], $0x8000  }
0x241: {  	[sflag:s3] =	ssyncset.done $0x0  }
0x242: {  	[sflag:s3] =	ssyncadd.s32 $0xFFFF8000  }
0x243: {  	_ =	swait.ge [sflag:s3], $0x2000  }
0x244: {  	[sflag:s3] =	ssyncset.done $0x0  }
0x245: {  	[sflag:s3] =	ssyncadd.s32 $0xFFFFE000  }
0x246: {  	_ =	swait.ge [sflag:s3], $0x2000  }
0x247: {  	[sflag:s3] =	ssyncset.done $0x0  }
0x248: {  	s25 =	simm.s32 $0x9800;
	s17 =	rddreg [dreg:$0x11];
	[sflag:s3] =	ssyncadd.s32 $0xFFFFE000  }
0x249: {  	[hbm4b:s17+s24] =	stream.strided.scatter [tilespmem:s25], [sflag:$0x4], $0x8000, s16, s24, $0x38;
	[tilespmem:$0x19800] =	vst v63  }
0x24a: {  	s14 =	simm.s32 $0x13800;
	s23 =	rddreg [dreg:$0x12]  }
0x24b: {  	[hbm4b:s23+s12] =	stream.strided.scatter [tilespmem:s14], [sflag:$0x4], $0x2000, s16, s12, $0x38;
	[tilespmem:$0x19800] =	vst v63  }
0x24c: {  	s6 =	simm.s32 $0x17800;
	s26 =	rddreg [dreg:$0x13]  }
0x24d: {  	[hbm4b:s26+s12] =	stream.strided.scatter [tilespmem:s6], [sflag:$0x4], $0x2000, s16, s12, $0x38;
	[tilespmem:$0x19800] =	vst v63  }
0x24e: {  	_ =	swait.ge [sflag:s0], $0x8000  }
0x24f: {  	[sflag:s0] =	ssyncset.done $0x0  }
0x250: {  	[sflag:s0] =	ssyncadd.s32 $0xFFFF8000  }
0x251: {  	_ =	swait.ge [sflag:s0], $0x2000  }
0x252: {  	[sflag:s0] =	ssyncset.done $0x0  }
0x253: {  	[sflag:s0] =	ssyncadd.s32 $0xFFFFE000  }
0x254: {  	_ =	swait.ge [sflag:s0], $0x2000  }
0x255: {  	[sflag:s0] =	ssyncset.done $0x0  }
0x256: {  	[sflag:s0] =	ssyncadd.s32 $0xFFFFE000  }
0x257: {  	v3 =	vld [tilespmem:$0x280];
	_ =	sdelay $0x4  }
0x258: {  	v54 =	vshll.u32 v3, $0x3  }
0x259: {  	v3 =	vand.u32 $0x7, v3;
	v4 =	vand.u32 $0xFFFFFFC0, v54  }
0x25a: {  	v3 =	vor.u32 v3, v4  }
0x25b: {  	v4 =	vperm.xlane v3, v0;
	_ =	sdelay $0x1  }
0x25c: {  	v4 =	vadd.s32 v1, v4;
	_ =	sdelay $0x4  }
0x25d: {  	[tilespmem:s25], [sflag:$0x2] =	stream.indirect_vreg.gather [hbm4b:s1+s5], $0x80, v4, vm0, $0xb8;
	[tilespmem:$0x19800] =	vst v63  }
0x25e: {  	s28 =	simm.s32 $0xA000;
	v3 =	vperm.xlane v3, v2  }
0x25f: {  	[tilespmem:s28], [sflag:$0x2] =	stream.indirect_vreg.gather [hbm4b:s7+s5], $0x80, v4, vm0, $0xb8;
	[tilespmem:$0x19800] =	vst v63  }
0x260: {  	s23 =	simm.s32 $0xA800;
	v3 =	vadd.s32 v1, v3  }
0x261: {  	[tilespmem:s23], [sflag:$0x2] =	stream.indirect_vreg.gather [hbm4b:s8+s5], $0x80, v4, vm0, $0xb8;
	[tilespmem:$0x19800] =	vst v63  }
0x262: {  	s25 =	simm.s32 $0xB000  }
0x263: {  	[tilespmem:s25], [sflag:$0x2] =	stream.indirect_vreg.gather [hbm4b:s9+s5], $0x80, v4, vm0, $0xb8;
	[tilespmem:$0x19800] =	vst v63  }
0x264: {  	s26 =	simm.s32 $0xB800  }
0x265: {  	[tilespmem:s26], [sflag:$0x2] =	stream.indirect_vreg.gather [hbm4b:s1+s5], $0x80, v3, vm0, $0xb8;
	[tilespmem:$0x19800] =	vst v63  }
0x266: {  	s28 =	simm.s32 $0xC000  }
0x267: {  	[tilespmem:s28], [sflag:$0x2] =	stream.indirect_vreg.gather [hbm4b:s7+s5], $0x80, v3, vm0, $0xb8;
	[tilespmem:$0x19800] =	vst v63  }
0x268: {  	s30 =	simm.s32 $0xC800  }
0x269: {  	[tilespmem:s30], [sflag:$0x2] =	stream.indirect_vreg.gather [hbm4b:s8+s5], $0x80, v3, vm0, $0xb8;
	[tilespmem:$0x19800] =	vst v63  }
0x26a: {  	s20 =	simm.s32 $0xD000  }
0x26b: {  	[tilespmem:s20], [sflag:$0x2] =	stream.indirect_vreg.gather [hbm4b:s9+s5], $0x80, v3, vm0, $0xb8;
	[tilespmem:$0x19800] =	vst v63  }
0x26c: {  	v3 =	vld [tilespmem:$0x290];
	_ =	sdelay $0x4  }
0x26d: {  	v55 =	vshll.u32 v3, $0x3  }
0x26e: {  	v3 =	vand.u32 $0x7, v3;
	v4 =	vand.u32 $0xFFFFFFC0, v55  }
0x26f: {  	v3 =	vor.u32 v3, v4  }
0x270: {  	v4 =	vperm.xlane v3, v0;
	_ =	sdelay $0x1  }
0x271: {  	v4 =	vadd.s32 v1, v4;
	_ =	sdelay $0x3  }
0x272: {  	s21 =	simm.s32 $0xD800  }
0x273: {  	[tilespmem:s21], [sflag:$0x2] =	stream.indirect_vreg.gather [hbm4b:s1+s5], $0x80, v4, vm0, $0xb8;
	[tilespmem:$0x19800] =	vst v63  }
0x274: {  	s13 =	simm.s32 $0xE000;
	v3 =	vperm.xlane v3, v2  }
0x275: {  	[tilespmem:s13], [sflag:$0x2] =	stream.indirect_vreg.gather [hbm4b:s7+s5], $0x80, v4, vm0, $0xb8;
	[tilespmem:$0x19800] =	vst v63  }
0x276: {  	s15 =	simm.s32 $0xE800;
	v3 =	vadd.s32 v1, v3  }
0x277: {  	[tilespmem:s15], [sflag:$0x2] =	stream.indirect_vreg.gather [hbm4b:s8+s5], $0x80, v4, vm0, $0xb8;
	[tilespmem:$0x19800] =	vst v63  }
0x278: {  	s17 =	simm.s32 $0xF000  }
0x279: {  	[tilespmem:s17], [sflag:$0x2] =	stream.indirect_vreg.gather [hbm4b:s9+s5], $0x80, v4, vm0, $0xb8;
	[tilespmem:$0x19800] =	vst v63  }
0x27a: {  	s21 =	simm.s32 $0xF800  }
0x27b: {  	[tilespmem:s21], [sflag:$0x2] =	stream.indirect_vreg.gather [hbm4b:s1+s5], $0x80, v3, vm0, $0xb8;
	[tilespmem:$0x19800] =	vst v63  }
0x27c: {  	s20 =	simm.s32 $0x10000  }
0x27d: {  	[tilespmem:s20], [sflag:$0x2] =	stream.indirect_vreg.gather [hbm4b:s7+s5], $0x80, v3, vm0, $0xb8;
	[tilespmem:$0x19800] =	vst v63  }
0x27e: {  	s30 =	simm.s32 $0x10800  }
0x27f: {  	[tilespmem:s30], [sflag:$0x2] =	stream.indirect_vreg.gather [hbm4b:s8+s5], $0x80, v3, vm0, $0xb8;
	[tilespmem:$0x19800] =	vst v63  }
0x280: {  	s13 =	simm.s32 $0x11000  }
0x281: {  	[tilespmem:s13], [sflag:$0x2] =	stream.indirect_vreg.gather [hbm4b:s9+s5], $0x80, v3, vm0, $0xb8;
	[tilespmem:$0x19800] =	vst v63  }
0x282: {  	v3 =	vld [tilespmem:$0xA80];
	_ =	sdelay $0x4  }
0x283: {  	v56 =	vshll.u32 v3, $0x1  }
0x284: {  	v3 =	vand.u32 $0x7, v3;
	v4 =	vand.u32 $0xFFFFFFF0, v56  }
0x285: {  	v3 =	vor.u32 v3, v4  }
0x286: {  	v4 =	vperm.xlane v3, v0;
	_ =	sdelay $0x1  }
0x287: {  	v3 =	vperm.xlane v3, v2;
	v4 =	vadd.s32 v1, v4;
	_ =	sdelay $0x1  }
0x288: {  	v3 =	vadd.s32 v1, v3;
	_ =	sdelay $0x2  }
0x289: {  	[tilespmem:s14], [sflag:$0x2] =	stream.indirect_vreg.gather [hbm4b:s2+s5], $0x80, v4, vm0, $0xb8;
	[tilespmem:$0x19800] =	vst v63  }
0x28a: {  	s13 =	simm.s32 $0x14000  }
0x28b: {  	[tilespmem:s13], [sflag:$0x2] =	stream.indirect_vreg.gather [hbm4b:s2+s5], $0x80, v3, vm0, $0xb8;
	[tilespmem:$0x19800] =	vst v63  }
0x28c: {  	v3 =	vld [tilespmem:$0xA90];
	_ =	sdelay $0x4  }
0x28d: {  	v57 =	vshll.u32 v3, $0x1  }
0x28e: {  	v3 =	vand.u32 $0x7, v3;
	v4 =	vand.u32 $0xFFFFFFF0, v57  }
0x28f: {  	v3 =	vor.u32 v3, v4  }
0x290: {  	v4 =	vperm.xlane v3, v0;
	_ =	sdelay $0x1  }
0x291: {  	v3 =	vperm.xlane v3, v2;
	v4 =	vadd.s32 v1, v4;
	_ =	sdelay $0x1  }
0x292: {  	v3 =	vadd.s32 v1, v3;
	_ =	sdelay $0x1  }
0x293: {  	s14 =	simm.s32 $0x14800  }
0x294: {  	[tilespmem:s14], [sflag:$0x2] =	stream.indirect_vreg.gather [hbm4b:s2+s5], $0x80, v4, vm0, $0xb8;
	[tilespmem:$0x19800] =	vst v63  }
0x295: {  	s15 =	simm.s32 $0x15000  }
0x296: {  	[tilespmem:s15], [sflag:$0x2] =	stream.indirect_vreg.gather [hbm4b:s2+s5], $0x80, v3, vm0, $0xb8;
	[tilespmem:$0x19800] =	vst v63  }
0x297: {  	v3 =	vld [tilespmem:$0x1280];
	_ =	sdelay $0x4  }
0x298: {  	v58 =	vshll.u32 v3, $0x1  }
0x299: {  	v3 =	vand.u32 $0x7, v3;
	v4 =	vand.u32 $0xFFFFFFF0, v58  }
0x29a: {  	v3 =	vor.u32 v3, v4  }
0x29b: {  	v4 =	vperm.xlane v3, v0;
	_ =	sdelay $0x1  }
0x29c: {  	v3 =	vperm.xlane v3, v2;
	v4 =	vadd.s32 v1, v4;
	_ =	sdelay $0x1  }
0x29d: {  	v3 =	vadd.s32 v1, v3;
	_ =	sdelay $0x2  }
0x29e: {  	[tilespmem:s6], [sflag:$0x2] =	stream.indirect_vreg.gather [hbm4b:s4+s5], $0x80, v4, vm0, $0xb8;
	[tilespmem:$0x19800] =	vst v63  }
0x29f: {  	s17 =	simm.s32 $0x18000  }
0x2a0: {  	[tilespmem:s17], [sflag:$0x2] =	stream.indirect_vreg.gather [hbm4b:s4+s5], $0x80, v3, vm0, $0xb8;
	[tilespmem:$0x19800] =	vst v63  }
0x2a1: {  	v3 =	vld [tilespmem:$0x1290];
	_ =	sdelay $0x4  }
0x2a2: {  	v59 =	vshll.u32 v3, $0x1  }
0x2a3: {  	v3 =	vand.u32 $0x7, v3;
	v4 =	vand.u32 $0xFFFFFFF0, v59  }
0x2a4: {  	v3 =	vor.u32 v3, v4  }
0x2a5: {  	v4 =	vperm.xlane v3, v0;
	_ =	sdelay $0x1  }
0x2a6: {  	v3 =	vperm.xlane v3, v2;
	v4 =	vadd.s32 v1, v4;
	_ =	sdelay $0x1  }
0x2a7: {  	v3 =	vadd.s32 v1, v3;
	_ =	sdelay $0x1  }
0x2a8: {  	s6 =	simm.s32 $0x18800  }
0x2a9: {  	[tilespmem:s6], [sflag:$0x2] =	stream.indirect_vreg.gather [hbm4b:s4+s5], $0x80, v4, vm0, $0xb8;
	[tilespmem:$0x19800] =	vst v63  }
0x2aa: {  	s20 =	simm.s32 $0x19000  }
0x2ab: {  	[tilespmem:s20], [sflag:$0x2] =	stream.indirect_vreg.gather [hbm4b:s4+s5], $0x80, v3, vm0, $0xb8;
	[tilespmem:$0x19800] =	vst v63  }
0x2ac: {  	_ =	swait.ge [sflag:s29], $0x8000  }
0x2ad: {  	[sflag:s29] =	ssyncset.done $0x0  }
0x2ae: {  	[sflag:s29] =	ssyncadd.s32 $0xFFFF8000  }
0x2af: {  	_ =	swait.ge [sflag:s29], $0x2000  }
0x2b0: {  	[sflag:s29] =	ssyncset.done $0x0  }
0x2b1: {  	[sflag:s29] =	ssyncadd.s32 $0xFFFFE000  }
0x2b2: {  	_ =	swait.ge [sflag:s29], $0x2000  }
0x2b3: {  	[sflag:s29] =	ssyncset.done $0x0  }
0x2b4: {  	s14 =	simm.s32 $0x1800;
	s30 =	rddreg [dreg:$0x14];
	[sflag:s29] =	ssyncadd.s32 $0xFFFFE000  }
0x2b5: {  	[hbm4b:s30+s24] =	stream.strided.scatter [tilespmem:s14], [sflag:$0x3], $0x8000, s16, s24, $0x38;
	[tilespmem:$0x19800] =	vst v63  }
0x2b6: {  	s11 =	rddreg [dreg:$0x15];
	s30 =	simm.s32 $0x11800  }
0x2b7: {  	[hbm4b:s11+s12] =	stream.strided.scatter [tilespmem:s30], [sflag:$0x3], $0x2000, s16, s12, $0x38;
	[tilespmem:$0x19800] =	vst v63  }
0x2b8: {  	s20 =	rddreg [dreg:$0x16];
	s11 =	simm.s32 $0x15800  }
0x2b9: {  	[hbm4b:s20+s12] =	stream.strided.scatter [tilespmem:s11], [sflag:$0x3], $0x2000, s16, s12, $0x38;
	[tilespmem:$0x19800] =	vst v63  }
0x2ba: {  	_ =	swait.ge [sflag:s31], $0x8000  }
0x2bb: {  	[sflag:s31] =	ssyncset.done $0x0  }
0x2bc: {  	[sflag:s31] =	ssyncadd.s32 $0xFFFF8000  }
0x2bd: {  	_ =	swait.ge [sflag:s31], $0x2000  }
0x2be: {  	[sflag:s31] =	ssyncset.done $0x0  }
0x2bf: {  	[sflag:s31] =	ssyncadd.s32 $0xFFFFE000  }
0x2c0: {  	_ =	swait.ge [sflag:s31], $0x2000  }
0x2c1: {  	[sflag:s31] =	ssyncset.done $0x0  }
0x2c2: {  	[sflag:s31] =	ssyncadd.s32 $0xFFFFE000  }
0x2c3: {  	v3 =	vld [tilespmem:$0x300];
	_ =	sdelay $0x4  }
0x2c4: {  	v60 =	vshll.u32 v3, $0x3  }
0x2c5: {  	v3 =	vand.u32 $0x7, v3;
	v4 =	vand.u32 $0xFFFFFFC0, v60  }
0x2c6: {  	v3 =	vor.u32 v3, v4  }
0x2c7: {  	v4 =	vperm.xlane v3, v0;
	_ =	sdelay $0x1  }
0x2c8: {  	v4 =	vadd.s32 v1, v4;
	_ =	sdelay $0x4  }
0x2c9: {  	[tilespmem:s14], [sflag:$0x1] =	stream.indirect_vreg.gather [hbm4b:s1+s5], $0x80, v4, vm0, $0xb8;
	[tilespmem:$0x19800] =	vst v63  }
0x2ca: {  	v3 =	vperm.xlane v3, v2  }
0x2cb: {  	[tilespmem:s24], [sflag:$0x1] =	stream.indirect_vreg.gather [hbm4b:s7+s5], $0x80, v4, vm0, $0xb8;
	[tilespmem:$0x19800] =	vst v63  }
0x2cc: {  	s17 =	simm.s32 $0x2800;
	v3 =	vadd.s32 v1, v3  }
0x2cd: {  	[tilespmem:s17], [sflag:$0x1] =	stream.indirect_vreg.gather [hbm4b:s8+s5], $0x80, v4, vm0, $0xb8;
	[tilespmem:$0x19800] =	vst v63  }
0x2ce: {  	_ = 	snop  }
0x2cf: {  	[tilespmem:s16], [sflag:$0x1] =	stream.indirect_vreg.gather [hbm4b:s9+s5], $0x80, v4, vm0, $0xb8;
	[tilespmem:$0x19800] =	vst v63  }
0x2d0: {  	s20 =	simm.s32 $0x3800  }
0x2d1: {  	[tilespmem:s20], [sflag:$0x1] =	stream.indirect_vreg.gather [hbm4b:s1+s5], $0x80, v3, vm0, $0xb8;
	[tilespmem:$0x19800] =	vst v63  }
0x2d2: {  	s15 =	simm.s32 $0x4000  }
0x2d3: {  	[tilespmem:s15], [sflag:$0x1] =	stream.indirect_vreg.gather [hbm4b:s7+s5], $0x80, v3, vm0, $0xb8;
	[tilespmem:$0x19800] =	vst v63  }
0x2d4: {  	s17 =	simm.s32 $0x4800  }
0x2d5: {  	[tilespmem:s17], [sflag:$0x1] =	stream.indirect_vreg.gather [hbm4b:s8+s5], $0x80, v3, vm0, $0xb8;
	[tilespmem:$0x19800] =	vst v63  }
0x2d6: {  	s20 =	simm.s32 $0x5000  }
0x2d7: {  	[tilespmem:s20], [sflag:$0x1] =	stream.indirect_vreg.gather [hbm4b:s9+s5], $0x80, v3, vm0, $0xb8;
	[tilespmem:$0x19800] =	vst v63  }
0x2d8: {  	v3 =	vld [tilespmem:$0x310];
	_ =	sdelay $0x4  }
0x2d9: {  	v61 =	vshll.u32 v3, $0x3  }
0x2da: {  	v3 =	vand.u32 $0x7, v3;
	v4 =	vand.u32 $0xFFFFFFC0, v61  }
0x2db: {  	v3 =	vor.u32 v3, v4  }
0x2dc: {  	v4 =	vperm.xlane v3, v0;
	_ =	sdelay $0x1  }
0x2dd: {  	v4 =	vadd.s32 v1, v4;
	_ =	sdelay $0x3  }
0x2de: {  	s15 =	simm.s32 $0x5800  }
0x2df: {  	[tilespmem:s15], [sflag:$0x1] =	stream.indirect_vreg.gather [hbm4b:s1+s5], $0x80, v4, vm0, $0xb8;
	[tilespmem:$0x19800] =	vst v63  }
0x2e0: {  	s17 =	simm.s32 $0x6000;
	v3 =	vperm.xlane v3, v2  }
0x2e1: {  	[tilespmem:s17], [sflag:$0x1] =	stream.indirect_vreg.gather [hbm4b:s7+s5], $0x80, v4, vm0, $0xb8;
	[tilespmem:$0x19800] =	vst v63  }
0x2e2: {  	s20 =	simm.s32 $0x6800;
	v3 =	vadd.s32 v1, v3  }
0x2e3: {  	[tilespmem:s20], [sflag:$0x1] =	stream.indirect_vreg.gather [hbm4b:s8+s5], $0x80, v4, vm0, $0xb8;
	[tilespmem:$0x19800] =	vst v63  }
0x2e4: {  	s15 =	simm.s32 $0x7000  }
0x2e5: {  	[tilespmem:s15], [sflag:$0x1] =	stream.indirect_vreg.gather [hbm4b:s9+s5], $0x80, v4, vm0, $0xb8;
	[tilespmem:$0x19800] =	vst v63  }
0x2e6: {  	s17 =	simm.s32 $0x7800  }
0x2e7: {  	[tilespmem:s17], [sflag:$0x1] =	stream.indirect_vreg.gather [hbm4b:s1+s5], $0x80, v3, vm0, $0xb8;
	[tilespmem:$0x19800] =	vst v63  }
0x2e8: {  	s20 =	simm.s32 $0x8000  }
0x2e9: {  	[tilespmem:s20], [sflag:$0x1] =	stream.indirect_vreg.gather [hbm4b:s7+s5], $0x80, v3, vm0, $0xb8;
	[tilespmem:$0x19800] =	vst v63  }
0x2ea: {  	s15 =	simm.s32 $0x8800  }
0x2eb: {  	[tilespmem:s15], [sflag:$0x1] =	stream.indirect_vreg.gather [hbm4b:s8+s5], $0x80, v3, vm0, $0xb8;
	[tilespmem:$0x19800] =	vst v63  }
0x2ec: {  	_ = 	snop  }
0x2ed: {  	[tilespmem:s10], [sflag:$0x1] =	stream.indirect_vreg.gather [hbm4b:s9+s5], $0x80, v3, vm0, $0xb8;
	[tilespmem:$0x19800] =	vst v63  }
0x2ee: {  	v3 =	vld [tilespmem:$0xB00];
	_ =	sdelay $0x4  }
0x2ef: {  	v62 =	vshll.u32 v3, $0x1  }
0x2f0: {  	v3 =	vand.u32 $0x7, v3;
	v4 =	vand.u32 $0xFFFFFFF0, v62  }
0x2f1: {  	v3 =	vor.u32 v3, v4  }
0x2f2: {  	v4 =	vperm.xlane v3, v0;
	_ =	sdelay $0x1  }
0x2f3: {  	v3 =	vperm.xlane v3, v2;
	v4 =	vadd.s32 v1, v4;
	_ =	sdelay $0x1  }
0x2f4: {  	v3 =	vadd.s32 v1, v3;
	_ =	sdelay $0x2  }
0x2f5: {  	[tilespmem:s30], [sflag:$0x1] =	stream.indirect_vreg.gather [hbm4b:s2+s5], $0x80, v4, vm0, $0xb8;
	[tilespmem:$0x19800] =	vst v63  }
0x2f6: {  	s17 =	simm.s32 $0x12000  }
0x2f7: {  	[tilespmem:s17], [sflag:$0x1] =	stream.indirect_vreg.gather [hbm4b:s2+s5], $0x80, v3, vm0, $0xb8;
	[tilespmem:$0x19800] =	vst v63  }
0x2f8: {  	v3 =	vld [tilespmem:$0xB10];
	_ =	sdelay $0x4  }
0x2f9: {  	v63 =	vshll.u32 v3, $0x1  }
0x2fa: {  	v3 =	vand.u32 $0x7, v3;
	v4 =	vand.u32 $0xFFFFFFF0, v63  }
0x2fb: {  	v3 =	vor.u32 v3, v4  }
0x2fc: {  	v4 =	vperm.xlane v3, v0;
	_ =	sdelay $0x1  }
0x2fd: {  	v3 =	vperm.xlane v3, v2;
	v4 =	vadd.s32 v1, v4;
	_ =	sdelay $0x1  }
0x2fe: {  	v3 =	vadd.s32 v1, v3;
	_ =	sdelay $0x1  }
0x2ff: {  	s30 =	simm.s32 $0x12800  }
0x300: {  	[tilespmem:s30], [sflag:$0x1] =	stream.indirect_vreg.gather [hbm4b:s2+s5], $0x80, v4, vm0, $0xb8;
	[tilespmem:$0x19800] =	vst v63  }
0x301: {  	_ = 	snop  }
0x302: {  	[tilespmem:s18], [sflag:$0x1] =	stream.indirect_vreg.gather [hbm4b:s2+s5], $0x80, v3, vm0, $0xb8;
	[tilespmem:$0x19800] =	vst v63  }
0x303: {  	v3 =	vld [tilespmem:$0x1300];
	_ =	sdelay $0x4  }
0x304: {  	v8 =	vshll.u32 v3, $0x1  }
0x305: {  	v3 =	vand.u32 $0x7, v3;
	v4 =	vand.u32 $0xFFFFFFF0, v8  }
0x306: {  	v3 =	vor.u32 v3, v4  }
0x307: {  	v4 =	vperm.xlane v3, v0;
	_ =	sdelay $0x1  }
0x308: {  	v3 =	vperm.xlane v3, v2;
	v4 =	vadd.s32 v1, v4;
	_ =	sdelay $0x1  }
0x309: {  	v3 =	vadd.s32 v1, v3;
	_ =	sdelay $0x2  }
0x30a: {  	[tilespmem:s11], [sflag:$0x1] =	stream.indirect_vreg.gather [hbm4b:s4+s5], $0x80, v4, vm0, $0xb8;
	[tilespmem:$0x19800] =	vst v63  }
0x30b: {  	_ = 	snop  }
0x30c: {  	[tilespmem:s19], [sflag:$0x1] =	stream.indirect_vreg.gather [hbm4b:s4+s5], $0x80, v3, vm0, $0xb8;
	[tilespmem:$0x19800] =	vst v63  }
0x30d: {  	v3 =	vld [tilespmem:$0x1310];
	_ =	sdelay $0x4  }
0x30e: {  	v9 =	vshll.u32 v3, $0x1  }
0x30f: {  	v3 =	vand.u32 $0x7, v3;
	v4 =	vand.u32 $0xFFFFFFF0, v9  }
0x310: {  	v3 =	vor.u32 v3, v4  }
0x311: {  	v4 =	vperm.xlane v3, v0;
	_ =	sdelay $0x1  }
0x312: {  	v3 =	vperm.xlane v3, v2;
	v4 =	vadd.s32 v1, v4;
	_ =	sdelay $0x1  }
0x313: {  	v3 =	vadd.s32 v1, v3;
	_ =	sdelay $0x1  }
0x314: {  	s20 =	simm.s32 $0x16800  }
0x315: {  	[tilespmem:s20], [sflag:$0x1] =	stream.indirect_vreg.gather [hbm4b:s4+s5], $0x80, v4, vm0, $0xb8;
	[tilespmem:$0x19800] =	vst v63  }
0x316: {  	_ = 	snop  }
0x317: {  	[tilespmem:s22], [sflag:$0x1] =	stream.indirect_vreg.gather [hbm4b:s4+s5], $0x80, v3, vm0, $0xb8;
	[tilespmem:$0x19800] =	vst v63  }
0x318: {  	_ =	swait.ge [sflag:s3], $0x8000  }
0x319: {  	[sflag:s3] =	ssyncset.done $0x0  }
0x31a: {  	[sflag:s3] =	ssyncadd.s32 $0xFFFF8000  }
0x31b: {  	_ =	swait.ge [sflag:s3], $0x2000  }
0x31c: {  	[sflag:s3] =	ssyncset.done $0x0  }
0x31d: {  	[sflag:s3] =	ssyncadd.s32 $0xFFFFE000  }
0x31e: {  	_ =	swait.ge [sflag:s3], $0x2000  }
0x31f: {  	[sflag:s3] =	ssyncset.done $0x0  }
0x320: {  	s18 =	simm.s32 $0x9800;
	s10 =	rddreg [dreg:$0x17];
	[sflag:s3] =	ssyncadd.s32 $0xFFFFE000  }
0x321: {  	[hbm4b:s10+s24] =	stream.strided.scatter [tilespmem:s18], [sflag:$0x4], $0x8000, s16, s24, $0x38;
	[tilespmem:$0x19800] =	vst v63  }
0x322: {  	s22 =	simm.s32 $0x13800;
	s14 =	rddreg [dreg:$0x18]  }
0x323: {  	[hbm4b:s14+s12] =	stream.strided.scatter [tilespmem:s22], [sflag:$0x4], $0x2000, s16, s12, $0x38;
	[tilespmem:$0x19800] =	vst v63  }
0x324: {  	s17 =	simm.s32 $0x17800;
	s19 =	rddreg [dreg:$0x19]  }
0x325: {  	[hbm4b:s19+s12] =	stream.strided.scatter [tilespmem:s17], [sflag:$0x4], $0x2000, s16, s12, $0x38;
	[tilespmem:$0x19800] =	vst v63  }
0x326: {  	_ =	swait.ge [sflag:s0], $0x8000  }
0x327: {  	[sflag:s0] =	ssyncset.done $0x0  }
0x328: {  	[sflag:s0] =	ssyncadd.s32 $0xFFFF8000  }
0x329: {  	_ =	swait.ge [sflag:s0], $0x2000  }
0x32a: {  	[sflag:s0] =	ssyncset.done $0x0  }
0x32b: {  	[sflag:s0] =	ssyncadd.s32 $0xFFFFE000  }
0x32c: {  	_ =	swait.ge [sflag:s0], $0x2000  }
0x32d: {  	[sflag:s0] =	ssyncset.done $0x0  }
0x32e: {  	[sflag:s0] =	ssyncadd.s32 $0xFFFFE000  }
0x32f: {  	v3 =	vld [tilespmem:$0x380];
	_ =	sdelay $0x4  }
0x330: {  	v10 =	vshll.u32 v3, $0x3  }
0x331: {  	v3 =	vand.u32 $0x7, v3;
	v4 =	vand.u32 $0xFFFFFFC0, v10  }
0x332: {  	v3 =	vor.u32 v3, v4  }
0x333: {  	v4 =	vperm.xlane v3, v0;
	_ =	sdelay $0x1  }
0x334: {  	v4 =	vadd.s32 v1, v4;
	_ =	sdelay $0x4  }
0x335: {  	[tilespmem:s18], [sflag:$0x2] =	stream.indirect_vreg.gather [hbm4b:s1+s5], $0x80, v4, vm0, $0xb8;
	[tilespmem:$0x19800] =	vst v63  }
0x336: {  	s20 =	simm.s32 $0xA000;
	v3 =	vperm.xlane v3, v2  }
0x337: {  	[tilespmem:s20], [sflag:$0x2] =	stream.indirect_vreg.gather [hbm4b:s7+s5], $0x80, v4, vm0, $0xb8;
	[tilespmem:$0x19800] =	vst v63  }
0x338: {  	v3 =	vadd.s32 v1, v3  }
0x339: {  	[tilespmem:s23], [sflag:$0x2] =	stream.indirect_vreg.gather [hbm4b:s8+s5], $0x80, v4, vm0, $0xb8;
	[tilespmem:$0x19800] =	vst v63  }
0x33a: {  	_ = 	snop  }
0x33b: {  	[tilespmem:s25], [sflag:$0x2] =	stream.indirect_vreg.gather [hbm4b:s9+s5], $0x80, v4, vm0, $0xb8;
	[tilespmem:$0x19800] =	vst v63  }
0x33c: {  	_ = 	snop  }
0x33d: {  	[tilespmem:s26], [sflag:$0x2] =	stream.indirect_vreg.gather [hbm4b:s1+s5], $0x80, v3, vm0, $0xb8;
	[tilespmem:$0x19800] =	vst v63  }
0x33e: {  	_ = 	snop  }
0x33f: {  	[tilespmem:s28], [sflag:$0x2] =	stream.indirect_vreg.gather [hbm4b:s7+s5], $0x80, v3, vm0, $0xb8;
	[tilespmem:$0x19800] =	vst v63  }
0x340: {  	s26 =	simm.s32 $0xC800  }
0x341: {  	[tilespmem:s26], [sflag:$0x2] =	stream.indirect_vreg.gather [hbm4b:s8+s5], $0x80, v3, vm0, $0xb8;
	[tilespmem:$0x19800] =	vst v63  }
0x342: {  	s20 =	simm.s32 $0xD000  }
0x343: {  	[tilespmem:s20], [sflag:$0x2] =	stream.indirect_vreg.gather [hbm4b:s9+s5], $0x80, v3, vm0, $0xb8;
	[tilespmem:$0x19800] =	vst v63  }
0x344: {  	v3 =	vld [tilespmem:$0x390];
	_ =	sdelay $0x4  }
0x345: {  	v11 =	vshll.u32 v3, $0x3  }
0x346: {  	v3 =	vand.u32 $0x7, v3;
	v4 =	vand.u32 $0xFFFFFFC0, v11  }
0x347: {  	v3 =	vor.u32 v3, v4  }
0x348: {  	v4 =	vperm.xlane v3, v0;
	_ =	sdelay $0x1  }
0x349: {  	v4 =	vadd.s32 v1, v4;
	_ =	sdelay $0x3  }
0x34a: {  	s28 =	simm.s32 $0xD800  }
0x34b: {  	[tilespmem:s28], [sflag:$0x2] =	stream.indirect_vreg.gather [hbm4b:s1+s5], $0x80, v4, vm0, $0xb8;
	[tilespmem:$0x19800] =	vst v63  }
0x34c: {  	s14 =	simm.s32 $0xE000;
	v3 =	vperm.xlane v3, v2  }
0x34d: {  	[tilespmem:s14], [sflag:$0x2] =	stream.indirect_vreg.gather [hbm4b:s7+s5], $0x80, v4, vm0, $0xb8;
	[tilespmem:$0x19800] =	vst v63  }
0x34e: {  	s15 =	simm.s32 $0xE800;
	v3 =	vadd.s32 v1, v3  }
0x34f: {  	[tilespmem:s15], [sflag:$0x2] =	stream.indirect_vreg.gather [hbm4b:s8+s5], $0x80, v4, vm0, $0xb8;
	[tilespmem:$0x19800] =	vst v63  }
0x350: {  	s18 =	simm.s32 $0xF000  }
0x351: {  	[tilespmem:s18], [sflag:$0x2] =	stream.indirect_vreg.gather [hbm4b:s9+s5], $0x80, v4, vm0, $0xb8;
	[tilespmem:$0x19800] =	vst v63  }
0x352: {  	_ = 	snop  }
0x353: {  	[tilespmem:s21], [sflag:$0x2] =	stream.indirect_vreg.gather [hbm4b:s1+s5], $0x80, v3, vm0, $0xb8;
	[tilespmem:$0x19800] =	vst v63  }
0x354: {  	s14 =	simm.s32 $0x10000  }
0x355: {  	[tilespmem:s14], [sflag:$0x2] =	stream.indirect_vreg.gather [hbm4b:s7+s5], $0x80, v3, vm0, $0xb8;
	[tilespmem:$0x19800] =	vst v63  }
0x356: {  	s21 =	simm.s32 $0x10800  }
0x357: {  	[tilespmem:s21], [sflag:$0x2] =	stream.indirect_vreg.gather [hbm4b:s8+s5], $0x80, v3, vm0, $0xb8;
	[tilespmem:$0x19800] =	vst v63  }
0x358: {  	s19 =	simm.s32 $0x11000  }
0x359: {  	[tilespmem:s19], [sflag:$0x2] =	stream.indirect_vreg.gather [hbm4b:s9+s5], $0x80, v3, vm0, $0xb8;
	[tilespmem:$0x19800] =	vst v63  }
0x35a: {  	v3 =	vld [tilespmem:$0xB80];
	_ =	sdelay $0x4  }
0x35b: {  	v12 =	vshll.u32 v3, $0x1  }
0x35c: {  	v3 =	vand.u32 $0x7, v3;
	v4 =	vand.u32 $0xFFFFFFF0, v12  }
0x35d: {  	v3 =	vor.u32 v3, v4  }
0x35e: {  	v4 =	vperm.xlane v3, v0;
	_ =	sdelay $0x1  }
0x35f: {  	v3 =	vperm.xlane v3, v2;
	v4 =	vadd.s32 v1, v4;
	_ =	sdelay $0x1  }
0x360: {  	v3 =	vadd.s32 v1, v3;
	_ =	sdelay $0x2  }
0x361: {  	[tilespmem:s22], [sflag:$0x2] =	stream.indirect_vreg.gather [hbm4b:s2+s5], $0x80, v4, vm0, $0xb8;
	[tilespmem:$0x19800] =	vst v63  }
0x362: {  	_ = 	snop  }
0x363: {  	[tilespmem:s13], [sflag:$0x2] =	stream.indirect_vreg.gather [hbm4b:s2+s5], $0x80, v3, vm0, $0xb8;
	[tilespmem:$0x19800] =	vst v63  }
0x364: {  	v3 =	vld [tilespmem:$0xB90];
	_ =	sdelay $0x4  }
0x365: {  	v13 =	vshll.u32 v3, $0x1  }
0x366: {  	v3 =	vand.u32 $0x7, v3;
	v4 =	vand.u32 $0xFFFFFFF0, v13  }
0x367: {  	v3 =	vor.u32 v3, v4  }
0x368: {  	v4 =	vperm.xlane v3, v0;
	_ =	sdelay $0x1  }
0x369: {  	v3 =	vperm.xlane v3, v2;
	v4 =	vadd.s32 v1, v4;
	_ =	sdelay $0x1  }
0x36a: {  	v3 =	vadd.s32 v1, v3;
	_ =	sdelay $0x1  }
0x36b: {  	s22 =	simm.s32 $0x14800  }
0x36c: {  	[tilespmem:s22], [sflag:$0x2] =	stream.indirect_vreg.gather [hbm4b:s2+s5], $0x80, v4, vm0, $0xb8;
	[tilespmem:$0x19800] =	vst v63  }
0x36d: {  	s23 =	simm.s32 $0x15000  }
0x36e: {  	[tilespmem:s23], [sflag:$0x2] =	stream.indirect_vreg.gather [hbm4b:s2+s5], $0x80, v3, vm0, $0xb8;
	[tilespmem:$0x19800] =	vst v63  }
0x36f: {  	v3 =	vld [tilespmem:$0x1380];
	_ =	sdelay $0x4  }
0x370: {  	v14 =	vshll.u32 v3, $0x1  }
0x371: {  	v3 =	vand.u32 $0x7, v3;
	v4 =	vand.u32 $0xFFFFFFF0, v14  }
0x372: {  	v3 =	vor.u32 v3, v4  }
0x373: {  	v4 =	vperm.xlane v3, v0;
	_ =	sdelay $0x1  }
0x374: {  	v3 =	vperm.xlane v3, v2;
	v4 =	vadd.s32 v1, v4;
	_ =	sdelay $0x1  }
0x375: {  	v3 =	vadd.s32 v1, v3;
	_ =	sdelay $0x2  }
0x376: {  	[tilespmem:s17], [sflag:$0x2] =	stream.indirect_vreg.gather [hbm4b:s4+s5], $0x80, v4, vm0, $0xb8;
	[tilespmem:$0x19800] =	vst v63  }
0x377: {  	s25 =	simm.s32 $0x18000  }
0x378: {  	[tilespmem:s25], [sflag:$0x2] =	stream.indirect_vreg.gather [hbm4b:s4+s5], $0x80, v3, vm0, $0xb8;
	[tilespmem:$0x19800] =	vst v63  }
0x379: {  	v3 =	vld [tilespmem:$0x1390];
	_ =	sdelay $0x4  }
0x37a: {  	v15 =	vshll.u32 v3, $0x1  }
0x37b: {  	v3 =	vand.u32 $0x7, v3;
	v4 =	vand.u32 $0xFFFFFFF0, v15  }
0x37c: {  	v3 =	vor.u32 v3, v4  }
0x37d: {  	v4 =	vperm.xlane v3, v0;
	_ =	sdelay $0x1  }
0x37e: {  	v3 =	vperm.xlane v3, v2;
	v4 =	vadd.s32 v1, v4;
	_ =	sdelay $0x1  }
0x37f: {  	v3 =	vadd.s32 v1, v3;
	_ =	sdelay $0x2  }
0x380: {  	[tilespmem:s6], [sflag:$0x2] =	stream.indirect_vreg.gather [hbm4b:s4+s5], $0x80, v4, vm0, $0xb8;
	[tilespmem:$0x19800] =	vst v63  }
0x381: {  	s26 =	simm.s32 $0x19000  }
0x382: {  	[tilespmem:s26], [sflag:$0x2] =	stream.indirect_vreg.gather [hbm4b:s4+s5], $0x80, v3, vm0, $0xb8;
	[tilespmem:$0x19800] =	vst v63  }
0x383: {  	_ =	swait.ge [sflag:s29], $0x8000  }
0x384: {  	[sflag:s29] =	ssyncset.done $0x0  }
0x385: {  	[sflag:s29] =	ssyncadd.s32 $0xFFFF8000  }
0x386: {  	_ =	swait.ge [sflag:s29], $0x2000  }
0x387: {  	[sflag:s29] =	ssyncset.done $0x0  }
0x388: {  	[sflag:s29] =	ssyncadd.s32 $0xFFFFE000  }
0x389: {  	_ =	swait.ge [sflag:s29], $0x2000  }
0x38a: {  	[sflag:s29] =	ssyncset.done $0x0  }
0x38b: {  	s18 =	simm.s32 $0x1800;
	s28 =	rddreg [dreg:$0x1a];
	[sflag:s29] =	ssyncadd.s32 $0xFFFFE000  }
0x38c: {  	[hbm4b:s28+s24] =	stream.strided.scatter [tilespmem:s18], [sflag:$0x3], $0x8000, s16, s24, $0x38;
	[tilespmem:$0x19800] =	vst v63  }
0x38d: {  	s13 =	simm.s32 $0x11800;
	s6 =	rddreg [dreg:$0x1b]  }
0x38e: {  	[hbm4b:s6+s12] =	stream.strided.scatter [tilespmem:s13], [sflag:$0x3], $0x2000, s16, s12, $0x38;
	[tilespmem:$0x19800] =	vst v63  }
0x38f: {  	s11 =	simm.s32 $0x15800;
	s19 =	rddreg [dreg:$0x1c]  }
0x390: {  	[hbm4b:s19+s12] =	stream.strided.scatter [tilespmem:s11], [sflag:$0x3], $0x2000, s16, s12, $0x38;
	[tilespmem:$0x19800] =	vst v63  }
0x391: {  	_ =	swait.ge [sflag:s31], $0x8000  }
0x392: {  	[sflag:s31] =	ssyncset.done $0x0  }
0x393: {  	[sflag:s31] =	ssyncadd.s32 $0xFFFF8000  }
0x394: {  	_ =	swait.ge [sflag:s31], $0x2000  }
0x395: {  	[sflag:s31] =	ssyncset.done $0x0  }
0x396: {  	[sflag:s31] =	ssyncadd.s32 $0xFFFFE000  }
0x397: {  	_ =	swait.ge [sflag:s31], $0x2000  }
0x398: {  	[sflag:s31] =	ssyncset.done $0x0  }
0x399: {  	[sflag:s31] =	ssyncadd.s32 $0xFFFFE000  }
0x39a: {  	v3 =	vld [tilespmem:$0x400];
	_ =	sdelay $0x4  }
0x39b: {  	v16 =	vshll.u32 v3, $0x3  }
0x39c: {  	v3 =	vand.u32 $0x7, v3;
	v4 =	vand.u32 $0xFFFFFFC0, v16  }
0x39d: {  	v3 =	vor.u32 v3, v4  }
0x39e: {  	v4 =	vperm.xlane v3, v0;
	_ =	sdelay $0x1  }
0x39f: {  	v4 =	vadd.s32 v1, v4;
	_ =	sdelay $0x4  }
0x3a0: {  	[tilespmem:s18], [sflag:$0x1] =	stream.indirect_vreg.gather [hbm4b:s1+s5], $0x80, v4, vm0, $0xb8;
	[tilespmem:$0x19800] =	vst v63  }
0x3a1: {  	v3 =	vperm.xlane v3, v2  }
0x3a2: {  	[tilespmem:s24], [sflag:$0x1] =	stream.indirect_vreg.gather [hbm4b:s7+s5], $0x80, v4, vm0, $0xb8;
	[tilespmem:$0x19800] =	vst v63  }
0x3a3: {  	s22 =	simm.s32 $0x2800;
	v3 =	vadd.s32 v1, v3  }
0x3a4: {  	[tilespmem:s22], [sflag:$0x1] =	stream.indirect_vreg.gather [hbm4b:s8+s5], $0x80, v4, vm0, $0xb8;
	[tilespmem:$0x19800] =	vst v63  }
0x3a5: {  	_ = 	snop  }
0x3a6: {  	[tilespmem:s16], [sflag:$0x1] =	stream.indirect_vreg.gather [hbm4b:s9+s5], $0x80, v4, vm0, $0xb8;
	[tilespmem:$0x19800] =	vst v63  }
0x3a7: {  	s28 =	simm.s32 $0x3800  }
0x3a8: {  	[tilespmem:s28], [sflag:$0x1] =	stream.indirect_vreg.gather [hbm4b:s1+s5], $0x80, v3, vm0, $0xb8;
	[tilespmem:$0x19800] =	vst v63  }
0x3a9: {  	s23 =	simm.s32 $0x4000  }
0x3aa: {  	[tilespmem:s23], [sflag:$0x1] =	stream.indirect_vreg.gather [hbm4b:s7+s5], $0x80, v3, vm0, $0xb8;
	[tilespmem:$0x19800] =	vst v63  }
0x3ab: {  	s25 =	simm.s32 $0x4800  }
0x3ac: {  	[tilespmem:s25], [sflag:$0x1] =	stream.indirect_vreg.gather [hbm4b:s8+s5], $0x80, v3, vm0, $0xb8;
	[tilespmem:$0x19800] =	vst v63  }
0x3ad: {  	s26 =	simm.s32 $0x5000  }
0x3ae: {  	[tilespmem:s26], [sflag:$0x1] =	stream.indirect_vreg.gather [hbm4b:s9+s5], $0x80, v3, vm0, $0xb8;
	[tilespmem:$0x19800] =	vst v63  }
0x3af: {  	v3 =	vld [tilespmem:$0x410];
	_ =	sdelay $0x4  }
0x3b0: {  	v17 =	vshll.u32 v3, $0x3  }
0x3b1: {  	v3 =	vand.u32 $0x7, v3;
	v4 =	vand.u32 $0xFFFFFFC0, v17  }
0x3b2: {  	v3 =	vor.u32 v3, v4  }
0x3b3: {  	v4 =	vperm.xlane v3, v0;
	_ =	sdelay $0x1  }
0x3b4: {  	v4 =	vadd.s32 v1, v4;
	_ =	sdelay $0x3  }
0x3b5: {  	s15 =	simm.s32 $0x5800  }
0x3b6: {  	[tilespmem:s15], [sflag:$0x1] =	stream.indirect_vreg.gather [hbm4b:s1+s5], $0x80, v4, vm0, $0xb8;
	[tilespmem:$0x19800] =	vst v63  }
0x3b7: {  	s17 =	simm.s32 $0x6000;
	v3 =	vperm.xlane v3, v2  }
0x3b8: {  	[tilespmem:s17], [sflag:$0x1] =	stream.indirect_vreg.gather [hbm4b:s7+s5], $0x80, v4, vm0, $0xb8;
	[tilespmem:$0x19800] =	vst v63  }
0x3b9: {  	s19 =	simm.s32 $0x6800;
	v3 =	vadd.s32 v1, v3  }
0x3ba: {  	[tilespmem:s19], [sflag:$0x1] =	stream.indirect_vreg.gather [hbm4b:s8+s5], $0x80, v4, vm0, $0xb8;
	[tilespmem:$0x19800] =	vst v63  }
0x3bb: {  	s22 =	simm.s32 $0x7000  }
0x3bc: {  	[tilespmem:s22], [sflag:$0x1] =	stream.indirect_vreg.gather [hbm4b:s9+s5], $0x80, v4, vm0, $0xb8;
	[tilespmem:$0x19800] =	vst v63  }
0x3bd: {  	s23 =	simm.s32 $0x7800  }
0x3be: {  	[tilespmem:s23], [sflag:$0x1] =	stream.indirect_vreg.gather [hbm4b:s1+s5], $0x80, v3, vm0, $0xb8;
	[tilespmem:$0x19800] =	vst v63  }
0x3bf: {  	s25 =	simm.s32 $0x8000  }
0x3c0: {  	[tilespmem:s25], [sflag:$0x1] =	stream.indirect_vreg.gather [hbm4b:s7+s5], $0x80, v3, vm0, $0xb8;
	[tilespmem:$0x19800] =	vst v63  }
0x3c1: {  	s26 =	simm.s32 $0x8800  }
0x3c2: {  	[tilespmem:s26], [sflag:$0x1] =	stream.indirect_vreg.gather [hbm4b:s8+s5], $0x80, v3, vm0, $0xb8;
	[tilespmem:$0x19800] =	vst v63  }
0x3c3: {  	s18 =	simm.s32 $0x9000  }
0x3c4: {  	[tilespmem:s18], [sflag:$0x1] =	stream.indirect_vreg.gather [hbm4b:s9+s5], $0x80, v3, vm0, $0xb8;
	[tilespmem:$0x19800] =	vst v63  }
0x3c5: {  	v3 =	vld [tilespmem:$0xC00];
	_ =	sdelay $0x4  }
0x3c6: {  	v18 =	vshll.u32 v3, $0x1  }
0x3c7: {  	v3 =	vand.u32 $0x7, v3;
	v4 =	vand.u32 $0xFFFFFFF0, v18  }
0x3c8: {  	v3 =	vor.u32 v3, v4  }
0x3c9: {  	v4 =	vperm.xlane v3, v0;
	_ =	sdelay $0x1  }
0x3ca: {  	v3 =	vperm.xlane v3, v2;
	v4 =	vadd.s32 v1, v4;
	_ =	sdelay $0x1  }
0x3cb: {  	v3 =	vadd.s32 v1, v3;
	_ =	sdelay $0x2  }
0x3cc: {  	[tilespmem:s13], [sflag:$0x1] =	stream.indirect_vreg.gather [hbm4b:s2+s5], $0x80, v4, vm0, $0xb8;
	[tilespmem:$0x19800] =	vst v63  }
0x3cd: {  	s15 =	simm.s32 $0x12000  }
0x3ce: {  	[tilespmem:s15], [sflag:$0x1] =	stream.indirect_vreg.gather [hbm4b:s2+s5], $0x80, v3, vm0, $0xb8;
	[tilespmem:$0x19800] =	vst v63  }
0x3cf: {  	v3 =	vld [tilespmem:$0xC10];
	_ =	sdelay $0x4  }
0x3d0: {  	v19 =	vshll.u32 v3, $0x1  }
0x3d1: {  	v3 =	vand.u32 $0x7, v3;
	v4 =	vand.u32 $0xFFFFFFF0, v19  }
0x3d2: {  	v3 =	vor.u32 v3, v4  }
0x3d3: {  	v4 =	vperm.xlane v3, v0;
	_ =	sdelay $0x1  }
0x3d4: {  	v3 =	vperm.xlane v3, v2;
	v4 =	vadd.s32 v1, v4;
	_ =	sdelay $0x1  }
0x3d5: {  	v3 =	vadd.s32 v1, v3;
	_ =	sdelay $0x2  }
0x3d6: {  	[tilespmem:s30], [sflag:$0x1] =	stream.indirect_vreg.gather [hbm4b:s2+s5], $0x80, v4, vm0, $0xb8;
	[tilespmem:$0x19800] =	vst v63  }
0x3d7: {  	s18 =	simm.s32 $0x13000  }
0x3d8: {  	[tilespmem:s18], [sflag:$0x1] =	stream.indirect_vreg.gather [hbm4b:s2+s5], $0x80, v3, vm0, $0xb8;
	[tilespmem:$0x19800] =	vst v63  }
0x3d9: {  	v3 =	vld [tilespmem:$0x1400];
	_ =	sdelay $0x4  }
0x3da: {  	v20 =	vshll.u32 v3, $0x1  }
0x3db: {  	v3 =	vand.u32 $0x7, v3;
	v4 =	vand.u32 $0xFFFFFFF0, v20  }
0x3dc: {  	v3 =	vor.u32 v3, v4  }
0x3dd: {  	v4 =	vperm.xlane v3, v0;
	_ =	sdelay $0x1  }
0x3de: {  	v3 =	vperm.xlane v3, v2;
	v4 =	vadd.s32 v1, v4;
	_ =	sdelay $0x1  }
0x3df: {  	v3 =	vadd.s32 v1, v3;
	_ =	sdelay $0x2  }
0x3e0: {  	[tilespmem:s11], [sflag:$0x1] =	stream.indirect_vreg.gather [hbm4b:s4+s5], $0x80, v4, vm0, $0xb8;
	[tilespmem:$0x19800] =	vst v63  }
0x3e1: {  	s30 =	simm.s32 $0x16000  }
0x3e2: {  	[tilespmem:s30], [sflag:$0x1] =	stream.indirect_vreg.gather [hbm4b:s4+s5], $0x80, v3, vm0, $0xb8;
	[tilespmem:$0x19800] =	vst v63  }
0x3e3: {  	v3 =	vld [tilespmem:$0x1410];
	_ =	sdelay $0x4  }
0x3e4: {  	v21 =	vshll.u32 v3, $0x1  }
0x3e5: {  	v3 =	vand.u32 $0x7, v3;
	v4 =	vand.u32 $0xFFFFFFF0, v21  }
0x3e6: {  	v3 =	vor.u32 v3, v4  }
0x3e7: {  	v4 =	vperm.xlane v3, v0;
	_ =	sdelay $0x1  }
0x3e8: {  	v3 =	vperm.xlane v3, v2;
	v4 =	vadd.s32 v1, v4;
	_ =	sdelay $0x1  }
0x3e9: {  	v3 =	vadd.s32 v1, v3;
	_ =	sdelay $0x1  }
0x3ea: {  	s17 =	simm.s32 $0x16800  }
0x3eb: {  	[tilespmem:s17], [sflag:$0x1] =	stream.indirect_vreg.gather [hbm4b:s4+s5], $0x80, v4, vm0, $0xb8;
	[tilespmem:$0x19800] =	vst v63  }
0x3ec: {  	s11 =	simm.s32 $0x17000  }
0x3ed: {  	[tilespmem:s11], [sflag:$0x1] =	stream.indirect_vreg.gather [hbm4b:s4+s5], $0x80, v3, vm0, $0xb8;
	[tilespmem:$0x19800] =	vst v63  }
0x3ee: {  	_ =	swait.ge [sflag:s3], $0x8000  }
0x3ef: {  	[sflag:s3] =	ssyncset.done $0x0  }
0x3f0: {  	[sflag:s3] =	ssyncadd.s32 $0xFFFF8000  }
0x3f1: {  	_ =	swait.ge [sflag:s3], $0x2000  }
0x3f2: {  	[sflag:s3] =	ssyncset.done $0x0  }
0x3f3: {  	[sflag:s3] =	ssyncadd.s32 $0xFFFFE000  }
0x3f4: {  	_ =	swait.ge [sflag:s3], $0x2000  }
0x3f5: {  	[sflag:s3] =	ssyncset.done $0x0  }
0x3f6: {  	s6 =	simm.s32 $0x9800;
	s13 =	rddreg [dreg:$0x1d];
	[sflag:s3] =	ssyncadd.s32 $0xFFFFE000  }
0x3f7: {  	[hbm4b:s13+s24] =	stream.strided.scatter [tilespmem:s6], [sflag:$0x4], $0x8000, s16, s24, $0x38;
	[tilespmem:$0x19800] =	vst v63  }
0x3f8: {  	s17 =	rddreg [dreg:$0x1e];
	s13 =	simm.s32 $0x13800  }
0x3f9: {  	[hbm4b:s17+s12] =	stream.strided.scatter [tilespmem:s13], [sflag:$0x4], $0x2000, s16, s12, $0x38;
	[tilespmem:$0x19800] =	vst v63  }
0x3fa: {  	s10 =	simm.s32 $0x17800;
	s11 =	rddreg [dreg:$0x1f]  }
0x3fb: {  	[hbm4b:s11+s12] =	stream.strided.scatter [tilespmem:s10], [sflag:$0x4], $0x2000, s16, s12, $0x38;
	[tilespmem:$0x19800] =	vst v63  }
0x3fc: {  	_ =	swait.ge [sflag:s0], $0x8000  }
0x3fd: {  	[sflag:s0] =	ssyncset.done $0x0  }
0x3fe: {  	[sflag:s0] =	ssyncadd.s32 $0xFFFF8000  }
0x3ff: {  	_ =	swait.ge [sflag:s0], $0x2000  }
0x400: {  	[sflag:s0] =	ssyncset.done $0x0  }
0x401: {  	[sflag:s0] =	ssyncadd.s32 $0xFFFFE000  }
0x402: {  	_ =	swait.ge [sflag:s0], $0x2000  }
0x403: {  	[sflag:s0] =	ssyncset.done $0x0  }
0x404: {  	[sflag:s0] =	ssyncadd.s32 $0xFFFFE000  }
0x405: {  	v3 =	vld [tilespmem:$0x480];
	_ =	sdelay $0x4  }
0x406: {  	v22 =	vshll.u32 v3, $0x3  }
0x407: {  	v3 =	vand.u32 $0x7, v3;
	v4 =	vand.u32 $0xFFFFFFC0, v22  }
0x408: {  	v3 =	vor.u32 v3, v4  }
0x409: {  	v4 =	vperm.xlane v3, v0;
	_ =	sdelay $0x1  }
0x40a: {  	v4 =	vadd.s32 v1, v4;
	_ =	sdelay $0x4  }
0x40b: {  	[tilespmem:s6], [sflag:$0x2] =	stream.indirect_vreg.gather [hbm4b:s1+s5], $0x80, v4, vm0, $0xb8;
	[tilespmem:$0x19800] =	vst v63  }
0x40c: {  	s11 =	simm.s32 $0xA000;
	v3 =	vperm.xlane v3, v2  }
0x40d: {  	[tilespmem:s11], [sflag:$0x2] =	stream.indirect_vreg.gather [hbm4b:s7+s5], $0x80, v4, vm0, $0xb8;
	[tilespmem:$0x19800] =	vst v63  }
0x40e: {  	s15 =	simm.s32 $0xA800;
	v3 =	vadd.s32 v1, v3  }
0x40f: {  	[tilespmem:s15], [sflag:$0x2] =	stream.indirect_vreg.gather [hbm4b:s8+s5], $0x80, v4, vm0, $0xb8;
	[tilespmem:$0x19800] =	vst v63  }
0x410: {  	s17 =	simm.s32 $0xB000  }
0x411: {  	[tilespmem:s17], [sflag:$0x2] =	stream.indirect_vreg.gather [hbm4b:s9+s5], $0x80, v4, vm0, $0xb8;
	[tilespmem:$0x19800] =	vst v63  }
0x412: {  	s11 =	simm.s32 $0xB800  }
0x413: {  	[tilespmem:s11], [sflag:$0x2] =	stream.indirect_vreg.gather [hbm4b:s1+s5], $0x80, v3, vm0, $0xb8;
	[tilespmem:$0x19800] =	vst v63  }
0x414: {  	s15 =	simm.s32 $0xC000  }
0x415: {  	[tilespmem:s15], [sflag:$0x2] =	stream.indirect_vreg.gather [hbm4b:s7+s5], $0x80, v3, vm0, $0xb8;
	[tilespmem:$0x19800] =	vst v63  }
0x416: {  	s17 =	simm.s32 $0xC800  }
0x417: {  	[tilespmem:s17], [sflag:$0x2] =	stream.indirect_vreg.gather [hbm4b:s8+s5], $0x80, v3, vm0, $0xb8;
	[tilespmem:$0x19800] =	vst v63  }
0x418: {  	_ = 	snop  }
0x419: {  	[tilespmem:s20], [sflag:$0x2] =	stream.indirect_vreg.gather [hbm4b:s9+s5], $0x80, v3, vm0, $0xb8;
	[tilespmem:$0x19800] =	vst v63  }
0x41a: {  	v3 =	vld [tilespmem:$0x490];
	_ =	sdelay $0x4  }
0x41b: {  	v23 =	vshll.u32 v3, $0x3  }
0x41c: {  	v3 =	vand.u32 $0x7, v3;
	v4 =	vand.u32 $0xFFFFFFC0, v23  }
0x41d: {  	v3 =	vor.u32 v3, v4  }
0x41e: {  	v4 =	vperm.xlane v3, v0;
	_ =	sdelay $0x1  }
0x41f: {  	v4 =	vadd.s32 v1, v4;
	_ =	sdelay $0x3  }
0x420: {  	s20 =	simm.s32 $0xD800  }
0x421: {  	[tilespmem:s20], [sflag:$0x2] =	stream.indirect_vreg.gather [hbm4b:s1+s5], $0x80, v4, vm0, $0xb8;
	[tilespmem:$0x19800] =	vst v63  }
0x422: {  	s11 =	simm.s32 $0xE000;
	v3 =	vperm.xlane v3, v2  }
0x423: {  	[tilespmem:s11], [sflag:$0x2] =	stream.indirect_vreg.gather [hbm4b:s7+s5], $0x80, v4, vm0, $0xb8;
	[tilespmem:$0x19800] =	vst v63  }
0x424: {  	s15 =	simm.s32 $0xE800;
	v3 =	vadd.s32 v1, v3  }
0x425: {  	[tilespmem:s15], [sflag:$0x2] =	stream.indirect_vreg.gather [hbm4b:s8+s5], $0x80, v4, vm0, $0xb8;
	[tilespmem:$0x19800] =	vst v63  }
0x426: {  	s17 =	simm.s32 $0xF000  }
0x427: {  	[tilespmem:s17], [sflag:$0x2] =	stream.indirect_vreg.gather [hbm4b:s9+s5], $0x80, v4, vm0, $0xb8;
	[tilespmem:$0x19800] =	vst v63  }
0x428: {  	s20 =	simm.s32 $0xF800  }
0x429: {  	[tilespmem:s20], [sflag:$0x2] =	stream.indirect_vreg.gather [hbm4b:s1+s5], $0x80, v3, vm0, $0xb8;
	[tilespmem:$0x19800] =	vst v63  }
0x42a: {  	_ = 	snop  }
0x42b: {  	[tilespmem:s14], [sflag:$0x2] =	stream.indirect_vreg.gather [hbm4b:s7+s5], $0x80, v3, vm0, $0xb8;
	[tilespmem:$0x19800] =	vst v63  }
0x42c: {  	_ = 	snop  }
0x42d: {  	[tilespmem:s21], [sflag:$0x2] =	stream.indirect_vreg.gather [hbm4b:s8+s5], $0x80, v3, vm0, $0xb8;
	[tilespmem:$0x19800] =	vst v63  }
0x42e: {  	s11 =	simm.s32 $0x11000  }
0x42f: {  	[tilespmem:s11], [sflag:$0x2] =	stream.indirect_vreg.gather [hbm4b:s9+s5], $0x80, v3, vm0, $0xb8;
	[tilespmem:$0x19800] =	vst v63  }
0x430: {  	v3 =	vld [tilespmem:$0xC80];
	_ =	sdelay $0x4  }
0x431: {  	v24 =	vshll.u32 v3, $0x1  }
0x432: {  	v3 =	vand.u32 $0x7, v3;
	v4 =	vand.u32 $0xFFFFFFF0, v24  }
0x433: {  	v3 =	vor.u32 v3, v4  }
0x434: {  	v4 =	vperm.xlane v3, v0;
	_ =	sdelay $0x1  }
0x435: {  	v3 =	vperm.xlane v3, v2;
	v4 =	vadd.s32 v1, v4;
	_ =	sdelay $0x1  }
0x436: {  	v3 =	vadd.s32 v1, v3;
	_ =	sdelay $0x2  }
0x437: {  	[tilespmem:s13], [sflag:$0x2] =	stream.indirect_vreg.gather [hbm4b:s2+s5], $0x80, v4, vm0, $0xb8;
	[tilespmem:$0x19800] =	vst v63  }
0x438: {  	s13 =	simm.s32 $0x14000  }
0x439: {  	[tilespmem:s13], [sflag:$0x2] =	stream.indirect_vreg.gather [hbm4b:s2+s5], $0x80, v3, vm0, $0xb8;
	[tilespmem:$0x19800] =	vst v63  }
0x43a: {  	v3 =	vld [tilespmem:$0xC90];
	_ =	sdelay $0x4  }
0x43b: {  	v25 =	vshll.u32 v3, $0x1  }
0x43c: {  	v3 =	vand.u32 $0x7, v3;
	v4 =	vand.u32 $0xFFFFFFF0, v25  }
0x43d: {  	v3 =	vor.u32 v3, v4  }
0x43e: {  	v4 =	vperm.xlane v3, v0;
	_ =	sdelay $0x1  }
0x43f: {  	v3 =	vperm.xlane v3, v2;
	v4 =	vadd.s32 v1, v4;
	_ =	sdelay $0x1  }
0x440: {  	v3 =	vadd.s32 v1, v3;
	_ =	sdelay $0x1  }
0x441: {  	s14 =	simm.s32 $0x14800  }
0x442: {  	[tilespmem:s14], [sflag:$0x2] =	stream.indirect_vreg.gather [hbm4b:s2+s5], $0x80, v4, vm0, $0xb8;
	[tilespmem:$0x19800] =	vst v63  }
0x443: {  	s15 =	simm.s32 $0x15000  }
0x444: {  	[tilespmem:s15], [sflag:$0x2] =	stream.indirect_vreg.gather [hbm4b:s2+s5], $0x80, v3, vm0, $0xb8;
	[tilespmem:$0x19800] =	vst v63  }
0x445: {  	v3 =	vld [tilespmem:$0x1480];
	_ =	sdelay $0x4  }
0x446: {  	v26 =	vshll.u32 v3, $0x1  }
0x447: {  	v3 =	vand.u32 $0x7, v3;
	v4 =	vand.u32 $0xFFFFFFF0, v26  }
0x448: {  	v3 =	vor.u32 v3, v4  }
0x449: {  	v4 =	vperm.xlane v3, v0;
	_ =	sdelay $0x1  }
0x44a: {  	v3 =	vperm.xlane v3, v2;
	v4 =	vadd.s32 v1, v4;
	_ =	sdelay $0x1  }
0x44b: {  	v3 =	vadd.s32 v1, v3;
	_ =	sdelay $0x2  }
0x44c: {  	[tilespmem:s10], [sflag:$0x2] =	stream.indirect_vreg.gather [hbm4b:s4+s5], $0x80, v4, vm0, $0xb8;
	[tilespmem:$0x19800] =	vst v63  }
0x44d: {  	s17 =	simm.s32 $0x18000  }
0x44e: {  	[tilespmem:s17], [sflag:$0x2] =	stream.indirect_vreg.gather [hbm4b:s4+s5], $0x80, v3, vm0, $0xb8;
	[tilespmem:$0x19800] =	vst v63  }
0x44f: {  	v3 =	vld [tilespmem:$0x1490];
	_ =	sdelay $0x4  }
0x450: {  	v27 =	vshll.u32 v3, $0x1  }
0x451: {  	v3 =	vand.u32 $0x7, v3;
	v4 =	vand.u32 $0xFFFFFFF0, v27  }
0x452: {  	v3 =	vor.u32 v3, v4  }
0x453: {  	v4 =	vperm.xlane v3, v0;
	_ =	sdelay $0x1  }
0x454: {  	v3 =	vperm.xlane v3, v2;
	v4 =	vadd.s32 v1, v4;
	_ =	sdelay $0x1  }
0x455: {  	v3 =	vadd.s32 v1, v3;
	_ =	sdelay $0x1  }
0x456: {  	s21 =	simm.s32 $0x18800  }
0x457: {  	[tilespmem:s21], [sflag:$0x2] =	stream.indirect_vreg.gather [hbm4b:s4+s5], $0x80, v4, vm0, $0xb8;
	[tilespmem:$0x19800] =	vst v63  }
0x458: {  	s20 =	simm.s32 $0x19000  }
0x459: {  	[tilespmem:s20], [sflag:$0x2] =	stream.indirect_vreg.gather [hbm4b:s4+s5], $0x80, v3, vm0, $0xb8;
	[tilespmem:$0x19800] =	vst v63  }
0x45a: {  	_ =	swait.ge [sflag:s29], $0x8000  }
0x45b: {  	[sflag:s29] =	ssyncset.done $0x0  }
0x45c: {  	[sflag:s29] =	ssyncadd.s32 $0xFFFF8000  }
0x45d: {  	_ =	swait.ge [sflag:s29], $0x2000  }
0x45e: {  	[sflag:s29] =	ssyncset.done $0x0  }
0x45f: {  	[sflag:s29] =	ssyncadd.s32 $0xFFFFE000  }
0x460: {  	_ =	swait.ge [sflag:s29], $0x2000  }
0x461: {  	s6 =	sld [smem:$0x7E4]  }
0x462: {  	[sflag:s29] =	ssyncset.done $0x0  }
0x463: {  	s11 =	simm.s32 $0x1800;
	s10 =	sld [smem:$0x7E5];
	[sflag:s29] =	ssyncadd.s32 $0xFFFFE000  }
0x464: {  	[hbm4b:s6+s24] =	stream.strided.scatter [tilespmem:s11], [sflag:$0x3], $0x8000, s16, s24, $0x38;
	[tilespmem:$0x19800] =	vst v63  }
0x465: {  	s20 =	simm.s32 $0x11800;
	s14 =	sld [smem:$0x7E6]  }
0x466: {  	[hbm4b:s10+s12] =	stream.strided.scatter [tilespmem:s20], [sflag:$0x3], $0x2000, s16, s12, $0x38;
	[tilespmem:$0x19800] =	vst v63  }
0x467: {  	s6 =	simm.s32 $0x15800  }
0x468: {  	[hbm4b:s14+s12] =	stream.strided.scatter [tilespmem:s6], [sflag:$0x3], $0x2000, s16, s12, $0x38;
	[tilespmem:$0x19800] =	vst v63  }
0x469: {  	_ =	swait.ge [sflag:s31], $0x8000  }
0x46a: {  	[sflag:s31] =	ssyncset.done $0x0  }
0x46b: {  	[sflag:s31] =	ssyncadd.s32 $0xFFFF8000  }
0x46c: {  	_ =	swait.ge [sflag:s31], $0x2000  }
0x46d: {  	[sflag:s31] =	ssyncset.done $0x0  }
0x46e: {  	[sflag:s31] =	ssyncadd.s32 $0xFFFFE000  }
0x46f: {  	_ =	swait.ge [sflag:s31], $0x2000  }
0x470: {  	[sflag:s31] =	ssyncset.done $0x0  }
0x471: {  	[sflag:s31] =	ssyncadd.s32 $0xFFFFE000  }
0x472: {  	v3 =	vld [tilespmem:$0x500];
	_ =	sdelay $0x4  }
0x473: {  	v28 =	vshll.u32 v3, $0x3  }
0x474: {  	v3 =	vand.u32 $0x7, v3;
	v4 =	vand.u32 $0xFFFFFFC0, v28  }
0x475: {  	v3 =	vor.u32 v3, v4  }
0x476: {  	v4 =	vperm.xlane v3, v0;
	_ =	sdelay $0x1  }
0x477: {  	v4 =	vadd.s32 v1, v4;
	_ =	sdelay $0x4  }
0x478: {  	[tilespmem:s11], [sflag:$0x1] =	stream.indirect_vreg.gather [hbm4b:s1+s5], $0x80, v4, vm0, $0xb8;
	[tilespmem:$0x19800] =	vst v63  }
0x479: {  	v3 =	vperm.xlane v3, v2  }
0x47a: {  	[tilespmem:s24], [sflag:$0x1] =	stream.indirect_vreg.gather [hbm4b:s7+s5], $0x80, v4, vm0, $0xb8;
	[tilespmem:$0x19800] =	vst v63  }
0x47b: {  	v3 =	vadd.s32 v1, v3;
	s11 =	simm.s32 $0x2800  }
0x47c: {  	[tilespmem:s11], [sflag:$0x1] =	stream.indirect_vreg.gather [hbm4b:s8+s5], $0x80, v4, vm0, $0xb8;
	[tilespmem:$0x19800] =	vst v63  }
0x47d: {  	_ = 	snop  }
0x47e: {  	[tilespmem:s16], [sflag:$0x1] =	stream.indirect_vreg.gather [hbm4b:s9+s5], $0x80, v4, vm0, $0xb8;
	[tilespmem:$0x19800] =	vst v63  }
0x47f: {  	_ = 	snop  }
0x480: {  	[tilespmem:s28], [sflag:$0x1] =	stream.indirect_vreg.gather [hbm4b:s1+s5], $0x80, v3, vm0, $0xb8;
	[tilespmem:$0x19800] =	vst v63  }
0x481: {  	s14 =	simm.s32 $0x4000  }
0x482: {  	[tilespmem:s14], [sflag:$0x1] =	stream.indirect_vreg.gather [hbm4b:s7+s5], $0x80, v3, vm0, $0xb8;
	[tilespmem:$0x19800] =	vst v63  }
0x483: {  	s15 =	simm.s32 $0x4800  }
0x484: {  	[tilespmem:s15], [sflag:$0x1] =	stream.indirect_vreg.gather [hbm4b:s8+s5], $0x80, v3, vm0, $0xb8;
	[tilespmem:$0x19800] =	vst v63  }
0x485: {  	s14 =	simm.s32 $0x5000  }
0x486: {  	[tilespmem:s14], [sflag:$0x1] =	stream.indirect_vreg.gather [hbm4b:s9+s5], $0x80, v3, vm0, $0xb8;
	[tilespmem:$0x19800] =	vst v63  }
0x487: {  	v3 =	vld [tilespmem:$0x510];
	_ =	sdelay $0x4  }
0x488: {  	v29 =	vshll.u32 v3, $0x3  }
0x489: {  	v3 =	vand.u32 $0x7, v3;
	v4 =	vand.u32 $0xFFFFFFC0, v29  }
0x48a: {  	v3 =	vor.u32 v3, v4  }
0x48b: {  	v4 =	vperm.xlane v3, v0;
	_ =	sdelay $0x1  }
0x48c: {  	v4 =	vadd.s32 v1, v4;
	_ =	sdelay $0x3  }
0x48d: {  	s28 =	simm.s32 $0x5800  }
0x48e: {  	[tilespmem:s28], [sflag:$0x1] =	stream.indirect_vreg.gather [hbm4b:s1+s5], $0x80, v4, vm0, $0xb8;
	[tilespmem:$0x19800] =	vst v63  }
0x48f: {  	s17 =	simm.s32 $0x6000;
	v3 =	vperm.xlane v3, v2  }
0x490: {  	[tilespmem:s17], [sflag:$0x1] =	stream.indirect_vreg.gather [hbm4b:s7+s5], $0x80, v4, vm0, $0xb8;
	[tilespmem:$0x19800] =	vst v63  }
0x491: {  	v3 =	vadd.s32 v1, v3  }
0x492: {  	[tilespmem:s19], [sflag:$0x1] =	stream.indirect_vreg.gather [hbm4b:s8+s5], $0x80, v4, vm0, $0xb8;
	[tilespmem:$0x19800] =	vst v63  }
0x493: {  	_ = 	snop  }
0x494: {  	[tilespmem:s22], [sflag:$0x1] =	stream.indirect_vreg.gather [hbm4b:s9+s5], $0x80, v4, vm0, $0xb8;
	[tilespmem:$0x19800] =	vst v63  }
0x495: {  	_ = 	snop  }
0x496: {  	[tilespmem:s23], [sflag:$0x1] =	stream.indirect_vreg.gather [hbm4b:s1+s5], $0x80, v3, vm0, $0xb8;
	[tilespmem:$0x19800] =	vst v63  }
0x497: {  	_ = 	snop  }
0x498: {  	[tilespmem:s25], [sflag:$0x1] =	stream.indirect_vreg.gather [hbm4b:s7+s5], $0x80, v3, vm0, $0xb8;
	[tilespmem:$0x19800] =	vst v63  }
0x499: {  	_ = 	snop  }
0x49a: {  	[tilespmem:s26], [sflag:$0x1] =	stream.indirect_vreg.gather [hbm4b:s8+s5], $0x80, v3, vm0, $0xb8;
	[tilespmem:$0x19800] =	vst v63  }
0x49b: {  	s11 =	simm.s32 $0x9000  }
0x49c: {  	[tilespmem:s11], [sflag:$0x1] =	stream.indirect_vreg.gather [hbm4b:s9+s5], $0x80, v3, vm0, $0xb8;
	[tilespmem:$0x19800] =	vst v63  }
0x49d: {  	v3 =	vld [tilespmem:$0xD00];
	_ =	sdelay $0x4  }
0x49e: {  	v30 =	vshll.u32 v3, $0x1  }
0x49f: {  	v3 =	vand.u32 $0x7, v3;
	v4 =	vand.u32 $0xFFFFFFF0, v30  }
0x4a0: {  	v3 =	vor.u32 v3, v4  }
0x4a1: {  	v4 =	vperm.xlane v3, v0;
	_ =	sdelay $0x1  }
0x4a2: {  	v3 =	vperm.xlane v3, v2;
	v4 =	vadd.s32 v1, v4;
	_ =	sdelay $0x1  }
0x4a3: {  	v3 =	vadd.s32 v1, v3;
	_ =	sdelay $0x2  }
0x4a4: {  	[tilespmem:s20], [sflag:$0x1] =	stream.indirect_vreg.gather [hbm4b:s2+s5], $0x80, v4, vm0, $0xb8;
	[tilespmem:$0x19800] =	vst v63  }
0x4a5: {  	s20 =	simm.s32 $0x12000  }
0x4a6: {  	[tilespmem:s20], [sflag:$0x1] =	stream.indirect_vreg.gather [hbm4b:s2+s5], $0x80, v3, vm0, $0xb8;
	[tilespmem:$0x19800] =	vst v63  }
0x4a7: {  	v3 =	vld [tilespmem:$0xD10];
	_ =	sdelay $0x4  }
0x4a8: {  	v31 =	vshll.u32 v3, $0x1  }
0x4a9: {  	v3 =	vand.u32 $0x7, v3;
	v4 =	vand.u32 $0xFFFFFFF0, v31  }
0x4aa: {  	v3 =	vor.u32 v3, v4  }
0x4ab: {  	v4 =	vperm.xlane v3, v0;
	_ =	sdelay $0x1  }
0x4ac: {  	v3 =	vperm.xlane v3, v2;
	v4 =	vadd.s32 v1, v4;
	_ =	sdelay $0x1  }
0x4ad: {  	v3 =	vadd.s32 v1, v3;
	_ =	sdelay $0x1  }
0x4ae: {  	s25 =	simm.s32 $0x12800  }
0x4af: {  	[tilespmem:s25], [sflag:$0x1] =	stream.indirect_vreg.gather [hbm4b:s2+s5], $0x80, v4, vm0, $0xb8;
	[tilespmem:$0x19800] =	vst v63  }
0x4b0: {  	_ = 	snop  }
0x4b1: {  	[tilespmem:s18], [sflag:$0x1] =	stream.indirect_vreg.gather [hbm4b:s2+s5], $0x80, v3, vm0, $0xb8;
	[tilespmem:$0x19800] =	vst v63  }
0x4b2: {  	v3 =	vld [tilespmem:$0x1500];
	_ =	sdelay $0x4  }
0x4b3: {  	v32 =	vshll.u32 v3, $0x1  }
0x4b4: {  	v3 =	vand.u32 $0x7, v3;
	v4 =	vand.u32 $0xFFFFFFF0, v32  }
0x4b5: {  	v3 =	vor.u32 v3, v4  }
0x4b6: {  	v4 =	vperm.xlane v3, v0;
	_ =	sdelay $0x1  }
0x4b7: {  	v3 =	vperm.xlane v3, v2;
	v4 =	vadd.s32 v1, v4;
	_ =	sdelay $0x1  }
0x4b8: {  	v3 =	vadd.s32 v1, v3;
	_ =	sdelay $0x2  }
0x4b9: {  	[tilespmem:s6], [sflag:$0x1] =	stream.indirect_vreg.gather [hbm4b:s4+s5], $0x80, v4, vm0, $0xb8;
	[tilespmem:$0x19800] =	vst v63  }
0x4ba: {  	_ = 	snop  }
0x4bb: {  	[tilespmem:s30], [sflag:$0x1] =	stream.indirect_vreg.gather [hbm4b:s4+s5], $0x80, v3, vm0, $0xb8;
	[tilespmem:$0x19800] =	vst v63  }
0x4bc: {  	v3 =	vld [tilespmem:$0x1510];
	_ =	sdelay $0x4  }
0x4bd: {  	v33 =	vshll.u32 v3, $0x1  }
0x4be: {  	v3 =	vand.u32 $0x7, v3;
	v4 =	vand.u32 $0xFFFFFFF0, v33  }
0x4bf: {  	v3 =	vor.u32 v3, v4  }
0x4c0: {  	v4 =	vperm.xlane v3, v0;
	_ =	sdelay $0x1  }
0x4c1: {  	v3 =	vperm.xlane v3, v2;
	v4 =	vadd.s32 v1, v4;
	_ =	sdelay $0x1  }
0x4c2: {  	v3 =	vadd.s32 v1, v3;
	_ =	sdelay $0x1  }
0x4c3: {  	s26 =	simm.s32 $0x16800  }
0x4c4: {  	[tilespmem:s26], [sflag:$0x1] =	stream.indirect_vreg.gather [hbm4b:s4+s5], $0x80, v4, vm0, $0xb8;
	[tilespmem:$0x19800] =	vst v63  }
0x4c5: {  	s18 =	simm.s32 $0x17000  }
0x4c6: {  	[tilespmem:s18], [sflag:$0x1] =	stream.indirect_vreg.gather [hbm4b:s4+s5], $0x80, v3, vm0, $0xb8;
	[tilespmem:$0x19800] =	vst v63  }
0x4c7: {  	_ =	swait.ge [sflag:s3], $0x8000  }
0x4c8: {  	[sflag:s3] =	ssyncset.done $0x0  }
0x4c9: {  	[sflag:s3] =	ssyncadd.s32 $0xFFFF8000  }
0x4ca: {  	_ =	swait.ge [sflag:s3], $0x2000  }
0x4cb: {  	[sflag:s3] =	ssyncset.done $0x0  }
0x4cc: {  	[sflag:s3] =	ssyncadd.s32 $0xFFFFE000  }
0x4cd: {  	_ =	swait.ge [sflag:s3], $0x2000  }
0x4ce: {  	s19 =	sld [smem:$0x7E7]  }
0x4cf: {  	[sflag:s3] =	ssyncset.done $0x0  }
0x4d0: {  	s23 =	simm.s32 $0x9800;
	s22 =	sld [smem:$0x7E8];
	[sflag:s3] =	ssyncadd.s32 $0xFFFFE000  }
0x4d1: {  	[hbm4b:s19+s24] =	stream.strided.scatter [tilespmem:s23], [sflag:$0x4], $0x8000, s16, s24, $0x38;
	[tilespmem:$0x19800] =	vst v63  }
0x4d2: {  	s30 =	sld [smem:$0x7E9];
	s19 =	simm.s32 $0x13800  }
0x4d3: {  	[hbm4b:s22+s12] =	stream.strided.scatter [tilespmem:s19], [sflag:$0x4], $0x2000, s16, s12, $0x38;
	[tilespmem:$0x19800] =	vst v63  }
0x4d4: {  	s6 =	simm.s32 $0x17800  }
0x4d5: {  	[hbm4b:s30+s12] =	stream.strided.scatter [tilespmem:s6], [sflag:$0x4], $0x2000, s16, s12, $0x38;
	[tilespmem:$0x19800] =	vst v63  }
0x4d6: {  	_ =	swait.ge [sflag:s0], $0x8000  }
0x4d7: {  	[sflag:s0] =	ssyncset.done $0x0  }
0x4d8: {  	[sflag:s0] =	ssyncadd.s32 $0xFFFF8000  }
0x4d9: {  	_ =	swait.ge [sflag:s0], $0x2000  }
0x4da: {  	[sflag:s0] =	ssyncset.done $0x0  }
0x4db: {  	[sflag:s0] =	ssyncadd.s32 $0xFFFFE000  }
0x4dc: {  	_ =	swait.ge [sflag:s0], $0x2000  }
0x4dd: {  	[sflag:s0] =	ssyncset.done $0x0  }
0x4de: {  	[sflag:s0] =	ssyncadd.s32 $0xFFFFE000  }
0x4df: {  	v3 =	vld [tilespmem:$0x580];
	_ =	sdelay $0x4  }
0x4e0: {  	v34 =	vshll.u32 v3, $0x3  }
0x4e1: {  	v3 =	vand.u32 $0x7, v3;
	v4 =	vand.u32 $0xFFFFFFC0, v34  }
0x4e2: {  	v3 =	vor.u32 v3, v4  }
0x4e3: {  	v4 =	vperm.xlane v3, v0;
	_ =	sdelay $0x1  }
0x4e4: {  	v4 =	vadd.s32 v1, v4;
	_ =	sdelay $0x4  }
0x4e5: {  	[tilespmem:s23], [sflag:$0x2] =	stream.indirect_vreg.gather [hbm4b:s1+s5], $0x80, v4, vm0, $0xb8;
	[tilespmem:$0x19800] =	vst v63  }
0x4e6: {  	s30 =	simm.s32 $0xA000;
	v3 =	vperm.xlane v3, v2  }
0x4e7: {  	[tilespmem:s30], [sflag:$0x2] =	stream.indirect_vreg.gather [hbm4b:s7+s5], $0x80, v4, vm0, $0xb8;
	[tilespmem:$0x19800] =	vst v63  }
0x4e8: {  	s18 =	simm.s32 $0xA800;
	v3 =	vadd.s32 v1, v3  }
0x4e9: {  	[tilespmem:s18], [sflag:$0x2] =	stream.indirect_vreg.gather [hbm4b:s8+s5], $0x80, v4, vm0, $0xb8;
	[tilespmem:$0x19800] =	vst v63  }
0x4ea: {  	s22 =	simm.s32 $0xB000  }
0x4eb: {  	[tilespmem:s22], [sflag:$0x2] =	stream.indirect_vreg.gather [hbm4b:s9+s5], $0x80, v4, vm0, $0xb8;
	[tilespmem:$0x19800] =	vst v63  }
0x4ec: {  	s23 =	simm.s32 $0xB800  }
0x4ed: {  	[tilespmem:s23], [sflag:$0x2] =	stream.indirect_vreg.gather [hbm4b:s1+s5], $0x80, v3, vm0, $0xb8;
	[tilespmem:$0x19800] =	vst v63  }
0x4ee: {  	s17 =	simm.s32 $0xC000  }
0x4ef: {  	[tilespmem:s17], [sflag:$0x2] =	stream.indirect_vreg.gather [hbm4b:s7+s5], $0x80, v3, vm0, $0xb8;
	[tilespmem:$0x19800] =	vst v63  }
0x4f0: {  	s18 =	simm.s32 $0xC800  }
0x4f1: {  	[tilespmem:s18], [sflag:$0x2] =	stream.indirect_vreg.gather [hbm4b:s8+s5], $0x80, v3, vm0, $0xb8;
	[tilespmem:$0x19800] =	vst v63  }
0x4f2: {  	s18 =	simm.s32 $0xD000  }
0x4f3: {  	[tilespmem:s18], [sflag:$0x2] =	stream.indirect_vreg.gather [hbm4b:s9+s5], $0x80, v3, vm0, $0xb8;
	[tilespmem:$0x19800] =	vst v63  }
0x4f4: {  	v3 =	vld [tilespmem:$0x590];
	_ =	sdelay $0x4  }
0x4f5: {  	v35 =	vshll.u32 v3, $0x3  }
0x4f6: {  	v3 =	vand.u32 $0x7, v3;
	v4 =	vand.u32 $0xFFFFFFC0, v35  }
0x4f7: {  	v3 =	vor.u32 v3, v4  }
0x4f8: {  	v4 =	vperm.xlane v3, v0;
	_ =	sdelay $0x1  }
0x4f9: {  	v4 =	vadd.s32 v1, v4;
	_ =	sdelay $0x3  }
0x4fa: {  	s22 =	simm.s32 $0xD800  }
0x4fb: {  	[tilespmem:s22], [sflag:$0x2] =	stream.indirect_vreg.gather [hbm4b:s1+s5], $0x80, v4, vm0, $0xb8;
	[tilespmem:$0x19800] =	vst v63  }
0x4fc: {  	v3 =	vperm.xlane v3, v2;
	s22 =	simm.s32 $0xE000  }
0x4fd: {  	[tilespmem:s22], [sflag:$0x2] =	stream.indirect_vreg.gather [hbm4b:s7+s5], $0x80, v4, vm0, $0xb8;
	[tilespmem:$0x19800] =	vst v63  }
0x4fe: {  	s23 =	simm.s32 $0xE800;
	v3 =	vadd.s32 v1, v3  }
0x4ff: {  	[tilespmem:s23], [sflag:$0x2] =	stream.indirect_vreg.gather [hbm4b:s8+s5], $0x80, v4, vm0, $0xb8;
	[tilespmem:$0x19800] =	vst v63  }
0x500: {  	s17 =	simm.s32 $0xF000  }
0x501: {  	[tilespmem:s17], [sflag:$0x2] =	stream.indirect_vreg.gather [hbm4b:s9+s5], $0x80, v4, vm0, $0xb8;
	[tilespmem:$0x19800] =	vst v63  }
0x502: {  	s23 =	simm.s32 $0xF800  }
0x503: {  	[tilespmem:s23], [sflag:$0x2] =	stream.indirect_vreg.gather [hbm4b:s1+s5], $0x80, v3, vm0, $0xb8;
	[tilespmem:$0x19800] =	vst v63  }
0x504: {  	s17 =	simm.s32 $0x10000  }
0x505: {  	[tilespmem:s17], [sflag:$0x2] =	stream.indirect_vreg.gather [hbm4b:s7+s5], $0x80, v3, vm0, $0xb8;
	[tilespmem:$0x19800] =	vst v63  }
0x506: {  	s23 =	simm.s32 $0x10800  }
0x507: {  	[tilespmem:s23], [sflag:$0x2] =	stream.indirect_vreg.gather [hbm4b:s8+s5], $0x80, v3, vm0, $0xb8;
	[tilespmem:$0x19800] =	vst v63  }
0x508: {  	s23 =	simm.s32 $0x11000  }
0x509: {  	[tilespmem:s23], [sflag:$0x2] =	stream.indirect_vreg.gather [hbm4b:s9+s5], $0x80, v3, vm0, $0xb8;
	[tilespmem:$0x19800] =	vst v63  }
0x50a: {  	v3 =	vld [tilespmem:$0xD80];
	_ =	sdelay $0x4  }
0x50b: {  	v36 =	vshll.u32 v3, $0x1  }
0x50c: {  	v3 =	vand.u32 $0x7, v3;
	v4 =	vand.u32 $0xFFFFFFF0, v36  }
0x50d: {  	v3 =	vor.u32 v3, v4  }
0x50e: {  	v4 =	vperm.xlane v3, v0;
	_ =	sdelay $0x1  }
0x50f: {  	v3 =	vperm.xlane v3, v2;
	v4 =	vadd.s32 v1, v4;
	_ =	sdelay $0x1  }
0x510: {  	v3 =	vadd.s32 v1, v3;
	_ =	sdelay $0x2  }
0x511: {  	[tilespmem:s19], [sflag:$0x2] =	stream.indirect_vreg.gather [hbm4b:s2+s5], $0x80, v4, vm0, $0xb8;
	[tilespmem:$0x19800] =	vst v63  }
0x512: {  	_ = 	snop  }
0x513: {  	[tilespmem:s13], [sflag:$0x2] =	stream.indirect_vreg.gather [hbm4b:s2+s5], $0x80, v3, vm0, $0xb8;
	[tilespmem:$0x19800] =	vst v63  }
0x514: {  	v3 =	vld [tilespmem:$0xD90];
	_ =	sdelay $0x4  }
0x515: {  	v37 =	vshll.u32 v3, $0x1  }
0x516: {  	v3 =	vand.u32 $0x7, v3;
	v4 =	vand.u32 $0xFFFFFFF0, v37  }
0x517: {  	v3 =	vor.u32 v3, v4  }
0x518: {  	v4 =	vperm.xlane v3, v0;
	_ =	sdelay $0x1  }
0x519: {  	v3 =	vperm.xlane v3, v2;
	v4 =	vadd.s32 v1, v4;
	_ =	sdelay $0x1  }
0x51a: {  	v3 =	vadd.s32 v1, v3;
	_ =	sdelay $0x1  }
0x51b: {  	s17 =	simm.s32 $0x14800  }
0x51c: {  	[tilespmem:s17], [sflag:$0x2] =	stream.indirect_vreg.gather [hbm4b:s2+s5], $0x80, v4, vm0, $0xb8;
	[tilespmem:$0x19800] =	vst v63  }
0x51d: {  	s19 =	simm.s32 $0x15000  }
0x51e: {  	[tilespmem:s19], [sflag:$0x2] =	stream.indirect_vreg.gather [hbm4b:s2+s5], $0x80, v3, vm0, $0xb8;
	[tilespmem:$0x19800] =	vst v63  }
0x51f: {  	v3 =	vld [tilespmem:$0x1580];
	_ =	sdelay $0x4  }
0x520: {  	v38 =	vshll.u32 v3, $0x1  }
0x521: {  	v3 =	vand.u32 $0x7, v3;
	v4 =	vand.u32 $0xFFFFFFF0, v38  }
0x522: {  	v3 =	vor.u32 v3, v4  }
0x523: {  	v4 =	vperm.xlane v3, v0;
	_ =	sdelay $0x1  }
0x524: {  	v3 =	vperm.xlane v3, v2;
	v4 =	vadd.s32 v1, v4;
	_ =	sdelay $0x1  }
0x525: {  	v3 =	vadd.s32 v1, v3;
	_ =	sdelay $0x2  }
0x526: {  	[tilespmem:s6], [sflag:$0x2] =	stream.indirect_vreg.gather [hbm4b:s4+s5], $0x80, v4, vm0, $0xb8;
	[tilespmem:$0x19800] =	vst v63  }
0x527: {  	s15 =	simm.s32 $0x18000  }
0x528: {  	[tilespmem:s15], [sflag:$0x2] =	stream.indirect_vreg.gather [hbm4b:s4+s5], $0x80, v3, vm0, $0xb8;
	[tilespmem:$0x19800] =	vst v63  }
0x529: {  	v3 =	vld [tilespmem:$0x1590];
	_ =	sdelay $0x4  }
0x52a: {  	v39 =	vshll.u32 v3, $0x1  }
0x52b: {  	v3 =	vand.u32 $0x7, v3;
	v4 =	vand.u32 $0xFFFFFFF0, v39  }
0x52c: {  	v3 =	vor.u32 v3, v4  }
0x52d: {  	v4 =	vperm.xlane v3, v0;
	_ =	sdelay $0x1  }
0x52e: {  	v3 =	vperm.xlane v3, v2;
	v4 =	vadd.s32 v1, v4;
	_ =	sdelay $0x1  }
0x52f: {  	v3 =	vadd.s32 v1, v3;
	_ =	sdelay $0x2  }
0x530: {  	[tilespmem:s21], [sflag:$0x2] =	stream.indirect_vreg.gather [hbm4b:s4+s5], $0x80, v4, vm0, $0xb8;
	[tilespmem:$0x19800] =	vst v63  }
0x531: {  	s17 =	simm.s32 $0x19000  }
0x532: {  	[tilespmem:s17], [sflag:$0x2] =	stream.indirect_vreg.gather [hbm4b:s4+s5], $0x80, v3, vm0, $0xb8;
	[tilespmem:$0x19800] =	vst v63  }
0x533: {  	_ =	swait.ge [sflag:s29], $0x8000  }
0x534: {  	[sflag:s29] =	ssyncset.done $0x0  }
0x535: {  	[sflag:s29] =	ssyncadd.s32 $0xFFFF8000  }
0x536: {  	_ =	swait.ge [sflag:s29], $0x2000  }
0x537: {  	[sflag:s29] =	ssyncset.done $0x0  }
0x538: {  	[sflag:s29] =	ssyncadd.s32 $0xFFFFE000  }
0x539: {  	_ =	swait.ge [sflag:s29], $0x2000  }
0x53a: {  	s19 =	sld [smem:$0x7EA]  }
0x53b: {  	[sflag:s29] =	ssyncset.done $0x0  }
0x53c: {  	s13 =	simm.s32 $0x1800;
	s17 =	sld [smem:$0x7EB];
	[sflag:s29] =	ssyncadd.s32 $0xFFFFE000  }
0x53d: {  	[hbm4b:s19+s24] =	stream.strided.scatter [tilespmem:s13], [sflag:$0x3], $0x8000, s16, s24, $0x38;
	[tilespmem:$0x19800] =	vst v63  }
0x53e: {  	s21 =	sld [smem:$0x7EC];
	s19 =	simm.s32 $0x11800  }
0x53f: {  	[hbm4b:s17+s12] =	stream.strided.scatter [tilespmem:s19], [sflag:$0x3], $0x2000, s16, s12, $0x38;
	[tilespmem:$0x19800] =	vst v63  }
0x540: {  	s10 =	simm.s32 $0x15800  }
0x541: {  	[hbm4b:s21+s12] =	stream.strided.scatter [tilespmem:s10], [sflag:$0x3], $0x2000, s16, s12, $0x38;
	[tilespmem:$0x19800] =	vst v63  }
0x542: {  	_ =	swait.ge [sflag:s31], $0x8000  }
0x543: {  	[sflag:s31] =	ssyncset.done $0x0  }
0x544: {  	[sflag:s31] =	ssyncadd.s32 $0xFFFF8000  }
0x545: {  	_ =	swait.ge [sflag:s31], $0x2000  }
0x546: {  	[sflag:s31] =	ssyncset.done $0x0  }
0x547: {  	[sflag:s31] =	ssyncadd.s32 $0xFFFFE000  }
0x548: {  	_ =	swait.ge [sflag:s31], $0x2000  }
0x549: {  	[sflag:s31] =	ssyncset.done $0x0  }
0x54a: {  	[sflag:s31] =	ssyncadd.s32 $0xFFFFE000  }
0x54b: {  	v3 =	vld [tilespmem:$0x600];
	_ =	sdelay $0x4  }
0x54c: {  	v40 =	vshll.u32 v3, $0x3  }
0x54d: {  	v3 =	vand.u32 $0x7, v3;
	v4 =	vand.u32 $0xFFFFFFC0, v40  }
0x54e: {  	v3 =	vor.u32 v3, v4  }
0x54f: {  	v4 =	vperm.xlane v3, v0;
	_ =	sdelay $0x1  }
0x550: {  	v4 =	vadd.s32 v1, v4;
	_ =	sdelay $0x4  }
0x551: {  	[tilespmem:s13], [sflag:$0x1] =	stream.indirect_vreg.gather [hbm4b:s1+s5], $0x80, v4, vm0, $0xb8;
	[tilespmem:$0x19800] =	vst v63  }
0x552: {  	v3 =	vperm.xlane v3, v2  }
0x553: {  	[tilespmem:s24], [sflag:$0x1] =	stream.indirect_vreg.gather [hbm4b:s7+s5], $0x80, v4, vm0, $0xb8;
	[tilespmem:$0x19800] =	vst v63  }
0x554: {  	s21 =	simm.s32 $0x2800;
	v3 =	vadd.s32 v1, v3  }
0x555: {  	[tilespmem:s21], [sflag:$0x1] =	stream.indirect_vreg.gather [hbm4b:s8+s5], $0x80, v4, vm0, $0xb8;
	[tilespmem:$0x19800] =	vst v63  }
0x556: {  	_ = 	snop  }
0x557: {  	[tilespmem:s16], [sflag:$0x1] =	stream.indirect_vreg.gather [hbm4b:s9+s5], $0x80, v4, vm0, $0xb8;
	[tilespmem:$0x19800] =	vst v63  }
0x558: {  	s15 =	simm.s32 $0x3800  }
0x559: {  	[tilespmem:s15], [sflag:$0x1] =	stream.indirect_vreg.gather [hbm4b:s1+s5], $0x80, v3, vm0, $0xb8;
	[tilespmem:$0x19800] =	vst v63  }
0x55a: {  	s17 =	simm.s32 $0x4000  }
0x55b: {  	[tilespmem:s17], [sflag:$0x1] =	stream.indirect_vreg.gather [hbm4b:s7+s5], $0x80, v3, vm0, $0xb8;
	[tilespmem:$0x19800] =	vst v63  }
0x55c: {  	s21 =	simm.s32 $0x4800  }
0x55d: {  	[tilespmem:s21], [sflag:$0x1] =	stream.indirect_vreg.gather [hbm4b:s8+s5], $0x80, v3, vm0, $0xb8;
	[tilespmem:$0x19800] =	vst v63  }
0x55e: {  	_ = 	snop  }
0x55f: {  	[tilespmem:s14], [sflag:$0x1] =	stream.indirect_vreg.gather [hbm4b:s9+s5], $0x80, v3, vm0, $0xb8;
	[tilespmem:$0x19800] =	vst v63  }
0x560: {  	v3 =	vld [tilespmem:$0x610];
	_ =	sdelay $0x4  }
0x561: {  	v41 =	vshll.u32 v3, $0x3  }
0x562: {  	v3 =	vand.u32 $0x7, v3;
	v4 =	vand.u32 $0xFFFFFFC0, v41  }
0x563: {  	v3 =	vor.u32 v3, v4  }
0x564: {  	v4 =	vperm.xlane v3, v0;
	_ =	sdelay $0x1  }
0x565: {  	v4 =	vadd.s32 v1, v4;
	_ =	sdelay $0x4  }
0x566: {  	[tilespmem:s28], [sflag:$0x1] =	stream.indirect_vreg.gather [hbm4b:s1+s5], $0x80, v4, vm0, $0xb8;
	[tilespmem:$0x19800] =	vst v63  }
0x567: {  	v3 =	vperm.xlane v3, v2;
	s28 =	simm.s32 $0x6000  }
0x568: {  	[tilespmem:s28], [sflag:$0x1] =	stream.indirect_vreg.gather [hbm4b:s7+s5], $0x80, v4, vm0, $0xb8;
	[tilespmem:$0x19800] =	vst v63  }
0x569: {  	s14 =	simm.s32 $0x6800;
	v3 =	vadd.s32 v1, v3  }
0x56a: {  	[tilespmem:s14], [sflag:$0x1] =	stream.indirect_vreg.gather [hbm4b:s8+s5], $0x80, v4, vm0, $0xb8;
	[tilespmem:$0x19800] =	vst v63  }
0x56b: {  	s15 =	simm.s32 $0x7000  }
0x56c: {  	[tilespmem:s15], [sflag:$0x1] =	stream.indirect_vreg.gather [hbm4b:s9+s5], $0x80, v4, vm0, $0xb8;
	[tilespmem:$0x19800] =	vst v63  }
0x56d: {  	s17 =	simm.s32 $0x7800  }
0x56e: {  	[tilespmem:s17], [sflag:$0x1] =	stream.indirect_vreg.gather [hbm4b:s1+s5], $0x80, v3, vm0, $0xb8;
	[tilespmem:$0x19800] =	vst v63  }
0x56f: {  	s21 =	simm.s32 $0x8000  }
0x570: {  	[tilespmem:s21], [sflag:$0x1] =	stream.indirect_vreg.gather [hbm4b:s7+s5], $0x80, v3, vm0, $0xb8;
	[tilespmem:$0x19800] =	vst v63  }
0x571: {  	s28 =	simm.s32 $0x8800  }
0x572: {  	[tilespmem:s28], [sflag:$0x1] =	stream.indirect_vreg.gather [hbm4b:s8+s5], $0x80, v3, vm0, $0xb8;
	[tilespmem:$0x19800] =	vst v63  }
0x573: {  	_ = 	snop  }
0x574: {  	[tilespmem:s11], [sflag:$0x1] =	stream.indirect_vreg.gather [hbm4b:s9+s5], $0x80, v3, vm0, $0xb8;
	[tilespmem:$0x19800] =	vst v63  }
0x575: {  	v3 =	vld [tilespmem:$0xE00];
	_ =	sdelay $0x4  }
0x576: {  	v42 =	vshll.u32 v3, $0x1  }
0x577: {  	v3 =	vand.u32 $0x7, v3;
	v4 =	vand.u32 $0xFFFFFFF0, v42  }
0x578: {  	v3 =	vor.u32 v3, v4  }
0x579: {  	v4 =	vperm.xlane v3, v0;
	_ =	sdelay $0x1  }
0x57a: {  	v3 =	vperm.xlane v3, v2;
	v4 =	vadd.s32 v1, v4;
	_ =	sdelay $0x1  }
0x57b: {  	v3 =	vadd.s32 v1, v3;
	_ =	sdelay $0x2  }
0x57c: {  	[tilespmem:s19], [sflag:$0x1] =	stream.indirect_vreg.gather [hbm4b:s2+s5], $0x80, v4, vm0, $0xb8;
	[tilespmem:$0x19800] =	vst v63  }
0x57d: {  	_ = 	snop  }
0x57e: {  	[tilespmem:s20], [sflag:$0x1] =	stream.indirect_vreg.gather [hbm4b:s2+s5], $0x80, v3, vm0, $0xb8;
	[tilespmem:$0x19800] =	vst v63  }
0x57f: {  	v3 =	vld [tilespmem:$0xE10];
	_ =	sdelay $0x4  }
0x580: {  	v43 =	vshll.u32 v3, $0x1  }
0x581: {  	v3 =	vand.u32 $0x7, v3;
	v4 =	vand.u32 $0xFFFFFFF0, v43  }
0x582: {  	v3 =	vor.u32 v3, v4  }
0x583: {  	v4 =	vperm.xlane v3, v0;
	_ =	sdelay $0x1  }
0x584: {  	v3 =	vperm.xlane v3, v2;
	v4 =	vadd.s32 v1, v4;
	_ =	sdelay $0x1  }
0x585: {  	v3 =	vadd.s32 v1, v3;
	_ =	sdelay $0x2  }
0x586: {  	[tilespmem:s25], [sflag:$0x1] =	stream.indirect_vreg.gather [hbm4b:s2+s5], $0x80, v4, vm0, $0xb8;
	[tilespmem:$0x19800] =	vst v63  }
0x587: {  	s14 =	simm.s32 $0x13000  }
0x588: {  	[tilespmem:s14], [sflag:$0x1] =	stream.indirect_vreg.gather [hbm4b:s2+s5], $0x80, v3, vm0, $0xb8;
	[tilespmem:$0x19800] =	vst v63  }
0x589: {  	v3 =	vld [tilespmem:$0x1600];
	_ =	sdelay $0x4  }
0x58a: {  	v44 =	vshll.u32 v3, $0x1  }
0x58b: {  	v3 =	vand.u32 $0x7, v3;
	v4 =	vand.u32 $0xFFFFFFF0, v44  }
0x58c: {  	v3 =	vor.u32 v3, v4  }
0x58d: {  	v4 =	vperm.xlane v3, v0;
	_ =	sdelay $0x1  }
0x58e: {  	v3 =	vperm.xlane v3, v2;
	v4 =	vadd.s32 v1, v4;
	_ =	sdelay $0x1  }
0x58f: {  	v3 =	vadd.s32 v1, v3;
	_ =	sdelay $0x2  }
0x590: {  	[tilespmem:s10], [sflag:$0x1] =	stream.indirect_vreg.gather [hbm4b:s4+s5], $0x80, v4, vm0, $0xb8;
	[tilespmem:$0x19800] =	vst v63  }
0x591: {  	s15 =	simm.s32 $0x16000  }
0x592: {  	[tilespmem:s15], [sflag:$0x1] =	stream.indirect_vreg.gather [hbm4b:s4+s5], $0x80, v3, vm0, $0xb8;
	[tilespmem:$0x19800] =	vst v63  }
0x593: {  	v3 =	vld [tilespmem:$0x1610];
	_ =	sdelay $0x4  }
0x594: {  	v45 =	vshll.u32 v3, $0x1  }
0x595: {  	v3 =	vand.u32 $0x7, v3;
	v4 =	vand.u32 $0xFFFFFFF0, v45  }
0x596: {  	v3 =	vor.u32 v3, v4  }
0x597: {  	v4 =	vperm.xlane v3, v0;
	_ =	sdelay $0x1  }
0x598: {  	v3 =	vperm.xlane v3, v2;
	v4 =	vadd.s32 v1, v4;
	_ =	sdelay $0x1  }
0x599: {  	v3 =	vadd.s32 v1, v3;
	_ =	sdelay $0x2  }
0x59a: {  	[tilespmem:s26], [sflag:$0x1] =	stream.indirect_vreg.gather [hbm4b:s4+s5], $0x80, v4, vm0, $0xb8;
	[tilespmem:$0x19800] =	vst v63  }
0x59b: {  	s10 =	simm.s32 $0x17000  }
0x59c: {  	[tilespmem:s10], [sflag:$0x1] =	stream.indirect_vreg.gather [hbm4b:s4+s5], $0x80, v3, vm0, $0xb8;
	[tilespmem:$0x19800] =	vst v63  }
0x59d: {  	_ =	swait.ge [sflag:s3], $0x8000  }
0x59e: {  	[sflag:s3] =	ssyncset.done $0x0  }
0x59f: {  	[sflag:s3] =	ssyncadd.s32 $0xFFFF8000  }
0x5a0: {  	_ =	swait.ge [sflag:s3], $0x2000  }
0x5a1: {  	[sflag:s3] =	ssyncset.done $0x0  }
0x5a2: {  	[sflag:s3] =	ssyncadd.s32 $0xFFFFE000  }
0x5a3: {  	_ =	swait.ge [sflag:s3], $0x2000  }
0x5a4: {  	s17 =	sld [smem:$0x7ED]  }
0x5a5: {  	[sflag:s3] =	ssyncset.done $0x0  }
0x5a6: {  	s20 =	simm.s32 $0x9800;
	s19 =	sld [smem:$0x7EE];
	[sflag:s3] =	ssyncadd.s32 $0xFFFFE000  }
0x5a7: {  	[hbm4b:s17+s24] =	stream.strided.scatter [tilespmem:s20], [sflag:$0x4], $0x8000, s16, s24, $0x38;
	[tilespmem:$0x19800] =	vst v63  }
0x5a8: {  	s21 =	simm.s32 $0x13800;
	s26 =	sld [smem:$0x7EF]  }
0x5a9: {  	[hbm4b:s19+s12] =	stream.strided.scatter [tilespmem:s21], [sflag:$0x4], $0x2000, s16, s12, $0x38;
	[tilespmem:$0x19800] =	vst v63  }
0x5aa: {  	s6 =	simm.s32 $0x17800  }
0x5ab: {  	[hbm4b:s26+s12] =	stream.strided.scatter [tilespmem:s6], [sflag:$0x4], $0x2000, s16, s12, $0x38;
	[tilespmem:$0x19800] =	vst v63  }
0x5ac: {  	_ =	swait.ge [sflag:s0], $0x8000  }
0x5ad: {  	[sflag:s0] =	ssyncset.done $0x0  }
0x5ae: {  	[sflag:s0] =	ssyncadd.s32 $0xFFFF8000  }
0x5af: {  	_ =	swait.ge [sflag:s0], $0x2000  }
0x5b0: {  	[sflag:s0] =	ssyncset.done $0x0  }
0x5b1: {  	[sflag:s0] =	ssyncadd.s32 $0xFFFFE000  }
0x5b2: {  	_ =	swait.ge [sflag:s0], $0x2000  }
0x5b3: {  	[sflag:s0] =	ssyncset.done $0x0  }
0x5b4: {  	[sflag:s0] =	ssyncadd.s32 $0xFFFFE000  }
0x5b5: {  	v3 =	vld [tilespmem:$0x680];
	_ =	sdelay $0x4  }
0x5b6: {  	v46 =	vshll.u32 v3, $0x3  }
0x5b7: {  	v3 =	vand.u32 $0x7, v3;
	v4 =	vand.u32 $0xFFFFFFC0, v46  }
0x5b8: {  	v3 =	vor.u32 v3, v4  }
0x5b9: {  	v4 =	vperm.xlane v3, v0;
	_ =	sdelay $0x1  }
0x5ba: {  	v4 =	vadd.s32 v1, v4;
	_ =	sdelay $0x4  }
0x5bb: {  	[tilespmem:s20], [sflag:$0x2] =	stream.indirect_vreg.gather [hbm4b:s1+s5], $0x80, v4, vm0, $0xb8;
	[tilespmem:$0x19800] =	vst v63  }
0x5bc: {  	v3 =	vperm.xlane v3, v2  }
0x5bd: {  	[tilespmem:s30], [sflag:$0x2] =	stream.indirect_vreg.gather [hbm4b:s7+s5], $0x80, v4, vm0, $0xb8;
	[tilespmem:$0x19800] =	vst v63  }
0x5be: {  	s11 =	simm.s32 $0xA800;
	v3 =	vadd.s32 v1, v3  }
0x5bf: {  	[tilespmem:s11], [sflag:$0x2] =	stream.indirect_vreg.gather [hbm4b:s8+s5], $0x80, v4, vm0, $0xb8;
	[tilespmem:$0x19800] =	vst v63  }
0x5c0: {  	s13 =	simm.s32 $0xB000  }
0x5c1: {  	[tilespmem:s13], [sflag:$0x2] =	stream.indirect_vreg.gather [hbm4b:s9+s5], $0x80, v4, vm0, $0xb8;
	[tilespmem:$0x19800] =	vst v63  }
0x5c2: {  	s30 =	simm.s32 $0xB800  }
0x5c3: {  	[tilespmem:s30], [sflag:$0x2] =	stream.indirect_vreg.gather [hbm4b:s1+s5], $0x80, v3, vm0, $0xb8;
	[tilespmem:$0x19800] =	vst v63  }
0x5c4: {  	s17 =	simm.s32 $0xC000  }
0x5c5: {  	[tilespmem:s17], [sflag:$0x2] =	stream.indirect_vreg.gather [hbm4b:s7+s5], $0x80, v3, vm0, $0xb8;
	[tilespmem:$0x19800] =	vst v63  }
0x5c6: {  	s19 =	simm.s32 $0xC800  }
0x5c7: {  	[tilespmem:s19], [sflag:$0x2] =	stream.indirect_vreg.gather [hbm4b:s8+s5], $0x80, v3, vm0, $0xb8;
	[tilespmem:$0x19800] =	vst v63  }
0x5c8: {  	_ = 	snop  }
0x5c9: {  	[tilespmem:s18], [sflag:$0x2] =	stream.indirect_vreg.gather [hbm4b:s9+s5], $0x80, v3, vm0, $0xb8;
	[tilespmem:$0x19800] =	vst v63  }
0x5ca: {  	v3 =	vld [tilespmem:$0x690];
	_ =	sdelay $0x4  }
0x5cb: {  	v47 =	vshll.u32 v3, $0x3  }
0x5cc: {  	v3 =	vand.u32 $0x7, v3;
	v4 =	vand.u32 $0xFFFFFFC0, v47  }
0x5cd: {  	v3 =	vor.u32 v3, v4  }
0x5ce: {  	v4 =	vperm.xlane v3, v0;
	_ =	sdelay $0x1  }
0x5cf: {  	v4 =	vadd.s32 v1, v4;
	_ =	sdelay $0x3  }
0x5d0: {  	s20 =	simm.s32 $0xD800  }
0x5d1: {  	[tilespmem:s20], [sflag:$0x2] =	stream.indirect_vreg.gather [hbm4b:s1+s5], $0x80, v4, vm0, $0xb8;
	[tilespmem:$0x19800] =	vst v63  }
0x5d2: {  	v3 =	vperm.xlane v3, v2  }
0x5d3: {  	[tilespmem:s22], [sflag:$0x2] =	stream.indirect_vreg.gather [hbm4b:s7+s5], $0x80, v4, vm0, $0xb8;
	[tilespmem:$0x19800] =	vst v63  }
0x5d4: {  	s17 =	simm.s32 $0xE800;
	v3 =	vadd.s32 v1, v3  }
0x5d5: {  	[tilespmem:s17], [sflag:$0x2] =	stream.indirect_vreg.gather [hbm4b:s8+s5], $0x80, v4, vm0, $0xb8;
	[tilespmem:$0x19800] =	vst v63  }
0x5d6: {  	s18 =	simm.s32 $0xF000  }
0x5d7: {  	[tilespmem:s18], [sflag:$0x2] =	stream.indirect_vreg.gather [hbm4b:s9+s5], $0x80, v4, vm0, $0xb8;
	[tilespmem:$0x19800] =	vst v63  }
0x5d8: {  	s19 =	simm.s32 $0xF800  }
0x5d9: {  	[tilespmem:s19], [sflag:$0x2] =	stream.indirect_vreg.gather [hbm4b:s1+s5], $0x80, v3, vm0, $0xb8;
	[tilespmem:$0x19800] =	vst v63  }
0x5da: {  	s19 =	simm.s32 $0x10000  }
0x5db: {  	[tilespmem:s19], [sflag:$0x2] =	stream.indirect_vreg.gather [hbm4b:s7+s5], $0x80, v3, vm0, $0xb8;
	[tilespmem:$0x19800] =	vst v63  }
0x5dc: {  	s22 =	simm.s32 $0x10800  }
0x5dd: {  	[tilespmem:s22], [sflag:$0x2] =	stream.indirect_vreg.gather [hbm4b:s8+s5], $0x80, v3, vm0, $0xb8;
	[tilespmem:$0x19800] =	vst v63  }
0x5de: {  	_ = 	snop  }
0x5df: {  	[tilespmem:s23], [sflag:$0x2] =	stream.indirect_vreg.gather [hbm4b:s9+s5], $0x80, v3, vm0, $0xb8;
	[tilespmem:$0x19800] =	vst v63  }
0x5e0: {  	v3 =	vld [tilespmem:$0xE80];
	_ =	sdelay $0x4  }
0x5e1: {  	v48 =	vshll.u32 v3, $0x1  }
0x5e2: {  	v3 =	vand.u32 $0x7, v3;
	v4 =	vand.u32 $0xFFFFFFF0, v48  }
0x5e3: {  	v3 =	vor.u32 v3, v4  }
0x5e4: {  	v4 =	vperm.xlane v3, v0;
	_ =	sdelay $0x1  }
0x5e5: {  	v3 =	vperm.xlane v3, v2;
	v4 =	vadd.s32 v1, v4;
	_ =	sdelay $0x1  }
0x5e6: {  	v3 =	vadd.s32 v1, v3;
	_ =	sdelay $0x2  }
0x5e7: {  	[tilespmem:s21], [sflag:$0x2] =	stream.indirect_vreg.gather [hbm4b:s2+s5], $0x80, v4, vm0, $0xb8;
	[tilespmem:$0x19800] =	vst v63  }
0x5e8: {  	s17 =	simm.s32 $0x14000  }
0x5e9: {  	[tilespmem:s17], [sflag:$0x2] =	stream.indirect_vreg.gather [hbm4b:s2+s5], $0x80, v3, vm0, $0xb8;
	[tilespmem:$0x19800] =	vst v63  }
0x5ea: {  	v3 =	vld [tilespmem:$0xE90];
	_ =	sdelay $0x4  }
0x5eb: {  	v49 =	vshll.u32 v3, $0x1  }
0x5ec: {  	v3 =	vand.u32 $0x7, v3;
	v4 =	vand.u32 $0xFFFFFFF0, v49  }
0x5ed: {  	v3 =	vor.u32 v3, v4  }
0x5ee: {  	v4 =	vperm.xlane v3, v0;
	_ =	sdelay $0x1  }
0x5ef: {  	v3 =	vperm.xlane v3, v2;
	v4 =	vadd.s32 v1, v4;
	_ =	sdelay $0x1  }
0x5f0: {  	v3 =	vadd.s32 v1, v3;
	_ =	sdelay $0x1  }
0x5f1: {  	s18 =	simm.s32 $0x14800  }
0x5f2: {  	[tilespmem:s18], [sflag:$0x2] =	stream.indirect_vreg.gather [hbm4b:s2+s5], $0x80, v4, vm0, $0xb8;
	[tilespmem:$0x19800] =	vst v63  }
0x5f3: {  	s21 =	simm.s32 $0x15000  }
0x5f4: {  	[tilespmem:s21], [sflag:$0x2] =	stream.indirect_vreg.gather [hbm4b:s2+s5], $0x80, v3, vm0, $0xb8;
	[tilespmem:$0x19800] =	vst v63  }
0x5f5: {  	v3 =	vld [tilespmem:$0x1680];
	_ =	sdelay $0x4  }
0x5f6: {  	v50 =	vshll.u32 v3, $0x1  }
0x5f7: {  	v3 =	vand.u32 $0x7, v3;
	v4 =	vand.u32 $0xFFFFFFF0, v50  }
0x5f8: {  	v3 =	vor.u32 v3, v4  }
0x5f9: {  	v4 =	vperm.xlane v3, v0;
	_ =	sdelay $0x1  }
0x5fa: {  	v3 =	vperm.xlane v3, v2;
	v4 =	vadd.s32 v1, v4;
	_ =	sdelay $0x1  }
0x5fb: {  	v3 =	vadd.s32 v1, v3;
	_ =	sdelay $0x2  }
0x5fc: {  	[tilespmem:s6], [sflag:$0x2] =	stream.indirect_vreg.gather [hbm4b:s4+s5], $0x80, v4, vm0, $0xb8;
	[tilespmem:$0x19800] =	vst v63  }
0x5fd: {  	s15 =	simm.s32 $0x18000  }
0x5fe: {  	[tilespmem:s15], [sflag:$0x2] =	stream.indirect_vreg.gather [hbm4b:s4+s5], $0x80, v3, vm0, $0xb8;
	[tilespmem:$0x19800] =	vst v63  }
0x5ff: {  	v3 =	vld [tilespmem:$0x1690];
	_ =	sdelay $0x4  }
0x600: {  	v51 =	vshll.u32 v3, $0x1  }
0x601: {  	v3 =	vand.u32 $0x7, v3;
	v4 =	vand.u32 $0xFFFFFFF0, v51  }
0x602: {  	v3 =	vor.u32 v3, v4  }
0x603: {  	v4 =	vperm.xlane v3, v0;
	_ =	sdelay $0x1  }
0x604: {  	v3 =	vperm.xlane v3, v2;
	v4 =	vadd.s32 v1, v4;
	_ =	sdelay $0x1  }
0x605: {  	v3 =	vadd.s32 v1, v3;
	_ =	sdelay $0x1  }
0x606: {  	s17 =	simm.s32 $0x18800  }
0x607: {  	[tilespmem:s17], [sflag:$0x2] =	stream.indirect_vreg.gather [hbm4b:s4+s5], $0x80, v4, vm0, $0xb8;
	[tilespmem:$0x19800] =	vst v63  }
0x608: {  	s18 =	simm.s32 $0x19000  }
0x609: {  	[tilespmem:s18], [sflag:$0x2] =	stream.indirect_vreg.gather [hbm4b:s4+s5], $0x80, v3, vm0, $0xb8;
	[tilespmem:$0x19800] =	vst v63  }
0x60a: {  	_ =	swait.ge [sflag:s29], $0x8000  }
0x60b: {  	[sflag:s29] =	ssyncset.done $0x0  }
0x60c: {  	[sflag:s29] =	ssyncadd.s32 $0xFFFF8000  }
0x60d: {  	_ =	swait.ge [sflag:s29], $0x2000  }
0x60e: {  	[sflag:s29] =	ssyncset.done $0x0  }
0x60f: {  	[sflag:s29] =	ssyncadd.s32 $0xFFFFE000  }
0x610: {  	_ =	swait.ge [sflag:s29], $0x2000  }
0x611: {  	s21 =	sld [smem:$0x7F0]  }
0x612: {  	[sflag:s29] =	ssyncset.done $0x0  }
0x613: {  	s18 =	simm.s32 $0x1800;
	s6 =	sld [smem:$0x7F1];
	[sflag:s29] =	ssyncadd.s32 $0xFFFFE000  }
0x614: {  	[hbm4b:s21+s24] =	stream.strided.scatter [tilespmem:s18], [sflag:$0x3], $0x8000, s16, s24, $0x38;
	[tilespmem:$0x19800] =	vst v63  }
0x615: {  	s28 =	simm.s32 $0x11800;
	s21 =	sld [smem:$0x7F2]  }
0x616: {  	[hbm4b:s6+s12] =	stream.strided.scatter [tilespmem:s28], [sflag:$0x3], $0x2000, s16, s12, $0x38;
	[tilespmem:$0x19800] =	vst v63  }
0x617: {  	s17 =	simm.s32 $0x15800  }
0x618: {  	[hbm4b:s21+s12] =	stream.strided.scatter [tilespmem:s17], [sflag:$0x3], $0x2000, s16, s12, $0x38;
	[tilespmem:$0x19800] =	vst v63  }
0x619: {  	_ =	swait.ge [sflag:s31], $0x8000  }
0x61a: {  	[sflag:s31] =	ssyncset.done $0x0  }
0x61b: {  	[sflag:s31] =	ssyncadd.s32 $0xFFFF8000  }
0x61c: {  	_ =	swait.ge [sflag:s31], $0x2000  }
0x61d: {  	[sflag:s31] =	ssyncset.done $0x0  }
0x61e: {  	[sflag:s31] =	ssyncadd.s32 $0xFFFFE000  }
0x61f: {  	_ =	swait.ge [sflag:s31], $0x2000  }
0x620: {  	[sflag:s31] =	ssyncset.done $0x0  }
0x621: {  	[sflag:s31] =	ssyncadd.s32 $0xFFFFE000  }
0x622: {  	v3 =	vld [tilespmem:$0x700];
	_ =	sdelay $0x4  }
0x623: {  	v52 =	vshll.u32 v3, $0x3  }
0x624: {  	v3 =	vand.u32 $0x7, v3;
	v4 =	vand.u32 $0xFFFFFFC0, v52  }
0x625: {  	v3 =	vor.u32 v3, v4  }
0x626: {  	v4 =	vperm.xlane v3, v0;
	_ =	sdelay $0x1  }
0x627: {  	v4 =	vadd.s32 v1, v4;
	_ =	sdelay $0x4  }
0x628: {  	[tilespmem:s18], [sflag:$0x1] =	stream.indirect_vreg.gather [hbm4b:s1+s5], $0x80, v4, vm0, $0xb8;
	[tilespmem:$0x19800] =	vst v63  }
0x629: {  	v3 =	vperm.xlane v3, v2  }
0x62a: {  	[tilespmem:s24], [sflag:$0x1] =	stream.indirect_vreg.gather [hbm4b:s7+s5], $0x80, v4, vm0, $0xb8;
	[tilespmem:$0x19800] =	vst v63  }
0x62b: {  	s15 =	simm.s32 $0x2800;
	v3 =	vadd.s32 v1, v3  }
0x62c: {  	[tilespmem:s15], [sflag:$0x1] =	stream.indirect_vreg.gather [hbm4b:s8+s5], $0x80, v4, vm0, $0xb8;
	[tilespmem:$0x19800] =	vst v63  }
0x62d: {  	_ = 	snop  }
0x62e: {  	[tilespmem:s16], [sflag:$0x1] =	stream.indirect_vreg.gather [hbm4b:s9+s5], $0x80, v4, vm0, $0xb8;
	[tilespmem:$0x19800] =	vst v63  }
0x62f: {  	s21 =	simm.s32 $0x3800  }
0x630: {  	[tilespmem:s21], [sflag:$0x1] =	stream.indirect_vreg.gather [hbm4b:s1+s5], $0x80, v3, vm0, $0xb8;
	[tilespmem:$0x19800] =	vst v63  }
0x631: {  	s15 =	simm.s32 $0x4000  }
0x632: {  	[tilespmem:s15], [sflag:$0x1] =	stream.indirect_vreg.gather [hbm4b:s7+s5], $0x80, v3, vm0, $0xb8;
	[tilespmem:$0x19800] =	vst v63  }
0x633: {  	s21 =	simm.s32 $0x4800  }
0x634: {  	[tilespmem:s21], [sflag:$0x1] =	stream.indirect_vreg.gather [hbm4b:s8+s5], $0x80, v3, vm0, $0xb8;
	[tilespmem:$0x19800] =	vst v63  }
0x635: {  	s15 =	simm.s32 $0x5000  }
0x636: {  	[tilespmem:s15], [sflag:$0x1] =	stream.indirect_vreg.gather [hbm4b:s9+s5], $0x80, v3, vm0, $0xb8;
	[tilespmem:$0x19800] =	vst v63  }
0x637: {  	v3 =	vld [tilespmem:$0x710];
	_ =	sdelay $0x4  }
0x638: {  	v53 =	vshll.u32 v3, $0x3  }
0x639: {  	v3 =	vand.u32 $0x7, v3;
	v4 =	vand.u32 $0xFFFFFFC0, v53  }
0x63a: {  	v3 =	vor.u32 v3, v4  }
0x63b: {  	v4 =	vperm.xlane v3, v0;
	_ =	sdelay $0x1  }
0x63c: {  	v4 =	vadd.s32 v1, v4;
	_ =	sdelay $0x3  }
0x63d: {  	s21 =	simm.s32 $0x5800  }
0x63e: {  	[tilespmem:s21], [sflag:$0x1] =	stream.indirect_vreg.gather [hbm4b:s1+s5], $0x80, v4, vm0, $0xb8;
	[tilespmem:$0x19800] =	vst v63  }
0x63f: {  	s15 =	simm.s32 $0x6000;
	v3 =	vperm.xlane v3, v2  }
0x640: {  	[tilespmem:s15], [sflag:$0x1] =	stream.indirect_vreg.gather [hbm4b:s7+s5], $0x80, v4, vm0, $0xb8;
	[tilespmem:$0x19800] =	vst v63  }
0x641: {  	v3 =	vadd.s32 v1, v3;
	s21 =	simm.s32 $0x6800  }
0x642: {  	[tilespmem:s21], [sflag:$0x1] =	stream.indirect_vreg.gather [hbm4b:s8+s5], $0x80, v4, vm0, $0xb8;
	[tilespmem:$0x19800] =	vst v63  }
0x643: {  	s15 =	simm.s32 $0x7000  }
0x644: {  	[tilespmem:s15], [sflag:$0x1] =	stream.indirect_vreg.gather [hbm4b:s9+s5], $0x80, v4, vm0, $0xb8;
	[tilespmem:$0x19800] =	vst v63  }
0x645: {  	s21 =	simm.s32 $0x7800  }
0x646: {  	[tilespmem:s21], [sflag:$0x1] =	stream.indirect_vreg.gather [hbm4b:s1+s5], $0x80, v3, vm0, $0xb8;
	[tilespmem:$0x19800] =	vst v63  }
0x647: {  	s15 =	simm.s32 $0x8000  }
0x648: {  	[tilespmem:s15], [sflag:$0x1] =	stream.indirect_vreg.gather [hbm4b:s7+s5], $0x80, v3, vm0, $0xb8;
	[tilespmem:$0x19800] =	vst v63  }
0x649: {  	s21 =	simm.s32 $0x8800  }
0x64a: {  	[tilespmem:s21], [sflag:$0x1] =	stream.indirect_vreg.gather [hbm4b:s8+s5], $0x80, v3, vm0, $0xb8;
	[tilespmem:$0x19800] =	vst v63  }
0x64b: {  	s15 =	simm.s32 $0x9000  }
0x64c: {  	[tilespmem:s15], [sflag:$0x1] =	stream.indirect_vreg.gather [hbm4b:s9+s5], $0x80, v3, vm0, $0xb8;
	[tilespmem:$0x19800] =	vst v63  }
0x64d: {  	v3 =	vld [tilespmem:$0xF00];
	_ =	sdelay $0x4  }
0x64e: {  	v54 =	vshll.u32 v3, $0x1  }
0x64f: {  	v3 =	vand.u32 $0x7, v3;
	v4 =	vand.u32 $0xFFFFFFF0, v54  }
0x650: {  	v3 =	vor.u32 v3, v4  }
0x651: {  	v4 =	vperm.xlane v3, v0;
	_ =	sdelay $0x1  }
0x652: {  	v3 =	vperm.xlane v3, v2;
	v4 =	vadd.s32 v1, v4;
	_ =	sdelay $0x1  }
0x653: {  	v3 =	vadd.s32 v1, v3;
	_ =	sdelay $0x2  }
0x654: {  	[tilespmem:s28], [sflag:$0x1] =	stream.indirect_vreg.gather [hbm4b:s2+s5], $0x80, v4, vm0, $0xb8;
	[tilespmem:$0x19800] =	vst v63  }
0x655: {  	s21 =	simm.s32 $0x12000  }
0x656: {  	[tilespmem:s21], [sflag:$0x1] =	stream.indirect_vreg.gather [hbm4b:s2+s5], $0x80, v3, vm0, $0xb8;
	[tilespmem:$0x19800] =	vst v63  }
0x657: {  	v3 =	vld [tilespmem:$0xF10];
	_ =	sdelay $0x4  }
0x658: {  	v55 =	vshll.u32 v3, $0x1  }
0x659: {  	v3 =	vand.u32 $0x7, v3;
	v4 =	vand.u32 $0xFFFFFFF0, v55  }
0x65a: {  	v3 =	vor.u32 v3, v4  }
0x65b: {  	v4 =	vperm.xlane v3, v0;
	_ =	sdelay $0x1  }
0x65c: {  	v3 =	vperm.xlane v3, v2;
	v4 =	vadd.s32 v1, v4;
	_ =	sdelay $0x1  }
0x65d: {  	v3 =	vadd.s32 v1, v3;
	_ =	sdelay $0x1  }
0x65e: {  	s25 =	simm.s32 $0x12800  }
0x65f: {  	[tilespmem:s25], [sflag:$0x1] =	stream.indirect_vreg.gather [hbm4b:s2+s5], $0x80, v4, vm0, $0xb8;
	[tilespmem:$0x19800] =	vst v63  }
0x660: {  	s25 =	simm.s32 $0x13000  }
0x661: {  	[tilespmem:s25], [sflag:$0x1] =	stream.indirect_vreg.gather [hbm4b:s2+s5], $0x80, v3, vm0, $0xb8;
	[tilespmem:$0x19800] =	vst v63  }
0x662: {  	v3 =	vld [tilespmem:$0x1700];
	_ =	sdelay $0x4  }
0x663: {  	v56 =	vshll.u32 v3, $0x1  }
0x664: {  	v3 =	vand.u32 $0x7, v3;
	v4 =	vand.u32 $0xFFFFFFF0, v56  }
0x665: {  	v3 =	vor.u32 v3, v4  }
0x666: {  	v4 =	vperm.xlane v3, v0;
	_ =	sdelay $0x1  }
0x667: {  	v3 =	vperm.xlane v3, v2;
	v4 =	vadd.s32 v1, v4;
	_ =	sdelay $0x1  }
0x668: {  	v3 =	vadd.s32 v1, v3;
	_ =	sdelay $0x2  }
0x669: {  	[tilespmem:s17], [sflag:$0x1] =	stream.indirect_vreg.gather [hbm4b:s4+s5], $0x80, v4, vm0, $0xb8;
	[tilespmem:$0x19800] =	vst v63  }
0x66a: {  	s15 =	simm.s32 $0x16000  }
0x66b: {  	[tilespmem:s15], [sflag:$0x1] =	stream.indirect_vreg.gather [hbm4b:s4+s5], $0x80, v3, vm0, $0xb8;
	[tilespmem:$0x19800] =	vst v63  }
0x66c: {  	v3 =	vld [tilespmem:$0x1710];
	_ =	sdelay $0x4  }
0x66d: {  	v57 =	vshll.u32 v3, $0x1  }
0x66e: {  	v3 =	vand.u32 $0x7, v3;
	v4 =	vand.u32 $0xFFFFFFF0, v57  }
0x66f: {  	v3 =	vor.u32 v3, v4  }
0x670: {  	v4 =	vperm.xlane v3, v0;
	_ =	sdelay $0x1  }
0x671: {  	v3 =	vperm.xlane v3, v2;
	v4 =	vadd.s32 v1, v4;
	_ =	sdelay $0x1  }
0x672: {  	v3 =	vadd.s32 v1, v3;
	_ =	sdelay $0x1  }
0x673: {  	s17 =	simm.s32 $0x16800  }
0x674: {  	[tilespmem:s17], [sflag:$0x1] =	stream.indirect_vreg.gather [hbm4b:s4+s5], $0x80, v4, vm0, $0xb8;
	[tilespmem:$0x19800] =	vst v63  }
0x675: {  	_ = 	snop  }
0x676: {  	[tilespmem:s10], [sflag:$0x1] =	stream.indirect_vreg.gather [hbm4b:s4+s5], $0x80, v3, vm0, $0xb8;
	[tilespmem:$0x19800] =	vst v63  }
0x677: {  	_ =	swait.ge [sflag:s3], $0x8000  }
0x678: {  	[sflag:s3] =	ssyncset.done $0x0  }
0x679: {  	[sflag:s3] =	ssyncadd.s32 $0xFFFF8000  }
0x67a: {  	_ =	swait.ge [sflag:s3], $0x2000  }
0x67b: {  	[sflag:s3] =	ssyncset.done $0x0  }
0x67c: {  	[sflag:s3] =	ssyncadd.s32 $0xFFFFE000  }
0x67d: {  	_ =	swait.ge [sflag:s3], $0x2000  }
0x67e: {  	s25 =	sld [smem:$0x7F3]  }
0x67f: {  	[sflag:s3] =	ssyncset.done $0x0  }
0x680: {  	s14 =	simm.s32 $0x9800;
	s6 =	sld [smem:$0x7F4];
	[sflag:s3] =	ssyncadd.s32 $0xFFFFE000  }
0x681: {  	[hbm4b:s25+s24] =	stream.strided.scatter [tilespmem:s14], [sflag:$0x4], $0x8000, s16, s24, $0x38;
	[tilespmem:$0x19800] =	vst v63  }
0x682: {  	s23 =	simm.s32 $0x13800;
	s10 =	sld [smem:$0x7F5]  }
0x683: {  	[hbm4b:s6+s12] =	stream.strided.scatter [tilespmem:s23], [sflag:$0x4], $0x2000, s16, s12, $0x38;
	[tilespmem:$0x19800] =	vst v63  }
0x684: {  	s6 =	simm.s32 $0x17800  }
0x685: {  	[hbm4b:s10+s12] =	stream.strided.scatter [tilespmem:s6], [sflag:$0x4], $0x2000, s16, s12, $0x38;
	[tilespmem:$0x19800] =	vst v63  }
0x686: {  	_ =	swait.ge [sflag:s0], $0x8000  }
0x687: {  	[sflag:s0] =	ssyncset.done $0x0  }
0x688: {  	[sflag:s0] =	ssyncadd.s32 $0xFFFF8000  }
0x689: {  	_ =	swait.ge [sflag:s0], $0x2000  }
0x68a: {  	[sflag:s0] =	ssyncset.done $0x0  }
0x68b: {  	[sflag:s0] =	ssyncadd.s32 $0xFFFFE000  }
0x68c: {  	_ =	swait.ge [sflag:s0], $0x2000  }
0x68d: {  	[sflag:s0] =	ssyncset.done $0x0  }
0x68e: {  	[sflag:s0] =	ssyncadd.s32 $0xFFFFE000  }
0x68f: {  	v3 =	vld [tilespmem:$0x780];
	_ =	sdelay $0x4  }
0x690: {  	v58 =	vshll.u32 v3, $0x3  }
0x691: {  	v3 =	vand.u32 $0x7, v3;
	v4 =	vand.u32 $0xFFFFFFC0, v58  }
0x692: {  	v3 =	vor.u32 v3, v4  }
0x693: {  	v4 =	vperm.xlane v3, v0;
	_ =	sdelay $0x1  }
0x694: {  	v4 =	vadd.s32 v1, v4;
	_ =	sdelay $0x4  }
0x695: {  	[tilespmem:s14], [sflag:$0x2] =	stream.indirect_vreg.gather [hbm4b:s1+s5], $0x80, v4, vm0, $0xb8;
	[tilespmem:$0x19800] =	vst v63  }
0x696: {  	s26 =	simm.s32 $0xA000;
	v3 =	vperm.xlane v3, v2  }
0x697: {  	[tilespmem:s26], [sflag:$0x2] =	stream.indirect_vreg.gather [hbm4b:s7+s5], $0x80, v4, vm0, $0xb8;
	[tilespmem:$0x19800] =	vst v63  }
0x698: {  	v3 =	vadd.s32 v1, v3  }
0x699: {  	[tilespmem:s11], [sflag:$0x2] =	stream.indirect_vreg.gather [hbm4b:s8+s5], $0x80, v4, vm0, $0xb8;
	[tilespmem:$0x19800] =	vst v63  }
0x69a: {  	_ = 	snop  }
0x69b: {  	[tilespmem:s13], [sflag:$0x2] =	stream.indirect_vreg.gather [hbm4b:s9+s5], $0x80, v4, vm0, $0xb8;
	[tilespmem:$0x19800] =	vst v63  }
0x69c: {  	s17 =	simm.s32 $0xB800  }
0x69d: {  	[tilespmem:s17], [sflag:$0x2] =	stream.indirect_vreg.gather [hbm4b:s1+s5], $0x80, v3, vm0, $0xb8;
	[tilespmem:$0x19800] =	vst v63  }
0x69e: {  	s25 =	simm.s32 $0xC000  }
0x69f: {  	[tilespmem:s25], [sflag:$0x2] =	stream.indirect_vreg.gather [hbm4b:s7+s5], $0x80, v3, vm0, $0xb8;
	[tilespmem:$0x19800] =	vst v63  }
0x6a0: {  	s26 =	simm.s32 $0xC800  }
0x6a1: {  	[tilespmem:s26], [sflag:$0x2] =	stream.indirect_vreg.gather [hbm4b:s8+s5], $0x80, v3, vm0, $0xb8;
	[tilespmem:$0x19800] =	vst v63  }
0x6a2: {  	s30 =	simm.s32 $0xD000  }
0x6a3: {  	[tilespmem:s30], [sflag:$0x2] =	stream.indirect_vreg.gather [hbm4b:s9+s5], $0x80, v3, vm0, $0xb8;
	[tilespmem:$0x19800] =	vst v63  }
0x6a4: {  	v3 =	vld [tilespmem:$0x790];
	_ =	sdelay $0x4  }
0x6a5: {  	v59 =	vshll.u32 v3, $0x3  }
0x6a6: {  	v3 =	vand.u32 $0x7, v3;
	v4 =	vand.u32 $0xFFFFFFC0, v59  }
0x6a7: {  	v3 =	vor.u32 v3, v4  }
0x6a8: {  	v4 =	vperm.xlane v3, v0;
	_ =	sdelay $0x1  }
0x6a9: {  	v4 =	vadd.s32 v1, v4;
	_ =	sdelay $0x3  }
0x6aa: {  	s30 =	simm.s32 $0xD800  }
0x6ab: {  	[tilespmem:s30], [sflag:$0x2] =	stream.indirect_vreg.gather [hbm4b:s1+s5], $0x80, v4, vm0, $0xb8;
	[tilespmem:$0x19800] =	vst v63  }
0x6ac: {  	s20 =	simm.s32 $0xE000;
	v3 =	vperm.xlane v3, v2  }
0x6ad: {  	[tilespmem:s20], [sflag:$0x2] =	stream.indirect_vreg.gather [hbm4b:s7+s5], $0x80, v4, vm0, $0xb8;
	[tilespmem:$0x19800] =	vst v63  }
0x6ae: {  	s13 =	simm.s32 $0xE800;
	v3 =	vadd.s32 v1, v3  }
0x6af: {  	[tilespmem:s13], [sflag:$0x2] =	stream.indirect_vreg.gather [hbm4b:s8+s5], $0x80, v4, vm0, $0xb8;
	[tilespmem:$0x19800] =	vst v63  }
0x6b0: {  	s15 =	simm.s32 $0xF000  }
0x6b1: {  	[tilespmem:s15], [sflag:$0x2] =	stream.indirect_vreg.gather [hbm4b:s9+s5], $0x80, v4, vm0, $0xb8;
	[tilespmem:$0x19800] =	vst v63  }
0x6b2: {  	s17 =	simm.s32 $0xF800  }
0x6b3: {  	[tilespmem:s17], [sflag:$0x2] =	stream.indirect_vreg.gather [hbm4b:s1+s5], $0x80, v3, vm0, $0xb8;
	[tilespmem:$0x19800] =	vst v63  }
0x6b4: {  	_ = 	snop  }
0x6b5: {  	[tilespmem:s19], [sflag:$0x2] =	stream.indirect_vreg.gather [hbm4b:s7+s5], $0x80, v3, vm0, $0xb8;
	[tilespmem:$0x19800] =	vst v63  }
0x6b6: {  	s20 =	simm.s32 $0x10800  }
0x6b7: {  	[tilespmem:s20], [sflag:$0x2] =	stream.indirect_vreg.gather [hbm4b:s8+s5], $0x80, v3, vm0, $0xb8;
	[tilespmem:$0x19800] =	vst v63  }
0x6b8: {  	s22 =	simm.s32 $0x11000  }
0x6b9: {  	[tilespmem:s22], [sflag:$0x2] =	stream.indirect_vreg.gather [hbm4b:s9+s5], $0x80, v3, vm0, $0xb8;
	[tilespmem:$0x19800] =	vst v63  }
0x6ba: {  	v3 =	vld [tilespmem:$0xF80];
	_ =	sdelay $0x4  }
0x6bb: {  	v60 =	vshll.u32 v3, $0x1  }
0x6bc: {  	v3 =	vand.u32 $0x7, v3;
	v4 =	vand.u32 $0xFFFFFFF0, v60  }
0x6bd: {  	v3 =	vor.u32 v3, v4  }
0x6be: {  	v4 =	vperm.xlane v3, v0;
	_ =	sdelay $0x1  }
0x6bf: {  	v3 =	vperm.xlane v3, v2;
	v4 =	vadd.s32 v1, v4;
	_ =	sdelay $0x1  }
0x6c0: {  	v3 =	vadd.s32 v1, v3;
	_ =	sdelay $0x2  }
0x6c1: {  	[tilespmem:s23], [sflag:$0x2] =	stream.indirect_vreg.gather [hbm4b:s2+s5], $0x80, v4, vm0, $0xb8;
	[tilespmem:$0x19800] =	vst v63  }
0x6c2: {  	s25 =	simm.s32 $0x14000  }
0x6c3: {  	[tilespmem:s25], [sflag:$0x2] =	stream.indirect_vreg.gather [hbm4b:s2+s5], $0x80, v3, vm0, $0xb8;
	[tilespmem:$0x19800] =	vst v63  }
0x6c4: {  	v3 =	vld [tilespmem:$0xF90];
	_ =	sdelay $0x4  }
0x6c5: {  	v61 =	vshll.u32 v3, $0x1  }
0x6c6: {  	v3 =	vand.u32 $0x7, v3;
	v4 =	vand.u32 $0xFFFFFFF0, v61  }
0x6c7: {  	v3 =	vor.u32 v3, v4  }
0x6c8: {  	v4 =	vperm.xlane v3, v0;
	_ =	sdelay $0x1  }
0x6c9: {  	v3 =	vperm.xlane v3, v2;
	v4 =	vadd.s32 v1, v4;
	_ =	sdelay $0x1  }
0x6ca: {  	v3 =	vadd.s32 v1, v3;
	_ =	sdelay $0x1  }
0x6cb: {  	s26 =	simm.s32 $0x14800  }
0x6cc: {  	[tilespmem:s26], [sflag:$0x2] =	stream.indirect_vreg.gather [hbm4b:s2+s5], $0x80, v4, vm0, $0xb8;
	[tilespmem:$0x19800] =	vst v63  }
0x6cd: {  	s30 =	simm.s32 $0x15000  }
0x6ce: {  	[tilespmem:s30], [sflag:$0x2] =	stream.indirect_vreg.gather [hbm4b:s2+s5], $0x80, v3, vm0, $0xb8;
	[tilespmem:$0x19800] =	vst v63  }
0x6cf: {  	v3 =	vld [tilespmem:$0x1780];
	_ =	sdelay $0x4  }
0x6d0: {  	v62 =	vshll.u32 v3, $0x1  }
0x6d1: {  	v3 =	vand.u32 $0x7, v3;
	v4 =	vand.u32 $0xFFFFFFF0, v62  }
0x6d2: {  	v3 =	vor.u32 v3, v4  }
0x6d3: {  	v4 =	vperm.xlane v3, v0;
	_ =	sdelay $0x1  }
0x6d4: {  	v3 =	vperm.xlane v3, v2;
	v4 =	vadd.s32 v1, v4;
	_ =	sdelay $0x1  }
0x6d5: {  	v3 =	vadd.s32 v1, v3;
	_ =	sdelay $0x2  }
0x6d6: {  	[tilespmem:s6], [sflag:$0x2] =	stream.indirect_vreg.gather [hbm4b:s4+s5], $0x80, v4, vm0, $0xb8;
	[tilespmem:$0x19800] =	vst v63  }
0x6d7: {  	s15 =	simm.s32 $0x18000  }
0x6d8: {  	[tilespmem:s15], [sflag:$0x2] =	stream.indirect_vreg.gather [hbm4b:s4+s5], $0x80, v3, vm0, $0xb8;
	[tilespmem:$0x19800] =	vst v63  }
0x6d9: {  	v3 =	vld [tilespmem:$0x1790];
	_ =	sdelay $0x4  }
0x6da: {  	v63 =	vshll.u32 v3, $0x1  }
0x6db: {  	v3 =	vand.u32 $0x7, v3;
	v4 =	vand.u32 $0xFFFFFFF0, v63  }
0x6dc: {  	v3 =	vor.u32 v3, v4  }
0x6dd: {  	v4 =	vperm.xlane v3, v0;
	_ =	sdelay $0x1  }
0x6de: {  	v3 =	vperm.xlane v3, v2;
	v4 =	vadd.s32 v1, v4;
	_ =	sdelay $0x1  }
0x6df: {  	v3 =	vadd.s32 v1, v3;
	_ =	sdelay $0x1  }
0x6e0: {  	s17 =	simm.s32 $0x18800  }
0x6e1: {  	[tilespmem:s17], [sflag:$0x2] =	stream.indirect_vreg.gather [hbm4b:s4+s5], $0x80, v4, vm0, $0xb8;
	[tilespmem:$0x19800] =	vst v63  }
0x6e2: {  	s19 =	simm.s32 $0x19000  }
0x6e3: {  	[tilespmem:s19], [sflag:$0x2] =	stream.indirect_vreg.gather [hbm4b:s4+s5], $0x80, v3, vm0, $0xb8;
	[tilespmem:$0x19800] =	vst v63  }
0x6e4: {  	s10 =	sld [smem:$0x7E3];
	_ =	swait.ge [sflag:s29], $0x8000  }
0x6e5: {  	[sflag:s29] =	ssyncset.done $0x0  }
0x6e6: {  	[sflag:s29] =	ssyncadd.s32 $0xFFFF8000  }
0x6e7: {  	_ =	swait.ge [sflag:s29], $0x2000  }
0x6e8: {  	[sflag:s29] =	ssyncset.done $0x0  }
0x6e9: {  	[sflag:s29] =	ssyncadd.s32 $0xFFFFE000  }
0x6ea: {  	_ =	swait.ge [sflag:s29], $0x2000  }
0x6eb: {  	s20 =	sld [smem:$0x7F6]  }
0x6ec: {  	[sflag:s29] =	ssyncset.done $0x0  }
0x6ed: {  	s18 =	simm.s32 $0x1800;
	s22 =	sld [smem:$0x7F7];
	[sflag:s29] =	ssyncadd.s32 $0xFFFFE000  }
0x6ee: {  	[hbm4b:s20+s24] =	stream.strided.scatter [tilespmem:s18], [sflag:$0x3], $0x8000, s16, s24, $0x38;
	[tilespmem:$0x19800] =	vst v63  }
0x6ef: {  	s25 =	sld [smem:$0x7F8]  }
0x6f0: {  	[hbm4b:s22+s12] =	stream.strided.scatter [tilespmem:s28], [sflag:$0x3], $0x2000, s16, s12, $0x38;
	[tilespmem:$0x19800] =	vst v63  }
0x6f1: {  	s21 =	simm.s32 $0x15800  }
0x6f2: {  	[hbm4b:s25+s12] =	stream.strided.scatter [tilespmem:s21], [sflag:$0x3], $0x2000, s16, s12, $0x38;
	[tilespmem:$0x19800] =	vst v63  }
0x6f3: {  	_ =	swait.ge [sflag:s3], $0x8000  }
0x6f4: {  	[sflag:s3] =	ssyncset.done $0x0  }
0x6f5: {  	[sflag:s3] =	ssyncadd.s32 $0xFFFF8000  }
0x6f6: {  	_ =	swait.ge [sflag:s3], $0x2000  }
0x6f7: {  	[sflag:s3] =	ssyncset.done $0x0  }
0x6f8: {  	[sflag:s3] =	ssyncadd.s32 $0xFFFFE000  }
0x6f9: {  	_ =	swait.ge [sflag:s3], $0x2000  }
0x6fa: {  	s26 =	sld [smem:$0x7F9]  }
0x6fb: {  	[sflag:s3] =	ssyncset.done $0x0  }
0x6fc: {  	s28 =	sld [smem:$0x7FA];
	[sflag:s3] =	ssyncadd.s32 $0xFFFFE000  }
0x6fd: {  	[hbm4b:s26+s24] =	stream.strided.scatter [tilespmem:s14], [sflag:$0x4], $0x8000, s16, s24, $0x38;
	[tilespmem:$0x19800] =	vst v63  }
0x6fe: {  	s30 =	sld [smem:$0x7FC]  }
0x6ff: {  	[hbm4b:s28+s12] =	stream.strided.scatter [tilespmem:s23], [sflag:$0x4], $0x2000, s16, s12, $0x38;
	[tilespmem:$0x19800] =	vst v63  }
0x700: {  	s13 =	simm.s32 $0x17800  }
0x701: {  	[hbm4b:s30+s12] =	stream.strided.scatter [tilespmem:s13], [sflag:$0x4], $0x2000, s16, s12, $0x38;
	[tilespmem:$0x19800] =	vst v63  }
0x702: {  	_ =	swait.ge [sflag:s31], $0x8000  }
0x703: {  	[sflag:s31] =	ssyncset.done $0x0  }
0x704: {  	[sflag:s31] =	ssyncadd.s32 $0xFFFF8000  }
0x705: {  	_ =	swait.ge [sflag:s31], $0x2000  }
0x706: {  	[sflag:s31] =	ssyncset.done $0x0  }
0x707: {  	[sflag:s31] =	ssyncadd.s32 $0xFFFFE000  }
0x708: {  	_ =	swait.ge [sflag:s31], $0x2000  }
0x709: {  	[sflag:s31] =	ssyncset.done $0x0  }
0x70a: {  	[sflag:s31] =	ssyncadd.s32 $0xFFFFE000  }
0x70b: {  	_ =	swait.ge [sflag:s0], $0x8000  }
0x70c: {  	[sflag:s0] =	ssyncset.done $0x0  }
0x70d: {  	[sflag:s0] =	ssyncadd.s32 $0xFFFF8000  }
0x70e: {  	p0 =	sne.s32 s10, $0x1;
	_ =	swait.ge [sflag:s0], $0x2000  }
.Ltmp0:
0x70f: {  	[sflag:s0] =	ssyncset.done $0x0;
	(pc) =	sbr.rel @p0 .LBB2_1-.Ltmp0, $4  }
0x710: {  	[sflag:s0] =	ssyncadd.s32 $0xFFFFE000  }
0x711: {  	_ =	swait.ge [sflag:s0], $0x2000  }
0x712: {  	[sflag:s0] =	ssyncset.done $0x0  }
0x713: {  	s10 =	sadd.s32 $0xFFFFFFFF, s10;
	[sflag:s0] =	ssyncadd.s32 $0xFFFFE000  }
0x714: {  	_ =	sfence.sel $0x180000  }
0x715: {  	[bflag:$0x0] =	sbarrier.arrive $0xFFFF  }
0x716: {  	_ =	strace $0x90000047  }
0x717: {  	s0 =	stileid.u32;
	[bflag:$0x2] =	sbarrier.arrive $0xFFFF  }
0x718: {  	p0 =	sne.s32 s0, $0x0;
	s0 =	rddreg [dreg:$0x5]  }
0x719: {  	s0 =	sadd.s32 @!p0 $0x100000, s0  }
0x71a: {  	[sflag:s0] =	ssyncadd.tile.s32 @!p0 $0x1;
	_ =	shalt  }
.Lfunc_end2:
_tile_overlayer_lowered:
.L_overlay_start_2:
0x71b: {  	(tag) =	ssettag $0x2  }
0x71c: {  	s0 =	rddreg [dreg:$0x0];
	s2 =	stileid.u32  }
0x71d: {  	s1 =	rddreg [dreg:$0x1];
	p0 =	sne.s32 s2, $0x0  }
0x71e: {  	s3 =	rddreg [dreg:$0x2];
	[bflag:$0x3] =	sbarrier.arrive $0xFFFF;
	s2 =	simm.s32 @!p0 $0x1C05  }
0x71f: {  	[timem:s3], [sflag:s2] =	dma.local @!p0 [hbm:s0], s1  }
0x720: {  	s0 =	simm.s32 @!p0 $0x5  }
0x721: {  	_ =	swait.ge @!p0 [sflag:s0], s1  }
0x722: {  	s1 =	ssub.s32 @!p0 $0x0, s1;
	[sflag:s0] =	ssyncset.done @!p0 $0x0  }
0x723: {  	[sflag:s0] =	ssyncadd.s32 @!p0 s1  }
0x724: {  	[bflag:$0x3] =	sbarrier.arrive $0xFFFF  }
0x725: {  	_ =	shalt  }

</sc_bundles>
